<compile_context>
chip_gen: v7x
topology: tpu7x:2x2x1
jax: 0.10.2.dev20260603
libtpu: 0.0.44.dev20260713+nightly
codegen_flags: <defaults>
</compile_context>

<pallas_src>
import functools

import jax
import jax.numpy as jnp
from jax import lax
from jax.experimental import pallas as pl
from jax.experimental.pallas import tpu as pltpu
from jax.experimental.pallas import tpu_sc as plsc

N = 8192
D = 128
K = 8
BQ = 128
BQK = 256
GB = BQ * K
F32 = jnp.float32


def _dot(a, b):
    return jnp.dot(a, b, preferred_element_type=F32,
                   precision=jax.lax.Precision.HIGHEST)


def _leaky(x):
    return jnp.where(x >= 0, x, 0.1 * x)


def _wnet(x, w0, b0, w1, b1, w2, b2):
    x = jax.nn.relu(_dot(x, w0) + b0)
    x = jax.nn.relu(_dot(x, w1) + b1)
    x = jax.nn.relu(_dot(x, w2) + b2)
    return x


def _top8(d, iota, out_cols):
    acc = jnp.zeros((BQK, K), jnp.int32)
    for s in range(K):
        m = jnp.min(d, axis=1, keepdims=True)
        eq = d <= m
        j = jnp.min(jnp.where(eq, iota, 0x7FFFFFFF), axis=1)
        acc = jnp.where(out_cols == s, j[:, None], acc)
        d = jnp.where(eq, 3e38, d)
    return acc


def _knn_body(q_ref, k2_ref, k1_ref, idx1_ref, idx2_ref):
    q = q_ref[...]
    k2 = k2_ref[...]
    k1 = k1_ref[...]
    qn = jnp.sum(q * q, axis=1, keepdims=True)
    iota = lax.broadcasted_iota(jnp.int32, (BQK, N), 1)
    out_cols = lax.broadcasted_iota(jnp.int32, (BQK, K), 1)

    kn2 = jnp.sum(k2 * k2, axis=0, keepdims=True)
    d1 = qn + kn2 - 2.0 * jnp.dot(q, k2, preferred_element_type=F32)
    idx1_ref[...] = _top8(d1, iota, out_cols)

    kn1 = jnp.sum(k1 * k1, axis=0, keepdims=True)
    d2 = qn + kn1 - 2.0 * jnp.dot(q, k1, preferred_element_type=F32)
    idx2_ref[...] = _top8(d2, iota, out_cols)


def _knn(x1r, x2t, x1t):
    return pl.pallas_call(
        _knn_body,
        grid=(N // BQK,),
        in_specs=[
            pl.BlockSpec((BQK, 3), lambda i: (i, 0)),
            pl.BlockSpec((3, N), lambda i: (0, 0)),
            pl.BlockSpec((3, N), lambda i: (0, 0)),
        ],
        out_specs=[
            pl.BlockSpec((BQK, K), lambda i: (i, 0)),
            pl.BlockSpec((BQK, K), lambda i: (i, 0)),
        ],
        out_shape=[
            jax.ShapeDtypeStruct((N, K), jnp.int32),
            jax.ShapeDtypeStruct((N, K), jnp.int32),
        ],
    )(x1r, x2t, x1t)


def _proj_body(p1_ref, p2_ref, wa_ref, wb_ref, t1_ref, t2_ref):
    dn = (((0,), (0,)), ((), ()))
    t1_ref[...] = lax.dot_general(p1_ref[...], wa_ref[...], dn,
                                  preferred_element_type=F32,
                                  precision=jax.lax.Precision.HIGHEST)
    t2_ref[...] = lax.dot_general(p2_ref[...], wb_ref[...], dn,
                                  preferred_element_type=F32,
                                  precision=jax.lax.Precision.HIGHEST)


def _proj(p1t, p2t, wa, wb):
    bm = 512
    return pl.pallas_call(
        _proj_body,
        grid=(N // bm,),
        in_specs=[
            pl.BlockSpec((D, bm), lambda i: (0, i)),
            pl.BlockSpec((D, bm), lambda i: (0, i)),
            pl.BlockSpec((D, D), lambda i: (0, 0)),
            pl.BlockSpec((D, D), lambda i: (0, 0)),
        ],
        out_specs=[
            pl.BlockSpec((bm, D), lambda i: (i, 0)),
            pl.BlockSpec((bm, D), lambda i: (i, 0)),
        ],
        out_shape=[
            jax.ShapeDtypeStruct((N, D), F32),
            jax.ShapeDtypeStruct((N, D), F32),
        ],
    )(p1t, p2t, wa, wb)


_NC = 2
_NS = 16
_NW = _NC * _NS
_CH = 128


def _gather_chunks_2buf(tab_hbm, out_hbm, idx_v, buf0, buf1, sem0, sem1,
                        crow0, chunks):
    bufs = (buf0, buf1)
    sems = (sem0, sem1)
    pend = pltpu.async_copy(tab_hbm.at[idx_v.at[0]], bufs[0], sems[0])
    for c in range(chunks):
        cur = c & 1
        if c + 1 < chunks:
            nxt = pltpu.async_copy(tab_hbm.at[idx_v.at[c + 1]],
                                   bufs[1 - cur], sems[1 - cur])
        pend.wait()
        pltpu.sync_copy(bufs[cur], out_hbm.at[pl.ds((crow0 + c) * _CH, _CH)])
        if c + 1 < chunks:
            pend = nxt


def _sc_gather2_body(tab_a_hbm, idx_a_hbm, tab_b_hbm, idx_b_hbm,
                     out_a_hbm, out_b_hbm,
                     idx_v, rows_a0, rows_a1, rows_b0, rows_b1,
                     sem0, sem1):
    wid = lax.axis_index("s") * _NC + lax.axis_index("c")
    nk = idx_a_hbm.shape[0] * idx_a_hbm.shape[1]
    rows_per_w = nk // _NW
    chunks = rows_per_w // _CH
    crow0 = wid * chunks
    pltpu.sync_copy(idx_a_hbm.at[pl.ds(crow0, chunks)], idx_v)
    _gather_chunks_2buf(tab_a_hbm, out_a_hbm, idx_v, rows_a0, rows_a1,
                        sem0, sem1, crow0, chunks)
    pltpu.sync_copy(idx_b_hbm.at[pl.ds(crow0, chunks)], idx_v)
    _gather_chunks_2buf(tab_b_hbm, out_b_hbm, idx_v, rows_b0, rows_b1,
                        sem0, sem1, crow0, chunks)


def _sc_gather2(tab_a, idx_a, tab_b, idx_b):
    nk = idx_a.shape[0] * idx_a.shape[1]
    da, db = tab_a.shape[1], tab_b.shape[1]
    chunks = nk // _NW // _CH
    mesh = plsc.VectorSubcoreMesh(core_axis_name="c", subcore_axis_name="s")
    f = pl.kernel(
        _sc_gather2_body,
        out_type=[
            jax.ShapeDtypeStruct((nk, da), F32),
            jax.ShapeDtypeStruct((nk, db), F32),
        ],
        mesh=mesh,
        scratch_types=[
            pltpu.VMEM((chunks, _CH), jnp.int32),
            pltpu.VMEM((_CH, da), F32),
            pltpu.VMEM((_CH, da), F32),
            pltpu.VMEM((_CH, db), F32),
            pltpu.VMEM((_CH, db), F32),
            pltpu.SemaphoreType.DMA,
            pltpu.SemaphoreType.DMA,
        ],
        compiler_params=pltpu.CompilerParams(use_tc_tiling_on_sc=False),
    )
    return f(tab_a, idx_a, tab_b, idx_b)


def _sc_gather1_body(tab_hbm, idx_hbm, out_hbm, idx_v, rows0, rows1,
                     sem0, sem1):
    wid = lax.axis_index("s") * _NC + lax.axis_index("c")
    nk = idx_hbm.shape[0] * idx_hbm.shape[1]
    chunks = nk // _NW // _CH
    crow0 = wid * chunks
    pltpu.sync_copy(idx_hbm.at[pl.ds(crow0, chunks)], idx_v)
    _gather_chunks_2buf(tab_hbm, out_hbm, idx_v, rows0, rows1,
                        sem0, sem1, crow0, chunks)


def _sc_gather1(tab, idx):
    nk = idx.shape[0] * idx.shape[1]
    d = tab.shape[1]
    chunks = nk // _NW // _CH
    mesh = plsc.VectorSubcoreMesh(core_axis_name="c", subcore_axis_name="s")
    f = pl.kernel(
        _sc_gather1_body,
        out_type=jax.ShapeDtypeStruct((nk, d), F32),
        mesh=mesh,
        scratch_types=[
            pltpu.VMEM((chunks, _CH), jnp.int32),
            pltpu.VMEM((_CH, d), F32),
            pltpu.VMEM((_CH, d), F32),
            pltpu.SemaphoreType.DMA,
            pltpu.SemaphoreType.DMA,
        ],
        compiler_params=pltpu.CompilerParams(use_tc_tiling_on_sc=False),
    )
    return f(tab, idx)


def _rep8(x):
    c = x.shape[1]
    return jnp.broadcast_to(x[:, None, :], (BQ, K, c)).reshape(GB, c)


def _sum8(x):
    c = x.shape[1]
    return x.reshape(BQ, K, c).sum(axis=1)


def _stage1_body(g_ref, t1_ref, x1_ref, wc_ref, b0_ref, m1_ref, b1_ref,
                 w0_ref, c0_ref, w1_ref, c1_ref, w2_ref, c2_ref, out_ref):
    g = g_ref[...]
    t1rep = _rep8(t1_ref[...])
    x1rep = _rep8(x1_ref[...])
    dxyz = g[:, D:D + 3] - x1rep
    h = g[:, 0:D] + t1rep + _dot(dxyz, wc_ref[...]) + b0_ref[...]
    h = _leaky(h)
    y = _leaky(_dot(h, m1_ref[...]) + b1_ref[...])
    w = _wnet(dxyz, w0_ref[...], c0_ref[...], w1_ref[...], c1_ref[...],
              w2_ref[...], c2_ref[...])
    prod = w * y
    out_ref[...] = _sum8(prod)


def _stage1(g, t1, x1r, wc, b0, m1w, b1, w0, c0, w1, c1, w2, c2):
    dg = g.shape[1]
    return pl.pallas_call(
        _stage1_body,
        grid=(N // BQ,),
        in_specs=[
            pl.BlockSpec((GB, dg), lambda i: (i, 0)),
            pl.BlockSpec((BQ, D), lambda i: (i, 0)),
            pl.BlockSpec((BQ, 3), lambda i: (i, 0)),
            pl.BlockSpec((3, D), lambda i: (0, 0)),
            pl.BlockSpec((1, D), lambda i: (0, 0)),
            pl.BlockSpec((D, 64), lambda i: (0, 0)),
            pl.BlockSpec((1, 64), lambda i: (0, 0)),
            pl.BlockSpec((3, 8), lambda i: (0, 0)),
            pl.BlockSpec((1, 8), lambda i: (0, 0)),
            pl.BlockSpec((8, 8), lambda i: (0, 0)),
            pl.BlockSpec((1, 8), lambda i: (0, 0)),
            pl.BlockSpec((8, 64), lambda i: (0, 0)),
            pl.BlockSpec((1, 64), lambda i: (0, 0)),
        ],
        out_specs=pl.BlockSpec((BQ, 64), lambda i: (i, 0)),
        out_shape=jax.ShapeDtypeStruct((N, 64), F32),
    )(g, t1, x1r, wc, b0, m1w, b1, w0, c0, w1, c1, w2, c2)


def _stage2_body(q_ref, g3_ref, x1_ref, w0_ref, c0_ref, w1_ref, c1_ref,
                 w2_ref, c2_ref, out_ref):
    x1rep = _rep8(x1_ref[...])
    dxyz2 = q_ref[...][:, 0:3] - x1rep
    w = _wnet(dxyz2, w0_ref[...], c0_ref[...], w1_ref[...], c1_ref[...],
              w2_ref[...], c2_ref[...])
    prod = w * g3_ref[...]
    out_ref[...] = _sum8(prod).T


def _stage2(qg, g3, x1r, w0, c0, w1, c1, w2, c2):
    dq = qg.shape[1]
    return pl.pallas_call(
        _stage2_body,
        grid=(N // BQ,),
        in_specs=[
            pl.BlockSpec((GB, dq), lambda i: (i, 0)),
            pl.BlockSpec((GB, 64), lambda i: (i, 0)),
            pl.BlockSpec((BQ, 3), lambda i: (i, 0)),
            pl.BlockSpec((3, 8), lambda i: (0, 0)),
            pl.BlockSpec((1, 8), lambda i: (0, 0)),
            pl.BlockSpec((8, 8), lambda i: (0, 0)),
            pl.BlockSpec((1, 8), lambda i: (0, 0)),
            pl.BlockSpec((8, 64), lambda i: (0, 0)),
            pl.BlockSpec((1, 64), lambda i: (0, 0)),
        ],
        out_specs=pl.BlockSpec((64, BQ), lambda i: (0, i)),
        out_shape=jax.ShapeDtypeStruct((64, N), F32),
    )(qg, g3, x1r, w0, c0, w1, c1, w2, c2)


def kernel(xyz1, xyz2, points1, points2, mlp0_w, mlp0_b, mlp1_w, mlp1_b,
           wn1_w0, wn1_b0, wn1_w1, wn1_b1, wn1_w2, wn1_b2,
           wn2_w0, wn2_b0, wn2_w1, wn2_b1, wn2_w2, wn2_b2):
    x1t = xyz1[0]
    x2t = xyz2[0]
    x1r = x1t.T
    x2r = x2t.T

    wa = mlp0_w[0:D]
    wb = mlp0_w[D:2 * D]
    wc = mlp0_w[2 * D:2 * D + 3]

    idx1, idx2 = _knn(x1r, x2t, x1t)
    t1, t2 = _proj(points1[0], points2[0], wa, wb)

    pad13 = jnp.zeros((N, 13), F32)
    tab2 = jnp.concatenate([t2, x2r, pad13], axis=1)
    tabq = jnp.concatenate([x1r, pad13], axis=1)

    idx1_2d = idx1.reshape(N * K // _CH, _CH)
    idx2_2d = idx2.reshape(N * K // _CH, _CH)

    g, qg = _sc_gather2(tab2, idx1_2d, tabq, idx2_2d)

    p2p = _stage1(g, t1, x1r, wc,
                  mlp0_b.reshape(1, D), mlp1_w, mlp1_b.reshape(1, 64),
                  wn1_w0, wn1_b0.reshape(1, 8), wn1_w1, wn1_b1.reshape(1, 8),
                  wn1_w2, wn1_b2.reshape(1, 64))

    g3 = _sc_gather1(p2p, idx2_2d)

    patch = _stage2(qg, g3, x1r,
                    wn2_w0, wn2_b0.reshape(1, 8), wn2_w1, wn2_b1.reshape(1, 8),
                    wn2_w2, wn2_b2.reshape(1, 64))

    return patch[None]

# --- scband reference (transcript-rebuilt; emitter-appended) ---
"""Pipeline reference for scband-ra-flow-vo-d-79706003079890 (READ-ONLY COPY).

The authoritative reference and input builder live on the scoring server;
editing this copy changes nothing except your own understanding.
"""

import jax, jax.numpy as jnp
import numpy as np

NSAMPLE = 8

def _knn_idx(q, kp, k):
    d = jnp.sum(q * q, -1, keepdims=True) + jnp.sum(kp * kp, -1)[:, None, :] - 2.0 * jnp.einsum('bnd,bmd->bnm', q, kp)
    _, idx = jax.lax.top_k(-d, k)
    return idx

def _group(pts, idx):
    return jax.vmap(lambda p, i: p[i])(pts, idx)

def _leaky(x):
    return jnp.where(x >= 0, x, 0.1 * x)

def _weightnet(x, ws, bs):
    for w, b in zip(ws, bs):
        x = jax.nn.relu(jnp.dot(x, w) + b)
    return x

def _fc_forward(xyz1, xyz2, points1, points2, mlp0_w, mlp0_b, mlp1_w, mlp1_b, wn1_w0, wn1_b0, wn1_w1, wn1_b1, wn1_w2, wn1_b2, wn2_w0, wn2_b0, wn2_w1, wn2_b1, wn2_w2, wn2_b2):
    x1 = jnp.transpose(xyz1, (0, 2, 1))
    x2 = jnp.transpose(xyz2, (0, 2, 1))
    p1 = jnp.transpose(points1, (0, 2, 1))
    p2 = jnp.transpose(points2, (0, 2, 1))
    B, N1, C = x1.shape
    idx = _knn_idx(x1, x2, NSAMPLE)
    nb = _group(x2, idx)
    dxyz = nb - x1[:, :, None, :]
    gp2 = _group(p2, idx)
    gp1 = jnp.broadcast_to(p1[:, :, None, :], (B, N1, NSAMPLE, p1.shape[-1]))
    newp = jnp.concatenate([gp1, gp2, dxyz], axis=-1)
    newp = _leaky(jnp.dot(newp, mlp0_w) + mlp0_b)
    newp = _leaky(jnp.dot(newp, mlp1_w) + mlp1_b)
    w = _weightnet(dxyz, [wn1_w0, wn1_w1, wn1_w2], [wn1_b0, wn1_b1, wn1_b2])
    p2p = jnp.sum(w * newp, axis=2)
    idx2 = _knn_idx(x1, x1, NSAMPLE)
    nb2 = _group(x1, idx2)
    dxyz2 = nb2 - x1[:, :, None, :]
    w2 = _weightnet(dxyz2, [wn2_w0, wn2_w1, wn2_w2], [wn2_b0, wn2_b1, wn2_b2])
    gcost = _group(p2p, idx2)
    patch = jnp.sum(w2 * gcost, axis=2)
    return jnp.transpose(patch, (0, 2, 1))

def setup_inputs(seed: int = 0):
    key = jax.random.key(seed)
    ks = jax.random.split(key, 24)
    B, N, D = 1, 8192, 128
    in_ch = 2 * D + 3
    def w_init(k, fan_in, fan_out):
        return jax.random.normal(k, (fan_in, fan_out), jnp.float32) * np.sqrt(2.0 / fan_in).astype(np.float32)
    inp = {}
    inp['xyz1'] = jax.random.normal(ks[0], (B, 3, N), jnp.float32)
    inp['xyz2'] = jax.random.normal(ks[1], (B, 3, N), jnp.float32)
    inp['points1'] = jax.random.normal(ks[2], (B, D, N), jnp.float32)
    inp['points2'] = jax.random.normal(ks[3], (B, D, N), jnp.float32)
    inp['mlp0_w'] = w_init(ks[4], in_ch, 128)
    inp['mlp0_b'] = jnp.zeros((128,), jnp.float32)
    inp['mlp1_w'] = w_init(ks[5], 128, 64)
    inp['mlp1_b'] = jnp.zeros((64,), jnp.float32)
    inp['wn1_w0'] = w_init(ks[6], 3, 8)
    inp['wn1_b0'] = jnp.zeros((8,), jnp.float32)
    inp['wn1_w1'] = w_init(ks[7], 8, 8)
    inp['wn1_b1'] = jnp.zeros((8,), jnp.float32)
    inp['wn1_w2'] = w_init(ks[8], 8, 64)
    inp['wn1_b2'] = jnp.zeros((64,), jnp.float32)
    inp['wn2_w0'] = w_init(ks[9], 3, 8)
    inp['wn2_b0'] = jnp.zeros((8,), jnp.float32)
    inp['wn2_w1'] = w_init(ks[10], 8, 8)
    inp['wn2_b1'] = jnp.zeros((8,), jnp.float32)
    inp['wn2_w2'] = w_init(ks[11], 8, 64)
    inp['wn2_b2'] = jnp.zeros((64,), jnp.float32)
    return inp

def reference(xyz1, xyz2, points1, points2, mlp0_w, mlp0_b, mlp1_w, mlp1_b, wn1_w0, wn1_b0, wn1_w1, wn1_b1, wn1_w2, wn1_b2, wn2_w0, wn2_b0, wn2_w1, wn2_b1, wn2_w2, wn2_b2):
    return _fc_forward(xyz1, xyz2, points1, points2, mlp0_w, mlp0_b, mlp1_w, mlp1_b, wn1_w0, wn1_b0, wn1_w1, wn1_b1, wn1_w2, wn1_b2, wn2_w0, wn2_b0, wn2_w1, wn2_b1, wn2_w2, wn2_b2)

if __name__ == "__main__":
    import jax
    _d = setup_inputs()
    print(jax.jit(kernel)(*tuple(_d.values())))

</pallas_src>

<mosaic_0001>
#map = affine_map<(d0, d1) -> (0, 0)>
module attributes {stable_mosaic.version = 14 : i64} {
  func.func @_sc_gather1_body(%arg0: i32, %arg1: i32, %arg2: memref<8192x64xf32, #tpu.memory_space<hbm>>, %arg3: memref<512x128xi32, #tpu.memory_space<hbm>>, %arg4: memref<65536x64xf32, #tpu.memory_space<hbm>>, %arg5: memref<16x128xi32, #tpu.memory_space<vmem>>, %arg6: memref<128x64xf32, #tpu.memory_space<vmem>>, %arg7: memref<128x64xf32, #tpu.memory_space<vmem>>, %arg8: memref<!tpu.dma_semaphore, #tpu.memory_space<semaphore_mem>>, %arg9: memref<!tpu.dma_semaphore, #tpu.memory_space<semaphore_mem>>) attributes {dimension_semantics = [#tpu.dimension_semantics<core_parallel>, #tpu.dimension_semantics<subcore_parallel>], iteration_bounds = array<i64: 2, 16>, scalar_prefetch = 0 : i64, scratch_operands = 5 : i64, tpu.core_type = #tpu.core_type<sc_vector_subcore>, window_params = [{transform_indices = #map}, {transform_indices = #map}, {transform_indices = #map}]} {
    %mul3A = arith.constant 2 : i32
    %mul3A_0 = arith.muli %arg1, %mul3A : i32
    %add3A = arith.addi %mul3A_0, %arg0 : i32
    %mul3A_1 = arith.constant 16 : i32
    %mul3A_2 = arith.muli %add3A, %mul3A_1 : i32
    "tpu.region"() ({
      %run_scoped3A = tpu.sem_alloc : memref<!tpu.dma_semaphore, #tpu.memory_space<semaphore_mem>>
      %dma_start3A_289 = arith.constant 0 : i32
      %dma_start3A_290 = tpu.memref_slice %arg3[%mul3A_2, %dma_start3A_289] : memref<512x128xi32, #tpu.memory_space<hbm>> -> memref<16x128xi32, #tpu.memory_space<hbm>>
      %dma_start3A_291 = arith.constant 0 : i32
      %dma_start3A_292 = tpu.memref_slice %arg3[%mul3A_2, %dma_start3A_291] : memref<512x128xi32, #tpu.memory_space<hbm>> -> memref<16x128xi32, #tpu.memory_space<hbm>>
      tpu.enqueue_dma source(%dma_start3A_292 : memref<16x128xi32, #tpu.memory_space<hbm>>) target(%arg5 : memref<16x128xi32, #tpu.memory_space<vmem>>) target_semaphore(%run_scoped3A : memref<!tpu.dma_semaphore, #tpu.memory_space<semaphore_mem>>)
      %dma_wait3A_293 = arith.constant 0 : i32
      %dma_wait3A_294 = tpu.memref_slice %arg3[%mul3A_2, %dma_wait3A_293] : memref<512x128xi32, #tpu.memory_space<hbm>> -> memref<16x128xi32, #tpu.memory_space<hbm>>
      %dma_wait3A_295 = arith.constant 0 : i32
      %dma_wait3A_296 = tpu.memref_slice %arg3[%mul3A_2, %dma_wait3A_295] : memref<512x128xi32, #tpu.memory_space<hbm>> -> memref<16x128xi32, #tpu.memory_space<hbm>>
      tpu.wait_dma2 semaphore(%run_scoped3A : memref<!tpu.dma_semaphore, #tpu.memory_space<semaphore_mem>>) src(%dma_wait3A_296 : memref<16x128xi32, #tpu.memory_space<hbm>>) dst(%arg5 : memref<16x128xi32, #tpu.memory_space<vmem>>)
      tpu.yield
    }) : () -> ()
    %dma_start3A = arith.constant 0 : i32
    %dma_start3A_3 = arith.constant 0 : i32
    %dma_start3A_4 = tpu.memref_slice %arg5[%dma_start3A, %dma_start3A_3] : memref<16x128xi32, #tpu.memory_space<vmem>> -> memref<1x128xi32, #tpu.memory_space<vmem>>
    %dma_start3A_5 = tpu.memref_squeeze %dma_start3A_4 : memref<1x128xi32, #tpu.memory_space<vmem>> -> memref<128xi32, #tpu.memory_space<vmem>>
    %dma_start3A_6 = arith.constant 0 : i32
    %dma_start3A_7 = arith.constant 0 : i32
    %dma_start3A_8 = tpu.memref_slice %arg2[%dma_start3A_6, %dma_start3A_7] : memref<8192x64xf32, #tpu.memory_space<hbm>> -> memref<8192x64xf32, #tpu.memory_space<hbm>>
    tpu.enqueue_indirect_dma source(%dma_start3A_8 : memref<8192x64xf32, #tpu.memory_space<hbm>>) target(%arg6 : memref<128x64xf32, #tpu.memory_space<vmem>>) offsets(%dma_start3A_5 : memref<128xi32, #tpu.memory_space<vmem>>) semaphore(%arg8 : memref<!tpu.dma_semaphore, #tpu.memory_space<semaphore_mem>>)
    %dma_start3A_9 = arith.constant 1 : i32
    %dma_start3A_10 = arith.constant 0 : i32
    %dma_start3A_11 = tpu.memref_slice %arg5[%dma_start3A_9, %dma_start3A_10] : memref<16x128xi32, #tpu.memory_space<vmem>> -> memref<1x128xi32, #tpu.memory_space<vmem>>
    %dma_start3A_12 = tpu.memref_squeeze %dma_start3A_11 : memref<1x128xi32, #tpu.memory_space<vmem>> -> memref<128xi32, #tpu.memory_space<vmem>>
    %dma_start3A_13 = arith.constant 0 : i32
    %dma_start3A_14 = arith.constant 0 : i32
    %dma_start3A_15 = tpu.memref_slice %arg2[%dma_start3A_13, %dma_start3A_14] : memref<8192x64xf32, #tpu.memory_space<hbm>> -> memref<8192x64xf32, #tpu.memory_space<hbm>>
    tpu.enqueue_indirect_dma source(%dma_start3A_15 : memref<8192x64xf32, #tpu.memory_space<hbm>>) target(%arg7 : memref<128x64xf32, #tpu.memory_space<vmem>>) offsets(%dma_start3A_12 : memref<128xi32, #tpu.memory_space<vmem>>) semaphore(%arg9 : memref<!tpu.dma_semaphore, #tpu.memory_space<semaphore_mem>>)
    %dma_wait3A = arith.constant 0 : i32
    %dma_wait3A_16 = arith.constant 0 : i32
    %dma_wait3A_17 = tpu.memref_slice %arg5[%dma_wait3A, %dma_wait3A_16] : memref<16x128xi32, #tpu.memory_space<vmem>> -> memref<1x128xi32, #tpu.memory_space<vmem>>
    %dma_wait3A_18 = tpu.memref_squeeze %dma_wait3A_17 : memref<1x128xi32, #tpu.memory_space<vmem>> -> memref<128xi32, #tpu.memory_space<vmem>>
    %dma_wait3A_19 = arith.constant 0 : i32
    %dma_wait3A_20 = arith.constant 0 : i32
    %dma_wait3A_21 = tpu.memref_slice %arg2[%dma_wait3A_19, %dma_wait3A_20] : memref<8192x64xf32, #tpu.memory_space<hbm>> -> memref<8192x64xf32, #tpu.memory_space<hbm>>
    tpu.wait_indirect_dma semaphore(%arg8 : memref<!tpu.dma_semaphore, #tpu.memory_space<semaphore_mem>>) src(%dma_wait3A_21 : memref<8192x64xf32, #tpu.memory_space<hbm>>) dst(%arg6 : memref<128x64xf32, #tpu.memory_space<vmem>>)
    %add3A_22 = arith.constant 0 : i32
    %add3A_23 = arith.addi %mul3A_2, %add3A_22 : i32
    %mul3A_24 = arith.constant 128 : i32
    %mul3A_25 = arith.muli %add3A_23, %mul3A_24 : i32
    "tpu.region"() ({
      %run_scoped3A = tpu.sem_alloc : memref<!tpu.dma_semaphore, #tpu.memory_space<semaphore_mem>>
      %dma_start3A_289 = arith.constant 0 : i32
      %dma_start3A_290 = tpu.memref_slice %arg4[%mul3A_25, %dma_start3A_289] : memref<65536x64xf32, #tpu.memory_space<hbm>> -> memref<128x64xf32, #tpu.memory_space<hbm>>
      %dma_start3A_291 = arith.constant 0 : i32
      %dma_start3A_292 = tpu.memref_slice %arg4[%mul3A_25, %dma_start3A_291] : memref<65536x64xf32, #tpu.memory_space<hbm>> -> memref<128x64xf32, #tpu.memory_space<hbm>>
      tpu.enqueue_dma source(%arg6 : memref<128x64xf32, #tpu.memory_space<vmem>>) target(%dma_start3A_292 : memref<128x64xf32, #tpu.memory_space<hbm>>) target_semaphore(%run_scoped3A : memref<!tpu.dma_semaphore, #tpu.memory_space<semaphore_mem>>)
      %dma_wait3A_293 = arith.constant 0 : i32
      %dma_wait3A_294 = tpu.memref_slice %arg4[%mul3A_25, %dma_wait3A_293] : memref<65536x64xf32, #tpu.memory_space<hbm>> -> memref<128x64xf32, #tpu.memory_space<hbm>>
      %dma_wait3A_295 = arith.constant 0 : i32
      %dma_wait3A_296 = tpu.memref_slice %arg4[%mul3A_25, %dma_wait3A_295] : memref<65536x64xf32, #tpu.memory_space<hbm>> -> memref<128x64xf32, #tpu.memory_space<hbm>>
      tpu.wait_dma2 semaphore(%run_scoped3A : memref<!tpu.dma_semaphore, #tpu.memory_space<semaphore_mem>>) src(%arg6 : memref<128x64xf32, #tpu.memory_space<vmem>>) dst(%dma_wait3A_296 : memref<128x64xf32, #tpu.memory_space<hbm>>)
      tpu.yield
    }) : () -> ()
    %dma_start3A_26 = arith.constant 2 : i32
    %dma_start3A_27 = arith.constant 0 : i32
    %dma_start3A_28 = tpu.memref_slice %arg5[%dma_start3A_26, %dma_start3A_27] : memref<16x128xi32, #tpu.memory_space<vmem>> -> memref<1x128xi32, #tpu.memory_space<vmem>>
    %dma_start3A_29 = tpu.memref_squeeze %dma_start3A_28 : memref<1x128xi32, #tpu.memory_space<vmem>> -> memref<128xi32, #tpu.memory_space<vmem>>
    %dma_start3A_30 = arith.constant 0 : i32
    %dma_start3A_31 = arith.constant 0 : i32
    %dma_start3A_32 = tpu.memref_slice %arg2[%dma_start3A_30, %dma_start3A_31] : memref<8192x64xf32, #tpu.memory_space<hbm>> -> memref<8192x64xf32, #tpu.memory_space<hbm>>
    tpu.enqueue_indirect_dma source(%dma_start3A_32 : memref<8192x64xf32, #tpu.memory_space<hbm>>) target(%arg6 : memref<128x64xf32, #tpu.memory_space<vmem>>) offsets(%dma_start3A_29 : memref<128xi32, #tpu.memory_space<vmem>>) semaphore(%arg8 : memref<!tpu.dma_semaphore, #tpu.memory_space<semaphore_mem>>)
    %dma_wait3A_33 = arith.constant 1 : i32
    %dma_wait3A_34 = arith.constant 0 : i32
    %dma_wait3A_35 = tpu.memref_slice %arg5[%dma_wait3A_33, %dma_wait3A_34] : memref<16x128xi32, #tpu.memory_space<vmem>> -> memref<1x128xi32, #tpu.memory_space<vmem>>
    %dma_wait3A_36 = tpu.memref_squeeze %dma_wait3A_35 : memref<1x128xi32, #tpu.memory_space<vmem>> -> memref<128xi32, #tpu.memory_space<vmem>>
    %dma_wait3A_37 = arith.constant 0 : i32
    %dma_wait3A_38 = arith.constant 0 : i32
    %dma_wait3A_39 = tpu.memref_slice %arg2[%dma_wait3A_37, %dma_wait3A_38] : memref<8192x64xf32, #tpu.memory_space<hbm>> -> memref<8192x64xf32, #tpu.memory_space<hbm>>
    tpu.wait_indirect_dma semaphore(%arg9 : memref<!tpu.dma_semaphore, #tpu.memory_space<semaphore_mem>>) src(%dma_wait3A_39 : memref<8192x64xf32, #tpu.memory_space<hbm>>) dst(%arg7 : memref<128x64xf32, #tpu.memory_space<vmem>>)
    %add3A_40 = arith.constant 1 : i32
    %add3A_41 = arith.addi %mul3A_2, %add3A_40 : i32
    %mul3A_42 = arith.constant 128 : i32
    %mul3A_43 = arith.muli %add3A_41, %mul3A_42 : i32
    "tpu.region"() ({
      %run_scoped3A = tpu.sem_alloc : memref<!tpu.dma_semaphore, #tpu.memory_space<semaphore_mem>>
      %dma_start3A_289 = arith.constant 0 : i32
      %dma_start3A_290 = tpu.memref_slice %arg4[%mul3A_43, %dma_start3A_289] : memref<65536x64xf32, #tpu.memory_space<hbm>> -> memref<128x64xf32, #tpu.memory_space<hbm>>
      %dma_start3A_291 = arith.constant 0 : i32
      %dma_start3A_292 = tpu.memref_slice %arg4[%mul3A_43, %dma_start3A_291] : memref<65536x64xf32, #tpu.memory_space<hbm>> -> memref<128x64xf32, #tpu.memory_space<hbm>>
      tpu.enqueue_dma source(%arg7 : memref<128x64xf32, #tpu.memory_space<vmem>>) target(%dma_start3A_292 : memref<128x64xf32, #tpu.memory_space<hbm>>) target_semaphore(%run_scoped3A : memref<!tpu.dma_semaphore, #tpu.memory_space<semaphore_mem>>)
      %dma_wait3A_293 = arith.constant 0 : i32
      %dma_wait3A_294 = tpu.memref_slice %arg4[%mul3A_43, %dma_wait3A_293] : memref<65536x64xf32, #tpu.memory_space<hbm>> -> memref<128x64xf32, #tpu.memory_space<hbm>>
      %dma_wait3A_295 = arith.constant 0 : i32
      %dma_wait3A_296 = tpu.memref_slice %arg4[%mul3A_43, %dma_wait3A_295] : memref<65536x64xf32, #tpu.memory_space<hbm>> -> memref<128x64xf32, #tpu.memory_space<hbm>>
      tpu.wait_dma2 semaphore(%run_scoped3A : memref<!tpu.dma_semaphore, #tpu.memory_space<semaphore_mem>>) src(%arg7 : memref<128x64xf32, #tpu.memory_space<vmem>>) dst(%dma_wait3A_296 : memref<128x64xf32, #tpu.memory_space<hbm>>)
      tpu.yield
    }) : () -> ()
    %dma_start3A_44 = arith.constant 3 : i32
    %dma_start3A_45 = arith.constant 0 : i32
    %dma_start3A_46 = tpu.memref_slice %arg5[%dma_start3A_44, %dma_start3A_45] : memref<16x128xi32, #tpu.memory_space<vmem>> -> memref<1x128xi32, #tpu.memory_space<vmem>>
    %dma_start3A_47 = tpu.memref_squeeze %dma_start3A_46 : memref<1x128xi32, #tpu.memory_space<vmem>> -> memref<128xi32, #tpu.memory_space<vmem>>
    %dma_start3A_48 = arith.constant 0 : i32
    %dma_start3A_49 = arith.constant 0 : i32
    %dma_start3A_50 = tpu.memref_slice %arg2[%dma_start3A_48, %dma_start3A_49] : memref<8192x64xf32, #tpu.memory_space<hbm>> -> memref<8192x64xf32, #tpu.memory_space<hbm>>
    tpu.enqueue_indirect_dma source(%dma_start3A_50 : memref<8192x64xf32, #tpu.memory_space<hbm>>) target(%arg7 : memref<128x64xf32, #tpu.memory_space<vmem>>) offsets(%dma_start3A_47 : memref<128xi32, #tpu.memory_space<vmem>>) semaphore(%arg9 : memref<!tpu.dma_semaphore, #tpu.memory_space<semaphore_mem>>)
    %dma_wait3A_51 = arith.constant 2 : i32
    %dma_wait3A_52 = arith.constant 0 : i32
    %dma_wait3A_53 = tpu.memref_slice %arg5[%dma_wait3A_51, %dma_wait3A_52] : memref<16x128xi32, #tpu.memory_space<vmem>> -> memref<1x128xi32, #tpu.memory_space<vmem>>
    %dma_wait3A_54 = tpu.memref_squeeze %dma_wait3A_53 : memref<1x128xi32, #tpu.memory_space<vmem>> -> memref<128xi32, #tpu.memory_space<vmem>>
    %dma_wait3A_55 = arith.constant 0 : i32
    %dma_wait3A_56 = arith.constant 0 : i32
    %dma_wait3A_57 = tpu.memref_slice %arg2[%dma_wait3A_55, %dma_wait3A_56] : memref<8192x64xf32, #tpu.memory_space<hbm>> -> memref<8192x64xf32, #tpu.memory_space<hbm>>
    tpu.wait_indirect_dma semaphore(%arg8 : memref<!tpu.dma_semaphore, #tpu.memory_space<semaphore_mem>>) src(%dma_wait3A_57 : memref<8192x64xf32, #tpu.memory_space<hbm>>) dst(%arg6 : memref<128x64xf32, #tpu.memory_space<vmem>>)
    %add3A_58 = arith.constant 2 : i32
    %add3A_59 = arith.addi %mul3A_2, %add3A_58 : i32
    %mul3A_60 = arith.constant 128 : i32
    %mul3A_61 = arith.muli %add3A_59, %mul3A_60 : i32
    "tpu.region"() ({
      %run_scoped3A = tpu.sem_alloc : memref<!tpu.dma_semaphore, #tpu.memory_space<semaphore_mem>>
      %dma_start3A_289 = arith.constant 0 : i32
      %dma_start3A_290 = tpu.memref_slice %arg4[%mul3A_61, %dma_start3A_289] : memref<65536x64xf32, #tpu.memory_space<hbm>> -> memref<128x64xf32, #tpu.memory_space<hbm>>
      %dma_start3A_291 = arith.constant 0 : i32
      %dma_start3A_292 = tpu.memref_slice %arg4[%mul3A_61, %dma_start3A_291] : memref<65536x64xf32, #tpu.memory_space<hbm>> -> memref<128x64xf32, #tpu.memory_space<hbm>>
      tpu.enqueue_dma source(%arg6 : memref<128x64xf32, #tpu.memory_space<vmem>>) target(%dma_start3A_292 : memref<128x64xf32, #tpu.memory_space<hbm>>) target_semaphore(%run_scoped3A : memref<!tpu.dma_semaphore, #tpu.memory_space<semaphore_mem>>)
      %dma_wait3A_293 = arith.constant 0 : i32
      %dma_wait3A_294 = tpu.memref_slice %arg4[%mul3A_61, %dma_wait3A_293] : memref<65536x64xf32, #tpu.memory_space<hbm>> -> memref<128x64xf32, #tpu.memory_space<hbm>>
      %dma_wait3A_295 = arith.constant 0 : i32
      %dma_wait3A_296 = tpu.memref_slice %arg4[%mul3A_61, %dma_wait3A_295] : memref<65536x64xf32, #tpu.memory_space<hbm>> -> memref<128x64xf32, #tpu.memory_space<hbm>>
      tpu.wait_dma2 semaphore(%run_scoped3A : memref<!tpu.dma_semaphore, #tpu.memory_space<semaphore_mem>>) src(%arg6 : memref<128x64xf32, #tpu.memory_space<vmem>>) dst(%dma_wait3A_296 : memref<128x64xf32, #tpu.memory_space<hbm>>)
      tpu.yield
    }) : () -> ()
    %dma_start3A_62 = arith.constant 4 : i32
    %dma_start3A_63 = arith.constant 0 : i32
    %dma_start3A_64 = tpu.memref_slice %arg5[%dma_start3A_62, %dma_start3A_63] : memref<16x128xi32, #tpu.memory_space<vmem>> -> memref<1x128xi32, #tpu.memory_space<vmem>>
    %dma_start3A_65 = tpu.memref_squeeze %dma_start3A_64 : memref<1x128xi32, #tpu.memory_space<vmem>> -> memref<128xi32, #tpu.memory_space<vmem>>
    %dma_start3A_66 = arith.constant 0 : i32
    %dma_start3A_67 = arith.constant 0 : i32
    %dma_start3A_68 = tpu.memref_slice %arg2[%dma_start3A_66, %dma_start3A_67] : memref<8192x64xf32, #tpu.memory_space<hbm>> -> memref<8192x64xf32, #tpu.memory_space<hbm>>
    tpu.enqueue_indirect_dma source(%dma_start3A_68 : memref<8192x64xf32, #tpu.memory_space<hbm>>) target(%arg6 : memref<128x64xf32, #tpu.memory_space<vmem>>) offsets(%dma_start3A_65 : memref<128xi32, #tpu.memory_space<vmem>>) semaphore(%arg8 : memref<!tpu.dma_semaphore, #tpu.memory_space<semaphore_mem>>)
    %dma_wait3A_69 = arith.constant 3 : i32
    %dma_wait3A_70 = arith.constant 0 : i32
    %dma_wait3A_71 = tpu.memref_slice %arg5[%dma_wait3A_69, %dma_wait3A_70] : memref<16x128xi32, #tpu.memory_space<vmem>> -> memref<1x128xi32, #tpu.memory_space<vmem>>
    %dma_wait3A_72 = tpu.memref_squeeze %dma_wait3A_71 : memref<1x128xi32, #tpu.memory_space<vmem>> -> memref<128xi32, #tpu.memory_space<vmem>>
    %dma_wait3A_73 = arith.constant 0 : i32
    %dma_wait3A_74 = arith.constant 0 : i32
    %dma_wait3A_75 = tpu.memref_slice %arg2[%dma_wait3A_73, %dma_wait3A_74] : memref<8192x64xf32, #tpu.memory_space<hbm>> -> memref<8192x64xf32, #tpu.memory_space<hbm>>
    tpu.wait_indirect_dma semaphore(%arg9 : memref<!tpu.dma_semaphore, #tpu.memory_space<semaphore_mem>>) src(%dma_wait3A_75 : memref<8192x64xf32, #tpu.memory_space<hbm>>) dst(%arg7 : memref<128x64xf32, #tpu.memory_space<vmem>>)
    %add3A_76 = arith.constant 3 : i32
    %add3A_77 = arith.addi %mul3A_2, %add3A_76 : i32
    %mul3A_78 = arith.constant 128 : i32
    %mul3A_79 = arith.muli %add3A_77, %mul3A_78 : i32
    "tpu.region"() ({
      %run_scoped3A = tpu.sem_alloc : memref<!tpu.dma_semaphore, #tpu.memory_space<semaphore_mem>>
      %dma_start3A_289 = arith.constant 0 : i32
      %dma_start3A_290 = tpu.memref_slice %arg4[%mul3A_79, %dma_start3A_289] : memref<65536x64xf32, #tpu.memory_space<hbm>> -> memref<128x64xf32, #tpu.memory_space<hbm>>
      %dma_start3A_291 = arith.constant 0 : i32
      %dma_start3A_292 = tpu.memref_slice %arg4[%mul3A_79, %dma_start3A_291] : memref<65536x64xf32, #tpu.memory_space<hbm>> -> memref<128x64xf32, #tpu.memory_space<hbm>>
      tpu.enqueue_dma source(%arg7 : memref<128x64xf32, #tpu.memory_space<vmem>>) target(%dma_start3A_292 : memref<128x64xf32, #tpu.memory_space<hbm>>) target_semaphore(%run_scoped3A : memref<!tpu.dma_semaphore, #tpu.memory_space<semaphore_mem>>)
      %dma_wait3A_293 = arith.constant 0 : i32
      %dma_wait3A_294 = tpu.memref_slice %arg4[%mul3A_79, %dma_wait3A_293] : memref<65536x64xf32, #tpu.memory_space<hbm>> -> memref<128x64xf32, #tpu.memory_space<hbm>>
      %dma_wait3A_295 = arith.constant 0 : i32
      %dma_wait3A_296 = tpu.memref_slice %arg4[%mul3A_79, %dma_wait3A_295] : memref<65536x64xf32, #tpu.memory_space<hbm>> -> memref<128x64xf32, #tpu.memory_space<hbm>>
      tpu.wait_dma2 semaphore(%run_scoped3A : memref<!tpu.dma_semaphore, #tpu.memory_space<semaphore_mem>>) src(%arg7 : memref<128x64xf32, #tpu.memory_space<vmem>>) dst(%dma_wait3A_296 : memref<128x64xf32, #tpu.memory_space<hbm>>)
      tpu.yield
    }) : () -> ()
    %dma_start3A_80 = arith.constant 5 : i32
    %dma_start3A_81 = arith.constant 0 : i32
    %dma_start3A_82 = tpu.memref_slice %arg5[%dma_start3A_80, %dma_start3A_81] : memref<16x128xi32, #tpu.memory_space<vmem>> -> memref<1x128xi32, #tpu.memory_space<vmem>>
    %dma_start3A_83 = tpu.memref_squeeze %dma_start3A_82 : memref<1x128xi32, #tpu.memory_space<vmem>> -> memref<128xi32, #tpu.memory_space<vmem>>
    %dma_start3A_84 = arith.constant 0 : i32
    %dma_start3A_85 = arith.constant 0 : i32
    %dma_start3A_86 = tpu.memref_slice %arg2[%dma_start3A_84, %dma_start3A_85] : memref<8192x64xf32, #tpu.memory_space<hbm>> -> memref<8192x64xf32, #tpu.memory_space<hbm>>
    tpu.enqueue_indirect_dma source(%dma_start3A_86 : memref<8192x64xf32, #tpu.memory_space<hbm>>) target(%arg7 : memref<128x64xf32, #tpu.memory_space<vmem>>) offsets(%dma_start3A_83 : memref<128xi32, #tpu.memory_space<vmem>>) semaphore(%arg9 : memref<!tpu.dma_semaphore, #tpu.memory_space<semaphore_mem>>)
    %dma_wait3A_87 = arith.constant 4 : i32
    %dma_wait3A_88 = arith.constant 0 : i32
    %dma_wait3A_89 = tpu.memref_slice %arg5[%dma_wait3A_87, %dma_wait3A_88] : memref<16x128xi32, #tpu.memory_space<vmem>> -> memref<1x128xi32, #tpu.memory_space<vmem>>
    %dma_wait3A_90 = tpu.memref_squeeze %dma_wait3A_89 : memref<1x128xi32, #tpu.memory_space<vmem>> -> memref<128xi32, #tpu.memory_space<vmem>>
    %dma_wait3A_91 = arith.constant 0 : i32
    %dma_wait3A_92 = arith.constant 0 : i32
    %dma_wait3A_93 = tpu.memref_slice %arg2[%dma_wait3A_91, %dma_wait3A_92] : memref<8192x64xf32, #tpu.memory_space<hbm>> -> memref<8192x64xf32, #tpu.memory_space<hbm>>
    tpu.wait_indirect_dma semaphore(%arg8 : memref<!tpu.dma_semaphore, #tpu.memory_space<semaphore_mem>>) src(%dma_wait3A_93 : memref<8192x64xf32, #tpu.memory_space<hbm>>) dst(%arg6 : memref<128x64xf32, #tpu.memory_space<vmem>>)
    %add3A_94 = arith.constant 4 : i32
    %add3A_95 = arith.addi %mul3A_2, %add3A_94 : i32
    %mul3A_96 = arith.constant 128 : i32
    %mul3A_97 = arith.muli %add3A_95, %mul3A_96 : i32
    "tpu.region"() ({
      %run_scoped3A = tpu.sem_alloc : memref<!tpu.dma_semaphore, #tpu.memory_space<semaphore_mem>>
      %dma_start3A_289 = arith.constant 0 : i32
      %dma_start3A_290 = tpu.memref_slice %arg4[%mul3A_97, %dma_start3A_289] : memref<65536x64xf32, #tpu.memory_space<hbm>> -> memref<128x64xf32, #tpu.memory_space<hbm>>
      %dma_start3A_291 = arith.constant 0 : i32
      %dma_start3A_292 = tpu.memref_slice %arg4[%mul3A_97, %dma_start3A_291] : memref<65536x64xf32, #tpu.memory_space<hbm>> -> memref<128x64xf32, #tpu.memory_space<hbm>>
      tpu.enqueue_dma source(%arg6 : memref<128x64xf32, #tpu.memory_space<vmem>>) target(%dma_start3A_292 : memref<128x64xf32, #tpu.memory_space<hbm>>) target_semaphore(%run_scoped3A : memref<!tpu.dma_semaphore, #tpu.memory_space<semaphore_mem>>)
      %dma_wait3A_293 = arith.constant 0 : i32
      %dma_wait3A_294 = tpu.memref_slice %arg4[%mul3A_97, %dma_wait3A_293] : memref<65536x64xf32, #tpu.memory_space<hbm>> -> memref<128x64xf32, #tpu.memory_space<hbm>>
      %dma_wait3A_295 = arith.constant 0 : i32
      %dma_wait3A_296 = tpu.memref_slice %arg4[%mul3A_97, %dma_wait3A_295] : memref<65536x64xf32, #tpu.memory_space<hbm>> -> memref<128x64xf32, #tpu.memory_space<hbm>>
      tpu.wait_dma2 semaphore(%run_scoped3A : memref<!tpu.dma_semaphore, #tpu.memory_space<semaphore_mem>>) src(%arg6 : memref<128x64xf32, #tpu.memory_space<vmem>>) dst(%dma_wait3A_296 : memref<128x64xf32, #tpu.memory_space<hbm>>)
      tpu.yield
    }) : () -> ()
    %dma_start3A_98 = arith.constant 6 : i32
    %dma_start3A_99 = arith.constant 0 : i32
    %dma_start3A_100 = tpu.memref_slice %arg5[%dma_start3A_98, %dma_start3A_99] : memref<16x128xi32, #tpu.memory_space<vmem>> -> memref<1x128xi32, #tpu.memory_space<vmem>>
    %dma_start3A_101 = tpu.memref_squeeze %dma_start3A_100 : memref<1x128xi32, #tpu.memory_space<vmem>> -> memref<128xi32, #tpu.memory_space<vmem>>
    %dma_start3A_102 = arith.constant 0 : i32
    %dma_start3A_103 = arith.constant 0 : i32
    %dma_start3A_104 = tpu.memref_slice %arg2[%dma_start3A_102, %dma_start3A_103] : memref<8192x64xf32, #tpu.memory_space<hbm>> -> memref<8192x64xf32, #tpu.memory_space<hbm>>
    tpu.enqueue_indirect_dma source(%dma_start3A_104 : memref<8192x64xf32, #tpu.memory_space<hbm>>) target(%arg6 : memref<128x64xf32, #tpu.memory_space<vmem>>) offsets(%dma_start3A_101 : memref<128xi32, #tpu.memory_space<vmem>>) semaphore(%arg8 : memref<!tpu.dma_semaphore, #tpu.memory_space<semaphore_mem>>)
    %dma_wait3A_105 = arith.constant 5 : i32
    %dma_wait3A_106 = arith.constant 0 : i32
    %dma_wait3A_107 = tpu.memref_slice %arg5[%dma_wait3A_105, %dma_wait3A_106] : memref<16x128xi32, #tpu.memory_space<vmem>> -> memref<1x128xi32, #tpu.memory_space<vmem>>
    %dma_wait3A_108 = tpu.memref_squeeze %dma_wait3A_107 : memref<1x128xi32, #tpu.memory_space<vmem>> -> memref<128xi32, #tpu.memory_space<vmem>>
    %dma_wait3A_109 = arith.constant 0 : i32
    %dma_wait3A_110 = arith.constant 0 : i32
    %dma_wait3A_111 = tpu.memref_slice %arg2[%dma_wait3A_109, %dma_wait3A_110] : memref<8192x64xf32, #tpu.memory_space<hbm>> -> memref<8192x64xf32, #tpu.memory_space<hbm>>
    tpu.wait_indirect_dma semaphore(%arg9 : memref<!tpu.dma_semaphore, #tpu.memory_space<semaphore_mem>>) src(%dma_wait3A_111 : memref<8192x64xf32, #tpu.memory_space<hbm>>) dst(%arg7 : memref<128x64xf32, #tpu.memory_space<vmem>>)
    %add3A_112 = arith.constant 5 : i32
    %add3A_113 = arith.addi %mul3A_2, %add3A_112 : i32
    %mul3A_114 = arith.constant 128 : i32
    %mul3A_115 = arith.muli %add3A_113, %mul3A_114 : i32
    "tpu.region"() ({
      %run_scoped3A = tpu.sem_alloc : memref<!tpu.dma_semaphore, #tpu.memory_space<semaphore_mem>>
      %dma_start3A_289 = arith.constant 0 : i32
      %dma_start3A_290 = tpu.memref_slice %arg4[%mul3A_115, %dma_start3A_289] : memref<65536x64xf32, #tpu.memory_space<hbm>> -> memref<128x64xf32, #tpu.memory_space<hbm>>
      %dma_start3A_291 = arith.constant 0 : i32
      %dma_start3A_292 = tpu.memref_slice %arg4[%mul3A_115, %dma_start3A_291] : memref<65536x64xf32, #tpu.memory_space<hbm>> -> memref<128x64xf32, #tpu.memory_space<hbm>>
      tpu.enqueue_dma source(%arg7 : memref<128x64xf32, #tpu.memory_space<vmem>>) target(%dma_start3A_292 : memref<128x64xf32, #tpu.memory_space<hbm>>) target_semaphore(%run_scoped3A : memref<!tpu.dma_semaphore, #tpu.memory_space<semaphore_mem>>)
      %dma_wait3A_293 = arith.constant 0 : i32
      %dma_wait3A_294 = tpu.memref_slice %arg4[%mul3A_115, %dma_wait3A_293] : memref<65536x64xf32, #tpu.memory_space<hbm>> -> memref<128x64xf32, #tpu.memory_space<hbm>>
      %dma_wait3A_295 = arith.constant 0 : i32
      %dma_wait3A_296 = tpu.memref_slice %arg4[%mul3A_115, %dma_wait3A_295] : memref<65536x64xf32, #tpu.memory_space<hbm>> -> memref<128x64xf32, #tpu.memory_space<hbm>>
      tpu.wait_dma2 semaphore(%run_scoped3A : memref<!tpu.dma_semaphore, #tpu.memory_space<semaphore_mem>>) src(%arg7 : memref<128x64xf32, #tpu.memory_space<vmem>>) dst(%dma_wait3A_296 : memref<128x64xf32, #tpu.memory_space<hbm>>)
      tpu.yield
    }) : () -> ()
    %dma_start3A_116 = arith.constant 7 : i32
    %dma_start3A_117 = arith.constant 0 : i32
    %dma_start3A_118 = tpu.memref_slice %arg5[%dma_start3A_116, %dma_start3A_117] : memref<16x128xi32, #tpu.memory_space<vmem>> -> memref<1x128xi32, #tpu.memory_space<vmem>>
    %dma_start3A_119 = tpu.memref_squeeze %dma_start3A_118 : memref<1x128xi32, #tpu.memory_space<vmem>> -> memref<128xi32, #tpu.memory_space<vmem>>
    %dma_start3A_120 = arith.constant 0 : i32
    %dma_start3A_121 = arith.constant 0 : i32
    %dma_start3A_122 = tpu.memref_slice %arg2[%dma_start3A_120, %dma_start3A_121] : memref<8192x64xf32, #tpu.memory_space<hbm>> -> memref<8192x64xf32, #tpu.memory_space<hbm>>
    tpu.enqueue_indirect_dma source(%dma_start3A_122 : memref<8192x64xf32, #tpu.memory_space<hbm>>) target(%arg7 : memref<128x64xf32, #tpu.memory_space<vmem>>) offsets(%dma_start3A_119 : memref<128xi32, #tpu.memory_space<vmem>>) semaphore(%arg9 : memref<!tpu.dma_semaphore, #tpu.memory_space<semaphore_mem>>)
    %dma_wait3A_123 = arith.constant 6 : i32
    %dma_wait3A_124 = arith.constant 0 : i32
    %dma_wait3A_125 = tpu.memref_slice %arg5[%dma_wait3A_123, %dma_wait3A_124] : memref<16x128xi32, #tpu.memory_space<vmem>> -> memref<1x128xi32, #tpu.memory_space<vmem>>
    %dma_wait3A_126 = tpu.memref_squeeze %dma_wait3A_125 : memref<1x128xi32, #tpu.memory_space<vmem>> -> memref<128xi32, #tpu.memory_space<vmem>>
    %dma_wait3A_127 = arith.constant 0 : i32
    %dma_wait3A_128 = arith.constant 0 : i32
    %dma_wait3A_129 = tpu.memref_slice %arg2[%dma_wait3A_127, %dma_wait3A_128] : memref<8192x64xf32, #tpu.memory_space<hbm>> -> memref<8192x64xf32, #tpu.memory_space<hbm>>
    tpu.wait_indirect_dma semaphore(%arg8 : memref<!tpu.dma_semaphore, #tpu.memory_space<semaphore_mem>>) src(%dma_wait3A_129 : memref<8192x64xf32, #tpu.memory_space<hbm>>) dst(%arg6 : memref<128x64xf32, #tpu.memory_space<vmem>>)
    %add3A_130 = arith.constant 6 : i32
    %add3A_131 = arith.addi %mul3A_2, %add3A_130 : i32
    %mul3A_132 = arith.constant 128 : i32
    %mul3A_133 = arith.muli %add3A_131, %mul3A_132 : i32
    "tpu.region"() ({
      %run_scoped3A = tpu.sem_alloc : memref<!tpu.dma_semaphore, #tpu.memory_space<semaphore_mem>>
      %dma_start3A_289 = arith.constant 0 : i32
      %dma_start3A_290 = tpu.memref_slice %arg4[%mul3A_133, %dma_start3A_289] : memref<65536x64xf32, #tpu.memory_space<hbm>> -> memref<128x64xf32, #tpu.memory_space<hbm>>
      %dma_start3A_291 = arith.constant 0 : i32
      %dma_start3A_292 = tpu.memref_slice %arg4[%mul3A_133, %dma_start3A_291] : memref<65536x64xf32, #tpu.memory_space<hbm>> -> memref<128x64xf32, #tpu.memory_space<hbm>>
      tpu.enqueue_dma source(%arg6 : memref<128x64xf32, #tpu.memory_space<vmem>>) target(%dma_start3A_292 : memref<128x64xf32, #tpu.memory_space<hbm>>) target_semaphore(%run_scoped3A : memref<!tpu.dma_semaphore, #tpu.memory_space<semaphore_mem>>)
      %dma_wait3A_293 = arith.constant 0 : i32
      %dma_wait3A_294 = tpu.memref_slice %arg4[%mul3A_133, %dma_wait3A_293] : memref<65536x64xf32, #tpu.memory_space<hbm>> -> memref<128x64xf32, #tpu.memory_space<hbm>>
      %dma_wait3A_295 = arith.constant 0 : i32
      %dma_wait3A_296 = tpu.memref_slice %arg4[%mul3A_133, %dma_wait3A_295] : memref<65536x64xf32, #tpu.memory_space<hbm>> -> memref<128x64xf32, #tpu.memory_space<hbm>>
      tpu.wait_dma2 semaphore(%run_scoped3A : memref<!tpu.dma_semaphore, #tpu.memory_space<semaphore_mem>>) src(%arg6 : memref<128x64xf32, #tpu.memory_space<vmem>>) dst(%dma_wait3A_296 : memref<128x64xf32, #tpu.memory_space<hbm>>)
      tpu.yield
    }) : () -> ()
    %dma_start3A_134 = arith.constant 8 : i32
    %dma_start3A_135 = arith.constant 0 : i32
    %dma_start3A_136 = tpu.memref_slice %arg5[%dma_start3A_134, %dma_start3A_135] : memref<16x128xi32, #tpu.memory_space<vmem>> -> memref<1x128xi32, #tpu.memory_space<vmem>>
    %dma_start3A_137 = tpu.memref_squeeze %dma_start3A_136 : memref<1x128xi32, #tpu.memory_space<vmem>> -> memref<128xi32, #tpu.memory_space<vmem>>
    %dma_start3A_138 = arith.constant 0 : i32
    %dma_start3A_139 = arith.constant 0 : i32
    %dma_start3A_140 = tpu.memref_slice %arg2[%dma_start3A_138, %dma_start3A_139] : memref<8192x64xf32, #tpu.memory_space<hbm>> -> memref<8192x64xf32, #tpu.memory_space<hbm>>
    tpu.enqueue_indirect_dma source(%dma_start3A_140 : memref<8192x64xf32, #tpu.memory_space<hbm>>) target(%arg6 : memref<128x64xf32, #tpu.memory_space<vmem>>) offsets(%dma_start3A_137 : memref<128xi32, #tpu.memory_space<vmem>>) semaphore(%arg8 : memref<!tpu.dma_semaphore, #tpu.memory_space<semaphore_mem>>)
    %dma_wait3A_141 = arith.constant 7 : i32
    %dma_wait3A_142 = arith.constant 0 : i32
    %dma_wait3A_143 = tpu.memref_slice %arg5[%dma_wait3A_141, %dma_wait3A_142] : memref<16x128xi32, #tpu.memory_space<vmem>> -> memref<1x128xi32, #tpu.memory_space<vmem>>
    %dma_wait3A_144 = tpu.memref_squeeze %dma_wait3A_143 : memref<1x128xi32, #tpu.memory_space<vmem>> -> memref<128xi32, #tpu.memory_space<vmem>>
    %dma_wait3A_145 = arith.constant 0 : i32
    %dma_wait3A_146 = arith.constant 0 : i32
    %dma_wait3A_147 = tpu.memref_slice %arg2[%dma_wait3A_145, %dma_wait3A_146] : memref<8192x64xf32, #tpu.memory_space<hbm>> -> memref<8192x64xf32, #tpu.memory_space<hbm>>
    tpu.wait_indirect_dma semaphore(%arg9 : memref<!tpu.dma_semaphore, #tpu.memory_space<semaphore_mem>>) src(%dma_wait3A_147 : memref<8192x64xf32, #tpu.memory_space<hbm>>) dst(%arg7 : memref<128x64xf32, #tpu.memory_space<vmem>>)
    %add3A_148 = arith.constant 7 : i32
    %add3A_149 = arith.addi %mul3A_2, %add3A_148 : i32
    %mul3A_150 = arith.constant 128 : i32
    %mul3A_151 = arith.muli %add3A_149, %mul3A_150 : i32
    "tpu.region"() ({
      %run_scoped3A = tpu.sem_alloc : memref<!tpu.dma_semaphore, #tpu.memory_space<semaphore_mem>>
      %dma_start3A_289 = arith.constant 0 : i32
      %dma_start3A_290 = tpu.memref_slice %arg4[%mul3A_151, %dma_start3A_289] : memref<65536x64xf32, #tpu.memory_space<hbm>> -> memref<128x64xf32, #tpu.memory_space<hbm>>
      %dma_start3A_291 = arith.constant 0 : i32
      %dma_start3A_292 = tpu.memref_slice %arg4[%mul3A_151, %dma_start3A_291] : memref<65536x64xf32, #tpu.memory_space<hbm>> -> memref<128x64xf32, #tpu.memory_space<hbm>>
      tpu.enqueue_dma source(%arg7 : memref<128x64xf32, #tpu.memory_space<vmem>>) target(%dma_start3A_292 : memref<128x64xf32, #tpu.memory_space<hbm>>) target_semaphore(%run_scoped3A : memref<!tpu.dma_semaphore, #tpu.memory_space<semaphore_mem>>)
      %dma_wait3A_293 = arith.constant 0 : i32
      %dma_wait3A_294 = tpu.memref_slice %arg4[%mul3A_151, %dma_wait3A_293] : memref<65536x64xf32, #tpu.memory_space<hbm>> -> memref<128x64xf32, #tpu.memory_space<hbm>>
      %dma_wait3A_295 = arith.constant 0 : i32
      %dma_wait3A_296 = tpu.memref_slice %arg4[%mul3A_151, %dma_wait3A_295] : memref<65536x64xf32, #tpu.memory_space<hbm>> -> memref<128x64xf32, #tpu.memory_space<hbm>>
      tpu.wait_dma2 semaphore(%run_scoped3A : memref<!tpu.dma_semaphore, #tpu.memory_space<semaphore_mem>>) src(%arg7 : memref<128x64xf32, #tpu.memory_space<vmem>>) dst(%dma_wait3A_296 : memref<128x64xf32, #tpu.memory_space<hbm>>)
      tpu.yield
    }) : () -> ()
    %dma_start3A_152 = arith.constant 9 : i32
    %dma_start3A_153 = arith.constant 0 : i32
    %dma_start3A_154 = tpu.memref_slice %arg5[%dma_start3A_152, %dma_start3A_153] : memref<16x128xi32, #tpu.memory_space<vmem>> -> memref<1x128xi32, #tpu.memory_space<vmem>>
    %dma_start3A_155 = tpu.memref_squeeze %dma_start3A_154 : memref<1x128xi32, #tpu.memory_space<vmem>> -> memref<128xi32, #tpu.memory_space<vmem>>
    %dma_start3A_156 = arith.constant 0 : i32
    %dma_start3A_157 = arith.constant 0 : i32
    %dma_start3A_158 = tpu.memref_slice %arg2[%dma_start3A_156, %dma_start3A_157] : memref<8192x64xf32, #tpu.memory_space<hbm>> -> memref<8192x64xf32, #tpu.memory_space<hbm>>
    tpu.enqueue_indirect_dma source(%dma_start3A_158 : memref<8192x64xf32, #tpu.memory_space<hbm>>) target(%arg7 : memref<128x64xf32, #tpu.memory_space<vmem>>) offsets(%dma_start3A_155 : memref<128xi32, #tpu.memory_space<vmem>>) semaphore(%arg9 : memref<!tpu.dma_semaphore, #tpu.memory_space<semaphore_mem>>)
    %dma_wait3A_159 = arith.constant 8 : i32
    %dma_wait3A_160 = arith.constant 0 : i32
    %dma_wait3A_161 = tpu.memref_slice %arg5[%dma_wait3A_159, %dma_wait3A_160] : memref<16x128xi32, #tpu.memory_space<vmem>> -> memref<1x128xi32, #tpu.memory_space<vmem>>
    %dma_wait3A_162 = tpu.memref_squeeze %dma_wait3A_161 : memref<1x128xi32, #tpu.memory_space<vmem>> -> memref<128xi32, #tpu.memory_space<vmem>>
    %dma_wait3A_163 = arith.constant 0 : i32
    %dma_wait3A_164 = arith.constant 0 : i32
    %dma_wait3A_165 = tpu.memref_slice %arg2[%dma_wait3A_163, %dma_wait3A_164] : memref<8192x64xf32, #tpu.memory_space<hbm>> -> memref<8192x64xf32, #tpu.memory_space<hbm>>
    tpu.wait_indirect_dma semaphore(%arg8 : memref<!tpu.dma_semaphore, #tpu.memory_space<semaphore_mem>>) src(%dma_wait3A_165 : memref<8192x64xf32, #tpu.memory_space<hbm>>) dst(%arg6 : memref<128x64xf32, #tpu.memory_space<vmem>>)
    %add3A_166 = arith.constant 8 : i32
    %add3A_167 = arith.addi %mul3A_2, %add3A_166 : i32
    %mul3A_168 = arith.constant 128 : i32
    %mul3A_169 = arith.muli %add3A_167, %mul3A_168 : i32
    "tpu.region"() ({
      %run_scoped3A = tpu.sem_alloc : memref<!tpu.dma_semaphore, #tpu.memory_space<semaphore_mem>>
      %dma_start3A_289 = arith.constant 0 : i32
      %dma_start3A_290 = tpu.memref_slice %arg4[%mul3A_169, %dma_start3A_289] : memref<65536x64xf32, #tpu.memory_space<hbm>> -> memref<128x64xf32, #tpu.memory_space<hbm>>
      %dma_start3A_291 = arith.constant 0 : i32
      %dma_start3A_292 = tpu.memref_slice %arg4[%mul3A_169, %dma_start3A_291] : memref<65536x64xf32, #tpu.memory_space<hbm>> -> memref<128x64xf32, #tpu.memory_space<hbm>>
      tpu.enqueue_dma source(%arg6 : memref<128x64xf32, #tpu.memory_space<vmem>>) target(%dma_start3A_292 : memref<128x64xf32, #tpu.memory_space<hbm>>) target_semaphore(%run_scoped3A : memref<!tpu.dma_semaphore, #tpu.memory_space<semaphore_mem>>)
      %dma_wait3A_293 = arith.constant 0 : i32
      %dma_wait3A_294 = tpu.memref_slice %arg4[%mul3A_169, %dma_wait3A_293] : memref<65536x64xf32, #tpu.memory_space<hbm>> -> memref<128x64xf32, #tpu.memory_space<hbm>>
      %dma_wait3A_295 = arith.constant 0 : i32
      %dma_wait3A_296 = tpu.memref_slice %arg4[%mul3A_169, %dma_wait3A_295] : memref<65536x64xf32, #tpu.memory_space<hbm>> -> memref<128x64xf32, #tpu.memory_space<hbm>>
      tpu.wait_dma2 semaphore(%run_scoped3A : memref<!tpu.dma_semaphore, #tpu.memory_space<semaphore_mem>>) src(%arg6 : memref<128x64xf32, #tpu.memory_space<vmem>>) dst(%dma_wait3A_296 : memref<128x64xf32, #tpu.memory_space<hbm>>)
      tpu.yield
    }) : () -> ()
    %dma_start3A_170 = arith.constant 10 : i32
    %dma_start3A_171 = arith.constant 0 : i32
    %dma_start3A_172 = tpu.memref_slice %arg5[%dma_start3A_170, %dma_start3A_171] : memref<16x128xi32, #tpu.memory_space<vmem>> -> memref<1x128xi32, #tpu.memory_space<vmem>>
    %dma_start3A_173 = tpu.memref_squeeze %dma_start3A_172 : memref<1x128xi32, #tpu.memory_space<vmem>> -> memref<128xi32, #tpu.memory_space<vmem>>
    %dma_start3A_174 = arith.constant 0 : i32
    %dma_start3A_175 = arith.constant 0 : i32
    %dma_start3A_176 = tpu.memref_slice %arg2[%dma_start3A_174, %dma_start3A_175] : memref<8192x64xf32, #tpu.memory_space<hbm>> -> memref<8192x64xf32, #tpu.memory_space<hbm>>
    tpu.enqueue_indirect_dma source(%dma_start3A_176 : memref<8192x64xf32, #tpu.memory_space<hbm>>) target(%arg6 : memref<128x64xf32, #tpu.memory_space<vmem>>) offsets(%dma_start3A_173 : memref<128xi32, #tpu.memory_space<vmem>>) semaphore(%arg8 : memref<!tpu.dma_semaphore, #tpu.memory_space<semaphore_mem>>)
    %dma_wait3A_177 = arith.constant 9 : i32
    %dma_wait3A_178 = arith.constant 0 : i32
    %dma_wait3A_179 = tpu.memref_slice %arg5[%dma_wait3A_177, %dma_wait3A_178] : memref<16x128xi32, #tpu.memory_space<vmem>> -> memref<1x128xi32, #tpu.memory_space<vmem>>
    %dma_wait3A_180 = tpu.memref_squeeze %dma_wait3A_179 : memref<1x128xi32, #tpu.memory_space<vmem>> -> memref<128xi32, #tpu.memory_space<vmem>>
    %dma_wait3A_181 = arith.constant 0 : i32
    %dma_wait3A_182 = arith.constant 0 : i32
    %dma_wait3A_183 = tpu.memref_slice %arg2[%dma_wait3A_181, %dma_wait3A_182] : memref<8192x64xf32, #tpu.memory_space<hbm>> -> memref<8192x64xf32, #tpu.memory_space<hbm>>
    tpu.wait_indirect_dma semaphore(%arg9 : memref<!tpu.dma_semaphore, #tpu.memory_space<semaphore_mem>>) src(%dma_wait3A_183 : memref<8192x64xf32, #tpu.memory_space<hbm>>) dst(%arg7 : memref<128x64xf32, #tpu.memory_space<vmem>>)
    %add3A_184 = arith.constant 9 : i32
    %add3A_185 = arith.addi %mul3A_2, %add3A_184 : i32
    %mul3A_186 = arith.constant 128 : i32
    %mul3A_187 = arith.muli %add3A_185, %mul3A_186 : i32
    "tpu.region"() ({
      %run_scoped3A = tpu.sem_alloc : memref<!tpu.dma_semaphore, #tpu.memory_space<semaphore_mem>>
      %dma_start3A_289 = arith.constant 0 : i32
      %dma_start3A_290 = tpu.memref_slice %arg4[%mul3A_187, %dma_start3A_289] : memref<65536x64xf32, #tpu.memory_space<hbm>> -> memref<128x64xf32, #tpu.memory_space<hbm>>
      %dma_start3A_291 = arith.constant 0 : i32
      %dma_start3A_292 = tpu.memref_slice %arg4[%mul3A_187, %dma_start3A_291] : memref<65536x64xf32, #tpu.memory_space<hbm>> -> memref<128x64xf32, #tpu.memory_space<hbm>>
      tpu.enqueue_dma source(%arg7 : memref<128x64xf32, #tpu.memory_space<vmem>>) target(%dma_start3A_292 : memref<128x64xf32, #tpu.memory_space<hbm>>) target_semaphore(%run_scoped3A : memref<!tpu.dma_semaphore, #tpu.memory_space<semaphore_mem>>)
      %dma_wait3A_293 = arith.constant 0 : i32
      %dma_wait3A_294 = tpu.memref_slice %arg4[%mul3A_187, %dma_wait3A_293] : memref<65536x64xf32, #tpu.memory_space<hbm>> -> memref<128x64xf32, #tpu.memory_space<hbm>>
      %dma_wait3A_295 = arith.constant 0 : i32
      %dma_wait3A_296 = tpu.memref_slice %arg4[%mul3A_187, %dma_wait3A_295] : memref<65536x64xf32, #tpu.memory_space<hbm>> -> memref<128x64xf32, #tpu.memory_space<hbm>>
      tpu.wait_dma2 semaphore(%run_scoped3A : memref<!tpu.dma_semaphore, #tpu.memory_space<semaphore_mem>>) src(%arg7 : memref<128x64xf32, #tpu.memory_space<vmem>>) dst(%dma_wait3A_296 : memref<128x64xf32, #tpu.memory_space<hbm>>)
      tpu.yield
    }) : () -> ()
    %dma_start3A_188 = arith.constant 11 : i32
    %dma_start3A_189 = arith.constant 0 : i32
    %dma_start3A_190 = tpu.memref_slice %arg5[%dma_start3A_188, %dma_start3A_189] : memref<16x128xi32, #tpu.memory_space<vmem>> -> memref<1x128xi32, #tpu.memory_space<vmem>>
    %dma_start3A_191 = tpu.memref_squeeze %dma_start3A_190 : memref<1x128xi32, #tpu.memory_space<vmem>> -> memref<128xi32, #tpu.memory_space<vmem>>
    %dma_start3A_192 = arith.constant 0 : i32
    %dma_start3A_193 = arith.constant 0 : i32
    %dma_start3A_194 = tpu.memref_slice %arg2[%dma_start3A_192, %dma_start3A_193] : memref<8192x64xf32, #tpu.memory_space<hbm>> -> memref<8192x64xf32, #tpu.memory_space<hbm>>
    tpu.enqueue_indirect_dma source(%dma_start3A_194 : memref<8192x64xf32, #tpu.memory_space<hbm>>) target(%arg7 : memref<128x64xf32, #tpu.memory_space<vmem>>) offsets(%dma_start3A_191 : memref<128xi32, #tpu.memory_space<vmem>>) semaphore(%arg9 : memref<!tpu.dma_semaphore, #tpu.memory_space<semaphore_mem>>)
    %dma_wait3A_195 = arith.constant 10 : i32
    %dma_wait3A_196 = arith.constant 0 : i32
    %dma_wait3A_197 = tpu.memref_slice %arg5[%dma_wait3A_195, %dma_wait3A_196] : memref<16x128xi32, #tpu.memory_space<vmem>> -> memref<1x128xi32, #tpu.memory_space<vmem>>
    %dma_wait3A_198 = tpu.memref_squeeze %dma_wait3A_197 : memref<1x128xi32, #tpu.memory_space<vmem>> -> memref<128xi32, #tpu.memory_space<vmem>>
    %dma_wait3A_199 = arith.constant 0 : i32
    %dma_wait3A_200 = arith.constant 0 : i32
    %dma_wait3A_201 = tpu.memref_slice %arg2[%dma_wait3A_199, %dma_wait3A_200] : memref<8192x64xf32, #tpu.memory_space<hbm>> -> memref<8192x64xf32, #tpu.memory_space<hbm>>
    tpu.wait_indirect_dma semaphore(%arg8 : memref<!tpu.dma_semaphore, #tpu.memory_space<semaphore_mem>>) src(%dma_wait3A_201 : memref<8192x64xf32, #tpu.memory_space<hbm>>) dst(%arg6 : memref<128x64xf32, #tpu.memory_space<vmem>>)
    %add3A_202 = arith.constant 10 : i32
    %add3A_203 = arith.addi %mul3A_2, %add3A_202 : i32
    %mul3A_204 = arith.constant 128 : i32
    %mul3A_205 = arith.muli %add3A_203, %mul3A_204 : i32
    "tpu.region"() ({
      %run_scoped3A = tpu.sem_alloc : memref<!tpu.dma_semaphore, #tpu.memory_space<semaphore_mem>>
      %dma_start3A_289 = arith.constant 0 : i32
      %dma_start3A_290 = tpu.memref_slice %arg4[%mul3A_205, %dma_start3A_289] : memref<65536x64xf32, #tpu.memory_space<hbm>> -> memref<128x64xf32, #tpu.memory_space<hbm>>
      %dma_start3A_291 = arith.constant 0 : i32
      %dma_start3A_292 = tpu.memref_slice %arg4[%mul3A_205, %dma_start3A_291] : memref<65536x64xf32, #tpu.memory_space<hbm>> -> memref<128x64xf32, #tpu.memory_space<hbm>>
      tpu.enqueue_dma source(%arg6 : memref<128x64xf32, #tpu.memory_space<vmem>>) target(%dma_start3A_292 : memref<128x64xf32, #tpu.memory_space<hbm>>) target_semaphore(%run_scoped3A : memref<!tpu.dma_semaphore, #tpu.memory_space<semaphore_mem>>)
      %dma_wait3A_293 = arith.constant 0 : i32
      %dma_wait3A_294 = tpu.memref_slice %arg4[%mul3A_205, %dma_wait3A_293] : memref<65536x64xf32, #tpu.memory_space<hbm>> -> memref<128x64xf32, #tpu.memory_space<hbm>>
      %dma_wait3A_295 = arith.constant 0 : i32
      %dma_wait3A_296 = tpu.memref_slice %arg4[%mul3A_205, %dma_wait3A_295] : memref<65536x64xf32, #tpu.memory_space<hbm>> -> memref<128x64xf32, #tpu.memory_space<hbm>>
      tpu.wait_dma2 semaphore(%run_scoped3A : memref<!tpu.dma_semaphore, #tpu.memory_space<semaphore_mem>>) src(%arg6 : memref<128x64xf32, #tpu.memory_space<vmem>>) dst(%dma_wait3A_296 : memref<128x64xf32, #tpu.memory_space<hbm>>)
      tpu.yield
    }) : () -> ()
    %dma_start3A_206 = arith.constant 12 : i32
    %dma_start3A_207 = arith.constant 0 : i32
    %dma_start3A_208 = tpu.memref_slice %arg5[%dma_start3A_206, %dma_start3A_207] : memref<16x128xi32, #tpu.memory_space<vmem>> -> memref<1x128xi32, #tpu.memory_space<vmem>>
    %dma_start3A_209 = tpu.memref_squeeze %dma_start3A_208 : memref<1x128xi32, #tpu.memory_space<vmem>> -> memref<128xi32, #tpu.memory_space<vmem>>
    %dma_start3A_210 = arith.constant 0 : i32
    %dma_start3A_211 = arith.constant 0 : i32
    %dma_start3A_212 = tpu.memref_slice %arg2[%dma_start3A_210, %dma_start3A_211] : memref<8192x64xf32, #tpu.memory_space<hbm>> -> memref<8192x64xf32, #tpu.memory_space<hbm>>
    tpu.enqueue_indirect_dma source(%dma_start3A_212 : memref<8192x64xf32, #tpu.memory_space<hbm>>) target(%arg6 : memref<128x64xf32, #tpu.memory_space<vmem>>) offsets(%dma_start3A_209 : memref<128xi32, #tpu.memory_space<vmem>>) semaphore(%arg8 : memref<!tpu.dma_semaphore, #tpu.memory_space<semaphore_mem>>)
    %dma_wait3A_213 = arith.constant 11 : i32
    %dma_wait3A_214 = arith.constant 0 : i32
    %dma_wait3A_215 = tpu.memref_slice %arg5[%dma_wait3A_213, %dma_wait3A_214] : memref<16x128xi32, #tpu.memory_space<vmem>> -> memref<1x128xi32, #tpu.memory_space<vmem>>
    %dma_wait3A_216 = tpu.memref_squeeze %dma_wait3A_215 : memref<1x128xi32, #tpu.memory_space<vmem>> -> memref<128xi32, #tpu.memory_space<vmem>>
    %dma_wait3A_217 = arith.constant 0 : i32
    %dma_wait3A_218 = arith.constant 0 : i32
    %dma_wait3A_219 = tpu.memref_slice %arg2[%dma_wait3A_217, %dma_wait3A_218] : memref<8192x64xf32, #tpu.memory_space<hbm>> -> memref<8192x64xf32, #tpu.memory_space<hbm>>
    tpu.wait_indirect_dma semaphore(%arg9 : memref<!tpu.dma_semaphore, #tpu.memory_space<semaphore_mem>>) src(%dma_wait3A_219 : memref<8192x64xf32, #tpu.memory_space<hbm>>) dst(%arg7 : memref<128x64xf32, #tpu.memory_space<vmem>>)
    %add3A_220 = arith.constant 11 : i32
    %add3A_221 = arith.addi %mul3A_2, %add3A_220 : i32
    %mul3A_222 = arith.constant 128 : i32
    %mul3A_223 = arith.muli %add3A_221, %mul3A_222 : i32
    "tpu.region"() ({
      %run_scoped3A = tpu.sem_alloc : memref<!tpu.dma_semaphore, #tpu.memory_space<semaphore_mem>>
      %dma_start3A_289 = arith.constant 0 : i32
      %dma_start3A_290 = tpu.memref_slice %arg4[%mul3A_223, %dma_start3A_289] : memref<65536x64xf32, #tpu.memory_space<hbm>> -> memref<128x64xf32, #tpu.memory_space<hbm>>
      %dma_start3A_291 = arith.constant 0 : i32
      %dma_start3A_292 = tpu.memref_slice %arg4[%mul3A_223, %dma_start3A_291] : memref<65536x64xf32, #tpu.memory_space<hbm>> -> memref<128x64xf32, #tpu.memory_space<hbm>>
      tpu.enqueue_dma source(%arg7 : memref<128x64xf32, #tpu.memory_space<vmem>>) target(%dma_start3A_292 : memref<128x64xf32, #tpu.memory_space<hbm>>) target_semaphore(%run_scoped3A : memref<!tpu.dma_semaphore, #tpu.memory_space<semaphore_mem>>)
      %dma_wait3A_293 = arith.constant 0 : i32
      %dma_wait3A_294 = tpu.memref_slice %arg4[%mul3A_223, %dma_wait3A_293] : memref<65536x64xf32, #tpu.memory_space<hbm>> -> memref<128x64xf32, #tpu.memory_space<hbm>>
      %dma_wait3A_295 = arith.constant 0 : i32
      %dma_wait3A_296 = tpu.memref_slice %arg4[%mul3A_223, %dma_wait3A_295] : memref<65536x64xf32, #tpu.memory_space<hbm>> -> memref<128x64xf32, #tpu.memory_space<hbm>>
      tpu.wait_dma2 semaphore(%run_scoped3A : memref<!tpu.dma_semaphore, #tpu.memory_space<semaphore_mem>>) src(%arg7 : memref<128x64xf32, #tpu.memory_space<vmem>>) dst(%dma_wait3A_296 : memref<128x64xf32, #tpu.memory_space<hbm>>)
      tpu.yield
    }) : () -> ()
    %dma_start3A_224 = arith.constant 13 : i32
    %dma_start3A_225 = arith.constant 0 : i32
    %dma_start3A_226 = tpu.memref_slice %arg5[%dma_start3A_224, %dma_start3A_225] : memref<16x128xi32, #tpu.memory_space<vmem>> -> memref<1x128xi32, #tpu.memory_space<vmem>>
    %dma_start3A_227 = tpu.memref_squeeze %dma_start3A_226 : memref<1x128xi32, #tpu.memory_space<vmem>> -> memref<128xi32, #tpu.memory_space<vmem>>
    %dma_start3A_228 = arith.constant 0 : i32
    %dma_start3A_229 = arith.constant 0 : i32
    %dma_start3A_230 = tpu.memref_slice %arg2[%dma_start3A_228, %dma_start3A_229] : memref<8192x64xf32, #tpu.memory_space<hbm>> -> memref<8192x64xf32, #tpu.memory_space<hbm>>
    tpu.enqueue_indirect_dma source(%dma_start3A_230 : memref<8192x64xf32, #tpu.memory_space<hbm>>) target(%arg7 : memref<128x64xf32, #tpu.memory_space<vmem>>) offsets(%dma_start3A_227 : memref<128xi32, #tpu.memory_space<vmem>>) semaphore(%arg9 : memref<!tpu.dma_semaphore, #tpu.memory_space<semaphore_mem>>)
    %dma_wait3A_231 = arith.constant 12 : i32
    %dma_wait3A_232 = arith.constant 0 : i32
    %dma_wait3A_233 = tpu.memref_slice %arg5[%dma_wait3A_231, %dma_wait3A_232] : memref<16x128xi32, #tpu.memory_space<vmem>> -> memref<1x128xi32, #tpu.memory_space<vmem>>
    %dma_wait3A_234 = tpu.memref_squeeze %dma_wait3A_233 : memref<1x128xi32, #tpu.memory_space<vmem>> -> memref<128xi32, #tpu.memory_space<vmem>>
    %dma_wait3A_235 = arith.constant 0 : i32
    %dma_wait3A_236 = arith.constant 0 : i32
    %dma_wait3A_237 = tpu.memref_slice %arg2[%dma_wait3A_235, %dma_wait3A_236] : memref<8192x64xf32, #tpu.memory_space<hbm>> -> memref<8192x64xf32, #tpu.memory_space<hbm>>
    tpu.wait_indirect_dma semaphore(%arg8 : memref<!tpu.dma_semaphore, #tpu.memory_space<semaphore_mem>>) src(%dma_wait3A_237 : memref<8192x64xf32, #tpu.memory_space<hbm>>) dst(%arg6 : memref<128x64xf32, #tpu.memory_space<vmem>>)
    %add3A_238 = arith.constant 12 : i32
    %add3A_239 = arith.addi %mul3A_2, %add3A_238 : i32
    %mul3A_240 = arith.constant 128 : i32
    %mul3A_241 = arith.muli %add3A_239, %mul3A_240 : i32
    "tpu.region"() ({
      %run_scoped3A = tpu.sem_alloc : memref<!tpu.dma_semaphore, #tpu.memory_space<semaphore_mem>>
      %dma_start3A_289 = arith.constant 0 : i32
      %dma_start3A_290 = tpu.memref_slice %arg4[%mul3A_241, %dma_start3A_289] : memref<65536x64xf32, #tpu.memory_space<hbm>> -> memref<128x64xf32, #tpu.memory_space<hbm>>
      %dma_start3A_291 = arith.constant 0 : i32
      %dma_start3A_292 = tpu.memref_slice %arg4[%mul3A_241, %dma_start3A_291] : memref<65536x64xf32, #tpu.memory_space<hbm>> -> memref<128x64xf32, #tpu.memory_space<hbm>>
      tpu.enqueue_dma source(%arg6 : memref<128x64xf32, #tpu.memory_space<vmem>>) target(%dma_start3A_292 : memref<128x64xf32, #tpu.memory_space<hbm>>) target_semaphore(%run_scoped3A : memref<!tpu.dma_semaphore, #tpu.memory_space<semaphore_mem>>)
      %dma_wait3A_293 = arith.constant 0 : i32
      %dma_wait3A_294 = tpu.memref_slice %arg4[%mul3A_241, %dma_wait3A_293] : memref<65536x64xf32, #tpu.memory_space<hbm>> -> memref<128x64xf32, #tpu.memory_space<hbm>>
      %dma_wait3A_295 = arith.constant 0 : i32
      %dma_wait3A_296 = tpu.memref_slice %arg4[%mul3A_241, %dma_wait3A_295] : memref<65536x64xf32, #tpu.memory_space<hbm>> -> memref<128x64xf32, #tpu.memory_space<hbm>>
      tpu.wait_dma2 semaphore(%run_scoped3A : memref<!tpu.dma_semaphore, #tpu.memory_space<semaphore_mem>>) src(%arg6 : memref<128x64xf32, #tpu.memory_space<vmem>>) dst(%dma_wait3A_296 : memref<128x64xf32, #tpu.memory_space<hbm>>)
      tpu.yield
    }) : () -> ()
    %dma_start3A_242 = arith.constant 14 : i32
    %dma_start3A_243 = arith.constant 0 : i32
    %dma_start3A_244 = tpu.memref_slice %arg5[%dma_start3A_242, %dma_start3A_243] : memref<16x128xi32, #tpu.memory_space<vmem>> -> memref<1x128xi32, #tpu.memory_space<vmem>>
    %dma_start3A_245 = tpu.memref_squeeze %dma_start3A_244 : memref<1x128xi32, #tpu.memory_space<vmem>> -> memref<128xi32, #tpu.memory_space<vmem>>
    %dma_start3A_246 = arith.constant 0 : i32
    %dma_start3A_247 = arith.constant 0 : i32
    %dma_start3A_248 = tpu.memref_slice %arg2[%dma_start3A_246, %dma_start3A_247] : memref<8192x64xf32, #tpu.memory_space<hbm>> -> memref<8192x64xf32, #tpu.memory_space<hbm>>
    tpu.enqueue_indirect_dma source(%dma_start3A_248 : memref<8192x64xf32, #tpu.memory_space<hbm>>) target(%arg6 : memref<128x64xf32, #tpu.memory_space<vmem>>) offsets(%dma_start3A_245 : memref<128xi32, #tpu.memory_space<vmem>>) semaphore(%arg8 : memref<!tpu.dma_semaphore, #tpu.memory_space<semaphore_mem>>)
    %dma_wait3A_249 = arith.constant 13 : i32
    %dma_wait3A_250 = arith.constant 0 : i32
    %dma_wait3A_251 = tpu.memref_slice %arg5[%dma_wait3A_249, %dma_wait3A_250] : memref<16x128xi32, #tpu.memory_space<vmem>> -> memref<1x128xi32, #tpu.memory_space<vmem>>
    %dma_wait3A_252 = tpu.memref_squeeze %dma_wait3A_251 : memref<1x128xi32, #tpu.memory_space<vmem>> -> memref<128xi32, #tpu.memory_space<vmem>>
    %dma_wait3A_253 = arith.constant 0 : i32
    %dma_wait3A_254 = arith.constant 0 : i32
    %dma_wait3A_255 = tpu.memref_slice %arg2[%dma_wait3A_253, %dma_wait3A_254] : memref<8192x64xf32, #tpu.memory_space<hbm>> -> memref<8192x64xf32, #tpu.memory_space<hbm>>
    tpu.wait_indirect_dma semaphore(%arg9 : memref<!tpu.dma_semaphore, #tpu.memory_space<semaphore_mem>>) src(%dma_wait3A_255 : memref<8192x64xf32, #tpu.memory_space<hbm>>) dst(%arg7 : memref<128x64xf32, #tpu.memory_space<vmem>>)
    %add3A_256 = arith.constant 13 : i32
    %add3A_257 = arith.addi %mul3A_2, %add3A_256 : i32
    %mul3A_258 = arith.constant 128 : i32
    %mul3A_259 = arith.muli %add3A_257, %mul3A_258 : i32
    "tpu.region"() ({
      %run_scoped3A = tpu.sem_alloc : memref<!tpu.dma_semaphore, #tpu.memory_space<semaphore_mem>>
      %dma_start3A_289 = arith.constant 0 : i32
      %dma_start3A_290 = tpu.memref_slice %arg4[%mul3A_259, %dma_start3A_289] : memref<65536x64xf32, #tpu.memory_space<hbm>> -> memref<128x64xf32, #tpu.memory_space<hbm>>
      %dma_start3A_291 = arith.constant 0 : i32
      %dma_start3A_292 = tpu.memref_slice %arg4[%mul3A_259, %dma_start3A_291] : memref<65536x64xf32, #tpu.memory_space<hbm>> -> memref<128x64xf32, #tpu.memory_space<hbm>>
      tpu.enqueue_dma source(%arg7 : memref<128x64xf32, #tpu.memory_space<vmem>>) target(%dma_start3A_292 : memref<128x64xf32, #tpu.memory_space<hbm>>) target_semaphore(%run_scoped3A : memref<!tpu.dma_semaphore, #tpu.memory_space<semaphore_mem>>)
      %dma_wait3A_293 = arith.constant 0 : i32
      %dma_wait3A_294 = tpu.memref_slice %arg4[%mul3A_259, %dma_wait3A_293] : memref<65536x64xf32, #tpu.memory_space<hbm>> -> memref<128x64xf32, #tpu.memory_space<hbm>>
      %dma_wait3A_295 = arith.constant 0 : i32
      %dma_wait3A_296 = tpu.memref_slice %arg4[%mul3A_259, %dma_wait3A_295] : memref<65536x64xf32, #tpu.memory_space<hbm>> -> memref<128x64xf32, #tpu.memory_space<hbm>>
      tpu.wait_dma2 semaphore(%run_scoped3A : memref<!tpu.dma_semaphore, #tpu.memory_space<semaphore_mem>>) src(%arg7 : memref<128x64xf32, #tpu.memory_space<vmem>>) dst(%dma_wait3A_296 : memref<128x64xf32, #tpu.memory_space<hbm>>)
      tpu.yield
    }) : () -> ()
    %dma_start3A_260 = arith.constant 15 : i32
    %dma_start3A_261 = arith.constant 0 : i32
    %dma_start3A_262 = tpu.memref_slice %arg5[%dma_start3A_260, %dma_start3A_261] : memref<16x128xi32, #tpu.memory_space<vmem>> -> memref<1x128xi32, #tpu.memory_space<vmem>>
    %dma_start3A_263 = tpu.memref_squeeze %dma_start3A_262 : memref<1x128xi32, #tpu.memory_space<vmem>> -> memref<128xi32, #tpu.memory_space<vmem>>
    %dma_start3A_264 = arith.constant 0 : i32
    %dma_start3A_265 = arith.constant 0 : i32
    %dma_start3A_266 = tpu.memref_slice %arg2[%dma_start3A_264, %dma_start3A_265] : memref<8192x64xf32, #tpu.memory_space<hbm>> -> memref<8192x64xf32, #tpu.memory_space<hbm>>
    tpu.enqueue_indirect_dma source(%dma_start3A_266 : memref<8192x64xf32, #tpu.memory_space<hbm>>) target(%arg7 : memref<128x64xf32, #tpu.memory_space<vmem>>) offsets(%dma_start3A_263 : memref<128xi32, #tpu.memory_space<vmem>>) semaphore(%arg9 : memref<!tpu.dma_semaphore, #tpu.memory_space<semaphore_mem>>)
    %dma_wait3A_267 = arith.constant 14 : i32
    %dma_wait3A_268 = arith.constant 0 : i32
    %dma_wait3A_269 = tpu.memref_slice %arg5[%dma_wait3A_267, %dma_wait3A_268] : memref<16x128xi32, #tpu.memory_space<vmem>> -> memref<1x128xi32, #tpu.memory_space<vmem>>
    %dma_wait3A_270 = tpu.memref_squeeze %dma_wait3A_269 : memref<1x128xi32, #tpu.memory_space<vmem>> -> memref<128xi32, #tpu.memory_space<vmem>>
    %dma_wait3A_271 = arith.constant 0 : i32
    %dma_wait3A_272 = arith.constant 0 : i32
    %dma_wait3A_273 = tpu.memref_slice %arg2[%dma_wait3A_271, %dma_wait3A_272] : memref<8192x64xf32, #tpu.memory_space<hbm>> -> memref<8192x64xf32, #tpu.memory_space<hbm>>
    tpu.wait_indirect_dma semaphore(%arg8 : memref<!tpu.dma_semaphore, #tpu.memory_space<semaphore_mem>>) src(%dma_wait3A_273 : memref<8192x64xf32, #tpu.memory_space<hbm>>) dst(%arg6 : memref<128x64xf32, #tpu.memory_space<vmem>>)
    %add3A_274 = arith.constant 14 : i32
    %add3A_275 = arith.addi %mul3A_2, %add3A_274 : i32
    %mul3A_276 = arith.constant 128 : i32
    %mul3A_277 = arith.muli %add3A_275, %mul3A_276 : i32
    "tpu.region"() ({
      %run_scoped3A = tpu.sem_alloc : memref<!tpu.dma_semaphore, #tpu.memory_space<semaphore_mem>>
      %dma_start3A_289 = arith.constant 0 : i32
      %dma_start3A_290 = tpu.memref_slice %arg4[%mul3A_277, %dma_start3A_289] : memref<65536x64xf32, #tpu.memory_space<hbm>> -> memref<128x64xf32, #tpu.memory_space<hbm>>
      %dma_start3A_291 = arith.constant 0 : i32
      %dma_start3A_292 = tpu.memref_slice %arg4[%mul3A_277, %dma_start3A_291] : memref<65536x64xf32, #tpu.memory_space<hbm>> -> memref<128x64xf32, #tpu.memory_space<hbm>>
      tpu.enqueue_dma source(%arg6 : memref<128x64xf32, #tpu.memory_space<vmem>>) target(%dma_start3A_292 : memref<128x64xf32, #tpu.memory_space<hbm>>) target_semaphore(%run_scoped3A : memref<!tpu.dma_semaphore, #tpu.memory_space<semaphore_mem>>)
      %dma_wait3A_293 = arith.constant 0 : i32
      %dma_wait3A_294 = tpu.memref_slice %arg4[%mul3A_277, %dma_wait3A_293] : memref<65536x64xf32, #tpu.memory_space<hbm>> -> memref<128x64xf32, #tpu.memory_space<hbm>>
      %dma_wait3A_295 = arith.constant 0 : i32
      %dma_wait3A_296 = tpu.memref_slice %arg4[%mul3A_277, %dma_wait3A_295] : memref<65536x64xf32, #tpu.memory_space<hbm>> -> memref<128x64xf32, #tpu.memory_space<hbm>>
      tpu.wait_dma2 semaphore(%run_scoped3A : memref<!tpu.dma_semaphore, #tpu.memory_space<semaphore_mem>>) src(%arg6 : memref<128x64xf32, #tpu.memory_space<vmem>>) dst(%dma_wait3A_296 : memref<128x64xf32, #tpu.memory_space<hbm>>)
      tpu.yield
    }) : () -> ()
    %dma_wait3A_278 = arith.constant 15 : i32
    %dma_wait3A_279 = arith.constant 0 : i32
    %dma_wait3A_280 = tpu.memref_slice %arg5[%dma_wait3A_278, %dma_wait3A_279] : memref<16x128xi32, #tpu.memory_space<vmem>> -> memref<1x128xi32, #tpu.memory_space<vmem>>
    %dma_wait3A_281 = tpu.memref_squeeze %dma_wait3A_280 : memref<1x128xi32, #tpu.memory_space<vmem>> -> memref<128xi32, #tpu.memory_space<vmem>>
    %dma_wait3A_282 = arith.constant 0 : i32
    %dma_wait3A_283 = arith.constant 0 : i32
    %dma_wait3A_284 = tpu.memref_slice %arg2[%dma_wait3A_282, %dma_wait3A_283] : memref<8192x64xf32, #tpu.memory_space<hbm>> -> memref<8192x64xf32, #tpu.memory_space<hbm>>
    tpu.wait_indirect_dma semaphore(%arg9 : memref<!tpu.dma_semaphore, #tpu.memory_space<semaphore_mem>>) src(%dma_wait3A_284 : memref<8192x64xf32, #tpu.memory_space<hbm>>) dst(%arg7 : memref<128x64xf32, #tpu.memory_space<vmem>>)
    %add3A_285 = arith.constant 15 : i32
    %add3A_286 = arith.addi %mul3A_2, %add3A_285 : i32
    %mul3A_287 = arith.constant 128 : i32
    %mul3A_288 = arith.muli %add3A_286, %mul3A_287 : i32
    "tpu.region"() ({
      %run_scoped3A = tpu.sem_alloc : memref<!tpu.dma_semaphore, #tpu.memory_space<semaphore_mem>>
      %dma_start3A_289 = arith.constant 0 : i32
      %dma_start3A_290 = tpu.memref_slice %arg4[%mul3A_288, %dma_start3A_289] : memref<65536x64xf32, #tpu.memory_space<hbm>> -> memref<128x64xf32, #tpu.memory_space<hbm>>
      %dma_start3A_291 = arith.constant 0 : i32
      %dma_start3A_292 = tpu.memref_slice %arg4[%mul3A_288, %dma_start3A_291] : memref<65536x64xf32, #tpu.memory_space<hbm>> -> memref<128x64xf32, #tpu.memory_space<hbm>>
      tpu.enqueue_dma source(%arg7 : memref<128x64xf32, #tpu.memory_space<vmem>>) target(%dma_start3A_292 : memref<128x64xf32, #tpu.memory_space<hbm>>) target_semaphore(%run_scoped3A : memref<!tpu.dma_semaphore, #tpu.memory_space<semaphore_mem>>)
      %dma_wait3A_293 = arith.constant 0 : i32
      %dma_wait3A_294 = tpu.memref_slice %arg4[%mul3A_288, %dma_wait3A_293] : memref<65536x64xf32, #tpu.memory_space<hbm>> -> memref<128x64xf32, #tpu.memory_space<hbm>>
      %dma_wait3A_295 = arith.constant 0 : i32
      %dma_wait3A_296 = tpu.memref_slice %arg4[%mul3A_288, %dma_wait3A_295] : memref<65536x64xf32, #tpu.memory_space<hbm>> -> memref<128x64xf32, #tpu.memory_space<hbm>>
      tpu.wait_dma2 semaphore(%run_scoped3A : memref<!tpu.dma_semaphore, #tpu.memory_space<semaphore_mem>>) src(%arg7 : memref<128x64xf32, #tpu.memory_space<vmem>>) dst(%dma_wait3A_296 : memref<128x64xf32, #tpu.memory_space<hbm>>)
      tpu.yield
    }) : () -> ()
    return
  }
}

#map = affine_map<(d0, d1) -> (0, 0)>
module attributes {stable_mosaic.version = 14 : i64} {
  func.func @_sc_gather2_body(%arg0: i32, %arg1: i32, %arg2: memref<8192x144xf32, #tpu.memory_space<hbm>>, %arg3: memref<512x128xi32, #tpu.memory_space<hbm>>, %arg4: memref<8192x16xf32, #tpu.memory_space<hbm>>, %arg5: memref<512x128xi32, #tpu.memory_space<hbm>>, %arg6: memref<65536x144xf32, #tpu.memory_space<hbm>>, %arg7: memref<65536x16xf32, #tpu.memory_space<hbm>>, %arg8: memref<16x128xi32, #tpu.memory_space<vmem>>, %arg9: memref<128x144xf32, #tpu.memory_space<vmem>>, %arg10: memref<128x144xf32, #tpu.memory_space<vmem>>, %arg11: memref<128x16xf32, #tpu.memory_space<vmem>>, %arg12: memref<128x16xf32, #tpu.memory_space<vmem>>, %arg13: memref<!tpu.dma_semaphore, #tpu.memory_space<semaphore_mem>>, %arg14: memref<!tpu.dma_semaphore, #tpu.memory_space<semaphore_mem>>) attributes {dimension_semantics = [#tpu.dimension_semantics<core_parallel>, #tpu.dimension_semantics<subcore_parallel>], iteration_bounds = array<i64: 2, 16>, scalar_prefetch = 0 : i64, scratch_operands = 7 : i64, tpu.core_type = #tpu.core_type<sc_vector_subcore>, window_params = [{transform_indices = #map}, {transform_indices = #map}, {transform_indices = #map}, {transform_indices = #map}, {transform_indices = #map}, {transform_indices = #map}]} {
    %mul3A = arith.constant 2 : i32
    %mul3A_0 = arith.muli %arg1, %mul3A : i32
    %add3A = arith.addi %mul3A_0, %arg0 : i32
    %mul3A_1 = arith.constant 16 : i32
    %mul3A_2 = arith.muli %add3A, %mul3A_1 : i32
    "tpu.region"() ({
      %run_scoped3A = tpu.sem_alloc : memref<!tpu.dma_semaphore, #tpu.memory_space<semaphore_mem>>
      %dma_start3A_577 = arith.constant 0 : i32
      %dma_start3A_578 = tpu.memref_slice %arg3[%mul3A_2, %dma_start3A_577] : memref<512x128xi32, #tpu.memory_space<hbm>> -> memref<16x128xi32, #tpu.memory_space<hbm>>
      %dma_start3A_579 = arith.constant 0 : i32
      %dma_start3A_580 = tpu.memref_slice %arg3[%mul3A_2, %dma_start3A_579] : memref<512x128xi32, #tpu.memory_space<hbm>> -> memref<16x128xi32, #tpu.memory_space<hbm>>
      tpu.enqueue_dma source(%dma_start3A_580 : memref<16x128xi32, #tpu.memory_space<hbm>>) target(%arg8 : memref<16x128xi32, #tpu.memory_space<vmem>>) target_semaphore(%run_scoped3A : memref<!tpu.dma_semaphore, #tpu.memory_space<semaphore_mem>>)
      %dma_wait3A_581 = arith.constant 0 : i32
      %dma_wait3A_582 = tpu.memref_slice %arg3[%mul3A_2, %dma_wait3A_581] : memref<512x128xi32, #tpu.memory_space<hbm>> -> memref<16x128xi32, #tpu.memory_space<hbm>>
      %dma_wait3A_583 = arith.constant 0 : i32
      %dma_wait3A_584 = tpu.memref_slice %arg3[%mul3A_2, %dma_wait3A_583] : memref<512x128xi32, #tpu.memory_space<hbm>> -> memref<16x128xi32, #tpu.memory_space<hbm>>
      tpu.wait_dma2 semaphore(%run_scoped3A : memref<!tpu.dma_semaphore, #tpu.memory_space<semaphore_mem>>) src(%dma_wait3A_584 : memref<16x128xi32, #tpu.memory_space<hbm>>) dst(%arg8 : memref<16x128xi32, #tpu.memory_space<vmem>>)
      tpu.yield
    }) : () -> ()
    %dma_start3A = arith.constant 0 : i32
    %dma_start3A_3 = arith.constant 0 : i32
    %dma_start3A_4 = tpu.memref_slice %arg8[%dma_start3A, %dma_start3A_3] : memref<16x128xi32, #tpu.memory_space<vmem>> -> memref<1x128xi32, #tpu.memory_space<vmem>>
    %dma_start3A_5 = tpu.memref_squeeze %dma_start3A_4 : memref<1x128xi32, #tpu.memory_space<vmem>> -> memref<128xi32, #tpu.memory_space<vmem>>
    %dma_start3A_6 = arith.constant 0 : i32
    %dma_start3A_7 = arith.constant 0 : i32
    %dma_start3A_8 = tpu.memref_slice %arg2[%dma_start3A_6, %dma_start3A_7] : memref<8192x144xf32, #tpu.memory_space<hbm>> -> memref<8192x144xf32, #tpu.memory_space<hbm>>
    tpu.enqueue_indirect_dma source(%dma_start3A_8 : memref<8192x144xf32, #tpu.memory_space<hbm>>) target(%arg9 : memref<128x144xf32, #tpu.memory_space<vmem>>) offsets(%dma_start3A_5 : memref<128xi32, #tpu.memory_space<vmem>>) semaphore(%arg13 : memref<!tpu.dma_semaphore, #tpu.memory_space<semaphore_mem>>)
    %dma_start3A_9 = arith.constant 1 : i32
    %dma_start3A_10 = arith.constant 0 : i32
    %dma_start3A_11 = tpu.memref_slice %arg8[%dma_start3A_9, %dma_start3A_10] : memref<16x128xi32, #tpu.memory_space<vmem>> -> memref<1x128xi32, #tpu.memory_space<vmem>>
    %dma_start3A_12 = tpu.memref_squeeze %dma_start3A_11 : memref<1x128xi32, #tpu.memory_space<vmem>> -> memref<128xi32, #tpu.memory_space<vmem>>
    %dma_start3A_13 = arith.constant 0 : i32
    %dma_start3A_14 = arith.constant 0 : i32
    %dma_start3A_15 = tpu.memref_slice %arg2[%dma_start3A_13, %dma_start3A_14] : memref<8192x144xf32, #tpu.memory_space<hbm>> -> memref<8192x144xf32, #tpu.memory_space<hbm>>
    tpu.enqueue_indirect_dma source(%dma_start3A_15 : memref<8192x144xf32, #tpu.memory_space<hbm>>) target(%arg10 : memref<128x144xf32, #tpu.memory_space<vmem>>) offsets(%dma_start3A_12 : memref<128xi32, #tpu.memory_space<vmem>>) semaphore(%arg14 : memref<!tpu.dma_semaphore, #tpu.memory_space<semaphore_mem>>)
    %dma_wait3A = arith.constant 0 : i32
    %dma_wait3A_16 = arith.constant 0 : i32
    %dma_wait3A_17 = tpu.memref_slice %arg8[%dma_wait3A, %dma_wait3A_16] : memref<16x128xi32, #tpu.memory_space<vmem>> -> memref<1x128xi32, #tpu.memory_space<vmem>>
    %dma_wait3A_18 = tpu.memref_squeeze %dma_wait3A_17 : memref<1x128xi32, #tpu.memory_space<vmem>> -> memref<128xi32, #tpu.memory_space<vmem>>
    %dma_wait3A_19 = arith.constant 0 : i32
    %dma_wait3A_20 = arith.constant 0 : i32
    %dma_wait3A_21 = tpu.memref_slice %arg2[%dma_wait3A_19, %dma_wait3A_20] : memref<8192x144xf32, #tpu.memory_space<hbm>> -> memref<8192x144xf32, #tpu.memory_space<hbm>>
    tpu.wait_indirect_dma semaphore(%arg13 : memref<!tpu.dma_semaphore, #tpu.memory_space<semaphore_mem>>) src(%dma_wait3A_21 : memref<8192x144xf32, #tpu.memory_space<hbm>>) dst(%arg9 : memref<128x144xf32, #tpu.memory_space<vmem>>)
    %add3A_22 = arith.constant 0 : i32
    %add3A_23 = arith.addi %mul3A_2, %add3A_22 : i32
    %mul3A_24 = arith.constant 128 : i32
    %mul3A_25 = arith.muli %add3A_23, %mul3A_24 : i32
    "tpu.region"() ({
      %run_scoped3A = tpu.sem_alloc : memref<!tpu.dma_semaphore, #tpu.memory_space<semaphore_mem>>
      %dma_start3A_577 = arith.constant 0 : i32
      %dma_start3A_578 = tpu.memref_slice %arg6[%mul3A_25, %dma_start3A_577] : memref<65536x144xf32, #tpu.memory_space<hbm>> -> memref<128x144xf32, #tpu.memory_space<hbm>>
      %dma_start3A_579 = arith.constant 0 : i32
      %dma_start3A_580 = tpu.memref_slice %arg6[%mul3A_25, %dma_start3A_579] : memref<65536x144xf32, #tpu.memory_space<hbm>> -> memref<128x144xf32, #tpu.memory_space<hbm>>
      tpu.enqueue_dma source(%arg9 : memref<128x144xf32, #tpu.memory_space<vmem>>) target(%dma_start3A_580 : memref<128x144xf32, #tpu.memory_space<hbm>>) target_semaphore(%run_scoped3A : memref<!tpu.dma_semaphore, #tpu.memory_space<semaphore_mem>>)
      %dma_wait3A_581 = arith.constant 0 : i32
      %dma_wait3A_582 = tpu.memref_slice %arg6[%mul3A_25, %dma_wait3A_581] : memref<65536x144xf32, #tpu.memory_space<hbm>> -> memref<128x144xf32, #tpu.memory_space<hbm>>
      %dma_wait3A_583 = arith.constant 0 : i32
      %dma_wait3A_584 = tpu.memref_slice %arg6[%mul3A_25, %dma_wait3A_583] : memref<65536x144xf32, #tpu.memory_space<hbm>> -> memref<128x144xf32, #tpu.memory_space<hbm>>
      tpu.wait_dma2 semaphore(%run_scoped3A : memref<!tpu.dma_semaphore, #tpu.memory_space<semaphore_mem>>) src(%arg9 : memref<128x144xf32, #tpu.memory_space<vmem>>) dst(%dma_wait3A_584 : memref<128x144xf32, #tpu.memory_space<hbm>>)
      tpu.yield
    }) : () -> ()
    %dma_start3A_26 = arith.constant 2 : i32
    %dma_start3A_27 = arith.constant 0 : i32
    %dma_start3A_28 = tpu.memref_slice %arg8[%dma_start3A_26, %dma_start3A_27] : memref<16x128xi32, #tpu.memory_space<vmem>> -> memref<1x128xi32, #tpu.memory_space<vmem>>
    %dma_start3A_29 = tpu.memref_squeeze %dma_start3A_28 : memref<1x128xi32, #tpu.memory_space<vmem>> -> memref<128xi32, #tpu.memory_space<vmem>>
    %dma_start3A_30 = arith.constant 0 : i32
    %dma_start3A_31 = arith.constant 0 : i32
    %dma_start3A_32 = tpu.memref_slice %arg2[%dma_start3A_30, %dma_start3A_31] : memref<8192x144xf32, #tpu.memory_space<hbm>> -> memref<8192x144xf32, #tpu.memory_space<hbm>>
    tpu.enqueue_indirect_dma source(%dma_start3A_32 : memref<8192x144xf32, #tpu.memory_space<hbm>>) target(%arg9 : memref<128x144xf32, #tpu.memory_space<vmem>>) offsets(%dma_start3A_29 : memref<128xi32, #tpu.memory_space<vmem>>) semaphore(%arg13 : memref<!tpu.dma_semaphore, #tpu.memory_space<semaphore_mem>>)
    %dma_wait3A_33 = arith.constant 1 : i32
    %dma_wait3A_34 = arith.constant 0 : i32
    %dma_wait3A_35 = tpu.memref_slice %arg8[%dma_wait3A_33, %dma_wait3A_34] : memref<16x128xi32, #tpu.memory_space<vmem>> -> memref<1x128xi32, #tpu.memory_space<vmem>>
    %dma_wait3A_36 = tpu.memref_squeeze %dma_wait3A_35 : memref<1x128xi32, #tpu.memory_space<vmem>> -> memref<128xi32, #tpu.memory_space<vmem>>
    %dma_wait3A_37 = arith.constant 0 : i32
    %dma_wait3A_38 = arith.constant 0 : i32
    %dma_wait3A_39 = tpu.memref_slice %arg2[%dma_wait3A_37, %dma_wait3A_38] : memref<8192x144xf32, #tpu.memory_space<hbm>> -> memref<8192x144xf32, #tpu.memory_space<hbm>>
    tpu.wait_indirect_dma semaphore(%arg14 : memref<!tpu.dma_semaphore, #tpu.memory_space<semaphore_mem>>) src(%dma_wait3A_39 : memref<8192x144xf32, #tpu.memory_space<hbm>>) dst(%arg10 : memref<128x144xf32, #tpu.memory_space<vmem>>)
    %add3A_40 = arith.constant 1 : i32
    %add3A_41 = arith.addi %mul3A_2, %add3A_40 : i32
    %mul3A_42 = arith.constant 128 : i32
    %mul3A_43 = arith.muli %add3A_41, %mul3A_42 : i32
    "tpu.region"() ({
      %run_scoped3A = tpu.sem_alloc : memref<!tpu.dma_semaphore, #tpu.memory_space<semaphore_mem>>
      %dma_start3A_577 = arith.constant 0 : i32
      %dma_start3A_578 = tpu.memref_slice %arg6[%mul3A_43, %dma_start3A_577] : memref<65536x144xf32, #tpu.memory_space<hbm>> -> memref<128x144xf32, #tpu.memory_space<hbm>>
      %dma_start3A_579 = arith.constant 0 : i32
      %dma_start3A_580 = tpu.memref_slice %arg6[%mul3A_43, %dma_start3A_579] : memref<65536x144xf32, #tpu.memory_space<hbm>> -> memref<128x144xf32, #tpu.memory_space<hbm>>
      tpu.enqueue_dma source(%arg10 : memref<128x144xf32, #tpu.memory_space<vmem>>) target(%dma_start3A_580 : memref<128x144xf32, #tpu.memory_space<hbm>>) target_semaphore(%run_scoped3A : memref<!tpu.dma_semaphore, #tpu.memory_space<semaphore_mem>>)
      %dma_wait3A_581 = arith.constant 0 : i32
      %dma_wait3A_582 = tpu.memref_slice %arg6[%mul3A_43, %dma_wait3A_581] : memref<65536x144xf32, #tpu.memory_space<hbm>> -> memref<128x144xf32, #tpu.memory_space<hbm>>
      %dma_wait3A_583 = arith.constant 0 : i32
      %dma_wait3A_584 = tpu.memref_slice %arg6[%mul3A_43, %dma_wait3A_583] : memref<65536x144xf32, #tpu.memory_space<hbm>> -> memref<128x144xf32, #tpu.memory_space<hbm>>
      tpu.wait_dma2 semaphore(%run_scoped3A : memref<!tpu.dma_semaphore, #tpu.memory_space<semaphore_mem>>) src(%arg10 : memref<128x144xf32, #tpu.memory_space<vmem>>) dst(%dma_wait3A_584 : memref<128x144xf32, #tpu.memory_space<hbm>>)
      tpu.yield
    }) : () -> ()
    %dma_start3A_44 = arith.constant 3 : i32
    %dma_start3A_45 = arith.constant 0 : i32
    %dma_start3A_46 = tpu.memref_slice %arg8[%dma_start3A_44, %dma_start3A_45] : memref<16x128xi32, #tpu.memory_space<vmem>> -> memref<1x128xi32, #tpu.memory_space<vmem>>
    %dma_start3A_47 = tpu.memref_squeeze %dma_start3A_46 : memref<1x128xi32, #tpu.memory_space<vmem>> -> memref<128xi32, #tpu.memory_space<vmem>>
    %dma_start3A_48 = arith.constant 0 : i32
    %dma_start3A_49 = arith.constant 0 : i32
    %dma_start3A_50 = tpu.memref_slice %arg2[%dma_start3A_48, %dma_start3A_49] : memref<8192x144xf32, #tpu.memory_space<hbm>> -> memref<8192x144xf32, #tpu.memory_space<hbm>>
    tpu.enqueue_indirect_dma source(%dma_start3A_50 : memref<8192x144xf32, #tpu.memory_space<hbm>>) target(%arg10 : memref<128x144xf32, #tpu.memory_space<vmem>>) offsets(%dma_start3A_47 : memref<128xi32, #tpu.memory_space<vmem>>) semaphore(%arg14 : memref<!tpu.dma_semaphore, #tpu.memory_space<semaphore_mem>>)
    %dma_wait3A_51 = arith.constant 2 : i32
    %dma_wait3A_52 = arith.constant 0 : i32
    %dma_wait3A_53 = tpu.memref_slice %arg8[%dma_wait3A_51, %dma_wait3A_52] : memref<16x128xi32, #tpu.memory_space<vmem>> -> memref<1x128xi32, #tpu.memory_space<vmem>>
    %dma_wait3A_54 = tpu.memref_squeeze %dma_wait3A_53 : memref<1x128xi32, #tpu.memory_space<vmem>> -> memref<128xi32, #tpu.memory_space<vmem>>
    %dma_wait3A_55 = arith.constant 0 : i32
    %dma_wait3A_56 = arith.constant 0 : i32
    %dma_wait3A_57 = tpu.memref_slice %arg2[%dma_wait3A_55, %dma_wait3A_56] : memref<8192x144xf32, #tpu.memory_space<hbm>> -> memref<8192x144xf32, #tpu.memory_space<hbm>>
    tpu.wait_indirect_dma semaphore(%arg13 : memref<!tpu.dma_semaphore, #tpu.memory_space<semaphore_mem>>) src(%dma_wait3A_57 : memref<8192x144xf32, #tpu.memory_space<hbm>>) dst(%arg9 : memref<128x144xf32, #tpu.memory_space<vmem>>)
    %add3A_58 = arith.constant 2 : i32
    %add3A_59 = arith.addi %mul3A_2, %add3A_58 : i32
    %mul3A_60 = arith.constant 128 : i32
    %mul3A_61 = arith.muli %add3A_59, %mul3A_60 : i32
    "tpu.region"() ({
      %run_scoped3A = tpu.sem_alloc : memref<!tpu.dma_semaphore, #tpu.memory_space<semaphore_mem>>
      %dma_start3A_577 = arith.constant 0 : i32
      %dma_start3A_578 = tpu.memref_slice %arg6[%mul3A_61, %dma_start3A_577] : memref<65536x144xf32, #tpu.memory_space<hbm>> -> memref<128x144xf32, #tpu.memory_space<hbm>>
      %dma_start3A_579 = arith.constant 0 : i32
      %dma_start3A_580 = tpu.memref_slice %arg6[%mul3A_61, %dma_start3A_579] : memref<65536x144xf32, #tpu.memory_space<hbm>> -> memref<128x144xf32, #tpu.memory_space<hbm>>
      tpu.enqueue_dma source(%arg9 : memref<128x144xf32, #tpu.memory_space<vmem>>) target(%dma_start3A_580 : memref<128x144xf32, #tpu.memory_space<hbm>>) target_semaphore(%run_scoped3A : memref<!tpu.dma_semaphore, #tpu.memory_space<semaphore_mem>>)
      %dma_wait3A_581 = arith.constant 0 : i32
      %dma_wait3A_582 = tpu.memref_slice %arg6[%mul3A_61, %dma_wait3A_581] : memref<65536x144xf32, #tpu.memory_space<hbm>> -> memref<128x144xf32, #tpu.memory_space<hbm>>
      %dma_wait3A_583 = arith.constant 0 : i32
      %dma_wait3A_584 = tpu.memref_slice %arg6[%mul3A_61, %dma_wait3A_583] : memref<65536x144xf32, #tpu.memory_space<hbm>> -> memref<128x144xf32, #tpu.memory_space<hbm>>
      tpu.wait_dma2 semaphore(%run_scoped3A : memref<!tpu.dma_semaphore, #tpu.memory_space<semaphore_mem>>) src(%arg9 : memref<128x144xf32, #tpu.memory_space<vmem>>) dst(%dma_wait3A_584 : memref<128x144xf32, #tpu.memory_space<hbm>>)
      tpu.yield
    }) : () -> ()
    %dma_start3A_62 = arith.constant 4 : i32
    %dma_start3A_63 = arith.constant 0 : i32
    %dma_start3A_64 = tpu.memref_slice %arg8[%dma_start3A_62, %dma_start3A_63] : memref<16x128xi32, #tpu.memory_space<vmem>> -> memref<1x128xi32, #tpu.memory_space<vmem>>
    %dma_start3A_65 = tpu.memref_squeeze %dma_start3A_64 : memref<1x128xi32, #tpu.memory_space<vmem>> -> memref<128xi32, #tpu.memory_space<vmem>>
    %dma_start3A_66 = arith.constant 0 : i32
    %dma_start3A_67 = arith.constant 0 : i32
    %dma_start3A_68 = tpu.memref_slice %arg2[%dma_start3A_66, %dma_start3A_67] : memref<8192x144xf32, #tpu.memory_space<hbm>> -> memref<8192x144xf32, #tpu.memory_space<hbm>>
    tpu.enqueue_indirect_dma source(%dma_start3A_68 : memref<8192x144xf32, #tpu.memory_space<hbm>>) target(%arg9 : memref<128x144xf32, #tpu.memory_space<vmem>>) offsets(%dma_start3A_65 : memref<128xi32, #tpu.memory_space<vmem>>) semaphore(%arg13 : memref<!tpu.dma_semaphore, #tpu.memory_space<semaphore_mem>>)
    %dma_wait3A_69 = arith.constant 3 : i32
    %dma_wait3A_70 = arith.constant 0 : i32
    %dma_wait3A_71 = tpu.memref_slice %arg8[%dma_wait3A_69, %dma_wait3A_70] : memref<16x128xi32, #tpu.memory_space<vmem>> -> memref<1x128xi32, #tpu.memory_space<vmem>>
    %dma_wait3A_72 = tpu.memref_squeeze %dma_wait3A_71 : memref<1x128xi32, #tpu.memory_space<vmem>> -> memref<128xi32, #tpu.memory_space<vmem>>
    %dma_wait3A_73 = arith.constant 0 : i32
    %dma_wait3A_74 = arith.constant 0 : i32
    %dma_wait3A_75 = tpu.memref_slice %arg2[%dma_wait3A_73, %dma_wait3A_74] : memref<8192x144xf32, #tpu.memory_space<hbm>> -> memref<8192x144xf32, #tpu.memory_space<hbm>>
    tpu.wait_indirect_dma semaphore(%arg14 : memref<!tpu.dma_semaphore, #tpu.memory_space<semaphore_mem>>) src(%dma_wait3A_75 : memref<8192x144xf32, #tpu.memory_space<hbm>>) dst(%arg10 : memref<128x144xf32, #tpu.memory_space<vmem>>)
    %add3A_76 = arith.constant 3 : i32
    %add3A_77 = arith.addi %mul3A_2, %add3A_76 : i32
    %mul3A_78 = arith.constant 128 : i32
    %mul3A_79 = arith.muli %add3A_77, %mul3A_78 : i32
    "tpu.region"() ({
      %run_scoped3A = tpu.sem_alloc : memref<!tpu.dma_semaphore, #tpu.memory_space<semaphore_mem>>
      %dma_start3A_577 = arith.constant 0 : i32
      %dma_start3A_578 = tpu.memref_slice %arg6[%mul3A_79, %dma_start3A_577] : memref<65536x144xf32, #tpu.memory_space<hbm>> -> memref<128x144xf32, #tpu.memory_space<hbm>>
      %dma_start3A_579 = arith.constant 0 : i32
      %dma_start3A_580 = tpu.memref_slice %arg6[%mul3A_79, %dma_start3A_579] : memref<65536x144xf32, #tpu.memory_space<hbm>> -> memref<128x144xf32, #tpu.memory_space<hbm>>
      tpu.enqueue_dma source(%arg10 : memref<128x144xf32, #tpu.memory_space<vmem>>) target(%dma_start3A_580 : memref<128x144xf32, #tpu.memory_space<hbm>>) target_semaphore(%run_scoped3A : memref<!tpu.dma_semaphore, #tpu.memory_space<semaphore_mem>>)
      %dma_wait3A_581 = arith.constant 0 : i32
      %dma_wait3A_582 = tpu.memref_slice %arg6[%mul3A_79, %dma_wait3A_581] : memref<65536x144xf32, #tpu.memory_space<hbm>> -> memref<128x144xf32, #tpu.memory_space<hbm>>
      %dma_wait3A_583 = arith.constant 0 : i32
      %dma_wait3A_584 = tpu.memref_slice %arg6[%mul3A_79, %dma_wait3A_583] : memref<65536x144xf32, #tpu.memory_space<hbm>> -> memref<128x144xf32, #tpu.memory_space<hbm>>
      tpu.wait_dma2 semaphore(%run_scoped3A : memref<!tpu.dma_semaphore, #tpu.memory_space<semaphore_mem>>) src(%arg10 : memref<128x144xf32, #tpu.memory_space<vmem>>) dst(%dma_wait3A_584 : memref<128x144xf32, #tpu.memory_space<hbm>>)
      tpu.yield
    }) : () -> ()
    %dma_start3A_80 = arith.constant 5 : i32
    %dma_start3A_81 = arith.constant 0 : i32
    %dma_start3A_82 = tpu.memref_slice %arg8[%dma_start3A_80, %dma_start3A_81] : memref<16x128xi32, #tpu.memory_space<vmem>> -> memref<1x128xi32, #tpu.memory_space<vmem>>
    %dma_start3A_83 = tpu.memref_squeeze %dma_start3A_82 : memref<1x128xi32, #tpu.memory_space<vmem>> -> memref<128xi32, #tpu.memory_space<vmem>>
    %dma_start3A_84 = arith.constant 0 : i32
    %dma_start3A_85 = arith.constant 0 : i32
    %dma_start3A_86 = tpu.memref_slice %arg2[%dma_start3A_84, %dma_start3A_85] : memref<8192x144xf32, #tpu.memory_space<hbm>> -> memref<8192x144xf32, #tpu.memory_space<hbm>>
    tpu.enqueue_indirect_dma source(%dma_start3A_86 : memref<8192x144xf32, #tpu.memory_space<hbm>>) target(%arg10 : memref<128x144xf32, #tpu.memory_space<vmem>>) offsets(%dma_start3A_83 : memref<128xi32, #tpu.memory_space<vmem>>) semaphore(%arg14 : memref<!tpu.dma_semaphore, #tpu.memory_space<semaphore_mem>>)
    %dma_wait3A_87 = arith.constant 4 : i32
    %dma_wait3A_88 = arith.constant 0 : i32
    %dma_wait3A_89 = tpu.memref_slice %arg8[%dma_wait3A_87, %dma_wait3A_88] : memref<16x128xi32, #tpu.memory_space<vmem>> -> memref<1x128xi32, #tpu.memory_space<vmem>>
    %dma_wait3A_90 = tpu.memref_squeeze %dma_wait3A_89 : memref<1x128xi32, #tpu.memory_space<vmem>> -> memref<128xi32, #tpu.memory_space<vmem>>
    %dma_wait3A_91 = arith.constant 0 : i32
    %dma_wait3A_92 = arith.constant 0 : i32
    %dma_wait3A_93 = tpu.memref_slice %arg2[%dma_wait3A_91, %dma_wait3A_92] : memref<8192x144xf32, #tpu.memory_space<hbm>> -> memref<8192x144xf32, #tpu.memory_space<hbm>>
    tpu.wait_indirect_dma semaphore(%arg13 : memref<!tpu.dma_semaphore, #tpu.memory_space<semaphore_mem>>) src(%dma_wait3A_93 : memref<8192x144xf32, #tpu.memory_space<hbm>>) dst(%arg9 : memref<128x144xf32, #tpu.memory_space<vmem>>)
    %add3A_94 = arith.constant 4 : i32
    %add3A_95 = arith.addi %mul3A_2, %add3A_94 : i32
    %mul3A_96 = arith.constant 128 : i32
    %mul3A_97 = arith.muli %add3A_95, %mul3A_96 : i32
    "tpu.region"() ({
      %run_scoped3A = tpu.sem_alloc : memref<!tpu.dma_semaphore, #tpu.memory_space<semaphore_mem>>
      %dma_start3A_577 = arith.constant 0 : i32
      %dma_start3A_578 = tpu.memref_slice %arg6[%mul3A_97, %dma_start3A_577] : memref<65536x144xf32, #tpu.memory_space<hbm>> -> memref<128x144xf32, #tpu.memory_space<hbm>>
      %dma_start3A_579 = arith.constant 0 : i32
      %dma_start3A_580 = tpu.memref_slice %arg6[%mul3A_97, %dma_start3A_579] : memref<65536x144xf32, #tpu.memory_space<hbm>> -> memref<128x144xf32, #tpu.memory_space<hbm>>
      tpu.enqueue_dma source(%arg9 : memref<128x144xf32, #tpu.memory_space<vmem>>) target(%dma_start3A_580 : memref<128x144xf32, #tpu.memory_space<hbm>>) target_semaphore(%run_scoped3A : memref<!tpu.dma_semaphore, #tpu.memory_space<semaphore_mem>>)
      %dma_wait3A_581 = arith.constant 0 : i32
      %dma_wait3A_582 = tpu.memref_slice %arg6[%mul3A_97, %dma_wait3A_581] : memref<65536x144xf32, #tpu.memory_space<hbm>> -> memref<128x144xf32, #tpu.memory_space<hbm>>
      %dma_wait3A_583 = arith.constant 0 : i32
      %dma_wait3A_584 = tpu.memref_slice %arg6[%mul3A_97, %dma_wait3A_583] : memref<65536x144xf32, #tpu.memory_space<hbm>> -> memref<128x144xf32, #tpu.memory_space<hbm>>
      tpu.wait_dma2 semaphore(%run_scoped3A : memref<!tpu.dma_semaphore, #tpu.memory_space<semaphore_mem>>) src(%arg9 : memref<128x144xf32, #tpu.memory_space<vmem>>) dst(%dma_wait3A_584 : memref<128x144xf32, #tpu.memory_space<hbm>>)
      tpu.yield
    }) : () -> ()
    %dma_start3A_98 = arith.constant 6 : i32
    %dma_start3A_99 = arith.constant 0 : i32
    %dma_start3A_100 = tpu.memref_slice %arg8[%dma_start3A_98, %dma_start3A_99] : memref<16x128xi32, #tpu.memory_space<vmem>> -> memref<1x128xi32, #tpu.memory_space<vmem>>
    %dma_start3A_101 = tpu.memref_squeeze %dma_start3A_100 : memref<1x128xi32, #tpu.memory_space<vmem>> -> memref<128xi32, #tpu.memory_space<vmem>>
    %dma_start3A_102 = arith.constant 0 : i32
    %dma_start3A_103 = arith.constant 0 : i32
    %dma_start3A_104 = tpu.memref_slice %arg2[%dma_start3A_102, %dma_start3A_103] : memref<8192x144xf32, #tpu.memory_space<hbm>> -> memref<8192x144xf32, #tpu.memory_space<hbm>>
    tpu.enqueue_indirect_dma source(%dma_start3A_104 : memref<8192x144xf32, #tpu.memory_space<hbm>>) target(%arg9 : memref<128x144xf32, #tpu.memory_space<vmem>>) offsets(%dma_start3A_101 : memref<128xi32, #tpu.memory_space<vmem>>) semaphore(%arg13 : memref<!tpu.dma_semaphore, #tpu.memory_space<semaphore_mem>>)
    %dma_wait3A_105 = arith.constant 5 : i32
    %dma_wait3A_106 = arith.constant 0 : i32
    %dma_wait3A_107 = tpu.memref_slice %arg8[%dma_wait3A_105, %dma_wait3A_106] : memref<16x128xi32, #tpu.memory_space<vmem>> -> memref<1x128xi32, #tpu.memory_space<vmem>>
    %dma_wait3A_108 = tpu.memref_squeeze %dma_wait3A_107 : memref<1x128xi32, #tpu.memory_space<vmem>> -> memref<128xi32, #tpu.memory_space<vmem>>
    %dma_wait3A_109 = arith.constant 0 : i32
    %dma_wait3A_110 = arith.constant 0 : i32
    %dma_wait3A_111 = tpu.memref_slice %arg2[%dma_wait3A_109, %dma_wait3A_110] : memref<8192x144xf32, #tpu.memory_space<hbm>> -> memref<8192x144xf32, #tpu.memory_space<hbm>>
    tpu.wait_indirect_dma semaphore(%arg14 : memref<!tpu.dma_semaphore, #tpu.memory_space<semaphore_mem>>) src(%dma_wait3A_111 : memref<8192x144xf32, #tpu.memory_space<hbm>>) dst(%arg10 : memref<128x144xf32, #tpu.memory_space<vmem>>)
    %add3A_112 = arith.constant 5 : i32
    %add3A_113 = arith.addi %mul3A_2, %add3A_112 : i32
    %mul3A_114 = arith.constant 128 : i32
    %mul3A_115 = arith.muli %add3A_113, %mul3A_114 : i32
    "tpu.region"() ({
      %run_scoped3A = tpu.sem_alloc : memref<!tpu.dma_semaphore, #tpu.memory_space<semaphore_mem>>
      %dma_start3A_577 = arith.constant 0 : i32
      %dma_start3A_578 = tpu.memref_slice %arg6[%mul3A_115, %dma_start3A_577] : memref<65536x144xf32, #tpu.memory_space<hbm>> -> memref<128x144xf32, #tpu.memory_space<hbm>>
      %dma_start3A_579 = arith.constant 0 : i32
      %dma_start3A_580 = tpu.memref_slice %arg6[%mul3A_115, %dma_start3A_579] : memref<65536x144xf32, #tpu.memory_space<hbm>> -> memref<128x144xf32, #tpu.memory_space<hbm>>
      tpu.enqueue_dma source(%arg10 : memref<128x144xf32, #tpu.memory_space<vmem>>) target(%dma_start3A_580 : memref<128x144xf32, #tpu.memory_space<hbm>>) target_semaphore(%run_scoped3A : memref<!tpu.dma_semaphore, #tpu.memory_space<semaphore_mem>>)
      %dma_wait3A_581 = arith.constant 0 : i32
      %dma_wait3A_582 = tpu.memref_slice %arg6[%mul3A_115, %dma_wait3A_581] : memref<65536x144xf32, #tpu.memory_space<hbm>> -> memref<128x144xf32, #tpu.memory_space<hbm>>
      %dma_wait3A_583 = arith.constant 0 : i32
      %dma_wait3A_584 = tpu.memref_slice %arg6[%mul3A_115, %dma_wait3A_583] : memref<65536x144xf32, #tpu.memory_space<hbm>> -> memref<128x144xf32, #tpu.memory_space<hbm>>
      tpu.wait_dma2 semaphore(%run_scoped3A : memref<!tpu.dma_semaphore, #tpu.memory_space<semaphore_mem>>) src(%arg10 : memref<128x144xf32, #tpu.memory_space<vmem>>) dst(%dma_wait3A_584 : memref<128x144xf32, #tpu.memory_space<hbm>>)
      tpu.yield
    }) : () -> ()
    %dma_start3A_116 = arith.constant 7 : i32
    %dma_start3A_117 = arith.constant 0 : i32
    %dma_start3A_118 = tpu.memref_slice %arg8[%dma_start3A_116, %dma_start3A_117] : memref<16x128xi32, #tpu.memory_space<vmem>> -> memref<1x128xi32, #tpu.memory_space<vmem>>
    %dma_start3A_119 = tpu.memref_squeeze %dma_start3A_118 : memref<1x128xi32, #tpu.memory_space<vmem>> -> memref<128xi32, #tpu.memory_space<vmem>>
    %dma_start3A_120 = arith.constant 0 : i32
    %dma_start3A_121 = arith.constant 0 : i32
    %dma_start3A_122 = tpu.memref_slice %arg2[%dma_start3A_120, %dma_start3A_121] : memref<8192x144xf32, #tpu.memory_space<hbm>> -> memref<8192x144xf32, #tpu.memory_space<hbm>>
    tpu.enqueue_indirect_dma source(%dma_start3A_122 : memref<8192x144xf32, #tpu.memory_space<hbm>>) target(%arg10 : memref<128x144xf32, #tpu.memory_space<vmem>>) offsets(%dma_start3A_119 : memref<128xi32, #tpu.memory_space<vmem>>) semaphore(%arg14 : memref<!tpu.dma_semaphore, #tpu.memory_space<semaphore_mem>>)
    %dma_wait3A_123 = arith.constant 6 : i32
    %dma_wait3A_124 = arith.constant 0 : i32
    %dma_wait3A_125 = tpu.memref_slice %arg8[%dma_wait3A_123, %dma_wait3A_124] : memref<16x128xi32, #tpu.memory_space<vmem>> -> memref<1x128xi32, #tpu.memory_space<vmem>>
    %dma_wait3A_126 = tpu.memref_squeeze %dma_wait3A_125 : memref<1x128xi32, #tpu.memory_space<vmem>> -> memref<128xi32, #tpu.memory_space<vmem>>
    %dma_wait3A_127 = arith.constant 0 : i32
    %dma_wait3A_128 = arith.constant 0 : i32
    %dma_wait3A_129 = tpu.memref_slice %arg2[%dma_wait3A_127, %dma_wait3A_128] : memref<8192x144xf32, #tpu.memory_space<hbm>> -> memref<8192x144xf32, #tpu.memory_space<hbm>>
    tpu.wait_indirect_dma semaphore(%arg13 : memref<!tpu.dma_semaphore, #tpu.memory_space<semaphore_mem>>) src(%dma_wait3A_129 : memref<8192x144xf32, #tpu.memory_space<hbm>>) dst(%arg9 : memref<128x144xf32, #tpu.memory_space<vmem>>)
    %add3A_130 = arith.constant 6 : i32
    %add3A_131 = arith.addi %mul3A_2, %add3A_130 : i32
    %mul3A_132 = arith.constant 128 : i32
    %mul3A_133 = arith.muli %add3A_131, %mul3A_132 : i32
    "tpu.region"() ({
      %run_scoped3A = tpu.sem_alloc : memref<!tpu.dma_semaphore, #tpu.memory_space<semaphore_mem>>
      %dma_start3A_577 = arith.constant 0 : i32
      %dma_start3A_578 = tpu.memref_slice %arg6[%mul3A_133, %dma_start3A_577] : memref<65536x144xf32, #tpu.memory_space<hbm>> -> memref<128x144xf32, #tpu.memory_space<hbm>>
      %dma_start3A_579 = arith.constant 0 : i32
      %dma_start3A_580 = tpu.memref_slice %arg6[%mul3A_133, %dma_start3A_579] : memref<65536x144xf32, #tpu.memory_space<hbm>> -> memref<128x144xf32, #tpu.memory_space<hbm>>
      tpu.enqueue_dma source(%arg9 : memref<128x144xf32, #tpu.memory_space<vmem>>) target(%dma_start3A_580 : memref<128x144xf32, #tpu.memory_space<hbm>>) target_semaphore(%run_scoped3A : memref<!tpu.dma_semaphore, #tpu.memory_space<semaphore_mem>>)
      %dma_wait3A_581 = arith.constant 0 : i32
      %dma_wait3A_582 = tpu.memref_slice %arg6[%mul3A_133, %dma_wait3A_581] : memref<65536x144xf32, #tpu.memory_space<hbm>> -> memref<128x144xf32, #tpu.memory_space<hbm>>
      %dma_wait3A_583 = arith.constant 0 : i32
      %dma_wait3A_584 = tpu.memref_slice %arg6[%mul3A_133, %dma_wait3A_583] : memref<65536x144xf32, #tpu.memory_space<hbm>> -> memref<128x144xf32, #tpu.memory_space<hbm>>
      tpu.wait_dma2 semaphore(%run_scoped3A : memref<!tpu.dma_semaphore, #tpu.memory_space<semaphore_mem>>) src(%arg9 : memref<128x144xf32, #tpu.memory_space<vmem>>) dst(%dma_wait3A_584 : memref<128x144xf32, #tpu.memory_space<hbm>>)
      tpu.yield
    }) : () -> ()
    %dma_start3A_134 = arith.constant 8 : i32
    %dma_start3A_135 = arith.constant 0 : i32
    %dma_start3A_136 = tpu.memref_slice %arg8[%dma_start3A_134, %dma_start3A_135] : memref<16x128xi32, #tpu.memory_space<vmem>> -> memref<1x128xi32, #tpu.memory_space<vmem>>
    %dma_start3A_137 = tpu.memref_squeeze %dma_start3A_136 : memref<1x128xi32, #tpu.memory_space<vmem>> -> memref<128xi32, #tpu.memory_space<vmem>>
    %dma_start3A_138 = arith.constant 0 : i32
    %dma_start3A_139 = arith.constant 0 : i32
    %dma_start3A_140 = tpu.memref_slice %arg2[%dma_start3A_138, %dma_start3A_139] : memref<8192x144xf32, #tpu.memory_space<hbm>> -> memref<8192x144xf32, #tpu.memory_space<hbm>>
    tpu.enqueue_indirect_dma source(%dma_start3A_140 : memref<8192x144xf32, #tpu.memory_space<hbm>>) target(%arg9 : memref<128x144xf32, #tpu.memory_space<vmem>>) offsets(%dma_start3A_137 : memref<128xi32, #tpu.memory_space<vmem>>) semaphore(%arg13 : memref<!tpu.dma_semaphore, #tpu.memory_space<semaphore_mem>>)
    %dma_wait3A_141 = arith.constant 7 : i32
    %dma_wait3A_142 = arith.constant 0 : i32
    %dma_wait3A_143 = tpu.memref_slice %arg8[%dma_wait3A_141, %dma_wait3A_142] : memref<16x128xi32, #tpu.memory_space<vmem>> -> memref<1x128xi32, #tpu.memory_space<vmem>>
    %dma_wait3A_144 = tpu.memref_squeeze %dma_wait3A_143 : memref<1x128xi32, #tpu.memory_space<vmem>> -> memref<128xi32, #tpu.memory_space<vmem>>
    %dma_wait3A_145 = arith.constant 0 : i32
    %dma_wait3A_146 = arith.constant 0 : i32
    %dma_wait3A_147 = tpu.memref_slice %arg2[%dma_wait3A_145, %dma_wait3A_146] : memref<8192x144xf32, #tpu.memory_space<hbm>> -> memref<8192x144xf32, #tpu.memory_space<hbm>>
    tpu.wait_indirect_dma semaphore(%arg14 : memref<!tpu.dma_semaphore, #tpu.memory_space<semaphore_mem>>) src(%dma_wait3A_147 : memref<8192x144xf32, #tpu.memory_space<hbm>>) dst(%arg10 : memref<128x144xf32, #tpu.memory_space<vmem>>)
    %add3A_148 = arith.constant 7 : i32
    %add3A_149 = arith.addi %mul3A_2, %add3A_148 : i32
    %mul3A_150 = arith.constant 128 : i32
    %mul3A_151 = arith.muli %add3A_149, %mul3A_150 : i32
    "tpu.region"() ({
      %run_scoped3A = tpu.sem_alloc : memref<!tpu.dma_semaphore, #tpu.memory_space<semaphore_mem>>
      %dma_start3A_577 = arith.constant 0 : i32
      %dma_start3A_578 = tpu.memref_slice %arg6[%mul3A_151, %dma_start3A_577] : memref<65536x144xf32, #tpu.memory_space<hbm>> -> memref<128x144xf32, #tpu.memory_space<hbm>>
      %dma_start3A_579 = arith.constant 0 : i32
      %dma_start3A_580 = tpu.memref_slice %arg6[%mul3A_151, %dma_start3A_579] : memref<65536x144xf32, #tpu.memory_space<hbm>> -> memref<128x144xf32, #tpu.memory_space<hbm>>
      tpu.enqueue_dma source(%arg10 : memref<128x144xf32, #tpu.memory_space<vmem>>) target(%dma_start3A_580 : memref<128x144xf32, #tpu.memory_space<hbm>>) target_semaphore(%run_scoped3A : memref<!tpu.dma_semaphore, #tpu.memory_space<semaphore_mem>>)
      %dma_wait3A_581 = arith.constant 0 : i32
      %dma_wait3A_582 = tpu.memref_slice %arg6[%mul3A_151, %dma_wait3A_581] : memref<65536x144xf32, #tpu.memory_space<hbm>> -> memref<128x144xf32, #tpu.memory_space<hbm>>
      %dma_wait3A_583 = arith.constant 0 : i32
      %dma_wait3A_584 = tpu.memref_slice %arg6[%mul3A_151, %dma_wait3A_583] : memref<65536x144xf32, #tpu.memory_space<hbm>> -> memref<128x144xf32, #tpu.memory_space<hbm>>
      tpu.wait_dma2 semaphore(%run_scoped3A : memref<!tpu.dma_semaphore, #tpu.memory_space<semaphore_mem>>) src(%arg10 : memref<128x144xf32, #tpu.memory_space<vmem>>) dst(%dma_wait3A_584 : memref<128x144xf32, #tpu.memory_space<hbm>>)
      tpu.yield
    }) : () -> ()
    %dma_start3A_152 = arith.constant 9 : i32
    %dma_start3A_153 = arith.constant 0 : i32
    %dma_start3A_154 = tpu.memref_slice %arg8[%dma_start3A_152, %dma_start3A_153] : memref<16x128xi32, #tpu.memory_space<vmem>> -> memref<1x128xi32, #tpu.memory_space<vmem>>
    %dma_start3A_155 = tpu.memref_squeeze %dma_start3A_154 : memref<1x128xi32, #tpu.memory_space<vmem>> -> memref<128xi32, #tpu.memory_space<vmem>>
    %dma_start3A_156 = arith.constant 0 : i32
    %dma_start3A_157 = arith.constant 0 : i32
    %dma_start3A_158 = tpu.memref_slice %arg2[%dma_start3A_156, %dma_start3A_157] : memref<8192x144xf32, #tpu.memory_space<hbm>> -> memref<8192x144xf32, #tpu.memory_space<hbm>>
    tpu.enqueue_indirect_dma source(%dma_start3A_158 : memref<8192x144xf32, #tpu.memory_space<hbm>>) target(%arg10 : memref<128x144xf32, #tpu.memory_space<vmem>>) offsets(%dma_start3A_155 : memref<128xi32, #tpu.memory_space<vmem>>) semaphore(%arg14 : memref<!tpu.dma_semaphore, #tpu.memory_space<semaphore_mem>>)
    %dma_wait3A_159 = arith.constant 8 : i32
    %dma_wait3A_160 = arith.constant 0 : i32
    %dma_wait3A_161 = tpu.memref_slice %arg8[%dma_wait3A_159, %dma_wait3A_160] : memref<16x128xi32, #tpu.memory_space<vmem>> -> memref<1x128xi32, #tpu.memory_space<vmem>>
    %dma_wait3A_162 = tpu.memref_squeeze %dma_wait3A_161 : memref<1x128xi32, #tpu.memory_space<vmem>> -> memref<128xi32, #tpu.memory_space<vmem>>
    %dma_wait3A_163 = arith.constant 0 : i32
    %dma_wait3A_164 = arith.constant 0 : i32
    %dma_wait3A_165 = tpu.memref_slice %arg2[%dma_wait3A_163, %dma_wait3A_164] : memref<8192x144xf32, #tpu.memory_space<hbm>> -> memref<8192x144xf32, #tpu.memory_space<hbm>>
    tpu.wait_indirect_dma semaphore(%arg13 : memref<!tpu.dma_semaphore, #tpu.memory_space<semaphore_mem>>) src(%dma_wait3A_165 : memref<8192x144xf32, #tpu.memory_space<hbm>>) dst(%arg9 : memref<128x144xf32, #tpu.memory_space<vmem>>)
    %add3A_166 = arith.constant 8 : i32
    %add3A_167 = arith.addi %mul3A_2, %add3A_166 : i32
    %mul3A_168 = arith.constant 128 : i32
    %mul3A_169 = arith.muli %add3A_167, %mul3A_168 : i32
    "tpu.region"() ({
      %run_scoped3A = tpu.sem_alloc : memref<!tpu.dma_semaphore, #tpu.memory_space<semaphore_mem>>
      %dma_start3A_577 = arith.constant 0 : i32
      %dma_start3A_578 = tpu.memref_slice %arg6[%mul3A_169, %dma_start3A_577] : memref<65536x144xf32, #tpu.memory_space<hbm>> -> memref<128x144xf32, #tpu.memory_space<hbm>>
      %dma_start3A_579 = arith.constant 0 : i32
      %dma_start3A_580 = tpu.memref_slice %arg6[%mul3A_169, %dma_start3A_579] : memref<65536x144xf32, #tpu.memory_space<hbm>> -> memref<128x144xf32, #tpu.memory_space<hbm>>
      tpu.enqueue_dma source(%arg9 : memref<128x144xf32, #tpu.memory_space<vmem>>) target(%dma_start3A_580 : memref<128x144xf32, #tpu.memory_space<hbm>>) target_semaphore(%run_scoped3A : memref<!tpu.dma_semaphore, #tpu.memory_space<semaphore_mem>>)
      %dma_wait3A_581 = arith.constant 0 : i32
      %dma_wait3A_582 = tpu.memref_slice %arg6[%mul3A_169, %dma_wait3A_581] : memref<65536x144xf32, #tpu.memory_space<hbm>> -> memref<128x144xf32, #tpu.memory_space<hbm>>
      %dma_wait3A_583 = arith.constant 0 : i32
      %dma_wait3A_584 = tpu.memref_slice %arg6[%mul3A_169, %dma_wait3A_583] : memref<65536x144xf32, #tpu.memory_space<hbm>> -> memref<128x144xf32, #tpu.memory_space<hbm>>
      tpu.wait_dma2 semaphore(%run_scoped3A : memref<!tpu.dma_semaphore, #tpu.memory_space<semaphore_mem>>) src(%arg9 : memref<128x144xf32, #tpu.memory_space<vmem>>) dst(%dma_wait3A_584 : memref<128x144xf32, #tpu.memory_space<hbm>>)
      tpu.yield
    }) : () -> ()
    %dma_start3A_170 = arith.constant 10 : i32
    %dma_start3A_171 = arith.constant 0 : i32
    %dma_start3A_172 = tpu.memref_slice %arg8[%dma_start3A_170, %dma_start3A_171] : memref<16x128xi32, #tpu.memory_space<vmem>> -> memref<1x128xi32, #tpu.memory_space<vmem>>
    %dma_start3A_173 = tpu.memref_squeeze %dma_start3A_172 : memref<1x128xi32, #tpu.memory_space<vmem>> -> memref<128xi32, #tpu.memory_space<vmem>>
    %dma_start3A_174 = arith.constant 0 : i32
    %dma_start3A_175 = arith.constant 0 : i32
    %dma_start3A_176 = tpu.memref_slice %arg2[%dma_start3A_174, %dma_start3A_175] : memref<8192x144xf32, #tpu.memory_space<hbm>> -> memref<8192x144xf32, #tpu.memory_space<hbm>>
    tpu.enqueue_indirect_dma source(%dma_start3A_176 : memref<8192x144xf32, #tpu.memory_space<hbm>>) target(%arg9 : memref<128x144xf32, #tpu.memory_space<vmem>>) offsets(%dma_start3A_173 : memref<128xi32, #tpu.memory_space<vmem>>) semaphore(%arg13 : memref<!tpu.dma_semaphore, #tpu.memory_space<semaphore_mem>>)
    %dma_wait3A_177 = arith.constant 9 : i32
    %dma_wait3A_178 = arith.constant 0 : i32
    %dma_wait3A_179 = tpu.memref_slice %arg8[%dma_wait3A_177, %dma_wait3A_178] : memref<16x128xi32, #tpu.memory_space<vmem>> -> memref<1x128xi32, #tpu.memory_space<vmem>>
    %dma_wait3A_180 = tpu.memref_squeeze %dma_wait3A_179 : memref<1x128xi32, #tpu.memory_space<vmem>> -> memref<128xi32, #tpu.memory_space<vmem>>
    %dma_wait3A_181 = arith.constant 0 : i32
    %dma_wait3A_182 = arith.constant 0 : i32
    %dma_wait3A_183 = tpu.memref_slice %arg2[%dma_wait3A_181, %dma_wait3A_182] : memref<8192x144xf32, #tpu.memory_space<hbm>> -> memref<8192x144xf32, #tpu.memory_space<hbm>>
    tpu.wait_indirect_dma semaphore(%arg14 : memref<!tpu.dma_semaphore, #tpu.memory_space<semaphore_mem>>) src(%dma_wait3A_183 : memref<8192x144xf32, #tpu.memory_space<hbm>>) dst(%arg10 : memref<128x144xf32, #tpu.memory_space<vmem>>)
    %add3A_184 = arith.constant 9 : i32
    %add3A_185 = arith.addi %mul3A_2, %add3A_184 : i32
    %mul3A_186 = arith.constant 128 : i32
    %mul3A_187 = arith.muli %add3A_185, %mul3A_186 : i32
    "tpu.region"() ({
      %run_scoped3A = tpu.sem_alloc : memref<!tpu.dma_semaphore, #tpu.memory_space<semaphore_mem>>
      %dma_start3A_577 = arith.constant 0 : i32
      %dma_start3A_578 = tpu.memref_slice %arg6[%mul3A_187, %dma_start3A_577] : memref<65536x144xf32, #tpu.memory_space<hbm>> -> memref<128x144xf32, #tpu.memory_space<hbm>>
      %dma_start3A_579 = arith.constant 0 : i32
      %dma_start3A_580 = tpu.memref_slice %arg6[%mul3A_187, %dma_start3A_579] : memref<65536x144xf32, #tpu.memory_space<hbm>> -> memref<128x144xf32, #tpu.memory_space<hbm>>
      tpu.enqueue_dma source(%arg10 : memref<128x144xf32, #tpu.memory_space<vmem>>) target(%dma_start3A_580 : memref<128x144xf32, #tpu.memory_space<hbm>>) target_semaphore(%run_scoped3A : memref<!tpu.dma_semaphore, #tpu.memory_space<semaphore_mem>>)
      %dma_wait3A_581 = arith.constant 0 : i32
      %dma_wait3A_582 = tpu.memref_slice %arg6[%mul3A_187, %dma_wait3A_581] : memref<65536x144xf32, #tpu.memory_space<hbm>> -> memref<128x144xf32, #tpu.memory_space<hbm>>
      %dma_wait3A_583 = arith.constant 0 : i32
      %dma_wait3A_584 = tpu.memref_slice %arg6[%mul3A_187, %dma_wait3A_583] : memref<65536x144xf32, #tpu.memory_space<hbm>> -> memref<128x144xf32, #tpu.memory_space<hbm>>
      tpu.wait_dma2 semaphore(%run_scoped3A : memref<!tpu.dma_semaphore, #tpu.memory_space<semaphore_mem>>) src(%arg10 : memref<128x144xf32, #tpu.memory_space<vmem>>) dst(%dma_wait3A_584 : memref<128x144xf32, #tpu.memory_space<hbm>>)
      tpu.yield
    }) : () -> ()
    %dma_start3A_188 = arith.constant 11 : i32
    %dma_start3A_189 = arith.constant 0 : i32
    %dma_start3A_190 = tpu.memref_slice %arg8[%dma_start3A_188, %dma_start3A_189] : memref<16x128xi32, #tpu.memory_space<vmem>> -> memref<1x128xi32, #tpu.memory_space<vmem>>
    %dma_start3A_191 = tpu.memref_squeeze %dma_start3A_190 : memref<1x128xi32, #tpu.memory_space<vmem>> -> memref<128xi32, #tpu.memory_space<vmem>>
    %dma_start3A_192 = arith.constant 0 : i32
    %dma_start3A_193 = arith.constant 0 : i32
    %dma_start3A_194 = tpu.memref_slice %arg2[%dma_start3A_192, %dma_start3A_193] : memref<8192x144xf32, #tpu.memory_space<hbm>> -> memref<8192x144xf32, #tpu.memory_space<hbm>>
    tpu.enqueue_indirect_dma source(%dma_start3A_194 : memref<8192x144xf32, #tpu.memory_space<hbm>>) target(%arg10 : memref<128x144xf32, #tpu.memory_space<vmem>>) offsets(%dma_start3A_191 : memref<128xi32, #tpu.memory_space<vmem>>) semaphore(%arg14 : memref<!tpu.dma_semaphore, #tpu.memory_space<semaphore_mem>>)
    %dma_wait3A_195 = arith.constant 10 : i32
    %dma_wait3A_196 = arith.constant 0 : i32
    %dma_wait3A_197 = tpu.memref_slice %arg8[%dma_wait3A_195, %dma_wait3A_196] : memref<16x128xi32, #tpu.memory_space<vmem>> -> memref<1x128xi32, #tpu.memory_space<vmem>>
    %dma_wait3A_198 = tpu.memref_squeeze %dma_wait3A_197 : memref<1x128xi32, #tpu.memory_space<vmem>> -> memref<128xi32, #tpu.memory_space<vmem>>
    %dma_wait3A_199 = arith.constant 0 : i32
    %dma_wait3A_200 = arith.constant 0 : i32
    %dma_wait3A_201 = tpu.memref_slice %arg2[%dma_wait3A_199, %dma_wait3A_200] : memref<8192x144xf32, #tpu.memory_space<hbm>> -> memref<8192x144xf32, #tpu.memory_space<hbm>>
    tpu.wait_indirect_dma semaphore(%arg13 : memref<!tpu.dma_semaphore, #tpu.memory_space<semaphore_mem>>) src(%dma_wait3A_201 : memref<8192x144xf32, #tpu.memory_space<hbm>>) dst(%arg9 : memref<128x144xf32, #tpu.memory_space<vmem>>)
    %add3A_202 = arith.constant 10 : i32
    %add3A_203 = arith.addi %mul3A_2, %add3A_202 : i32
    %mul3A_204 = arith.constant 128 : i32
    %mul3A_205 = arith.muli %add3A_203, %mul3A_204 : i32
    "tpu.region"() ({
      %run_scoped3A = tpu.sem_alloc : memref<!tpu.dma_semaphore, #tpu.memory_space<semaphore_mem>>
      %dma_start3A_577 = arith.constant 0 : i32
      %dma_start3A_578 = tpu.memref_slice %arg6[%mul3A_205, %dma_start3A_577] : memref<65536x144xf32, #tpu.memory_space<hbm>> -> memref<128x144xf32, #tpu.memory_space<hbm>>
      %dma_start3A_579 = arith.constant 0 : i32
      %dma_start3A_580 = tpu.memref_slice %arg6[%mul3A_205, %dma_start3A_579] : memref<65536x144xf32, #tpu.memory_space<hbm>> -> memref<128x144xf32, #tpu.memory_space<hbm>>
      tpu.enqueue_dma source(%arg9 : memref<128x144xf32, #tpu.memory_space<vmem>>) target(%dma_start3A_580 : memref<128x144xf32, #tpu.memory_space<hbm>>) target_semaphore(%run_scoped3A : memref<!tpu.dma_semaphore, #tpu.memory_space<semaphore_mem>>)
      %dma_wait3A_581 = arith.constant 0 : i32
      %dma_wait3A_582 = tpu.memref_slice %arg6[%mul3A_205, %dma_wait3A_581] : memref<65536x144xf32, #tpu.memory_space<hbm>> -> memref<128x144xf32, #tpu.memory_space<hbm>>
      %dma_wait3A_583 = arith.constant 0 : i32
      %dma_wait3A_584 = tpu.memref_slice %arg6[%mul3A_205, %dma_wait3A_583] : memref<65536x144xf32, #tpu.memory_space<hbm>> -> memref<128x144xf32, #tpu.memory_space<hbm>>
      tpu.wait_dma2 semaphore(%run_scoped3A : memref<!tpu.dma_semaphore, #tpu.memory_space<semaphore_mem>>) src(%arg9 : memref<128x144xf32, #tpu.memory_space<vmem>>) dst(%dma_wait3A_584 : memref<128x144xf32, #tpu.memory_space<hbm>>)
      tpu.yield
    }) : () -> ()
    %dma_start3A_206 = arith.constant 12 : i32
    %dma_start3A_207 = arith.constant 0 : i32
    %dma_start3A_208 = tpu.memref_slice %arg8[%dma_start3A_206, %dma_start3A_207] : memref<16x128xi32, #tpu.memory_space<vmem>> -> memref<1x128xi32, #tpu.memory_space<vmem>>
    %dma_start3A_209 = tpu.memref_squeeze %dma_start3A_208 : memref<1x128xi32, #tpu.memory_space<vmem>> -> memref<128xi32, #tpu.memory_space<vmem>>
    %dma_start3A_210 = arith.constant 0 : i32
    %dma_start3A_211 = arith.constant 0 : i32
    %dma_start3A_212 = tpu.memref_slice %arg2[%dma_start3A_210, %dma_start3A_211] : memref<8192x144xf32, #tpu.memory_space<hbm>> -> memref<8192x144xf32, #tpu.memory_space<hbm>>
    tpu.enqueue_indirect_dma source(%dma_start3A_212 : memref<8192x144xf32, #tpu.memory_space<hbm>>) target(%arg9 : memref<128x144xf32, #tpu.memory_space<vmem>>) offsets(%dma_start3A_209 : memref<128xi32, #tpu.memory_space<vmem>>) semaphore(%arg13 : memref<!tpu.dma_semaphore, #tpu.memory_space<semaphore_mem>>)
    %dma_wait3A_213 = arith.constant 11 : i32
    %dma_wait3A_214 = arith.constant 0 : i32
    %dma_wait3A_215 = tpu.memref_slice %arg8[%dma_wait3A_213, %dma_wait3A_214] : memref<16x128xi32, #tpu.memory_space<vmem>> -> memref<1x128xi32, #tpu.memory_space<vmem>>
    %dma_wait3A_216 = tpu.memref_squeeze %dma_wait3A_215 : memref<1x128xi32, #tpu.memory_space<vmem>> -> memref<128xi32, #tpu.memory_space<vmem>>
    %dma_wait3A_217 = arith.constant 0 : i32
    %dma_wait3A_218 = arith.constant 0 : i32
    %dma_wait3A_219 = tpu.memref_slice %arg2[%dma_wait3A_217, %dma_wait3A_218] : memref<8192x144xf32, #tpu.memory_space<hbm>> -> memref<8192x144xf32, #tpu.memory_space<hbm>>
    tpu.wait_indirect_dma semaphore(%arg14 : memref<!tpu.dma_semaphore, #tpu.memory_space<semaphore_mem>>) src(%dma_wait3A_219 : memref<8192x144xf32, #tpu.memory_space<hbm>>) dst(%arg10 : memref<128x144xf32, #tpu.memory_space<vmem>>)
    %add3A_220 = arith.constant 11 : i32
    %add3A_221 = arith.addi %mul3A_2, %add3A_220 : i32
    %mul3A_222 = arith.constant 128 : i32
    %mul3A_223 = arith.muli %add3A_221, %mul3A_222 : i32
    "tpu.region"() ({
      %run_scoped3A = tpu.sem_alloc : memref<!tpu.dma_semaphore, #tpu.memory_space<semaphore_mem>>
      %dma_start3A_577 = arith.constant 0 : i32
      %dma_start3A_578 = tpu.memref_slice %arg6[%mul3A_223, %dma_start3A_577] : memref<65536x144xf32, #tpu.memory_space<hbm>> -> memref<128x144xf32, #tpu.memory_space<hbm>>
      %dma_start3A_579 = arith.constant 0 : i32
      %dma_start3A_580 = tpu.memref_slice %arg6[%mul3A_223, %dma_start3A_579] : memref<65536x144xf32, #tpu.memory_space<hbm>> -> memref<128x144xf32, #tpu.memory_space<hbm>>
      tpu.enqueue_dma source(%arg10 : memref<128x144xf32, #tpu.memory_space<vmem>>) target(%dma_start3A_580 : memref<128x144xf32, #tpu.memory_space<hbm>>) target_semaphore(%run_scoped3A : memref<!tpu.dma_semaphore, #tpu.memory_space<semaphore_mem>>)
      %dma_wait3A_581 = arith.constant 0 : i32
      %dma_wait3A_582 = tpu.memref_slice %arg6[%mul3A_223, %dma_wait3A_581] : memref<65536x144xf32, #tpu.memory_space<hbm>> -> memref<128x144xf32, #tpu.memory_space<hbm>>
      %dma_wait3A_583 = arith.constant 0 : i32
      %dma_wait3A_584 = tpu.memref_slice %arg6[%mul3A_223, %dma_wait3A_583] : memref<65536x144xf32, #tpu.memory_space<hbm>> -> memref<128x144xf32, #tpu.memory_space<hbm>>
      tpu.wait_dma2 semaphore(%run_scoped3A : memref<!tpu.dma_semaphore, #tpu.memory_space<semaphore_mem>>) src(%arg10 : memref<128x144xf32, #tpu.memory_space<vmem>>) dst(%dma_wait3A_584 : memref<128x144xf32, #tpu.memory_space<hbm>>)
      tpu.yield
    }) : () -> ()
    %dma_start3A_224 = arith.constant 13 : i32
    %dma_start3A_225 = arith.constant 0 : i32
    %dma_start3A_226 = tpu.memref_slice %arg8[%dma_start3A_224, %dma_start3A_225] : memref<16x128xi32, #tpu.memory_space<vmem>> -> memref<1x128xi32, #tpu.memory_space<vmem>>
    %dma_start3A_227 = tpu.memref_squeeze %dma_start3A_226 : memref<1x128xi32, #tpu.memory_space<vmem>> -> memref<128xi32, #tpu.memory_space<vmem>>
    %dma_start3A_228 = arith.constant 0 : i32
    %dma_start3A_229 = arith.constant 0 : i32
    %dma_start3A_230 = tpu.memref_slice %arg2[%dma_start3A_228, %dma_start3A_229] : memref<8192x144xf32, #tpu.memory_space<hbm>> -> memref<8192x144xf32, #tpu.memory_space<hbm>>
    tpu.enqueue_indirect_dma source(%dma_start3A_230 : memref<8192x144xf32, #tpu.memory_space<hbm>>) target(%arg10 : memref<128x144xf32, #tpu.memory_space<vmem>>) offsets(%dma_start3A_227 : memref<128xi32, #tpu.memory_space<vmem>>) semaphore(%arg14 : memref<!tpu.dma_semaphore, #tpu.memory_space<semaphore_mem>>)
    %dma_wait3A_231 = arith.constant 12 : i32
    %dma_wait3A_232 = arith.constant 0 : i32
    %dma_wait3A_233 = tpu.memref_slice %arg8[%dma_wait3A_231, %dma_wait3A_232] : memref<16x128xi32, #tpu.memory_space<vmem>> -> memref<1x128xi32, #tpu.memory_space<vmem>>
    %dma_wait3A_234 = tpu.memref_squeeze %dma_wait3A_233 : memref<1x128xi32, #tpu.memory_space<vmem>> -> memref<128xi32, #tpu.memory_space<vmem>>
    %dma_wait3A_235 = arith.constant 0 : i32
    %dma_wait3A_236 = arith.constant 0 : i32
    %dma_wait3A_237 = tpu.memref_slice %arg2[%dma_wait3A_235, %dma_wait3A_236] : memref<8192x144xf32, #tpu.memory_space<hbm>> -> memref<8192x144xf32, #tpu.memory_space<hbm>>
    tpu.wait_indirect_dma semaphore(%arg13 : memref<!tpu.dma_semaphore, #tpu.memory_space<semaphore_mem>>) src(%dma_wait3A_237 : memref<8192x144xf32, #tpu.memory_space<hbm>>) dst(%arg9 : memref<128x144xf32, #tpu.memory_space<vmem>>)
    %add3A_238 = arith.constant 12 : i32
    %add3A_239 = arith.addi %mul3A_2, %add3A_238 : i32
    %mul3A_240 = arith.constant 128 : i32
    %mul3A_241 = arith.muli %add3A_239, %mul3A_240 : i32
    "tpu.region"() ({
      %run_scoped3A = tpu.sem_alloc : memref<!tpu.dma_semaphore, #tpu.memory_space<semaphore_mem>>
      %dma_start3A_577 = arith.constant 0 : i32
      %dma_start3A_578 = tpu.memref_slice %arg6[%mul3A_241, %dma_start3A_577] : memref<65536x144xf32, #tpu.memory_space<hbm>> -> memref<128x144xf32, #tpu.memory_space<hbm>>
      %dma_start3A_579 = arith.constant 0 : i32
      %dma_start3A_580 = tpu.memref_slice %arg6[%mul3A_241, %dma_start3A_579] : memref<65536x144xf32, #tpu.memory_space<hbm>> -> memref<128x144xf32, #tpu.memory_space<hbm>>
      tpu.enqueue_dma source(%arg9 : memref<128x144xf32, #tpu.memory_space<vmem>>) target(%dma_start3A_580 : memref<128x144xf32, #tpu.memory_space<hbm>>) target_semaphore(%run_scoped3A : memref<!tpu.dma_semaphore, #tpu.memory_space<semaphore_mem>>)
      %dma_wait3A_581 = arith.constant 0 : i32
      %dma_wait3A_582 = tpu.memref_slice %arg6[%mul3A_241, %dma_wait3A_581] : memref<65536x144xf32, #tpu.memory_space<hbm>> -> memref<128x144xf32, #tpu.memory_space<hbm>>
      %dma_wait3A_583 = arith.constant 0 : i32
      %dma_wait3A_584 = tpu.memref_slice %arg6[%mul3A_241, %dma_wait3A_583] : memref<65536x144xf32, #tpu.memory_space<hbm>> -> memref<128x144xf32, #tpu.memory_space<hbm>>
      tpu.wait_dma2 semaphore(%run_scoped3A : memref<!tpu.dma_semaphore, #tpu.memory_space<semaphore_mem>>) src(%arg9 : memref<128x144xf32, #tpu.memory_space<vmem>>) dst(%dma_wait3A_584 : memref<128x144xf32, #tpu.memory_space<hbm>>)
      tpu.yield
    }) : () -> ()
    %dma_start3A_242 = arith.constant 14 : i32
    %dma_start3A_243 = arith.constant 0 : i32
    %dma_start3A_244 = tpu.memref_slice %arg8[%dma_start3A_242, %dma_start3A_243] : memref<16x128xi32, #tpu.memory_space<vmem>> -> memref<1x128xi32, #tpu.memory_space<vmem>>
    %dma_start3A_245 = tpu.memref_squeeze %dma_start3A_244 : memref<1x128xi32, #tpu.memory_space<vmem>> -> memref<128xi32, #tpu.memory_space<vmem>>
    %dma_start3A_246 = arith.constant 0 : i32
    %dma_start3A_247 = arith.constant 0 : i32
    %dma_start3A_248 = tpu.memref_slice %arg2[%dma_start3A_246, %dma_start3A_247] : memref<8192x144xf32, #tpu.memory_space<hbm>> -> memref<8192x144xf32, #tpu.memory_space<hbm>>
    tpu.enqueue_indirect_dma source(%dma_start3A_248 : memref<8192x144xf32, #tpu.memory_space<hbm>>) target(%arg9 : memref<128x144xf32, #tpu.memory_space<vmem>>) offsets(%dma_start3A_245 : memref<128xi32, #tpu.memory_space<vmem>>) semaphore(%arg13 : memref<!tpu.dma_semaphore, #tpu.memory_space<semaphore_mem>>)
    %dma_wait3A_249 = arith.constant 13 : i32
    %dma_wait3A_250 = arith.constant 0 : i32
    %dma_wait3A_251 = tpu.memref_slice %arg8[%dma_wait3A_249, %dma_wait3A_250] : memref<16x128xi32, #tpu.memory_space<vmem>> -> memref<1x128xi32, #tpu.memory_space<vmem>>
    %dma_wait3A_252 = tpu.memref_squeeze %dma_wait3A_251 : memref<1x128xi32, #tpu.memory_space<vmem>> -> memref<128xi32, #tpu.memory_space<vmem>>
    %dma_wait3A_253 = arith.constant 0 : i32
    %dma_wait3A_254 = arith.constant 0 : i32
    %dma_wait3A_255 = tpu.memref_slice %arg2[%dma_wait3A_253, %dma_wait3A_254] : memref<8192x144xf32, #tpu.memory_space<hbm>> -> memref<8192x144xf32, #tpu.memory_space<hbm>>
    tpu.wait_indirect_dma semaphore(%arg14 : memref<!tpu.dma_semaphore, #tpu.memory_space<semaphore_mem>>) src(%dma_wait3A_255 : memref<8192x144xf32, #tpu.memory_space<hbm>>) dst(%arg10 : memref<128x144xf32, #tpu.memory_space<vmem>>)
    %add3A_256 = arith.constant 13 : i32
    %add3A_257 = arith.addi %mul3A_2, %add3A_256 : i32
    %mul3A_258 = arith.constant 128 : i32
    %mul3A_259 = arith.muli %add3A_257, %mul3A_258 : i32
    "tpu.region"() ({
      %run_scoped3A = tpu.sem_alloc : memref<!tpu.dma_semaphore, #tpu.memory_space<semaphore_mem>>
      %dma_start3A_577 = arith.constant 0 : i32
      %dma_start3A_578 = tpu.memref_slice %arg6[%mul3A_259, %dma_start3A_577] : memref<65536x144xf32, #tpu.memory_space<hbm>> -> memref<128x144xf32, #tpu.memory_space<hbm>>
      %dma_start3A_579 = arith.constant 0 : i32
      %dma_start3A_580 = tpu.memref_slice %arg6[%mul3A_259, %dma_start3A_579] : memref<65536x144xf32, #tpu.memory_space<hbm>> -> memref<128x144xf32, #tpu.memory_space<hbm>>
      tpu.enqueue_dma source(%arg10 : memref<128x144xf32, #tpu.memory_space<vmem>>) target(%dma_start3A_580 : memref<128x144xf32, #tpu.memory_space<hbm>>) target_semaphore(%run_scoped3A : memref<!tpu.dma_semaphore, #tpu.memory_space<semaphore_mem>>)
      %dma_wait3A_581 = arith.constant 0 : i32
      %dma_wait3A_582 = tpu.memref_slice %arg6[%mul3A_259, %dma_wait3A_581] : memref<65536x144xf32, #tpu.memory_space<hbm>> -> memref<128x144xf32, #tpu.memory_space<hbm>>
      %dma_wait3A_583 = arith.constant 0 : i32
      %dma_wait3A_584 = tpu.memref_slice %arg6[%mul3A_259, %dma_wait3A_583] : memref<65536x144xf32, #tpu.memory_space<hbm>> -> memref<128x144xf32, #tpu.memory_space<hbm>>
      tpu.wait_dma2 semaphore(%run_scoped3A : memref<!tpu.dma_semaphore, #tpu.memory_space<semaphore_mem>>) src(%arg10 : memref<128x144xf32, #tpu.memory_space<vmem>>) dst(%dma_wait3A_584 : memref<128x144xf32, #tpu.memory_space<hbm>>)
      tpu.yield
    }) : () -> ()
    %dma_start3A_260 = arith.constant 15 : i32
    %dma_start3A_261 = arith.constant 0 : i32
    %dma_start3A_262 = tpu.memref_slice %arg8[%dma_start3A_260, %dma_start3A_261] : memref<16x128xi32, #tpu.memory_space<vmem>> -> memref<1x128xi32, #tpu.memory_space<vmem>>
    %dma_start3A_263 = tpu.memref_squeeze %dma_start3A_262 : memref<1x128xi32, #tpu.memory_space<vmem>> -> memref<128xi32, #tpu.memory_space<vmem>>
    %dma_start3A_264 = arith.constant 0 : i32
    %dma_start3A_265 = arith.constant 0 : i32
    %dma_start3A_266 = tpu.memref_slice %arg2[%dma_start3A_264, %dma_start3A_265] : memref<8192x144xf32, #tpu.memory_space<hbm>> -> memref<8192x144xf32, #tpu.memory_space<hbm>>
    tpu.enqueue_indirect_dma source(%dma_start3A_266 : memref<8192x144xf32, #tpu.memory_space<hbm>>) target(%arg10 : memref<128x144xf32, #tpu.memory_space<vmem>>) offsets(%dma_start3A_263 : memref<128xi32, #tpu.memory_space<vmem>>) semaphore(%arg14 : memref<!tpu.dma_semaphore, #tpu.memory_space<semaphore_mem>>)
    %dma_wait3A_267 = arith.constant 14 : i32
    %dma_wait3A_268 = arith.constant 0 : i32
    %dma_wait3A_269 = tpu.memref_slice %arg8[%dma_wait3A_267, %dma_wait3A_268] : memref<16x128xi32, #tpu.memory_space<vmem>> -> memref<1x128xi32, #tpu.memory_space<vmem>>
    %dma_wait3A_270 = tpu.memref_squeeze %dma_wait3A_269 : memref<1x128xi32, #tpu.memory_space<vmem>> -> memref<128xi32, #tpu.memory_space<vmem>>
    %dma_wait3A_271 = arith.constant 0 : i32
    %dma_wait3A_272 = arith.constant 0 : i32
    %dma_wait3A_273 = tpu.memref_slice %arg2[%dma_wait3A_271, %dma_wait3A_272] : memref<8192x144xf32, #tpu.memory_space<hbm>> -> memref<8192x144xf32, #tpu.memory_space<hbm>>
    tpu.wait_indirect_dma semaphore(%arg13 : memref<!tpu.dma_semaphore, #tpu.memory_space<semaphore_mem>>) src(%dma_wait3A_273 : memref<8192x144xf32, #tpu.memory_space<hbm>>) dst(%arg9 : memref<128x144xf32, #tpu.memory_space<vmem>>)
    %add3A_274 = arith.constant 14 : i32
    %add3A_275 = arith.addi %mul3A_2, %add3A_274 : i32
    %mul3A_276 = arith.constant 128 : i32
    %mul3A_277 = arith.muli %add3A_275, %mul3A_276 : i32
    "tpu.region"() ({
      %run_scoped3A = tpu.sem_alloc : memref<!tpu.dma_semaphore, #tpu.memory_space<semaphore_mem>>
      %dma_start3A_577 = arith.constant 0 : i32
      %dma_start3A_578 = tpu.memref_slice %arg6[%mul3A_277, %dma_start3A_577] : memref<65536x144xf32, #tpu.memory_space<hbm>> -> memref<128x144xf32, #tpu.memory_space<hbm>>
      %dma_start3A_579 = arith.constant 0 : i32
      %dma_start3A_580 = tpu.memref_slice %arg6[%mul3A_277, %dma_start3A_579] : memref<65536x144xf32, #tpu.memory_space<hbm>> -> memref<128x144xf32, #tpu.memory_space<hbm>>
      tpu.enqueue_dma source(%arg9 : memref<128x144xf32, #tpu.memory_space<vmem>>) target(%dma_start3A_580 : memref<128x144xf32, #tpu.memory_space<hbm>>) target_semaphore(%run_scoped3A : memref<!tpu.dma_semaphore, #tpu.memory_space<semaphore_mem>>)
      %dma_wait3A_581 = arith.constant 0 : i32
      %dma_wait3A_582 = tpu.memref_slice %arg6[%mul3A_277, %dma_wait3A_581] : memref<65536x144xf32, #tpu.memory_space<hbm>> -> memref<128x144xf32, #tpu.memory_space<hbm>>
      %dma_wait3A_583 = arith.constant 0 : i32
      %dma_wait3A_584 = tpu.memref_slice %arg6[%mul3A_277, %dma_wait3A_583] : memref<65536x144xf32, #tpu.memory_space<hbm>> -> memref<128x144xf32, #tpu.memory_space<hbm>>
      tpu.wait_dma2 semaphore(%run_scoped3A : memref<!tpu.dma_semaphore, #tpu.memory_space<semaphore_mem>>) src(%arg9 : memref<128x144xf32, #tpu.memory_space<vmem>>) dst(%dma_wait3A_584 : memref<128x144xf32, #tpu.memory_space<hbm>>)
      tpu.yield
    }) : () -> ()
    %dma_wait3A_278 = arith.constant 15 : i32
    %dma_wait3A_279 = arith.constant 0 : i32
    %dma_wait3A_280 = tpu.memref_slice %arg8[%dma_wait3A_278, %dma_wait3A_279] : memref<16x128xi32, #tpu.memory_space<vmem>> -> memref<1x128xi32, #tpu.memory_space<vmem>>
    %dma_wait3A_281 = tpu.memref_squeeze %dma_wait3A_280 : memref<1x128xi32, #tpu.memory_space<vmem>> -> memref<128xi32, #tpu.memory_space<vmem>>
    %dma_wait3A_282 = arith.constant 0 : i32
    %dma_wait3A_283 = arith.constant 0 : i32
    %dma_wait3A_284 = tpu.memref_slice %arg2[%dma_wait3A_282, %dma_wait3A_283] : memref<8192x144xf32, #tpu.memory_space<hbm>> -> memref<8192x144xf32, #tpu.memory_space<hbm>>
    tpu.wait_indirect_dma semaphore(%arg14 : memref<!tpu.dma_semaphore, #tpu.memory_space<semaphore_mem>>) src(%dma_wait3A_284 : memref<8192x144xf32, #tpu.memory_space<hbm>>) dst(%arg10 : memref<128x144xf32, #tpu.memory_space<vmem>>)
    %add3A_285 = arith.constant 15 : i32
    %add3A_286 = arith.addi %mul3A_2, %add3A_285 : i32
    %mul3A_287 = arith.constant 128 : i32
    %mul3A_288 = arith.muli %add3A_286, %mul3A_287 : i32
    "tpu.region"() ({
      %run_scoped3A = tpu.sem_alloc : memref<!tpu.dma_semaphore, #tpu.memory_space<semaphore_mem>>
      %dma_start3A_577 = arith.constant 0 : i32
      %dma_start3A_578 = tpu.memref_slice %arg6[%mul3A_288, %dma_start3A_577] : memref<65536x144xf32, #tpu.memory_space<hbm>> -> memref<128x144xf32, #tpu.memory_space<hbm>>
      %dma_start3A_579 = arith.constant 0 : i32
      %dma_start3A_580 = tpu.memref_slice %arg6[%mul3A_288, %dma_start3A_579] : memref<65536x144xf32, #tpu.memory_space<hbm>> -> memref<128x144xf32, #tpu.memory_space<hbm>>
      tpu.enqueue_dma source(%arg10 : memref<128x144xf32, #tpu.memory_space<vmem>>) target(%dma_start3A_580 : memref<128x144xf32, #tpu.memory_space<hbm>>) target_semaphore(%run_scoped3A : memref<!tpu.dma_semaphore, #tpu.memory_space<semaphore_mem>>)
      %dma_wait3A_581 = arith.constant 0 : i32
      %dma_wait3A_582 = tpu.memref_slice %arg6[%mul3A_288, %dma_wait3A_581] : memref<65536x144xf32, #tpu.memory_space<hbm>> -> memref<128x144xf32, #tpu.memory_space<hbm>>
      %dma_wait3A_583 = arith.constant 0 : i32
      %dma_wait3A_584 = tpu.memref_slice %arg6[%mul3A_288, %dma_wait3A_583] : memref<65536x144xf32, #tpu.memory_space<hbm>> -> memref<128x144xf32, #tpu.memory_space<hbm>>
      tpu.wait_dma2 semaphore(%run_scoped3A : memref<!tpu.dma_semaphore, #tpu.memory_space<semaphore_mem>>) src(%arg10 : memref<128x144xf32, #tpu.memory_space<vmem>>) dst(%dma_wait3A_584 : memref<128x144xf32, #tpu.memory_space<hbm>>)
      tpu.yield
    }) : () -> ()
    "tpu.region"() ({
      %run_scoped3A = tpu.sem_alloc : memref<!tpu.dma_semaphore, #tpu.memory_space<semaphore_mem>>
      %dma_start3A_577 = arith.constant 0 : i32
      %dma_start3A_578 = tpu.memref_slice %arg5[%mul3A_2, %dma_start3A_577] : memref<512x128xi32, #tpu.memory_space<hbm>> -> memref<16x128xi32, #tpu.memory_space<hbm>>
      %dma_start3A_579 = arith.constant 0 : i32
      %dma_start3A_580 = tpu.memref_slice %arg5[%mul3A_2, %dma_start3A_579] : memref<512x128xi32, #tpu.memory_space<hbm>> -> memref<16x128xi32, #tpu.memory_space<hbm>>
      tpu.enqueue_dma source(%dma_start3A_580 : memref<16x128xi32, #tpu.memory_space<hbm>>) target(%arg8 : memref<16x128xi32, #tpu.memory_space<vmem>>) target_semaphore(%run_scoped3A : memref<!tpu.dma_semaphore, #tpu.memory_space<semaphore_mem>>)
      %dma_wait3A_581 = arith.constant 0 : i32
      %dma_wait3A_582 = tpu.memref_slice %arg5[%mul3A_2, %dma_wait3A_581] : memref<512x128xi32, #tpu.memory_space<hbm>> -> memref<16x128xi32, #tpu.memory_space<hbm>>
      %dma_wait3A_583 = arith.constant 0 : i32
      %dma_wait3A_584 = tpu.memref_slice %arg5[%mul3A_2, %dma_wait3A_583] : memref<512x128xi32, #tpu.memory_space<hbm>> -> memref<16x128xi32, #tpu.memory_space<hbm>>
      tpu.wait_dma2 semaphore(%run_scoped3A : memref<!tpu.dma_semaphore, #tpu.memory_space<semaphore_mem>>) src(%dma_wait3A_584 : memref<16x128xi32, #tpu.memory_space<hbm>>) dst(%arg8 : memref<16x128xi32, #tpu.memory_space<vmem>>)
      tpu.yield
    }) : () -> ()
    %dma_start3A_289 = arith.constant 0 : i32
    %dma_start3A_290 = arith.constant 0 : i32
    %dma_start3A_291 = tpu.memref_slice %arg8[%dma_start3A_289, %dma_start3A_290] : memref<16x128xi32, #tpu.memory_space<vmem>> -> memref<1x128xi32, #tpu.memory_space<vmem>>
    %dma_start3A_292 = tpu.memref_squeeze %dma_start3A_291 : memref<1x128xi32, #tpu.memory_space<vmem>> -> memref<128xi32, #tpu.memory_space<vmem>>
    %dma_start3A_293 = arith.constant 0 : i32
    %dma_start3A_294 = arith.constant 0 : i32
    %dma_start3A_295 = tpu.memref_slice %arg4[%dma_start3A_293, %dma_start3A_294] : memref<8192x16xf32, #tpu.memory_space<hbm>> -> memref<8192x16xf32, #tpu.memory_space<hbm>>
    tpu.enqueue_indirect_dma source(%dma_start3A_295 : memref<8192x16xf32, #tpu.memory_space<hbm>>) target(%arg11 : memref<128x16xf32, #tpu.memory_space<vmem>>) offsets(%dma_start3A_292 : memref<128xi32, #tpu.memory_space<vmem>>) semaphore(%arg13 : memref<!tpu.dma_semaphore, #tpu.memory_space<semaphore_mem>>)
    %dma_start3A_296 = arith.constant 1 : i32
    %dma_start3A_297 = arith.constant 0 : i32
    %dma_start3A_298 = tpu.memref_slice %arg8[%dma_start3A_296, %dma_start3A_297] : memref<16x128xi32, #tpu.memory_space<vmem>> -> memref<1x128xi32, #tpu.memory_space<vmem>>
    %dma_start3A_299 = tpu.memref_squeeze %dma_start3A_298 : memref<1x128xi32, #tpu.memory_space<vmem>> -> memref<128xi32, #tpu.memory_space<vmem>>
    %dma_start3A_300 = arith.constant 0 : i32
    %dma_start3A_301 = arith.constant 0 : i32
    %dma_start3A_302 = tpu.memref_slice %arg4[%dma_start3A_300, %dma_start3A_301] : memref<8192x16xf32, #tpu.memory_space<hbm>> -> memref<8192x16xf32, #tpu.memory_space<hbm>>
    tpu.enqueue_indirect_dma source(%dma_start3A_302 : memref<8192x16xf32, #tpu.memory_space<hbm>>) target(%arg12 : memref<128x16xf32, #tpu.memory_space<vmem>>) offsets(%dma_start3A_299 : memref<128xi32, #tpu.memory_space<vmem>>) semaphore(%arg14 : memref<!tpu.dma_semaphore, #tpu.memory_space<semaphore_mem>>)
    %dma_wait3A_303 = arith.constant 0 : i32
    %dma_wait3A_304 = arith.constant 0 : i32
    %dma_wait3A_305 = tpu.memref_slice %arg8[%dma_wait3A_303, %dma_wait3A_304] : memref<16x128xi32, #tpu.memory_space<vmem>> -> memref<1x128xi32, #tpu.memory_space<vmem>>
    %dma_wait3A_306 = tpu.memref_squeeze %dma_wait3A_305 : memref<1x128xi32, #tpu.memory_space<vmem>> -> memref<128xi32, #tpu.memory_space<vmem>>
    %dma_wait3A_307 = arith.constant 0 : i32
    %dma_wait3A_308 = arith.constant 0 : i32
    %dma_wait3A_309 = tpu.memref_slice %arg4[%dma_wait3A_307, %dma_wait3A_308] : memref<8192x16xf32, #tpu.memory_space<hbm>> -> memref<8192x16xf32, #tpu.memory_space<hbm>>
    tpu.wait_indirect_dma semaphore(%arg13 : memref<!tpu.dma_semaphore, #tpu.memory_space<semaphore_mem>>) src(%dma_wait3A_309 : memref<8192x16xf32, #tpu.memory_space<hbm>>) dst(%arg11 : memref<128x16xf32, #tpu.memory_space<vmem>>)
    %add3A_310 = arith.constant 0 : i32
    %add3A_311 = arith.addi %mul3A_2, %add3A_310 : i32
    %mul3A_312 = arith.constant 128 : i32
    %mul3A_313 = arith.muli %add3A_311, %mul3A_312 : i32
    "tpu.region"() ({
      %run_scoped3A = tpu.sem_alloc : memref<!tpu.dma_semaphore, #tpu.memory_space<semaphore_mem>>
      %dma_start3A_577 = arith.constant 0 : i32
      %dma_start3A_578 = tpu.memref_slice %arg7[%mul3A_313, %dma_start3A_577] : memref<65536x16xf32, #tpu.memory_space<hbm>> -> memref<128x16xf32, #tpu.memory_space<hbm>>
      %dma_start3A_579 = arith.constant 0 : i32
      %dma_start3A_580 = tpu.memref_slice %arg7[%mul3A_313, %dma_start3A_579] : memref<65536x16xf32, #tpu.memory_space<hbm>> -> memref<128x16xf32, #tpu.memory_space<hbm>>
      tpu.enqueue_dma source(%arg11 : memref<128x16xf32, #tpu.memory_space<vmem>>) target(%dma_start3A_580 : memref<128x16xf32, #tpu.memory_space<hbm>>) target_semaphore(%run_scoped3A : memref<!tpu.dma_semaphore, #tpu.memory_space<semaphore_mem>>)
      %dma_wait3A_581 = arith.constant 0 : i32
      %dma_wait3A_582 = tpu.memref_slice %arg7[%mul3A_313, %dma_wait3A_581] : memref<65536x16xf32, #tpu.memory_space<hbm>> -> memref<128x16xf32, #tpu.memory_space<hbm>>
      %dma_wait3A_583 = arith.constant 0 : i32
      %dma_wait3A_584 = tpu.memref_slice %arg7[%mul3A_313, %dma_wait3A_583] : memref<65536x16xf32, #tpu.memory_space<hbm>> -> memref<128x16xf32, #tpu.memory_space<hbm>>
      tpu.wait_dma2 semaphore(%run_scoped3A : memref<!tpu.dma_semaphore, #tpu.memory_space<semaphore_mem>>) src(%arg11 : memref<128x16xf32, #tpu.memory_space<vmem>>) dst(%dma_wait3A_584 : memref<128x16xf32, #tpu.memory_space<hbm>>)
      tpu.yield
    }) : () -> ()
    %dma_start3A_314 = arith.constant 2 : i32
    %dma_start3A_315 = arith.constant 0 : i32
    %dma_start3A_316 = tpu.memref_slice %arg8[%dma_start3A_314, %dma_start3A_315] : memref<16x128xi32, #tpu.memory_space<vmem>> -> memref<1x128xi32, #tpu.memory_space<vmem>>
    %dma_start3A_317 = tpu.memref_squeeze %dma_start3A_316 : memref<1x128xi32, #tpu.memory_space<vmem>> -> memref<128xi32, #tpu.memory_space<vmem>>
    %dma_start3A_318 = arith.constant 0 : i32
    %dma_start3A_319 = arith.constant 0 : i32
    %dma_start3A_320 = tpu.memref_slice %arg4[%dma_start3A_318, %dma_start3A_319] : memref<8192x16xf32, #tpu.memory_space<hbm>> -> memref<8192x16xf32, #tpu.memory_space<hbm>>
    tpu.enqueue_indirect_dma source(%dma_start3A_320 : memref<8192x16xf32, #tpu.memory_space<hbm>>) target(%arg11 : memref<128x16xf32, #tpu.memory_space<vmem>>) offsets(%dma_start3A_317 : memref<128xi32, #tpu.memory_space<vmem>>) semaphore(%arg13 : memref<!tpu.dma_semaphore, #tpu.memory_space<semaphore_mem>>)
    %dma_wait3A_321 = arith.constant 1 : i32
    %dma_wait3A_322 = arith.constant 0 : i32
    %dma_wait3A_323 = tpu.memref_slice %arg8[%dma_wait3A_321, %dma_wait3A_322] : memref<16x128xi32, #tpu.memory_space<vmem>> -> memref<1x128xi32, #tpu.memory_space<vmem>>
    %dma_wait3A_324 = tpu.memref_squeeze %dma_wait3A_323 : memref<1x128xi32, #tpu.memory_space<vmem>> -> memref<128xi32, #tpu.memory_space<vmem>>
    %dma_wait3A_325 = arith.constant 0 : i32
    %dma_wait3A_326 = arith.constant 0 : i32
    %dma_wait3A_327 = tpu.memref_slice %arg4[%dma_wait3A_325, %dma_wait3A_326] : memref<8192x16xf32, #tpu.memory_space<hbm>> -> memref<8192x16xf32, #tpu.memory_space<hbm>>
    tpu.wait_indirect_dma semaphore(%arg14 : memref<!tpu.dma_semaphore, #tpu.memory_space<semaphore_mem>>) src(%dma_wait3A_327 : memref<8192x16xf32, #tpu.memory_space<hbm>>) dst(%arg12 : memref<128x16xf32, #tpu.memory_space<vmem>>)
    %add3A_328 = arith.constant 1 : i32
    %add3A_329 = arith.addi %mul3A_2, %add3A_328 : i32
    %mul3A_330 = arith.constant 128 : i32
    %mul3A_331 = arith.muli %add3A_329, %mul3A_330 : i32
    "tpu.region"() ({
      %run_scoped3A = tpu.sem_alloc : memref<!tpu.dma_semaphore, #tpu.memory_space<semaphore_mem>>
      %dma_start3A_577 = arith.constant 0 : i32
      %dma_start3A_578 = tpu.memref_slice %arg7[%mul3A_331, %dma_start3A_577] : memref<65536x16xf32, #tpu.memory_space<hbm>> -> memref<128x16xf32, #tpu.memory_space<hbm>>
      %dma_start3A_579 = arith.constant 0 : i32
      %dma_start3A_580 = tpu.memref_slice %arg7[%mul3A_331, %dma_start3A_579] : memref<65536x16xf32, #tpu.memory_space<hbm>> -> memref<128x16xf32, #tpu.memory_space<hbm>>
      tpu.enqueue_dma source(%arg12 : memref<128x16xf32, #tpu.memory_space<vmem>>) target(%dma_start3A_580 : memref<128x16xf32, #tpu.memory_space<hbm>>) target_semaphore(%run_scoped3A : memref<!tpu.dma_semaphore, #tpu.memory_space<semaphore_mem>>)
      %dma_wait3A_581 = arith.constant 0 : i32
      %dma_wait3A_582 = tpu.memref_slice %arg7[%mul3A_331, %dma_wait3A_581] : memref<65536x16xf32, #tpu.memory_space<hbm>> -> memref<128x16xf32, #tpu.memory_space<hbm>>
      %dma_wait3A_583 = arith.constant 0 : i32
      %dma_wait3A_584 = tpu.memref_slice %arg7[%mul3A_331, %dma_wait3A_583] : memref<65536x16xf32, #tpu.memory_space<hbm>> -> memref<128x16xf32, #tpu.memory_space<hbm>>
      tpu.wait_dma2 semaphore(%run_scoped3A : memref<!tpu.dma_semaphore, #tpu.memory_space<semaphore_mem>>) src(%arg12 : memref<128x16xf32, #tpu.memory_space<vmem>>) dst(%dma_wait3A_584 : memref<128x16xf32, #tpu.memory_space<hbm>>)
      tpu.yield
    }) : () -> ()
    %dma_start3A_332 = arith.constant 3 : i32
    %dma_start3A_333 = arith.constant 0 : i32
    %dma_start3A_334 = tpu.memref_slice %arg8[%dma_start3A_332, %dma_start3A_333] : memref<16x128xi32, #tpu.memory_space<vmem>> -> memref<1x128xi32, #tpu.memory_space<vmem>>
    %dma_start3A_335 = tpu.memref_squeeze %dma_start3A_334 : memref<1x128xi32, #tpu.memory_space<vmem>> -> memref<128xi32, #tpu.memory_space<vmem>>
    %dma_start3A_336 = arith.constant 0 : i32
    %dma_start3A_337 = arith.constant 0 : i32
    %dma_start3A_338 = tpu.memref_slice %arg4[%dma_start3A_336, %dma_start3A_337] : memref<8192x16xf32, #tpu.memory_space<hbm>> -> memref<8192x16xf32, #tpu.memory_space<hbm>>
    tpu.enqueue_indirect_dma source(%dma_start3A_338 : memref<8192x16xf32, #tpu.memory_space<hbm>>) target(%arg12 : memref<128x16xf32, #tpu.memory_space<vmem>>) offsets(%dma_start3A_335 : memref<128xi32, #tpu.memory_space<vmem>>) semaphore(%arg14 : memref<!tpu.dma_semaphore, #tpu.memory_space<semaphore_mem>>)
    %dma_wait3A_339 = arith.constant 2 : i32
    %dma_wait3A_340 = arith.constant 0 : i32
    %dma_wait3A_341 = tpu.memref_slice %arg8[%dma_wait3A_339, %dma_wait3A_340] : memref<16x128xi32, #tpu.memory_space<vmem>> -> memref<1x128xi32, #tpu.memory_space<vmem>>
    %dma_wait3A_342 = tpu.memref_squeeze %dma_wait3A_341 : memref<1x128xi32, #tpu.memory_space<vmem>> -> memref<128xi32, #tpu.memory_space<vmem>>
    %dma_wait3A_343 = arith.constant 0 : i32
    %dma_wait3A_344 = arith.constant 0 : i32
    %dma_wait3A_345 = tpu.memref_slice %arg4[%dma_wait3A_343, %dma_wait3A_344] : memref<8192x16xf32, #tpu.memory_space<hbm>> -> memref<8192x16xf32, #tpu.memory_space<hbm>>
    tpu.wait_indirect_dma semaphore(%arg13 : memref<!tpu.dma_semaphore, #tpu.memory_space<semaphore_mem>>) src(%dma_wait3A_345 : memref<8192x16xf32, #tpu.memory_space<hbm>>) dst(%arg11 : memref<128x16xf32, #tpu.memory_space<vmem>>)
    %add3A_346 = arith.constant 2 : i32
    %add3A_347 = arith.addi %mul3A_2, %add3A_346 : i32
    %mul3A_348 = arith.constant 128 : i32
    %mul3A_349 = arith.muli %add3A_347, %mul3A_348 : i32
    "tpu.region"() ({
      %run_scoped3A = tpu.sem_alloc : memref<!tpu.dma_semaphore, #tpu.memory_space<semaphore_mem>>
      %dma_start3A_577 = arith.constant 0 : i32
      %dma_start3A_578 = tpu.memref_slice %arg7[%mul3A_349, %dma_start3A_577] : memref<65536x16xf32, #tpu.memory_space<hbm>> -> memref<128x16xf32, #tpu.memory_space<hbm>>
      %dma_start3A_579 = arith.constant 0 : i32
      %dma_start3A_580 = tpu.memref_slice %arg7[%mul3A_349, %dma_start3A_579] : memref<65536x16xf32, #tpu.memory_space<hbm>> -> memref<128x16xf32, #tpu.memory_space<hbm>>
      tpu.enqueue_dma source(%arg11 : memref<128x16xf32, #tpu.memory_space<vmem>>) target(%dma_start3A_580 : memref<128x16xf32, #tpu.memory_space<hbm>>) target_semaphore(%run_scoped3A : memref<!tpu.dma_semaphore, #tpu.memory_space<semaphore_mem>>)
      %dma_wait3A_581 = arith.constant 0 : i32
      %dma_wait3A_582 = tpu.memref_slice %arg7[%mul3A_349, %dma_wait3A_581] : memref<65536x16xf32, #tpu.memory_space<hbm>> -> memref<128x16xf32, #tpu.memory_space<hbm>>
      %dma_wait3A_583 = arith.constant 0 : i32
      %dma_wait3A_584 = tpu.memref_slice %arg7[%mul3A_349, %dma_wait3A_583] : memref<65536x16xf32, #tpu.memory_space<hbm>> -> memref<128x16xf32, #tpu.memory_space<hbm>>
      tpu.wait_dma2 semaphore(%run_scoped3A : memref<!tpu.dma_semaphore, #tpu.memory_space<semaphore_mem>>) src(%arg11 : memref<128x16xf32, #tpu.memory_space<vmem>>) dst(%dma_wait3A_584 : memref<128x16xf32, #tpu.memory_space<hbm>>)
      tpu.yield
    }) : () -> ()
    %dma_start3A_350 = arith.constant 4 : i32
    %dma_start3A_351 = arith.constant 0 : i32
    %dma_start3A_352 = tpu.memref_slice %arg8[%dma_start3A_350, %dma_start3A_351] : memref<16x128xi32, #tpu.memory_space<vmem>> -> memref<1x128xi32, #tpu.memory_space<vmem>>
    %dma_start3A_353 = tpu.memref_squeeze %dma_start3A_352 : memref<1x128xi32, #tpu.memory_space<vmem>> -> memref<128xi32, #tpu.memory_space<vmem>>
    %dma_start3A_354 = arith.constant 0 : i32
    %dma_start3A_355 = arith.constant 0 : i32
    %dma_start3A_356 = tpu.memref_slice %arg4[%dma_start3A_354, %dma_start3A_355] : memref<8192x16xf32, #tpu.memory_space<hbm>> -> memref<8192x16xf32, #tpu.memory_space<hbm>>
    tpu.enqueue_indirect_dma source(%dma_start3A_356 : memref<8192x16xf32, #tpu.memory_space<hbm>>) target(%arg11 : memref<128x16xf32, #tpu.memory_space<vmem>>) offsets(%dma_start3A_353 : memref<128xi32, #tpu.memory_space<vmem>>) semaphore(%arg13 : memref<!tpu.dma_semaphore, #tpu.memory_space<semaphore_mem>>)
    %dma_wait3A_357 = arith.constant 3 : i32
    %dma_wait3A_358 = arith.constant 0 : i32
    %dma_wait3A_359 = tpu.memref_slice %arg8[%dma_wait3A_357, %dma_wait3A_358] : memref<16x128xi32, #tpu.memory_space<vmem>> -> memref<1x128xi32, #tpu.memory_space<vmem>>
    %dma_wait3A_360 = tpu.memref_squeeze %dma_wait3A_359 : memref<1x128xi32, #tpu.memory_space<vmem>> -> memref<128xi32, #tpu.memory_space<vmem>>
    %dma_wait3A_361 = arith.constant 0 : i32
    %dma_wait3A_362 = arith.constant 0 : i32
    %dma_wait3A_363 = tpu.memref_slice %arg4[%dma_wait3A_361, %dma_wait3A_362] : memref<8192x16xf32, #tpu.memory_space<hbm>> -> memref<8192x16xf32, #tpu.memory_space<hbm>>
    tpu.wait_indirect_dma semaphore(%arg14 : memref<!tpu.dma_semaphore, #tpu.memory_space<semaphore_mem>>) src(%dma_wait3A_363 : memref<8192x16xf32, #tpu.memory_space<hbm>>) dst(%arg12 : memref<128x16xf32, #tpu.memory_space<vmem>>)
    %add3A_364 = arith.constant 3 : i32
    %add3A_365 = arith.addi %mul3A_2, %add3A_364 : i32
    %mul3A_366 = arith.constant 128 : i32
    %mul3A_367 = arith.muli %add3A_365, %mul3A_366 : i32
    "tpu.region"() ({
      %run_scoped3A = tpu.sem_alloc : memref<!tpu.dma_semaphore, #tpu.memory_space<semaphore_mem>>
      %dma_start3A_577 = arith.constant 0 : i32
      %dma_start3A_578 = tpu.memref_slice %arg7[%mul3A_367, %dma_start3A_577] : memref<65536x16xf32, #tpu.memory_space<hbm>> -> memref<128x16xf32, #tpu.memory_space<hbm>>
      %dma_start3A_579 = arith.constant 0 : i32
      %dma_start3A_580 = tpu.memref_slice %arg7[%mul3A_367, %dma_start3A_579] : memref<65536x16xf32, #tpu.memory_space<hbm>> -> memref<128x16xf32, #tpu.memory_space<hbm>>
      tpu.enqueue_dma source(%arg12 : memref<128x16xf32, #tpu.memory_space<vmem>>) target(%dma_start3A_580 : memref<128x16xf32, #tpu.memory_space<hbm>>) target_semaphore(%run_scoped3A : memref<!tpu.dma_semaphore, #tpu.memory_space<semaphore_mem>>)
      %dma_wait3A_581 = arith.constant 0 : i32
      %dma_wait3A_582 = tpu.memref_slice %arg7[%mul3A_367, %dma_wait3A_581] : memref<65536x16xf32, #tpu.memory_space<hbm>> -> memref<128x16xf32, #tpu.memory_space<hbm>>
      %dma_wait3A_583 = arith.constant 0 : i32
      %dma_wait3A_584 = tpu.memref_slice %arg7[%mul3A_367, %dma_wait3A_583] : memref<65536x16xf32, #tpu.memory_space<hbm>> -> memref<128x16xf32, #tpu.memory_space<hbm>>
      tpu.wait_dma2 semaphore(%run_scoped3A : memref<!tpu.dma_semaphore, #tpu.memory_space<semaphore_mem>>) src(%arg12 : memref<128x16xf32, #tpu.memory_space<vmem>>) dst(%dma_wait3A_584 : memref<128x16xf32, #tpu.memory_space<hbm>>)
      tpu.yield
    }) : () -> ()
    %dma_start3A_368 = arith.constant 5 : i32
    %dma_start3A_369 = arith.constant 0 : i32
    %dma_start3A_370 = tpu.memref_slice %arg8[%dma_start3A_368, %dma_start3A_369] : memref<16x128xi32, #tpu.memory_space<vmem>> -> memref<1x128xi32, #tpu.memory_space<vmem>>
    %dma_start3A_371 = tpu.memref_squeeze %dma_start3A_370 : memref<1x128xi32, #tpu.memory_space<vmem>> -> memref<128xi32, #tpu.memory_space<vmem>>
    %dma_start3A_372 = arith.constant 0 : i32
    %dma_start3A_373 = arith.constant 0 : i32
    %dma_start3A_374 = tpu.memref_slice %arg4[%dma_start3A_372, %dma_start3A_373] : memref<8192x16xf32, #tpu.memory_space<hbm>> -> memref<8192x16xf32, #tpu.memory_space<hbm>>
    tpu.enqueue_indirect_dma source(%dma_start3A_374 : memref<8192x16xf32, #tpu.memory_space<hbm>>) target(%arg12 : memref<128x16xf32, #tpu.memory_space<vmem>>) offsets(%dma_start3A_371 : memref<128xi32, #tpu.memory_space<vmem>>) semaphore(%arg14 : memref<!tpu.dma_semaphore, #tpu.memory_space<semaphore_mem>>)
    %dma_wait3A_375 = arith.constant 4 : i32
    %dma_wait3A_376 = arith.constant 0 : i32
    %dma_wait3A_377 = tpu.memref_slice %arg8[%dma_wait3A_375, %dma_wait3A_376] : memref<16x128xi32, #tpu.memory_space<vmem>> -> memref<1x128xi32, #tpu.memory_space<vmem>>
    %dma_wait3A_378 = tpu.memref_squeeze %dma_wait3A_377 : memref<1x128xi32, #tpu.memory_space<vmem>> -> memref<128xi32, #tpu.memory_space<vmem>>
    %dma_wait3A_379 = arith.constant 0 : i32
    %dma_wait3A_380 = arith.constant 0 : i32
    %dma_wait3A_381 = tpu.memref_slice %arg4[%dma_wait3A_379, %dma_wait3A_380] : memref<8192x16xf32, #tpu.memory_space<hbm>> -> memref<8192x16xf32, #tpu.memory_space<hbm>>
    tpu.wait_indirect_dma semaphore(%arg13 : memref<!tpu.dma_semaphore, #tpu.memory_space<semaphore_mem>>) src(%dma_wait3A_381 : memref<8192x16xf32, #tpu.memory_space<hbm>>) dst(%arg11 : memref<128x16xf32, #tpu.memory_space<vmem>>)
    %add3A_382 = arith.constant 4 : i32
    %add3A_383 = arith.addi %mul3A_2, %add3A_382 : i32
    %mul3A_384 = arith.constant 128 : i32
    %mul3A_385 = arith.muli %add3A_383, %mul3A_384 : i32
    "tpu.region"() ({
      %run_scoped3A = tpu.sem_alloc : memref<!tpu.dma_semaphore, #tpu.memory_space<semaphore_mem>>
      %dma_start3A_577 = arith.constant 0 : i32
      %dma_start3A_578 = tpu.memref_slice %arg7[%mul3A_385, %dma_start3A_577] : memref<65536x16xf32, #tpu.memory_space<hbm>> -> memref<128x16xf32, #tpu.memory_space<hbm>>
      %dma_start3A_579 = arith.constant 0 : i32
      %dma_start3A_580 = tpu.memref_slice %arg7[%mul3A_385, %dma_start3A_579] : memref<65536x16xf32, #tpu.memory_space<hbm>> -> memref<128x16xf32, #tpu.memory_space<hbm>>
      tpu.enqueue_dma source(%arg11 : memref<128x16xf32, #tpu.memory_space<vmem>>) target(%dma_start3A_580 : memref<128x16xf32, #tpu.memory_space<hbm>>) target_semaphore(%run_scoped3A : memref<!tpu.dma_semaphore, #tpu.memory_space<semaphore_mem>>)
      %dma_wait3A_581 = arith.constant 0 : i32
      %dma_wait3A_582 = tpu.memref_slice %arg7[%mul3A_385, %dma_wait3A_581] : memref<65536x16xf32, #tpu.memory_space<hbm>> -> memref<128x16xf32, #tpu.memory_space<hbm>>
      %dma_wait3A_583 = arith.constant 0 : i32
      %dma_wait3A_584 = tpu.memref_slice %arg7[%mul3A_385, %dma_wait3A_583] : memref<65536x16xf32, #tpu.memory_space<hbm>> -> memref<128x16xf32, #tpu.memory_space<hbm>>
      tpu.wait_dma2 semaphore(%run_scoped3A : memref<!tpu.dma_semaphore, #tpu.memory_space<semaphore_mem>>) src(%arg11 : memref<128x16xf32, #tpu.memory_space<vmem>>) dst(%dma_wait3A_584 : memref<128x16xf32, #tpu.memory_space<hbm>>)
      tpu.yield
    }) : () -> ()
    %dma_start3A_386 = arith.constant 6 : i32
    %dma_start3A_387 = arith.constant 0 : i32
    %dma_start3A_388 = tpu.memref_slice %arg8[%dma_start3A_386, %dma_start3A_387] : memref<16x128xi32, #tpu.memory_space<vmem>> -> memref<1x128xi32, #tpu.memory_space<vmem>>
    %dma_start3A_389 = tpu.memref_squeeze %dma_start3A_388 : memref<1x128xi32, #tpu.memory_space<vmem>> -> memref<128xi32, #tpu.memory_space<vmem>>
    %dma_start3A_390 = arith.constant 0 : i32
    %dma_start3A_391 = arith.constant 0 : i32
    %dma_start3A_392 = tpu.memref_slice %arg4[%dma_start3A_390, %dma_start3A_391] : memref<8192x16xf32, #tpu.memory_space<hbm>> -> memref<8192x16xf32, #tpu.memory_space<hbm>>
    tpu.enqueue_indirect_dma source(%dma_start3A_392 : memref<8192x16xf32, #tpu.memory_space<hbm>>) target(%arg11 : memref<128x16xf32, #tpu.memory_space<vmem>>) offsets(%dma_start3A_389 : memref<128xi32, #tpu.memory_space<vmem>>) semaphore(%arg13 : memref<!tpu.dma_semaphore, #tpu.memory_space<semaphore_mem>>)
    %dma_wait3A_393 = arith.constant 5 : i32
    %dma_wait3A_394 = arith.constant 0 : i32
    %dma_wait3A_395 = tpu.memref_slice %arg8[%dma_wait3A_393, %dma_wait3A_394] : memref<16x128xi32, #tpu.memory_space<vmem>> -> memref<1x128xi32, #tpu.memory_space<vmem>>
    %dma_wait3A_396 = tpu.memref_squeeze %dma_wait3A_395 : memref<1x128xi32, #tpu.memory_space<vmem>> -> memref<128xi32, #tpu.memory_space<vmem>>
    %dma_wait3A_397 = arith.constant 0 : i32
    %dma_wait3A_398 = arith.constant 0 : i32
    %dma_wait3A_399 = tpu.memref_slice %arg4[%dma_wait3A_397, %dma_wait3A_398] : memref<8192x16xf32, #tpu.memory_space<hbm>> -> memref<8192x16xf32, #tpu.memory_space<hbm>>
    tpu.wait_indirect_dma semaphore(%arg14 : memref<!tpu.dma_semaphore, #tpu.memory_space<semaphore_mem>>) src(%dma_wait3A_399 : memref<8192x16xf32, #tpu.memory_space<hbm>>) dst(%arg12 : memref<128x16xf32, #tpu.memory_space<vmem>>)
    %add3A_400 = arith.constant 5 : i32
    %add3A_401 = arith.addi %mul3A_2, %add3A_400 : i32
    %mul3A_402 = arith.constant 128 : i32
    %mul3A_403 = arith.muli %add3A_401, %mul3A_402 : i32
    "tpu.region"() ({
      %run_scoped3A = tpu.sem_alloc : memref<!tpu.dma_semaphore, #tpu.memory_space<semaphore_mem>>
      %dma_start3A_577 = arith.constant 0 : i32
      %dma_start3A_578 = tpu.memref_slice %arg7[%mul3A_403, %dma_start3A_577] : memref<65536x16xf32, #tpu.memory_space<hbm>> -> memref<128x16xf32, #tpu.memory_space<hbm>>
      %dma_start3A_579 = arith.constant 0 : i32
      %dma_start3A_580 = tpu.memref_slice %arg7[%mul3A_403, %dma_start3A_579] : memref<65536x16xf32, #tpu.memory_space<hbm>> -> memref<128x16xf32, #tpu.memory_space<hbm>>
      tpu.enqueue_dma source(%arg12 : memref<128x16xf32, #tpu.memory_space<vmem>>) target(%dma_start3A_580 : memref<128x16xf32, #tpu.memory_space<hbm>>) target_semaphore(%run_scoped3A : memref<!tpu.dma_semaphore, #tpu.memory_space<semaphore_mem>>)
      %dma_wait3A_581 = arith.constant 0 : i32
      %dma_wait3A_582 = tpu.memref_slice %arg7[%mul3A_403, %dma_wait3A_581] : memref<65536x16xf32, #tpu.memory_space<hbm>> -> memref<128x16xf32, #tpu.memory_space<hbm>>
      %dma_wait3A_583 = arith.constant 0 : i32
      %dma_wait3A_584 = tpu.memref_slice %arg7[%mul3A_403, %dma_wait3A_583] : memref<65536x16xf32, #tpu.memory_space<hbm>> -> memref<128x16xf32, #tpu.memory_space<hbm>>
      tpu.wait_dma2 semaphore(%run_scoped3A : memref<!tpu.dma_semaphore, #tpu.memory_space<semaphore_mem>>) src(%arg12 : memref<128x16xf32, #tpu.memory_space<vmem>>) dst(%dma_wait3A_584 : memref<128x16xf32, #tpu.memory_space<hbm>>)
      tpu.yield
    }) : () -> ()
    %dma_start3A_404 = arith.constant 7 : i32
    %dma_start3A_405 = arith.constant 0 : i32
    %dma_start3A_406 = tpu.memref_slice %arg8[%dma_start3A_404, %dma_start3A_405] : memref<16x128xi32, #tpu.memory_space<vmem>> -> memref<1x128xi32, #tpu.memory_space<vmem>>
    %dma_start3A_407 = tpu.memref_squeeze %dma_start3A_406 : memref<1x128xi32, #tpu.memory_space<vmem>> -> memref<128xi32, #tpu.memory_space<vmem>>
    %dma_start3A_408 = arith.constant 0 : i32
    %dma_start3A_409 = arith.constant 0 : i32
    %dma_start3A_410 = tpu.memref_slice %arg4[%dma_start3A_408, %dma_start3A_409] : memref<8192x16xf32, #tpu.memory_space<hbm>> -> memref<8192x16xf32, #tpu.memory_space<hbm>>
    tpu.enqueue_indirect_dma source(%dma_start3A_410 : memref<8192x16xf32, #tpu.memory_space<hbm>>) target(%arg12 : memref<128x16xf32, #tpu.memory_space<vmem>>) offsets(%dma_start3A_407 : memref<128xi32, #tpu.memory_space<vmem>>) semaphore(%arg14 : memref<!tpu.dma_semaphore, #tpu.memory_space<semaphore_mem>>)
    %dma_wait3A_411 = arith.constant 6 : i32
    %dma_wait3A_412 = arith.constant 0 : i32
    %dma_wait3A_413 = tpu.memref_slice %arg8[%dma_wait3A_411, %dma_wait3A_412] : memref<16x128xi32, #tpu.memory_space<vmem>> -> memref<1x128xi32, #tpu.memory_space<vmem>>
    %dma_wait3A_414 = tpu.memref_squeeze %dma_wait3A_413 : memref<1x128xi32, #tpu.memory_space<vmem>> -> memref<128xi32, #tpu.memory_space<vmem>>
    %dma_wait3A_415 = arith.constant 0 : i32
    %dma_wait3A_416 = arith.constant 0 : i32
    %dma_wait3A_417 = tpu.memref_slice %arg4[%dma_wait3A_415, %dma_wait3A_416] : memref<8192x16xf32, #tpu.memory_space<hbm>> -> memref<8192x16xf32, #tpu.memory_space<hbm>>
    tpu.wait_indirect_dma semaphore(%arg13 : memref<!tpu.dma_semaphore, #tpu.memory_space<semaphore_mem>>) src(%dma_wait3A_417 : memref<8192x16xf32, #tpu.memory_space<hbm>>) dst(%arg11 : memref<128x16xf32, #tpu.memory_space<vmem>>)
    %add3A_418 = arith.constant 6 : i32
    %add3A_419 = arith.addi %mul3A_2, %add3A_418 : i32
    %mul3A_420 = arith.constant 128 : i32
    %mul3A_421 = arith.muli %add3A_419, %mul3A_420 : i32
    "tpu.region"() ({
      %run_scoped3A = tpu.sem_alloc : memref<!tpu.dma_semaphore, #tpu.memory_space<semaphore_mem>>
      %dma_start3A_577 = arith.constant 0 : i32
      %dma_start3A_578 = tpu.memref_slice %arg7[%mul3A_421, %dma_start3A_577] : memref<65536x16xf32, #tpu.memory_space<hbm>> -> memref<128x16xf32, #tpu.memory_space<hbm>>
      %dma_start3A_579 = arith.constant 0 : i32
      %dma_start3A_580 = tpu.memref_slice %arg7[%mul3A_421, %dma_start3A_579] : memref<65536x16xf32, #tpu.memory_space<hbm>> -> memref<128x16xf32, #tpu.memory_space<hbm>>
      tpu.enqueue_dma source(%arg11 : memref<128x16xf32, #tpu.memory_space<vmem>>) target(%dma_start3A_580 : memref<128x16xf32, #tpu.memory_space<hbm>>) target_semaphore(%run_scoped3A : memref<!tpu.dma_semaphore, #tpu.memory_space<semaphore_mem>>)
      %dma_wait3A_581 = arith.constant 0 : i32
      %dma_wait3A_582 = tpu.memref_slice %arg7[%mul3A_421, %dma_wait3A_581] : memref<65536x16xf32, #tpu.memory_space<hbm>> -> memref<128x16xf32, #tpu.memory_space<hbm>>
      %dma_wait3A_583 = arith.constant 0 : i32
      %dma_wait3A_584 = tpu.memref_slice %arg7[%mul3A_421, %dma_wait3A_583] : memref<65536x16xf32, #tpu.memory_space<hbm>> -> memref<128x16xf32, #tpu.memory_space<hbm>>
      tpu.wait_dma2 semaphore(%run_scoped3A : memref<!tpu.dma_semaphore, #tpu.memory_space<semaphore_mem>>) src(%arg11 : memref<128x16xf32, #tpu.memory_space<vmem>>) dst(%dma_wait3A_584 : memref<128x16xf32, #tpu.memory_space<hbm>>)
      tpu.yield
    }) : () -> ()
    %dma_start3A_422 = arith.constant 8 : i32
    %dma_start3A_423 = arith.constant 0 : i32
    %dma_start3A_424 = tpu.memref_slice %arg8[%dma_start3A_422, %dma_start3A_423] : memref<16x128xi32, #tpu.memory_space<vmem>> -> memref<1x128xi32, #tpu.memory_space<vmem>>
    %dma_start3A_425 = tpu.memref_squeeze %dma_start3A_424 : memref<1x128xi32, #tpu.memory_space<vmem>> -> memref<128xi32, #tpu.memory_space<vmem>>
    %dma_start3A_426 = arith.constant 0 : i32
    %dma_start3A_427 = arith.constant 0 : i32
    %dma_start3A_428 = tpu.memref_slice %arg4[%dma_start3A_426, %dma_start3A_427] : memref<8192x16xf32, #tpu.memory_space<hbm>> -> memref<8192x16xf32, #tpu.memory_space<hbm>>
    tpu.enqueue_indirect_dma source(%dma_start3A_428 : memref<8192x16xf32, #tpu.memory_space<hbm>>) target(%arg11 : memref<128x16xf32, #tpu.memory_space<vmem>>) offsets(%dma_start3A_425 : memref<128xi32, #tpu.memory_space<vmem>>) semaphore(%arg13 : memref<!tpu.dma_semaphore, #tpu.memory_space<semaphore_mem>>)
    %dma_wait3A_429 = arith.constant 7 : i32
    %dma_wait3A_430 = arith.constant 0 : i32
    %dma_wait3A_431 = tpu.memref_slice %arg8[%dma_wait3A_429, %dma_wait3A_430] : memref<16x128xi32, #tpu.memory_space<vmem>> -> memref<1x128xi32, #tpu.memory_space<vmem>>
    %dma_wait3A_432 = tpu.memref_squeeze %dma_wait3A_431 : memref<1x128xi32, #tpu.memory_space<vmem>> -> memref<128xi32, #tpu.memory_space<vmem>>
    %dma_wait3A_433 = arith.constant 0 : i32
    %dma_wait3A_434 = arith.constant 0 : i32
    %dma_wait3A_435 = tpu.memref_slice %arg4[%dma_wait3A_433, %dma_wait3A_434] : memref<8192x16xf32, #tpu.memory_space<hbm>> -> memref<8192x16xf32, #tpu.memory_space<hbm>>
    tpu.wait_indirect_dma semaphore(%arg14 : memref<!tpu.dma_semaphore, #tpu.memory_space<semaphore_mem>>) src(%dma_wait3A_435 : memref<8192x16xf32, #tpu.memory_space<hbm>>) dst(%arg12 : memref<128x16xf32, #tpu.memory_space<vmem>>)
    %add3A_436 = arith.constant 7 : i32
    %add3A_437 = arith.addi %mul3A_2, %add3A_436 : i32
    %mul3A_438 = arith.constant 128 : i32
    %mul3A_439 = arith.muli %add3A_437, %mul3A_438 : i32
    "tpu.region"() ({
      %run_scoped3A = tpu.sem_alloc : memref<!tpu.dma_semaphore, #tpu.memory_space<semaphore_mem>>
      %dma_start3A_577 = arith.constant 0 : i32
      %dma_start3A_578 = tpu.memref_slice %arg7[%mul3A_439, %dma_start3A_577] : memref<65536x16xf32, #tpu.memory_space<hbm>> -> memref<128x16xf32, #tpu.memory_space<hbm>>
      %dma_start3A_579 = arith.constant 0 : i32
      %dma_start3A_580 = tpu.memref_slice %arg7[%mul3A_439, %dma_start3A_579] : memref<65536x16xf32, #tpu.memory_space<hbm>> -> memref<128x16xf32, #tpu.memory_space<hbm>>
      tpu.enqueue_dma source(%arg12 : memref<128x16xf32, #tpu.memory_space<vmem>>) target(%dma_start3A_580 : memref<128x16xf32, #tpu.memory_space<hbm>>) target_semaphore(%run_scoped3A : memref<!tpu.dma_semaphore, #tpu.memory_space<semaphore_mem>>)
      %dma_wait3A_581 = arith.constant 0 : i32
      %dma_wait3A_582 = tpu.memref_slice %arg7[%mul3A_439, %dma_wait3A_581] : memref<65536x16xf32, #tpu.memory_space<hbm>> -> memref<128x16xf32, #tpu.memory_space<hbm>>
      %dma_wait3A_583 = arith.constant 0 : i32
      %dma_wait3A_584 = tpu.memref_slice %arg7[%mul3A_439, %dma_wait3A_583] : memref<65536x16xf32, #tpu.memory_space<hbm>> -> memref<128x16xf32, #tpu.memory_space<hbm>>
      tpu.wait_dma2 semaphore(%run_scoped3A : memref<!tpu.dma_semaphore, #tpu.memory_space<semaphore_mem>>) src(%arg12 : memref<128x16xf32, #tpu.memory_space<vmem>>) dst(%dma_wait3A_584 : memref<128x16xf32, #tpu.memory_space<hbm>>)
      tpu.yield
    }) : () -> ()
    %dma_start3A_440 = arith.constant 9 : i32
    %dma_start3A_441 = arith.constant 0 : i32
    %dma_start3A_442 = tpu.memref_slice %arg8[%dma_start3A_440, %dma_start3A_441] : memref<16x128xi32, #tpu.memory_space<vmem>> -> memref<1x128xi32, #tpu.memory_space<vmem>>
    %dma_start3A_443 = tpu.memref_squeeze %dma_start3A_442 : memref<1x128xi32, #tpu.memory_space<vmem>> -> memref<128xi32, #tpu.memory_space<vmem>>
    %dma_start3A_444 = arith.constant 0 : i32
    %dma_start3A_445 = arith.constant 0 : i32
    %dma_start3A_446 = tpu.memref_slice %arg4[%dma_start3A_444, %dma_start3A_445] : memref<8192x16xf32, #tpu.memory_space<hbm>> -> memref<8192x16xf32, #tpu.memory_space<hbm>>
    tpu.enqueue_indirect_dma source(%dma_start3A_446 : memref<8192x16xf32, #tpu.memory_space<hbm>>) target(%arg12 : memref<128x16xf32, #tpu.memory_space<vmem>>) offsets(%dma_start3A_443 : memref<128xi32, #tpu.memory_space<vmem>>) semaphore(%arg14 : memref<!tpu.dma_semaphore, #tpu.memory_space<semaphore_mem>>)
    %dma_wait3A_447 = arith.constant 8 : i32
    %dma_wait3A_448 = arith.constant 0 : i32
    %dma_wait3A_449 = tpu.memref_slice %arg8[%dma_wait3A_447, %dma_wait3A_448] : memref<16x128xi32, #tpu.memory_space<vmem>> -> memref<1x128xi32, #tpu.memory_space<vmem>>
    %dma_wait3A_450 = tpu.memref_squeeze %dma_wait3A_449 : memref<1x128xi32, #tpu.memory_space<vmem>> -> memref<128xi32, #tpu.memory_space<vmem>>
    %dma_wait3A_451 = arith.constant 0 : i32
    %dma_wait3A_452 = arith.constant 0 : i32
    %dma_wait3A_453 = tpu.memref_slice %arg4[%dma_wait3A_451, %dma_wait3A_452] : memref<8192x16xf32, #tpu.memory_space<hbm>> -> memref<8192x16xf32, #tpu.memory_space<hbm>>
    tpu.wait_indirect_dma semaphore(%arg13 : memref<!tpu.dma_semaphore, #tpu.memory_space<semaphore_mem>>) src(%dma_wait3A_453 : memref<8192x16xf32, #tpu.memory_space<hbm>>) dst(%arg11 : memref<128x16xf32, #tpu.memory_space<vmem>>)
    %add3A_454 = arith.constant 8 : i32
    %add3A_455 = arith.addi %mul3A_2, %add3A_454 : i32
    %mul3A_456 = arith.constant 128 : i32
    %mul3A_457 = arith.muli %add3A_455, %mul3A_456 : i32
    "tpu.region"() ({
      %run_scoped3A = tpu.sem_alloc : memref<!tpu.dma_semaphore, #tpu.memory_space<semaphore_mem>>
      %dma_start3A_577 = arith.constant 0 : i32
      %dma_start3A_578 = tpu.memref_slice %arg7[%mul3A_457, %dma_start3A_577] : memref<65536x16xf32, #tpu.memory_space<hbm>> -> memref<128x16xf32, #tpu.memory_space<hbm>>
      %dma_start3A_579 = arith.constant 0 : i32
      %dma_start3A_580 = tpu.memref_slice %arg7[%mul3A_457, %dma_start3A_579] : memref<65536x16xf32, #tpu.memory_space<hbm>> -> memref<128x16xf32, #tpu.memory_space<hbm>>
      tpu.enqueue_dma source(%arg11 : memref<128x16xf32, #tpu.memory_space<vmem>>) target(%dma_start3A_580 : memref<128x16xf32, #tpu.memory_space<hbm>>) target_semaphore(%run_scoped3A : memref<!tpu.dma_semaphore, #tpu.memory_space<semaphore_mem>>)
      %dma_wait3A_581 = arith.constant 0 : i32
      %dma_wait3A_582 = tpu.memref_slice %arg7[%mul3A_457, %dma_wait3A_581] : memref<65536x16xf32, #tpu.memory_space<hbm>> -> memref<128x16xf32, #tpu.memory_space<hbm>>
      %dma_wait3A_583 = arith.constant 0 : i32
      %dma_wait3A_584 = tpu.memref_slice %arg7[%mul3A_457, %dma_wait3A_583] : memref<65536x16xf32, #tpu.memory_space<hbm>> -> memref<128x16xf32, #tpu.memory_space<hbm>>
      tpu.wait_dma2 semaphore(%run_scoped3A : memref<!tpu.dma_semaphore, #tpu.memory_space<semaphore_mem>>) src(%arg11 : memref<128x16xf32, #tpu.memory_space<vmem>>) dst(%dma_wait3A_584 : memref<128x16xf32, #tpu.memory_space<hbm>>)
      tpu.yield
    }) : () -> ()
    %dma_start3A_458 = arith.constant 10 : i32
    %dma_start3A_459 = arith.constant 0 : i32
    %dma_start3A_460 = tpu.memref_slice %arg8[%dma_start3A_458, %dma_start3A_459] : memref<16x128xi32, #tpu.memory_space<vmem>> -> memref<1x128xi32, #tpu.memory_space<vmem>>
    %dma_start3A_461 = tpu.memref_squeeze %dma_start3A_460 : memref<1x128xi32, #tpu.memory_space<vmem>> -> memref<128xi32, #tpu.memory_space<vmem>>
    %dma_start3A_462 = arith.constant 0 : i32
    %dma_start3A_463 = arith.constant 0 : i32
    %dma_start3A_464 = tpu.memref_slice %arg4[%dma_start3A_462, %dma_start3A_463] : memref<8192x16xf32, #tpu.memory_space<hbm>> -> memref<8192x16xf32, #tpu.memory_space<hbm>>
    tpu.enqueue_indirect_dma source(%dma_start3A_464 : memref<8192x16xf32, #tpu.memory_space<hbm>>) target(%arg11 : memref<128x16xf32, #tpu.memory_space<vmem>>) offsets(%dma_start3A_461 : memref<128xi32, #tpu.memory_space<vmem>>) semaphore(%arg13 : memref<!tpu.dma_semaphore, #tpu.memory_space<semaphore_mem>>)
    %dma_wait3A_465 = arith.constant 9 : i32
    %dma_wait3A_466 = arith.constant 0 : i32
    %dma_wait3A_467 = tpu.memref_slice %arg8[%dma_wait3A_465, %dma_wait3A_466] : memref<16x128xi32, #tpu.memory_space<vmem>> -> memref<1x128xi32, #tpu.memory_space<vmem>>
    %dma_wait3A_468 = tpu.memref_squeeze %dma_wait3A_467 : memref<1x128xi32, #tpu.memory_space<vmem>> -> memref<128xi32, #tpu.memory_space<vmem>>
    %dma_wait3A_469 = arith.constant 0 : i32
    %dma_wait3A_470 = arith.constant 0 : i32
    %dma_wait3A_471 = tpu.memref_slice %arg4[%dma_wait3A_469, %dma_wait3A_470] : memref<8192x16xf32, #tpu.memory_space<hbm>> -> memref<8192x16xf32, #tpu.memory_space<hbm>>
    tpu.wait_indirect_dma semaphore(%arg14 : memref<!tpu.dma_semaphore, #tpu.memory_space<semaphore_mem>>) src(%dma_wait3A_471 : memref<8192x16xf32, #tpu.memory_space<hbm>>) dst(%arg12 : memref<128x16xf32, #tpu.memory_space<vmem>>)
    %add3A_472 = arith.constant 9 : i32
    %add3A_473 = arith.addi %mul3A_2, %add3A_472 : i32
    %mul3A_474 = arith.constant 128 : i32
    %mul3A_475 = arith.muli %add3A_473, %mul3A_474 : i32
    "tpu.region"() ({
      %run_scoped3A = tpu.sem_alloc : memref<!tpu.dma_semaphore, #tpu.memory_space<semaphore_mem>>
      %dma_start3A_577 = arith.constant 0 : i32
      %dma_start3A_578 = tpu.memref_slice %arg7[%mul3A_475, %dma_start3A_577] : memref<65536x16xf32, #tpu.memory_space<hbm>> -> memref<128x16xf32, #tpu.memory_space<hbm>>
      %dma_start3A_579 = arith.constant 0 : i32
      %dma_start3A_580 = tpu.memref_slice %arg7[%mul3A_475, %dma_start3A_579] : memref<65536x16xf32, #tpu.memory_space<hbm>> -> memref<128x16xf32, #tpu.memory_space<hbm>>
      tpu.enqueue_dma source(%arg12 : memref<128x16xf32, #tpu.memory_space<vmem>>) target(%dma_start3A_580 : memref<128x16xf32, #tpu.memory_space<hbm>>) target_semaphore(%run_scoped3A : memref<!tpu.dma_semaphore, #tpu.memory_space<semaphore_mem>>)
      %dma_wait3A_581 = arith.constant 0 : i32
      %dma_wait3A_582 = tpu.memref_slice %arg7[%mul3A_475, %dma_wait3A_581] : memref<65536x16xf32, #tpu.memory_space<hbm>> -> memref<128x16xf32, #tpu.memory_space<hbm>>
      %dma_wait3A_583 = arith.constant 0 : i32
      %dma_wait3A_584 = tpu.memref_slice %arg7[%mul3A_475, %dma_wait3A_583] : memref<65536x16xf32, #tpu.memory_space<hbm>> -> memref<128x16xf32, #tpu.memory_space<hbm>>
      tpu.wait_dma2 semaphore(%run_scoped3A : memref<!tpu.dma_semaphore, #tpu.memory_space<semaphore_mem>>) src(%arg12 : memref<128x16xf32, #tpu.memory_space<vmem>>) dst(%dma_wait3A_584 : memref<128x16xf32, #tpu.memory_space<hbm>>)
      tpu.yield
    }) : () -> ()
    %dma_start3A_476 = arith.constant 11 : i32
    %dma_start3A_477 = arith.constant 0 : i32
    %dma_start3A_478 = tpu.memref_slice %arg8[%dma_start3A_476, %dma_start3A_477] : memref<16x128xi32, #tpu.memory_space<vmem>> -> memref<1x128xi32, #tpu.memory_space<vmem>>
    %dma_start3A_479 = tpu.memref_squeeze %dma_start3A_478 : memref<1x128xi32, #tpu.memory_space<vmem>> -> memref<128xi32, #tpu.memory_space<vmem>>
    %dma_start3A_480 = arith.constant 0 : i32
    %dma_start3A_481 = arith.constant 0 : i32
    %dma_start3A_482 = tpu.memref_slice %arg4[%dma_start3A_480, %dma_start3A_481] : memref<8192x16xf32, #tpu.memory_space<hbm>> -> memref<8192x16xf32, #tpu.memory_space<hbm>>
    tpu.enqueue_indirect_dma source(%dma_start3A_482 : memref<8192x16xf32, #tpu.memory_space<hbm>>) target(%arg12 : memref<128x16xf32, #tpu.memory_space<vmem>>) offsets(%dma_start3A_479 : memref<128xi32, #tpu.memory_space<vmem>>) semaphore(%arg14 : memref<!tpu.dma_semaphore, #tpu.memory_space<semaphore_mem>>)
    %dma_wait3A_483 = arith.constant 10 : i32
    %dma_wait3A_484 = arith.constant 0 : i32
    %dma_wait3A_485 = tpu.memref_slice %arg8[%dma_wait3A_483, %dma_wait3A_484] : memref<16x128xi32, #tpu.memory_space<vmem>> -> memref<1x128xi32, #tpu.memory_space<vmem>>
    %dma_wait3A_486 = tpu.memref_squeeze %dma_wait3A_485 : memref<1x128xi32, #tpu.memory_space<vmem>> -> memref<128xi32, #tpu.memory_space<vmem>>
    %dma_wait3A_487 = arith.constant 0 : i32
    %dma_wait3A_488 = arith.constant 0 : i32
    %dma_wait3A_489 = tpu.memref_slice %arg4[%dma_wait3A_487, %dma_wait3A_488] : memref<8192x16xf32, #tpu.memory_space<hbm>> -> memref<8192x16xf32, #tpu.memory_space<hbm>>
    tpu.wait_indirect_dma semaphore(%arg13 : memref<!tpu.dma_semaphore, #tpu.memory_space<semaphore_mem>>) src(%dma_wait3A_489 : memref<8192x16xf32, #tpu.memory_space<hbm>>) dst(%arg11 : memref<128x16xf32, #tpu.memory_space<vmem>>)
    %add3A_490 = arith.constant 10 : i32
    %add3A_491 = arith.addi %mul3A_2, %add3A_490 : i32
    %mul3A_492 = arith.constant 128 : i32
    %mul3A_493 = arith.muli %add3A_491, %mul3A_492 : i32
    "tpu.region"() ({
      %run_scoped3A = tpu.sem_alloc : memref<!tpu.dma_semaphore, #tpu.memory_space<semaphore_mem>>
      %dma_start3A_577 = arith.constant 0 : i32
      %dma_start3A_578 = tpu.memref_slice %arg7[%mul3A_493, %dma_start3A_577] : memref<65536x16xf32, #tpu.memory_space<hbm>> -> memref<128x16xf32, #tpu.memory_space<hbm>>
      %dma_start3A_579 = arith.constant 0 : i32
      %dma_start3A_580 = tpu.memref_slice %arg7[%mul3A_493, %dma_start3A_579] : memref<65536x16xf32, #tpu.memory_space<hbm>> -> memref<128x16xf32, #tpu.memory_space<hbm>>
      tpu.enqueue_dma source(%arg11 : memref<128x16xf32, #tpu.memory_space<vmem>>) target(%dma_start3A_580 : memref<128x16xf32, #tpu.memory_space<hbm>>) target_semaphore(%run_scoped3A : memref<!tpu.dma_semaphore, #tpu.memory_space<semaphore_mem>>)
      %dma_wait3A_581 = arith.constant 0 : i32
      %dma_wait3A_582 = tpu.memref_slice %arg7[%mul3A_493, %dma_wait3A_581] : memref<65536x16xf32, #tpu.memory_space<hbm>> -> memref<128x16xf32, #tpu.memory_space<hbm>>
      %dma_wait3A_583 = arith.constant 0 : i32
      %dma_wait3A_584 = tpu.memref_slice %arg7[%mul3A_493, %dma_wait3A_583] : memref<65536x16xf32, #tpu.memory_space<hbm>> -> memref<128x16xf32, #tpu.memory_space<hbm>>
      tpu.wait_dma2 semaphore(%run_scoped3A : memref<!tpu.dma_semaphore, #tpu.memory_space<semaphore_mem>>) src(%arg11 : memref<128x16xf32, #tpu.memory_space<vmem>>) dst(%dma_wait3A_584 : memref<128x16xf32, #tpu.memory_space<hbm>>)
      tpu.yield
    }) : () -> ()
    %dma_start3A_494 = arith.constant 12 : i32
    %dma_start3A_495 = arith.constant 0 : i32
    %dma_start3A_496 = tpu.memref_slice %arg8[%dma_start3A_494, %dma_start3A_495] : memref<16x128xi32, #tpu.memory_space<vmem>> -> memref<1x128xi32, #tpu.memory_space<vmem>>
    %dma_start3A_497 = tpu.memref_squeeze %dma_start3A_496 : memref<1x128xi32, #tpu.memory_space<vmem>> -> memref<128xi32, #tpu.memory_space<vmem>>
    %dma_start3A_498 = arith.constant 0 : i32
    %dma_start3A_499 = arith.constant 0 : i32
    %dma_start3A_500 = tpu.memref_slice %arg4[%dma_start3A_498, %dma_start3A_499] : memref<8192x16xf32, #tpu.memory_space<hbm>> -> memref<8192x16xf32, #tpu.memory_space<hbm>>
    tpu.enqueue_indirect_dma source(%dma_start3A_500 : memref<8192x16xf32, #tpu.memory_space<hbm>>) target(%arg11 : memref<128x16xf32, #tpu.memory_space<vmem>>) offsets(%dma_start3A_497 : memref<128xi32, #tpu.memory_space<vmem>>) semaphore(%arg13 : memref<!tpu.dma_semaphore, #tpu.memory_space<semaphore_mem>>)
    %dma_wait3A_501 = arith.constant 11 : i32
    %dma_wait3A_502 = arith.constant 0 : i32
    %dma_wait3A_503 = tpu.memref_slice %arg8[%dma_wait3A_501, %dma_wait3A_502] : memref<16x128xi32, #tpu.memory_space<vmem>> -> memref<1x128xi32, #tpu.memory_space<vmem>>
    %dma_wait3A_504 = tpu.memref_squeeze %dma_wait3A_503 : memref<1x128xi32, #tpu.memory_space<vmem>> -> memref<128xi32, #tpu.memory_space<vmem>>
    %dma_wait3A_505 = arith.constant 0 : i32
    %dma_wait3A_506 = arith.constant 0 : i32
    %dma_wait3A_507 = tpu.memref_slice %arg4[%dma_wait3A_505, %dma_wait3A_506] : memref<8192x16xf32, #tpu.memory_space<hbm>> -> memref<8192x16xf32, #tpu.memory_space<hbm>>
    tpu.wait_indirect_dma semaphore(%arg14 : memref<!tpu.dma_semaphore, #tpu.memory_space<semaphore_mem>>) src(%dma_wait3A_507 : memref<8192x16xf32, #tpu.memory_space<hbm>>) dst(%arg12 : memref<128x16xf32, #tpu.memory_space<vmem>>)
    %add3A_508 = arith.constant 11 : i32
    %add3A_509 = arith.addi %mul3A_2, %add3A_508 : i32
    %mul3A_510 = arith.constant 128 : i32
    %mul3A_511 = arith.muli %add3A_509, %mul3A_510 : i32
    "tpu.region"() ({
      %run_scoped3A = tpu.sem_alloc : memref<!tpu.dma_semaphore, #tpu.memory_space<semaphore_mem>>
      %dma_start3A_577 = arith.constant 0 : i32
      %dma_start3A_578 = tpu.memref_slice %arg7[%mul3A_511, %dma_start3A_577] : memref<65536x16xf32, #tpu.memory_space<hbm>> -> memref<128x16xf32, #tpu.memory_space<hbm>>
      %dma_start3A_579 = arith.constant 0 : i32
      %dma_start3A_580 = tpu.memref_slice %arg7[%mul3A_511, %dma_start3A_579] : memref<65536x16xf32, #tpu.memory_space<hbm>> -> memref<128x16xf32, #tpu.memory_space<hbm>>
      tpu.enqueue_dma source(%arg12 : memref<128x16xf32, #tpu.memory_space<vmem>>) target(%dma_start3A_580 : memref<128x16xf32, #tpu.memory_space<hbm>>) target_semaphore(%run_scoped3A : memref<!tpu.dma_semaphore, #tpu.memory_space<semaphore_mem>>)
      %dma_wait3A_581 = arith.constant 0 : i32
      %dma_wait3A_582 = tpu.memref_slice %arg7[%mul3A_511, %dma_wait3A_581] : memref<65536x16xf32, #tpu.memory_space<hbm>> -> memref<128x16xf32, #tpu.memory_space<hbm>>
      %dma_wait3A_583 = arith.constant 0 : i32
      %dma_wait3A_584 = tpu.memref_slice %arg7[%mul3A_511, %dma_wait3A_583] : memref<65536x16xf32, #tpu.memory_space<hbm>> -> memref<128x16xf32, #tpu.memory_space<hbm>>
      tpu.wait_dma2 semaphore(%run_scoped3A : memref<!tpu.dma_semaphore, #tpu.memory_space<semaphore_mem>>) src(%arg12 : memref<128x16xf32, #tpu.memory_space<vmem>>) dst(%dma_wait3A_584 : memref<128x16xf32, #tpu.memory_space<hbm>>)
      tpu.yield
    }) : () -> ()
    %dma_start3A_512 = arith.constant 13 : i32
    %dma_start3A_513 = arith.constant 0 : i32
    %dma_start3A_514 = tpu.memref_slice %arg8[%dma_start3A_512, %dma_start3A_513] : memref<16x128xi32, #tpu.memory_space<vmem>> -> memref<1x128xi32, #tpu.memory_space<vmem>>
    %dma_start3A_515 = tpu.memref_squeeze %dma_start3A_514 : memref<1x128xi32, #tpu.memory_space<vmem>> -> memref<128xi32, #tpu.memory_space<vmem>>
    %dma_start3A_516 = arith.constant 0 : i32
    %dma_start3A_517 = arith.constant 0 : i32
    %dma_start3A_518 = tpu.memref_slice %arg4[%dma_start3A_516, %dma_start3A_517] : memref<8192x16xf32, #tpu.memory_space<hbm>> -> memref<8192x16xf32, #tpu.memory_space<hbm>>
    tpu.enqueue_indirect_dma source(%dma_start3A_518 : memref<8192x16xf32, #tpu.memory_space<hbm>>) target(%arg12 : memref<128x16xf32, #tpu.memory_space<vmem>>) offsets(%dma_start3A_515 : memref<128xi32, #tpu.memory_space<vmem>>) semaphore(%arg14 : memref<!tpu.dma_semaphore, #tpu.memory_space<semaphore_mem>>)
    %dma_wait3A_519 = arith.constant 12 : i32
    %dma_wait3A_520 = arith.constant 0 : i32
    %dma_wait3A_521 = tpu.memref_slice %arg8[%dma_wait3A_519, %dma_wait3A_520] : memref<16x128xi32, #tpu.memory_space<vmem>> -> memref<1x128xi32, #tpu.memory_space<vmem>>
    %dma_wait3A_522 = tpu.memref_squeeze %dma_wait3A_521 : memref<1x128xi32, #tpu.memory_space<vmem>> -> memref<128xi32, #tpu.memory_space<vmem>>
    %dma_wait3A_523 = arith.constant 0 : i32
    %dma_wait3A_524 = arith.constant 0 : i32
    %dma_wait3A_525 = tpu.memref_slice %arg4[%dma_wait3A_523, %dma_wait3A_524] : memref<8192x16xf32, #tpu.memory_space<hbm>> -> memref<8192x16xf32, #tpu.memory_space<hbm>>
    tpu.wait_indirect_dma semaphore(%arg13 : memref<!tpu.dma_semaphore, #tpu.memory_space<semaphore_mem>>) src(%dma_wait3A_525 : memref<8192x16xf32, #tpu.memory_space<hbm>>) dst(%arg11 : memref<128x16xf32, #tpu.memory_space<vmem>>)
    %add3A_526 = arith.constant 12 : i32
    %add3A_527 = arith.addi %mul3A_2, %add3A_526 : i32
    %mul3A_528 = arith.constant 128 : i32
    %mul3A_529 = arith.muli %add3A_527, %mul3A_528 : i32
    "tpu.region"() ({
      %run_scoped3A = tpu.sem_alloc : memref<!tpu.dma_semaphore, #tpu.memory_space<semaphore_mem>>
      %dma_start3A_577 = arith.constant 0 : i32
      %dma_start3A_578 = tpu.memref_slice %arg7[%mul3A_529, %dma_start3A_577] : memref<65536x16xf32, #tpu.memory_space<hbm>> -> memref<128x16xf32, #tpu.memory_space<hbm>>
      %dma_start3A_579 = arith.constant 0 : i32
      %dma_start3A_580 = tpu.memref_slice %arg7[%mul3A_529, %dma_start3A_579] : memref<65536x16xf32, #tpu.memory_space<hbm>> -> memref<128x16xf32, #tpu.memory_space<hbm>>
      tpu.enqueue_dma source(%arg11 : memref<128x16xf32, #tpu.memory_space<vmem>>) target(%dma_start3A_580 : memref<128x16xf32, #tpu.memory_space<hbm>>) target_semaphore(%run_scoped3A : memref<!tpu.dma_semaphore, #tpu.memory_space<semaphore_mem>>)
      %dma_wait3A_581 = arith.constant 0 : i32
      %dma_wait3A_582 = tpu.memref_slice %arg7[%mul3A_529, %dma_wait3A_581] : memref<65536x16xf32, #tpu.memory_space<hbm>> -> memref<128x16xf32, #tpu.memory_space<hbm>>
      %dma_wait3A_583 = arith.constant 0 : i32
      %dma_wait3A_584 = tpu.memref_slice %arg7[%mul3A_529, %dma_wait3A_583] : memref<65536x16xf32, #tpu.memory_space<hbm>> -> memref<128x16xf32, #tpu.memory_space<hbm>>
      tpu.wait_dma2 semaphore(%run_scoped3A : memref<!tpu.dma_semaphore, #tpu.memory_space<semaphore_mem>>) src(%arg11 : memref<128x16xf32, #tpu.memory_space<vmem>>) dst(%dma_wait3A_584 : memref<128x16xf32, #tpu.memory_space<hbm>>)
      tpu.yield
    }) : () -> ()
    %dma_start3A_530 = arith.constant 14 : i32
    %dma_start3A_531 = arith.constant 0 : i32
    %dma_start3A_532 = tpu.memref_slice %arg8[%dma_start3A_530, %dma_start3A_531] : memref<16x128xi32, #tpu.memory_space<vmem>> -> memref<1x128xi32, #tpu.memory_space<vmem>>
    %dma_start3A_533 = tpu.memref_squeeze %dma_start3A_532 : memref<1x128xi32, #tpu.memory_space<vmem>> -> memref<128xi32, #tpu.memory_space<vmem>>
    %dma_start3A_534 = arith.constant 0 : i32
    %dma_start3A_535 = arith.constant 0 : i32
    %dma_start3A_536 = tpu.memref_slice %arg4[%dma_start3A_534, %dma_start3A_535] : memref<8192x16xf32, #tpu.memory_space<hbm>> -> memref<8192x16xf32, #tpu.memory_space<hbm>>
    tpu.enqueue_indirect_dma source(%dma_start3A_536 : memref<8192x16xf32, #tpu.memory_space<hbm>>) target(%arg11 : memref<128x16xf32, #tpu.memory_space<vmem>>) offsets(%dma_start3A_533 : memref<128xi32, #tpu.memory_space<vmem>>) semaphore(%arg13 : memref<!tpu.dma_semaphore, #tpu.memory_space<semaphore_mem>>)
    %dma_wait3A_537 = arith.constant 13 : i32
    %dma_wait3A_538 = arith.constant 0 : i32
    %dma_wait3A_539 = tpu.memref_slice %arg8[%dma_wait3A_537, %dma_wait3A_538] : memref<16x128xi32, #tpu.memory_space<vmem>> -> memref<1x128xi32, #tpu.memory_space<vmem>>
    %dma_wait3A_540 = tpu.memref_squeeze %dma_wait3A_539 : memref<1x128xi32, #tpu.memory_space<vmem>> -> memref<128xi32, #tpu.memory_space<vmem>>
    %dma_wait3A_541 = arith.constant 0 : i32
    %dma_wait3A_542 = arith.constant 0 : i32
    %dma_wait3A_543 = tpu.memref_slice %arg4[%dma_wait3A_541, %dma_wait3A_542] : memref<8192x16xf32, #tpu.memory_space<hbm>> -> memref<8192x16xf32, #tpu.memory_space<hbm>>
    tpu.wait_indirect_dma semaphore(%arg14 : memref<!tpu.dma_semaphore, #tpu.memory_space<semaphore_mem>>) src(%dma_wait3A_543 : memref<8192x16xf32, #tpu.memory_space<hbm>>) dst(%arg12 : memref<128x16xf32, #tpu.memory_space<vmem>>)
    %add3A_544 = arith.constant 13 : i32
    %add3A_545 = arith.addi %mul3A_2, %add3A_544 : i32
    %mul3A_546 = arith.constant 128 : i32
    %mul3A_547 = arith.muli %add3A_545, %mul3A_546 : i32
    "tpu.region"() ({
      %run_scoped3A = tpu.sem_alloc : memref<!tpu.dma_semaphore, #tpu.memory_space<semaphore_mem>>
      %dma_start3A_577 = arith.constant 0 : i32
      %dma_start3A_578 = tpu.memref_slice %arg7[%mul3A_547, %dma_start3A_577] : memref<65536x16xf32, #tpu.memory_space<hbm>> -> memref<128x16xf32, #tpu.memory_space<hbm>>
      %dma_start3A_579 = arith.constant 0 : i32
      %dma_start3A_580 = tpu.memref_slice %arg7[%mul3A_547, %dma_start3A_579] : memref<65536x16xf32, #tpu.memory_space<hbm>> -> memref<128x16xf32, #tpu.memory_space<hbm>>
      tpu.enqueue_dma source(%arg12 : memref<128x16xf32, #tpu.memory_space<vmem>>) target(%dma_start3A_580 : memref<128x16xf32, #tpu.memory_space<hbm>>) target_semaphore(%run_scoped3A : memref<!tpu.dma_semaphore, #tpu.memory_space<semaphore_mem>>)
      %dma_wait3A_581 = arith.constant 0 : i32
      %dma_wait3A_582 = tpu.memref_slice %arg7[%mul3A_547, %dma_wait3A_581] : memref<65536x16xf32, #tpu.memory_space<hbm>> -> memref<128x16xf32, #tpu.memory_space<hbm>>
      %dma_wait3A_583 = arith.constant 0 : i32
      %dma_wait3A_584 = tpu.memref_slice %arg7[%mul3A_547, %dma_wait3A_583] : memref<65536x16xf32, #tpu.memory_space<hbm>> -> memref<128x16xf32, #tpu.memory_space<hbm>>
      tpu.wait_dma2 semaphore(%run_scoped3A : memref<!tpu.dma_semaphore, #tpu.memory_space<semaphore_mem>>) src(%arg12 : memref<128x16xf32, #tpu.memory_space<vmem>>) dst(%dma_wait3A_584 : memref<128x16xf32, #tpu.memory_space<hbm>>)
      tpu.yield
    }) : () -> ()
    %dma_start3A_548 = arith.constant 15 : i32
    %dma_start3A_549 = arith.constant 0 : i32
    %dma_start3A_550 = tpu.memref_slice %arg8[%dma_start3A_548, %dma_start3A_549] : memref<16x128xi32, #tpu.memory_space<vmem>> -> memref<1x128xi32, #tpu.memory_space<vmem>>
    %dma_start3A_551 = tpu.memref_squeeze %dma_start3A_550 : memref<1x128xi32, #tpu.memory_space<vmem>> -> memref<128xi32, #tpu.memory_space<vmem>>
    %dma_start3A_552 = arith.constant 0 : i32
    %dma_start3A_553 = arith.constant 0 : i32
    %dma_start3A_554 = tpu.memref_slice %arg4[%dma_start3A_552, %dma_start3A_553] : memref<8192x16xf32, #tpu.memory_space<hbm>> -> memref<8192x16xf32, #tpu.memory_space<hbm>>
    tpu.enqueue_indirect_dma source(%dma_start3A_554 : memref<8192x16xf32, #tpu.memory_space<hbm>>) target(%arg12 : memref<128x16xf32, #tpu.memory_space<vmem>>) offsets(%dma_start3A_551 : memref<128xi32, #tpu.memory_space<vmem>>) semaphore(%arg14 : memref<!tpu.dma_semaphore, #tpu.memory_space<semaphore_mem>>)
    %dma_wait3A_555 = arith.constant 14 : i32
    %dma_wait3A_556 = arith.constant 0 : i32
    %dma_wait3A_557 = tpu.memref_slice %arg8[%dma_wait3A_555, %dma_wait3A_556] : memref<16x128xi32, #tpu.memory_space<vmem>> -> memref<1x128xi32, #tpu.memory_space<vmem>>
    %dma_wait3A_558 = tpu.memref_squeeze %dma_wait3A_557 : memref<1x128xi32, #tpu.memory_space<vmem>> -> memref<128xi32, #tpu.memory_space<vmem>>
    %dma_wait3A_559 = arith.constant 0 : i32
    %dma_wait3A_560 = arith.constant 0 : i32
    %dma_wait3A_561 = tpu.memref_slice %arg4[%dma_wait3A_559, %dma_wait3A_560] : memref<8192x16xf32, #tpu.memory_space<hbm>> -> memref<8192x16xf32, #tpu.memory_space<hbm>>
    tpu.wait_indirect_dma semaphore(%arg13 : memref<!tpu.dma_semaphore, #tpu.memory_space<semaphore_mem>>) src(%dma_wait3A_561 : memref<8192x16xf32, #tpu.memory_space<hbm>>) dst(%arg11 : memref<128x16xf32, #tpu.memory_space<vmem>>)
    %add3A_562 = arith.constant 14 : i32
    %add3A_563 = arith.addi %mul3A_2, %add3A_562 : i32
    %mul3A_564 = arith.constant 128 : i32
    %mul3A_565 = arith.muli %add3A_563, %mul3A_564 : i32
    "tpu.region"() ({
      %run_scoped3A = tpu.sem_alloc : memref<!tpu.dma_semaphore, #tpu.memory_space<semaphore_mem>>
      %dma_start3A_577 = arith.constant 0 : i32
      %dma_start3A_578 = tpu.memref_slice %arg7[%mul3A_565, %dma_start3A_577] : memref<65536x16xf32, #tpu.memory_space<hbm>> -> memref<128x16xf32, #tpu.memory_space<hbm>>
      %dma_start3A_579 = arith.constant 0 : i32
      %dma_start3A_580 = tpu.memref_slice %arg7[%mul3A_565, %dma_start3A_579] : memref<65536x16xf32, #tpu.memory_space<hbm>> -> memref<128x16xf32, #tpu.memory_space<hbm>>
      tpu.enqueue_dma source(%arg11 : memref<128x16xf32, #tpu.memory_space<vmem>>) target(%dma_start3A_580 : memref<128x16xf32, #tpu.memory_space<hbm>>) target_semaphore(%run_scoped3A : memref<!tpu.dma_semaphore, #tpu.memory_space<semaphore_mem>>)
      %dma_wait3A_581 = arith.constant 0 : i32
      %dma_wait3A_582 = tpu.memref_slice %arg7[%mul3A_565, %dma_wait3A_581] : memref<65536x16xf32, #tpu.memory_space<hbm>> -> memref<128x16xf32, #tpu.memory_space<hbm>>
      %dma_wait3A_583 = arith.constant 0 : i32
      %dma_wait3A_584 = tpu.memref_slice %arg7[%mul3A_565, %dma_wait3A_583] : memref<65536x16xf32, #tpu.memory_space<hbm>> -> memref<128x16xf32, #tpu.memory_space<hbm>>
      tpu.wait_dma2 semaphore(%run_scoped3A : memref<!tpu.dma_semaphore, #tpu.memory_space<semaphore_mem>>) src(%arg11 : memref<128x16xf32, #tpu.memory_space<vmem>>) dst(%dma_wait3A_584 : memref<128x16xf32, #tpu.memory_space<hbm>>)
      tpu.yield
    }) : () -> ()
    %dma_wait3A_566 = arith.constant 15 : i32
    %dma_wait3A_567 = arith.constant 0 : i32
    %dma_wait3A_568 = tpu.memref_slice %arg8[%dma_wait3A_566, %dma_wait3A_567] : memref<16x128xi32, #tpu.memory_space<vmem>> -> memref<1x128xi32, #tpu.memory_space<vmem>>
    %dma_wait3A_569 = tpu.memref_squeeze %dma_wait3A_568 : memref<1x128xi32, #tpu.memory_space<vmem>> -> memref<128xi32, #tpu.memory_space<vmem>>
    %dma_wait3A_570 = arith.constant 0 : i32
    %dma_wait3A_571 = arith.constant 0 : i32
    %dma_wait3A_572 = tpu.memref_slice %arg4[%dma_wait3A_570, %dma_wait3A_571] : memref<8192x16xf32, #tpu.memory_space<hbm>> -> memref<8192x16xf32, #tpu.memory_space<hbm>>
    tpu.wait_indirect_dma semaphore(%arg14 : memref<!tpu.dma_semaphore, #tpu.memory_space<semaphore_mem>>) src(%dma_wait3A_572 : memref<8192x16xf32, #tpu.memory_space<hbm>>) dst(%arg12 : memref<128x16xf32, #tpu.memory_space<vmem>>)
    %add3A_573 = arith.constant 15 : i32
    %add3A_574 = arith.addi %mul3A_2, %add3A_573 : i32
    %mul3A_575 = arith.constant 128 : i32
    %mul3A_576 = arith.muli %add3A_574, %mul3A_575 : i32
    "tpu.region"() ({
      %run_scoped3A = tpu.sem_alloc : memref<!tpu.dma_semaphore, #tpu.memory_space<semaphore_mem>>
      %dma_start3A_577 = arith.constant 0 : i32
      %dma_start3A_578 = tpu.memref_slice %arg7[%mul3A_576, %dma_start3A_577] : memref<65536x16xf32, #tpu.memory_space<hbm>> -> memref<128x16xf32, #tpu.memory_space<hbm>>
      %dma_start3A_579 = arith.constant 0 : i32
      %dma_start3A_580 = tpu.memref_slice %arg7[%mul3A_576, %dma_start3A_579] : memref<65536x16xf32, #tpu.memory_space<hbm>> -> memref<128x16xf32, #tpu.memory_space<hbm>>
      tpu.enqueue_dma source(%arg12 : memref<128x16xf32, #tpu.memory_space<vmem>>) target(%dma_start3A_580 : memref<128x16xf32, #tpu.memory_space<hbm>>) target_semaphore(%run_scoped3A : memref<!tpu.dma_semaphore, #tpu.memory_space<semaphore_mem>>)
      %dma_wait3A_581 = arith.constant 0 : i32
      %dma_wait3A_582 = tpu.memref_slice %arg7[%mul3A_576, %dma_wait3A_581] : memref<65536x16xf32, #tpu.memory_space<hbm>> -> memref<128x16xf32, #tpu.memory_space<hbm>>
      %dma_wait3A_583 = arith.constant 0 : i32
      %dma_wait3A_584 = tpu.memref_slice %arg7[%mul3A_576, %dma_wait3A_583] : memref<65536x16xf32, #tpu.memory_space<hbm>> -> memref<128x16xf32, #tpu.memory_space<hbm>>
      tpu.wait_dma2 semaphore(%run_scoped3A : memref<!tpu.dma_semaphore, #tpu.memory_space<semaphore_mem>>) src(%arg12 : memref<128x16xf32, #tpu.memory_space<vmem>>) dst(%dma_wait3A_584 : memref<128x16xf32, #tpu.memory_space<hbm>>)
      tpu.yield
    }) : () -> ()
    return
  }
}

module attributes {stable_mosaic.version = 14 : i64} {
  func.func @_knn_body(%arg0: i32, %arg1: memref<256x3xf32, #tpu.memory_space<vmem>>, %arg2: memref<3x8192xf32, #tpu.memory_space<vmem>>, %arg3: memref<3x8192xf32, #tpu.memory_space<vmem>>, %arg4: memref<256x8xi32, #tpu.memory_space<vmem>>, %arg5: memref<256x8xi32, #tpu.memory_space<vmem>>) attributes {dimension_semantics = [#tpu.dimension_semantics<arbitrary>], iteration_bounds = array<i64: 32>, scalar_prefetch = 0 : i64, scratch_operands = 0 : i64, tpu.core_type = #tpu.core_type<tc>, window_params = [{transform_indices = @transform_0, window_bounds = array<i64: 256, 3>}, {pipeline_mode = #tpu.pipeline_mode<synchronous>, transform_indices = @transform_1, window_bounds = array<i64: 3, 8192>}, {pipeline_mode = #tpu.pipeline_mode<synchronous>, transform_indices = @transform_2, window_bounds = array<i64: 3, 8192>}, {transform_indices = @transform_3, window_bounds = array<i64: 256, 8>}, {transform_indices = @transform_4, window_bounds = array<i64: 256, 8>}]} {
    %get3A = arith.constant 0 : index
    %get3A_0 = arith.constant 0 : index
    %get3A_1 = vector.load %arg1[%get3A, %get3A_0] : memref<256x3xf32, #tpu.memory_space<vmem>>, vector<256x3xf32>
    %get3A_2 = arith.constant 0 : index
    %get3A_3 = arith.constant 0 : index
    %get3A_4 = vector.load %arg2[%get3A_2, %get3A_3] : memref<3x8192xf32, #tpu.memory_space<vmem>>, vector<3x8192xf32>
    %get3A_5 = arith.constant 0 : index
    %get3A_6 = arith.constant 0 : index
    %get3A_7 = vector.load %arg3[%get3A_5, %get3A_6] : memref<3x8192xf32, #tpu.memory_space<vmem>>, vector<3x8192xf32>
    %mul3A = arith.mulf %get3A_1, %get3A_1 : vector<256x3xf32>
    %reduce_sum3A = arith.constant dense<0.000000e+00> : vector<256xf32>
    %reduce_sum3A_8 = vector.multi_reduction <add>, %mul3A, %reduce_sum3A [1] : vector<256x3xf32> to vector<256xf32>
    %broadcast_in_dim3A = vector.shape_cast %reduce_sum3A_8 : vector<256xf32> to vector<256x1xf32>
    %iota3A = tpu.iota {dimensions = array<i32: 1>} : vector<256x8192xi32>
    %iota3A_9 = tpu.iota {dimensions = array<i32: 1>} : vector<256x8xi32>
    %mul3A_10 = arith.mulf %get3A_4, %get3A_4 : vector<3x8192xf32>
    %reduce_sum3A_11 = arith.constant dense<0.000000e+00> : vector<8192xf32>
    %reduce_sum3A_12 = vector.multi_reduction <add>, %mul3A_10, %reduce_sum3A_11 [0] : vector<3x8192xf32> to vector<8192xf32>
    %broadcast_in_dim3A_13 = vector.shape_cast %reduce_sum3A_12 : vector<8192xf32> to vector<1x8192xf32>
    %add3A = vector.broadcast %broadcast_in_dim3A : vector<256x1xf32> to vector<256x8192xf32>
    %add3A_14 = vector.broadcast %broadcast_in_dim3A_13 : vector<1x8192xf32> to vector<256x8192xf32>
    %add3A_15 = arith.addf %add3A, %add3A_14 : vector<256x8192xf32>
    %dot_general3A = arith.constant dense<0.000000e+00> : vector<256x8192xf32>
    %dot_general3A_16 = tpu.matmul %get3A_1, %get3A_4, %dot_general3A {dimension_numbers = #tpu.dot_dimension_numbers<[1], [0], [0], [1], [0, 0, 1, 1], [], []>, transpose_lhs_hint = false} : vector<256x3xf32>, vector<3x8192xf32>, vector<256x8192xf32> -> vector<256x8192xf32>
    %mul3A_17 = arith.constant 2.000000e+00 : f32
    %mul3A_18 = vector.broadcast %mul3A_17 : f32 to vector<256x8192xf32>
    %mul3A_19 = arith.mulf %mul3A_18, %dot_general3A_16 : vector<256x8192xf32>
    %sub3A = arith.subf %add3A_15, %mul3A_19 : vector<256x8192xf32>
    %broadcast_in_dim3A_20 = arith.constant 0 : i32
    %broadcast_in_dim3A_21 = vector.broadcast %broadcast_in_dim3A_20 : i32 to vector<256x8xi32>
    %reduce_min3A = arith.constant dense<0x7F800000> : vector<256xf32>
    %reduce_min3A_22 = vector.multi_reduction <minimumf>, %sub3A, %reduce_min3A [1] : vector<256x8192xf32> to vector<256xf32>
    %broadcast_in_dim3A_23 = vector.shape_cast %reduce_min3A_22 : vector<256xf32> to vector<256x1xf32>
    %le3A = vector.broadcast %broadcast_in_dim3A_23 : vector<256x1xf32> to vector<256x8192xf32>
    %le3A_24 = arith.cmpf ole, %sub3A, %le3A : vector<256x8192xf32>
    %jit3A = arith.constant 2147483647 : i32
    %broadcast_in_dim3A_25 = vector.broadcast %jit3A : i32 to vector<256x8192xi32>
    %select_n3A = arith.select %le3A_24, %iota3A, %broadcast_in_dim3A_25 : vector<256x8192xi1>, vector<256x8192xi32>
    %reduce_min3A_26 = arith.constant dense<2147483647> : vector<256xi32>
    %reduce_min3A_27 = vector.multi_reduction <minsi>, %select_n3A, %reduce_min3A_26 [1] : vector<256x8192xi32> to vector<256xi32>
    %eq3A = arith.constant 0 : i32
    %eq3A_28 = vector.broadcast %eq3A : i32 to vector<256x8xi32>
    %eq3A_29 = arith.cmpi eq, %iota3A_9, %eq3A_28 : vector<256x8xi32>
    %broadcast_in_dim3A_30 = vector.shape_cast %reduce_min3A_27 : vector<256xi32> to vector<256x1xi32>
    %broadcast_in_dim3A_31 = vector.shape_cast %broadcast_in_dim3A_30 : vector<256x1xi32> to vector<256x1xi32>
    %broadcast_in_dim3A_32 = vector.broadcast %broadcast_in_dim3A_31 : vector<256x1xi32> to vector<256x8xi32>
    %select_n3A_33 = arith.select %eq3A_29, %broadcast_in_dim3A_32, %broadcast_in_dim3A_21 : vector<256x8xi1>, vector<256x8xi32>
    %jit3A_34 = arith.constant 3.000000e+38 : f32
    %broadcast_in_dim3A_35 = vector.broadcast %jit3A_34 : f32 to vector<256x8192xf32>
    %select_n3A_36 = arith.select %le3A_24, %broadcast_in_dim3A_35, %sub3A : vector<256x8192xi1>, vector<256x8192xf32>
    %reduce_min3A_37 = arith.constant dense<0x7F800000> : vector<256xf32>
    %reduce_min3A_38 = vector.multi_reduction <minimumf>, %select_n3A_36, %reduce_min3A_37 [1] : vector<256x8192xf32> to vector<256xf32>
    %broadcast_in_dim3A_39 = vector.shape_cast %reduce_min3A_38 : vector<256xf32> to vector<256x1xf32>
    %le3A_40 = vector.broadcast %broadcast_in_dim3A_39 : vector<256x1xf32> to vector<256x8192xf32>
    %le3A_41 = arith.cmpf ole, %select_n3A_36, %le3A_40 : vector<256x8192xf32>
    %jit3A_42 = arith.constant 2147483647 : i32
    %broadcast_in_dim3A_43 = vector.broadcast %jit3A_42 : i32 to vector<256x8192xi32>
    %select_n3A_44 = arith.select %le3A_41, %iota3A, %broadcast_in_dim3A_43 : vector<256x8192xi1>, vector<256x8192xi32>
    %reduce_min3A_45 = arith.constant dense<2147483647> : vector<256xi32>
    %reduce_min3A_46 = vector.multi_reduction <minsi>, %select_n3A_44, %reduce_min3A_45 [1] : vector<256x8192xi32> to vector<256xi32>
    %eq3A_47 = arith.constant 1 : i32
    %eq3A_48 = vector.broadcast %eq3A_47 : i32 to vector<256x8xi32>
    %eq3A_49 = arith.cmpi eq, %iota3A_9, %eq3A_48 : vector<256x8xi32>
    %broadcast_in_dim3A_50 = vector.shape_cast %reduce_min3A_46 : vector<256xi32> to vector<256x1xi32>
    %broadcast_in_dim3A_51 = vector.shape_cast %broadcast_in_dim3A_50 : vector<256x1xi32> to vector<256x1xi32>
    %broadcast_in_dim3A_52 = vector.broadcast %broadcast_in_dim3A_51 : vector<256x1xi32> to vector<256x8xi32>
    %select_n3A_53 = arith.select %eq3A_49, %broadcast_in_dim3A_52, %select_n3A_33 : vector<256x8xi1>, vector<256x8xi32>
    %jit3A_54 = arith.constant 3.000000e+38 : f32
    %broadcast_in_dim3A_55 = vector.broadcast %jit3A_54 : f32 to vector<256x8192xf32>
    %select_n3A_56 = arith.select %le3A_41, %broadcast_in_dim3A_55, %select_n3A_36 : vector<256x8192xi1>, vector<256x8192xf32>
    %reduce_min3A_57 = arith.constant dense<0x7F800000> : vector<256xf32>
    %reduce_min3A_58 = vector.multi_reduction <minimumf>, %select_n3A_56, %reduce_min3A_57 [1] : vector<256x8192xf32> to vector<256xf32>
    %broadcast_in_dim3A_59 = vector.shape_cast %reduce_min3A_58 : vector<256xf32> to vector<256x1xf32>
    %le3A_60 = vector.broadcast %broadcast_in_dim3A_59 : vector<256x1xf32> to vector<256x8192xf32>
    %le3A_61 = arith.cmpf ole, %select_n3A_56, %le3A_60 : vector<256x8192xf32>
    %jit3A_62 = arith.constant 2147483647 : i32
    %broadcast_in_dim3A_63 = vector.broadcast %jit3A_62 : i32 to vector<256x8192xi32>
    %select_n3A_64 = arith.select %le3A_61, %iota3A, %broadcast_in_dim3A_63 : vector<256x8192xi1>, vector<256x8192xi32>
    %reduce_min3A_65 = arith.constant dense<2147483647> : vector<256xi32>
    %reduce_min3A_66 = vector.multi_reduction <minsi>, %select_n3A_64, %reduce_min3A_65 [1] : vector<256x8192xi32> to vector<256xi32>
    %eq3A_67 = arith.constant 2 : i32
    %eq3A_68 = vector.broadcast %eq3A_67 : i32 to vector<256x8xi32>
    %eq3A_69 = arith.cmpi eq, %iota3A_9, %eq3A_68 : vector<256x8xi32>
    %broadcast_in_dim3A_70 = vector.shape_cast %reduce_min3A_66 : vector<256xi32> to vector<256x1xi32>
    %broadcast_in_dim3A_71 = vector.shape_cast %broadcast_in_dim3A_70 : vector<256x1xi32> to vector<256x1xi32>
    %broadcast_in_dim3A_72 = vector.broadcast %broadcast_in_dim3A_71 : vector<256x1xi32> to vector<256x8xi32>
    %select_n3A_73 = arith.select %eq3A_69, %broadcast_in_dim3A_72, %select_n3A_53 : vector<256x8xi1>, vector<256x8xi32>
    %jit3A_74 = arith.constant 3.000000e+38 : f32
    %broadcast_in_dim3A_75 = vector.broadcast %jit3A_74 : f32 to vector<256x8192xf32>
    %select_n3A_76 = arith.select %le3A_61, %broadcast_in_dim3A_75, %select_n3A_56 : vector<256x8192xi1>, vector<256x8192xf32>
    %reduce_min3A_77 = arith.constant dense<0x7F800000> : vector<256xf32>
    %reduce_min3A_78 = vector.multi_reduction <minimumf>, %select_n3A_76, %reduce_min3A_77 [1] : vector<256x8192xf32> to vector<256xf32>
    %broadcast_in_dim3A_79 = vector.shape_cast %reduce_min3A_78 : vector<256xf32> to vector<256x1xf32>
    %le3A_80 = vector.broadcast %broadcast_in_dim3A_79 : vector<256x1xf32> to vector<256x8192xf32>
    %le3A_81 = arith.cmpf ole, %select_n3A_76, %le3A_80 : vector<256x8192xf32>
    %jit3A_82 = arith.constant 2147483647 : i32
    %broadcast_in_dim3A_83 = vector.broadcast %jit3A_82 : i32 to vector<256x8192xi32>
    %select_n3A_84 = arith.select %le3A_81, %iota3A, %broadcast_in_dim3A_83 : vector<256x8192xi1>, vector<256x8192xi32>
    %reduce_min3A_85 = arith.constant dense<2147483647> : vector<256xi32>
    %reduce_min3A_86 = vector.multi_reduction <minsi>, %select_n3A_84, %reduce_min3A_85 [1] : vector<256x8192xi32> to vector<256xi32>
    %eq3A_87 = arith.constant 3 : i32
    %eq3A_88 = vector.broadcast %eq3A_87 : i32 to vector<256x8xi32>
    %eq3A_89 = arith.cmpi eq, %iota3A_9, %eq3A_88 : vector<256x8xi32>
    %broadcast_in_dim3A_90 = vector.shape_cast %reduce_min3A_86 : vector<256xi32> to vector<256x1xi32>
    %broadcast_in_dim3A_91 = vector.shape_cast %broadcast_in_dim3A_90 : vector<256x1xi32> to vector<256x1xi32>
    %broadcast_in_dim3A_92 = vector.broadcast %broadcast_in_dim3A_91 : vector<256x1xi32> to vector<256x8xi32>
    %select_n3A_93 = arith.select %eq3A_89, %broadcast_in_dim3A_92, %select_n3A_73 : vector<256x8xi1>, vector<256x8xi32>
    %jit3A_94 = arith.constant 3.000000e+38 : f32
    %broadcast_in_dim3A_95 = vector.broadcast %jit3A_94 : f32 to vector<256x8192xf32>
    %select_n3A_96 = arith.select %le3A_81, %broadcast_in_dim3A_95, %select_n3A_76 : vector<256x8192xi1>, vector<256x8192xf32>
    %reduce_min3A_97 = arith.constant dense<0x7F800000> : vector<256xf32>
    %reduce_min3A_98 = vector.multi_reduction <minimumf>, %select_n3A_96, %reduce_min3A_97 [1] : vector<256x8192xf32> to vector<256xf32>
    %broadcast_in_dim3A_99 = vector.shape_cast %reduce_min3A_98 : vector<256xf32> to vector<256x1xf32>
    %le3A_100 = vector.broadcast %broadcast_in_dim3A_99 : vector<256x1xf32> to vector<256x8192xf32>
    %le3A_101 = arith.cmpf ole, %select_n3A_96, %le3A_100 : vector<256x8192xf32>
    %jit3A_102 = arith.constant 2147483647 : i32
    %broadcast_in_dim3A_103 = vector.broadcast %jit3A_102 : i32 to vector<256x8192xi32>
    %select_n3A_104 = arith.select %le3A_101, %iota3A, %broadcast_in_dim3A_103 : vector<256x8192xi1>, vector<256x8192xi32>
    %reduce_min3A_105 = arith.constant dense<2147483647> : vector<256xi32>
    %reduce_min3A_106 = vector.multi_reduction <minsi>, %select_n3A_104, %reduce_min3A_105 [1] : vector<256x8192xi32> to vector<256xi32>
    %eq3A_107 = arith.constant 4 : i32
    %eq3A_108 = vector.broadcast %eq3A_107 : i32 to vector<256x8xi32>
    %eq3A_109 = arith.cmpi eq, %iota3A_9, %eq3A_108 : vector<256x8xi32>
    %broadcast_in_dim3A_110 = vector.shape_cast %reduce_min3A_106 : vector<256xi32> to vector<256x1xi32>
    %broadcast_in_dim3A_111 = vector.shape_cast %broadcast_in_dim3A_110 : vector<256x1xi32> to vector<256x1xi32>
    %broadcast_in_dim3A_112 = vector.broadcast %broadcast_in_dim3A_111 : vector<256x1xi32> to vector<256x8xi32>
    %select_n3A_113 = arith.select %eq3A_109, %broadcast_in_dim3A_112, %select_n3A_93 : vector<256x8xi1>, vector<256x8xi32>
    %jit3A_114 = arith.constant 3.000000e+38 : f32
    %broadcast_in_dim3A_115 = vector.broadcast %jit3A_114 : f32 to vector<256x8192xf32>
    %select_n3A_116 = arith.select %le3A_101, %broadcast_in_dim3A_115, %select_n3A_96 : vector<256x8192xi1>, vector<256x8192xf32>
    %reduce_min3A_117 = arith.constant dense<0x7F800000> : vector<256xf32>
    %reduce_min3A_118 = vector.multi_reduction <minimumf>, %select_n3A_116, %reduce_min3A_117 [1] : vector<256x8192xf32> to vector<256xf32>
    %broadcast_in_dim3A_119 = vector.shape_cast %reduce_min3A_118 : vector<256xf32> to vector<256x1xf32>
    %le3A_120 = vector.broadcast %broadcast_in_dim3A_119 : vector<256x1xf32> to vector<256x8192xf32>
    %le3A_121 = arith.cmpf ole, %select_n3A_116, %le3A_120 : vector<256x8192xf32>
    %jit3A_122 = arith.constant 2147483647 : i32
    %broadcast_in_dim3A_123 = vector.broadcast %jit3A_122 : i32 to vector<256x8192xi32>
    %select_n3A_124 = arith.select %le3A_121, %iota3A, %broadcast_in_dim3A_123 : vector<256x8192xi1>, vector<256x8192xi32>
    %reduce_min3A_125 = arith.constant dense<2147483647> : vector<256xi32>
    %reduce_min3A_126 = vector.multi_reduction <minsi>, %select_n3A_124, %reduce_min3A_125 [1] : vector<256x8192xi32> to vector<256xi32>
    %eq3A_127 = arith.constant 5 : i32
    %eq3A_128 = vector.broadcast %eq3A_127 : i32 to vector<256x8xi32>
    %eq3A_129 = arith.cmpi eq, %iota3A_9, %eq3A_128 : vector<256x8xi32>
    %broadcast_in_dim3A_130 = vector.shape_cast %reduce_min3A_126 : vector<256xi32> to vector<256x1xi32>
    %broadcast_in_dim3A_131 = vector.shape_cast %broadcast_in_dim3A_130 : vector<256x1xi32> to vector<256x1xi32>
    %broadcast_in_dim3A_132 = vector.broadcast %broadcast_in_dim3A_131 : vector<256x1xi32> to vector<256x8xi32>
    %select_n3A_133 = arith.select %eq3A_129, %broadcast_in_dim3A_132, %select_n3A_113 : vector<256x8xi1>, vector<256x8xi32>
    %jit3A_134 = arith.constant 3.000000e+38 : f32
    %broadcast_in_dim3A_135 = vector.broadcast %jit3A_134 : f32 to vector<256x8192xf32>
    %select_n3A_136 = arith.select %le3A_121, %broadcast_in_dim3A_135, %select_n3A_116 : vector<256x8192xi1>, vector<256x8192xf32>
    %reduce_min3A_137 = arith.constant dense<0x7F800000> : vector<256xf32>
    %reduce_min3A_138 = vector.multi_reduction <minimumf>, %select_n3A_136, %reduce_min3A_137 [1] : vector<256x8192xf32> to vector<256xf32>
    %broadcast_in_dim3A_139 = vector.shape_cast %reduce_min3A_138 : vector<256xf32> to vector<256x1xf32>
    %le3A_140 = vector.broadcast %broadcast_in_dim3A_139 : vector<256x1xf32> to vector<256x8192xf32>
    %le3A_141 = arith.cmpf ole, %select_n3A_136, %le3A_140 : vector<256x8192xf32>
    %jit3A_142 = arith.constant 2147483647 : i32
    %broadcast_in_dim3A_143 = vector.broadcast %jit3A_142 : i32 to vector<256x8192xi32>
    %select_n3A_144 = arith.select %le3A_141, %iota3A, %broadcast_in_dim3A_143 : vector<256x8192xi1>, vector<256x8192xi32>
    %reduce_min3A_145 = arith.constant dense<2147483647> : vector<256xi32>
    %reduce_min3A_146 = vector.multi_reduction <minsi>, %select_n3A_144, %reduce_min3A_145 [1] : vector<256x8192xi32> to vector<256xi32>
    %eq3A_147 = arith.constant 6 : i32
    %eq3A_148 = vector.broadcast %eq3A_147 : i32 to vector<256x8xi32>
    %eq3A_149 = arith.cmpi eq, %iota3A_9, %eq3A_148 : vector<256x8xi32>
    %broadcast_in_dim3A_150 = vector.shape_cast %reduce_min3A_146 : vector<256xi32> to vector<256x1xi32>
    %broadcast_in_dim3A_151 = vector.shape_cast %broadcast_in_dim3A_150 : vector<256x1xi32> to vector<256x1xi32>
    %broadcast_in_dim3A_152 = vector.broadcast %broadcast_in_dim3A_151 : vector<256x1xi32> to vector<256x8xi32>
    %select_n3A_153 = arith.select %eq3A_149, %broadcast_in_dim3A_152, %select_n3A_133 : vector<256x8xi1>, vector<256x8xi32>
    %jit3A_154 = arith.constant 3.000000e+38 : f32
    %broadcast_in_dim3A_155 = vector.broadcast %jit3A_154 : f32 to vector<256x8192xf32>
    %select_n3A_156 = arith.select %le3A_141, %broadcast_in_dim3A_155, %select_n3A_136 : vector<256x8192xi1>, vector<256x8192xf32>
    %reduce_min3A_157 = arith.constant dense<0x7F800000> : vector<256xf32>
    %reduce_min3A_158 = vector.multi_reduction <minimumf>, %select_n3A_156, %reduce_min3A_157 [1] : vector<256x8192xf32> to vector<256xf32>
    %broadcast_in_dim3A_159 = vector.shape_cast %reduce_min3A_158 : vector<256xf32> to vector<256x1xf32>
    %le3A_160 = vector.broadcast %broadcast_in_dim3A_159 : vector<256x1xf32> to vector<256x8192xf32>
    %le3A_161 = arith.cmpf ole, %select_n3A_156, %le3A_160 : vector<256x8192xf32>
    %jit3A_162 = arith.constant 2147483647 : i32
    %broadcast_in_dim3A_163 = vector.broadcast %jit3A_162 : i32 to vector<256x8192xi32>
    %select_n3A_164 = arith.select %le3A_161, %iota3A, %broadcast_in_dim3A_163 : vector<256x8192xi1>, vector<256x8192xi32>
    %reduce_min3A_165 = arith.constant dense<2147483647> : vector<256xi32>
    %reduce_min3A_166 = vector.multi_reduction <minsi>, %select_n3A_164, %reduce_min3A_165 [1] : vector<256x8192xi32> to vector<256xi32>
    %eq3A_167 = arith.constant 7 : i32
    %eq3A_168 = vector.broadcast %eq3A_167 : i32 to vector<256x8xi32>
    %eq3A_169 = arith.cmpi eq, %iota3A_9, %eq3A_168 : vector<256x8xi32>
    %broadcast_in_dim3A_170 = vector.shape_cast %reduce_min3A_166 : vector<256xi32> to vector<256x1xi32>
    %broadcast_in_dim3A_171 = vector.shape_cast %broadcast_in_dim3A_170 : vector<256x1xi32> to vector<256x1xi32>
    %broadcast_in_dim3A_172 = vector.broadcast %broadcast_in_dim3A_171 : vector<256x1xi32> to vector<256x8xi32>
    %select_n3A_173 = arith.select %eq3A_169, %broadcast_in_dim3A_172, %select_n3A_153 : vector<256x8xi1>, vector<256x8xi32>
    %swap3A = arith.constant 0 : index
    %swap3A_174 = arith.constant 0 : index
    %swap3A_175 = vector.load %arg4[%swap3A, %swap3A_174] : memref<256x8xi32, #tpu.memory_space<vmem>>, vector<256x8xi32>
    tpu.vector_store %arg4[%swap3A, %swap3A_174], %select_n3A_173 {strides = array<i32>} : memref<256x8xi32, #tpu.memory_space<vmem>>, vector<256x8xi32>,
    %mul3A_176 = arith.mulf %get3A_7, %get3A_7 : vector<3x8192xf32>
    %reduce_sum3A_177 = arith.constant dense<0.000000e+00> : vector<8192xf32>
    %reduce_sum3A_178 = vector.multi_reduction <add>, %mul3A_176, %reduce_sum3A_177 [0] : vector<3x8192xf32> to vector<8192xf32>
    %broadcast_in_dim3A_179 = vector.shape_cast %reduce_sum3A_178 : vector<8192xf32> to vector<1x8192xf32>
    %add3A_180 = vector.broadcast %broadcast_in_dim3A : vector<256x1xf32> to vector<256x8192xf32>
    %add3A_181 = vector.broadcast %broadcast_in_dim3A_179 : vector<1x8192xf32> to vector<256x8192xf32>
    %add3A_182 = arith.addf %add3A_180, %add3A_181 : vector<256x8192xf32>
    %dot_general3A_183 = arith.constant dense<0.000000e+00> : vector<256x8192xf32>
    %dot_general3A_184 = tpu.matmul %get3A_1, %get3A_7, %dot_general3A_183 {dimension_numbers = #tpu.dot_dimension_numbers<[1], [0], [0], [1], [0, 0, 1, 1], [], []>, transpose_lhs_hint = false} : vector<256x3xf32>, vector<3x8192xf32>, vector<256x8192xf32> -> vector<256x8192xf32>
    %mul3A_185 = arith.constant 2.000000e+00 : f32
    %mul3A_186 = vector.broadcast %mul3A_185 : f32 to vector<256x8192xf32>
    %mul3A_187 = arith.mulf %mul3A_186, %dot_general3A_184 : vector<256x8192xf32>
    %sub3A_188 = arith.subf %add3A_182, %mul3A_187 : vector<256x8192xf32>
    %broadcast_in_dim3A_189 = arith.constant 0 : i32
    %broadcast_in_dim3A_190 = vector.broadcast %broadcast_in_dim3A_189 : i32 to vector<256x8xi32>
    %reduce_min3A_191 = arith.constant dense<0x7F800000> : vector<256xf32>
    %reduce_min3A_192 = vector.multi_reduction <minimumf>, %sub3A_188, %reduce_min3A_191 [1] : vector<256x8192xf32> to vector<256xf32>
    %broadcast_in_dim3A_193 = vector.shape_cast %reduce_min3A_192 : vector<256xf32> to vector<256x1xf32>
    %le3A_194 = vector.broadcast %broadcast_in_dim3A_193 : vector<256x1xf32> to vector<256x8192xf32>
    %le3A_195 = arith.cmpf ole, %sub3A_188, %le3A_194 : vector<256x8192xf32>
    %jit3A_196 = arith.constant 2147483647 : i32
    %broadcast_in_dim3A_197 = vector.broadcast %jit3A_196 : i32 to vector<256x8192xi32>
    %select_n3A_198 = arith.select %le3A_195, %iota3A, %broadcast_in_dim3A_197 : vector<256x8192xi1>, vector<256x8192xi32>
    %reduce_min3A_199 = arith.constant dense<2147483647> : vector<256xi32>
    %reduce_min3A_200 = vector.multi_reduction <minsi>, %select_n3A_198, %reduce_min3A_199 [1] : vector<256x8192xi32> to vector<256xi32>
    %eq3A_201 = arith.constant 0 : i32
    %eq3A_202 = vector.broadcast %eq3A_201 : i32 to vector<256x8xi32>
    %eq3A_203 = arith.cmpi eq, %iota3A_9, %eq3A_202 : vector<256x8xi32>
    %broadcast_in_dim3A_204 = vector.shape_cast %reduce_min3A_200 : vector<256xi32> to vector<256x1xi32>
    %broadcast_in_dim3A_205 = vector.shape_cast %broadcast_in_dim3A_204 : vector<256x1xi32> to vector<256x1xi32>
    %broadcast_in_dim3A_206 = vector.broadcast %broadcast_in_dim3A_205 : vector<256x1xi32> to vector<256x8xi32>
    %select_n3A_207 = arith.select %eq3A_203, %broadcast_in_dim3A_206, %broadcast_in_dim3A_190 : vector<256x8xi1>, vector<256x8xi32>
    %jit3A_208 = arith.constant 3.000000e+38 : f32
    %broadcast_in_dim3A_209 = vector.broadcast %jit3A_208 : f32 to vector<256x8192xf32>
    %select_n3A_210 = arith.select %le3A_195, %broadcast_in_dim3A_209, %sub3A_188 : vector<256x8192xi1>, vector<256x8192xf32>
    %reduce_min3A_211 = arith.constant dense<0x7F800000> : vector<256xf32>
    %reduce_min3A_212 = vector.multi_reduction <minimumf>, %select_n3A_210, %reduce_min3A_211 [1] : vector<256x8192xf32> to vector<256xf32>
    %broadcast_in_dim3A_213 = vector.shape_cast %reduce_min3A_212 : vector<256xf32> to vector<256x1xf32>
    %le3A_214 = vector.broadcast %broadcast_in_dim3A_213 : vector<256x1xf32> to vector<256x8192xf32>
    %le3A_215 = arith.cmpf ole, %select_n3A_210, %le3A_214 : vector<256x8192xf32>
    %jit3A_216 = arith.constant 2147483647 : i32
    %broadcast_in_dim3A_217 = vector.broadcast %jit3A_216 : i32 to vector<256x8192xi32>
    %select_n3A_218 = arith.select %le3A_215, %iota3A, %broadcast_in_dim3A_217 : vector<256x8192xi1>, vector<256x8192xi32>
    %reduce_min3A_219 = arith.constant dense<2147483647> : vector<256xi32>
    %reduce_min3A_220 = vector.multi_reduction <minsi>, %select_n3A_218, %reduce_min3A_219 [1] : vector<256x8192xi32> to vector<256xi32>
    %eq3A_221 = arith.constant 1 : i32
    %eq3A_222 = vector.broadcast %eq3A_221 : i32 to vector<256x8xi32>
    %eq3A_223 = arith.cmpi eq, %iota3A_9, %eq3A_222 : vector<256x8xi32>
    %broadcast_in_dim3A_224 = vector.shape_cast %reduce_min3A_220 : vector<256xi32> to vector<256x1xi32>
    %broadcast_in_dim3A_225 = vector.shape_cast %broadcast_in_dim3A_224 : vector<256x1xi32> to vector<256x1xi32>
    %broadcast_in_dim3A_226 = vector.broadcast %broadcast_in_dim3A_225 : vector<256x1xi32> to vector<256x8xi32>
    %select_n3A_227 = arith.select %eq3A_223, %broadcast_in_dim3A_226, %select_n3A_207 : vector<256x8xi1>, vector<256x8xi32>
    %jit3A_228 = arith.constant 3.000000e+38 : f32
    %broadcast_in_dim3A_229 = vector.broadcast %jit3A_228 : f32 to vector<256x8192xf32>
    %select_n3A_230 = arith.select %le3A_215, %broadcast_in_dim3A_229, %select_n3A_210 : vector<256x8192xi1>, vector<256x8192xf32>
    %reduce_min3A_231 = arith.constant dense<0x7F800000> : vector<256xf32>
    %reduce_min3A_232 = vector.multi_reduction <minimumf>, %select_n3A_230, %reduce_min3A_231 [1] : vector<256x8192xf32> to vector<256xf32>
    %broadcast_in_dim3A_233 = vector.shape_cast %reduce_min3A_232 : vector<256xf32> to vector<256x1xf32>
    %le3A_234 = vector.broadcast %broadcast_in_dim3A_233 : vector<256x1xf32> to vector<256x8192xf32>
    %le3A_235 = arith.cmpf ole, %select_n3A_230, %le3A_234 : vector<256x8192xf32>
    %jit3A_236 = arith.constant 2147483647 : i32
    %broadcast_in_dim3A_237 = vector.broadcast %jit3A_236 : i32 to vector<256x8192xi32>
    %select_n3A_238 = arith.select %le3A_235, %iota3A, %broadcast_in_dim3A_237 : vector<256x8192xi1>, vector<256x8192xi32>
    %reduce_min3A_239 = arith.constant dense<2147483647> : vector<256xi32>
    %reduce_min3A_240 = vector.multi_reduction <minsi>, %select_n3A_238, %reduce_min3A_239 [1] : vector<256x8192xi32> to vector<256xi32>
    %eq3A_241 = arith.constant 2 : i32
    %eq3A_242 = vector.broadcast %eq3A_241 : i32 to vector<256x8xi32>
    %eq3A_243 = arith.cmpi eq, %iota3A_9, %eq3A_242 : vector<256x8xi32>
    %broadcast_in_dim3A_244 = vector.shape_cast %reduce_min3A_240 : vector<256xi32> to vector<256x1xi32>
    %broadcast_in_dim3A_245 = vector.shape_cast %broadcast_in_dim3A_244 : vector<256x1xi32> to vector<256x1xi32>
    %broadcast_in_dim3A_246 = vector.broadcast %broadcast_in_dim3A_245 : vector<256x1xi32> to vector<256x8xi32>
    %select_n3A_247 = arith.select %eq3A_243, %broadcast_in_dim3A_246, %select_n3A_227 : vector<256x8xi1>, vector<256x8xi32>
    %jit3A_248 = arith.constant 3.000000e+38 : f32
    %broadcast_in_dim3A_249 = vector.broadcast %jit3A_248 : f32 to vector<256x8192xf32>
    %select_n3A_250 = arith.select %le3A_235, %broadcast_in_dim3A_249, %select_n3A_230 : vector<256x8192xi1>, vector<256x8192xf32>
    %reduce_min3A_251 = arith.constant dense<0x7F800000> : vector<256xf32>
    %reduce_min3A_252 = vector.multi_reduction <minimumf>, %select_n3A_250, %reduce_min3A_251 [1] : vector<256x8192xf32> to vector<256xf32>
    %broadcast_in_dim3A_253 = vector.shape_cast %reduce_min3A_252 : vector<256xf32> to vector<256x1xf32>
    %le3A_254 = vector.broadcast %broadcast_in_dim3A_253 : vector<256x1xf32> to vector<256x8192xf32>
    %le3A_255 = arith.cmpf ole, %select_n3A_250, %le3A_254 : vector<256x8192xf32>
    %jit3A_256 = arith.constant 2147483647 : i32
    %broadcast_in_dim3A_257 = vector.broadcast %jit3A_256 : i32 to vector<256x8192xi32>
    %select_n3A_258 = arith.select %le3A_255, %iota3A, %broadcast_in_dim3A_257 : vector<256x8192xi1>, vector<256x8192xi32>
    %reduce_min3A_259 = arith.constant dense<2147483647> : vector<256xi32>
    %reduce_min3A_260 = vector.multi_reduction <minsi>, %select_n3A_258, %reduce_min3A_259 [1] : vector<256x8192xi32> to vector<256xi32>
    %eq3A_261 = arith.constant 3 : i32
    %eq3A_262 = vector.broadcast %eq3A_261 : i32 to vector<256x8xi32>
    %eq3A_263 = arith.cmpi eq, %iota3A_9, %eq3A_262 : vector<256x8xi32>
    %broadcast_in_dim3A_264 = vector.shape_cast %reduce_min3A_260 : vector<256xi32> to vector<256x1xi32>
    %broadcast_in_dim3A_265 = vector.shape_cast %broadcast_in_dim3A_264 : vector<256x1xi32> to vector<256x1xi32>
    %broadcast_in_dim3A_266 = vector.broadcast %broadcast_in_dim3A_265 : vector<256x1xi32> to vector<256x8xi32>
    %select_n3A_267 = arith.select %eq3A_263, %broadcast_in_dim3A_266, %select_n3A_247 : vector<256x8xi1>, vector<256x8xi32>
    %jit3A_268 = arith.constant 3.000000e+38 : f32
    %broadcast_in_dim3A_269 = vector.broadcast %jit3A_268 : f32 to vector<256x8192xf32>
    %select_n3A_270 = arith.select %le3A_255, %broadcast_in_dim3A_269, %select_n3A_250 : vector<256x8192xi1>, vector<256x8192xf32>
    %reduce_min3A_271 = arith.constant dense<0x7F800000> : vector<256xf32>
    %reduce_min3A_272 = vector.multi_reduction <minimumf>, %select_n3A_270, %reduce_min3A_271 [1] : vector<256x8192xf32> to vector<256xf32>
    %broadcast_in_dim3A_273 = vector.shape_cast %reduce_min3A_272 : vector<256xf32> to vector<256x1xf32>
    %le3A_274 = vector.broadcast %broadcast_in_dim3A_273 : vector<256x1xf32> to vector<256x8192xf32>
    %le3A_275 = arith.cmpf ole, %select_n3A_270, %le3A_274 : vector<256x8192xf32>
    %jit3A_276 = arith.constant 2147483647 : i32
    %broadcast_in_dim3A_277 = vector.broadcast %jit3A_276 : i32 to vector<256x8192xi32>
    %select_n3A_278 = arith.select %le3A_275, %iota3A, %broadcast_in_dim3A_277 : vector<256x8192xi1>, vector<256x8192xi32>
    %reduce_min3A_279 = arith.constant dense<2147483647> : vector<256xi32>
    %reduce_min3A_280 = vector.multi_reduction <minsi>, %select_n3A_278, %reduce_min3A_279 [1] : vector<256x8192xi32> to vector<256xi32>
    %eq3A_281 = arith.constant 4 : i32
    %eq3A_282 = vector.broadcast %eq3A_281 : i32 to vector<256x8xi32>
    %eq3A_283 = arith.cmpi eq, %iota3A_9, %eq3A_282 : vector<256x8xi32>
    %broadcast_in_dim3A_284 = vector.shape_cast %reduce_min3A_280 : vector<256xi32> to vector<256x1xi32>
    %broadcast_in_dim3A_285 = vector.shape_cast %broadcast_in_dim3A_284 : vector<256x1xi32> to vector<256x1xi32>
    %broadcast_in_dim3A_286 = vector.broadcast %broadcast_in_dim3A_285 : vector<256x1xi32> to vector<256x8xi32>
    %select_n3A_287 = arith.select %eq3A_283, %broadcast_in_dim3A_286, %select_n3A_267 : vector<256x8xi1>, vector<256x8xi32>
    %jit3A_288 = arith.constant 3.000000e+38 : f32
    %broadcast_in_dim3A_289 = vector.broadcast %jit3A_288 : f32 to vector<256x8192xf32>
    %select_n3A_290 = arith.select %le3A_275, %broadcast_in_dim3A_289, %select_n3A_270 : vector<256x8192xi1>, vector<256x8192xf32>
    %reduce_min3A_291 = arith.constant dense<0x7F800000> : vector<256xf32>
    %reduce_min3A_292 = vector.multi_reduction <minimumf>, %select_n3A_290, %reduce_min3A_291 [1] : vector<256x8192xf32> to vector<256xf32>
    %broadcast_in_dim3A_293 = vector.shape_cast %reduce_min3A_292 : vector<256xf32> to vector<256x1xf32>
    %le3A_294 = vector.broadcast %broadcast_in_dim3A_293 : vector<256x1xf32> to vector<256x8192xf32>
    %le3A_295 = arith.cmpf ole, %select_n3A_290, %le3A_294 : vector<256x8192xf32>
    %jit3A_296 = arith.constant 2147483647 : i32
    %broadcast_in_dim3A_297 = vector.broadcast %jit3A_296 : i32 to vector<256x8192xi32>
    %select_n3A_298 = arith.select %le3A_295, %iota3A, %broadcast_in_dim3A_297 : vector<256x8192xi1>, vector<256x8192xi32>
    %reduce_min3A_299 = arith.constant dense<2147483647> : vector<256xi32>
    %reduce_min3A_300 = vector.multi_reduction <minsi>, %select_n3A_298, %reduce_min3A_299 [1] : vector<256x8192xi32> to vector<256xi32>
    %eq3A_301 = arith.constant 5 : i32
    %eq3A_302 = vector.broadcast %eq3A_301 : i32 to vector<256x8xi32>
    %eq3A_303 = arith.cmpi eq, %iota3A_9, %eq3A_302 : vector<256x8xi32>
    %broadcast_in_dim3A_304 = vector.shape_cast %reduce_min3A_300 : vector<256xi32> to vector<256x1xi32>
    %broadcast_in_dim3A_305 = vector.shape_cast %broadcast_in_dim3A_304 : vector<256x1xi32> to vector<256x1xi32>
    %broadcast_in_dim3A_306 = vector.broadcast %broadcast_in_dim3A_305 : vector<256x1xi32> to vector<256x8xi32>
    %select_n3A_307 = arith.select %eq3A_303, %broadcast_in_dim3A_306, %select_n3A_287 : vector<256x8xi1>, vector<256x8xi32>
    %jit3A_308 = arith.constant 3.000000e+38 : f32
    %broadcast_in_dim3A_309 = vector.broadcast %jit3A_308 : f32 to vector<256x8192xf32>
    %select_n3A_310 = arith.select %le3A_295, %broadcast_in_dim3A_309, %select_n3A_290 : vector<256x8192xi1>, vector<256x8192xf32>
    %reduce_min3A_311 = arith.constant dense<0x7F800000> : vector<256xf32>
    %reduce_min3A_312 = vector.multi_reduction <minimumf>, %select_n3A_310, %reduce_min3A_311 [1] : vector<256x8192xf32> to vector<256xf32>
    %broadcast_in_dim3A_313 = vector.shape_cast %reduce_min3A_312 : vector<256xf32> to vector<256x1xf32>
    %le3A_314 = vector.broadcast %broadcast_in_dim3A_313 : vector<256x1xf32> to vector<256x8192xf32>
    %le3A_315 = arith.cmpf ole, %select_n3A_310, %le3A_314 : vector<256x8192xf32>
    %jit3A_316 = arith.constant 2147483647 : i32
    %broadcast_in_dim3A_317 = vector.broadcast %jit3A_316 : i32 to vector<256x8192xi32>
    %select_n3A_318 = arith.select %le3A_315, %iota3A, %broadcast_in_dim3A_317 : vector<256x8192xi1>, vector<256x8192xi32>
    %reduce_min3A_319 = arith.constant dense<2147483647> : vector<256xi32>
    %reduce_min3A_320 = vector.multi_reduction <minsi>, %select_n3A_318, %reduce_min3A_319 [1] : vector<256x8192xi32> to vector<256xi32>
    %eq3A_321 = arith.constant 6 : i32
    %eq3A_322 = vector.broadcast %eq3A_321 : i32 to vector<256x8xi32>
    %eq3A_323 = arith.cmpi eq, %iota3A_9, %eq3A_322 : vector<256x8xi32>
    %broadcast_in_dim3A_324 = vector.shape_cast %reduce_min3A_320 : vector<256xi32> to vector<256x1xi32>
    %broadcast_in_dim3A_325 = vector.shape_cast %broadcast_in_dim3A_324 : vector<256x1xi32> to vector<256x1xi32>
    %broadcast_in_dim3A_326 = vector.broadcast %broadcast_in_dim3A_325 : vector<256x1xi32> to vector<256x8xi32>
    %select_n3A_327 = arith.select %eq3A_323, %broadcast_in_dim3A_326, %select_n3A_307 : vector<256x8xi1>, vector<256x8xi32>
    %jit3A_328 = arith.constant 3.000000e+38 : f32
    %broadcast_in_dim3A_329 = vector.broadcast %jit3A_328 : f32 to vector<256x8192xf32>
    %select_n3A_330 = arith.select %le3A_315, %broadcast_in_dim3A_329, %select_n3A_310 : vector<256x8192xi1>, vector<256x8192xf32>
    %reduce_min3A_331 = arith.constant dense<0x7F800000> : vector<256xf32>
    %reduce_min3A_332 = vector.multi_reduction <minimumf>, %select_n3A_330, %reduce_min3A_331 [1] : vector<256x8192xf32> to vector<256xf32>
    %broadcast_in_dim3A_333 = vector.shape_cast %reduce_min3A_332 : vector<256xf32> to vector<256x1xf32>
    %le3A_334 = vector.broadcast %broadcast_in_dim3A_333 : vector<256x1xf32> to vector<256x8192xf32>
    %le3A_335 = arith.cmpf ole, %select_n3A_330, %le3A_334 : vector<256x8192xf32>
    %jit3A_336 = arith.constant 2147483647 : i32
    %broadcast_in_dim3A_337 = vector.broadcast %jit3A_336 : i32 to vector<256x8192xi32>
    %select_n3A_338 = arith.select %le3A_335, %iota3A, %broadcast_in_dim3A_337 : vector<256x8192xi1>, vector<256x8192xi32>
    %reduce_min3A_339 = arith.constant dense<2147483647> : vector<256xi32>
    %reduce_min3A_340 = vector.multi_reduction <minsi>, %select_n3A_338, %reduce_min3A_339 [1] : vector<256x8192xi32> to vector<256xi32>
    %eq3A_341 = arith.constant 7 : i32
    %eq3A_342 = vector.broadcast %eq3A_341 : i32 to vector<256x8xi32>
    %eq3A_343 = arith.cmpi eq, %iota3A_9, %eq3A_342 : vector<256x8xi32>
    %broadcast_in_dim3A_344 = vector.shape_cast %reduce_min3A_340 : vector<256xi32> to vector<256x1xi32>
    %broadcast_in_dim3A_345 = vector.shape_cast %broadcast_in_dim3A_344 : vector<256x1xi32> to vector<256x1xi32>
    %broadcast_in_dim3A_346 = vector.broadcast %broadcast_in_dim3A_345 : vector<256x1xi32> to vector<256x8xi32>
    %select_n3A_347 = arith.select %eq3A_343, %broadcast_in_dim3A_346, %select_n3A_327 : vector<256x8xi1>, vector<256x8xi32>
    %swap3A_348 = arith.constant 0 : index
    %swap3A_349 = arith.constant 0 : index
    %swap3A_350 = vector.load %arg5[%swap3A_348, %swap3A_349] : memref<256x8xi32, #tpu.memory_space<vmem>>, vector<256x8xi32>
    tpu.vector_store %arg5[%swap3A_348, %swap3A_349], %select_n3A_347 {strides = array<i32>} : memref<256x8xi32, #tpu.memory_space<vmem>>, vector<256x8xi32>,
    return
  }
  func.func @transform_0(%arg0: i32) -> (i32, i32) {
    %c0_i32 = arith.constant 0 : i32
    %c0_i32_0 = arith.constant 0 : i32
    return %arg0, %c0_i32 : i32, i32
  }
  func.func @transform_1(%arg0: i32) -> (i32, i32) {
    %c0_i32 = arith.constant 0 : i32
    %c0_i32_0 = arith.constant 0 : i32
    %c0_i32_1 = arith.constant 0 : i32
    return %c0_i32, %c0_i32_0 : i32, i32
  }
  func.func @transform_2(%arg0: i32) -> (i32, i32) {
    %c0_i32 = arith.constant 0 : i32
    %c0_i32_0 = arith.constant 0 : i32
    %c0_i32_1 = arith.constant 0 : i32
    return %c0_i32, %c0_i32_0 : i32, i32
  }
  func.func @transform_3(%arg0: i32) -> (i32, i32) {
    %c0_i32 = arith.constant 0 : i32
    %c0_i32_0 = arith.constant 0 : i32
    return %arg0, %c0_i32 : i32, i32
  }
  func.func @transform_4(%arg0: i32) -> (i32, i32) {
    %c0_i32 = arith.constant 0 : i32
    %c0_i32_0 = arith.constant 0 : i32
    return %arg0, %c0_i32 : i32, i32
  }
}

module attributes {stable_mosaic.version = 14 : i64} {
  func.func @_proj_body(%arg0: i32, %arg1: memref<128x512xf32, #tpu.memory_space<vmem>>, %arg2: memref<128x512xf32, #tpu.memory_space<vmem>>, %arg3: memref<128x128xf32, #tpu.memory_space<vmem>>, %arg4: memref<128x128xf32, #tpu.memory_space<vmem>>, %arg5: memref<512x128xf32, #tpu.memory_space<vmem>>, %arg6: memref<512x128xf32, #tpu.memory_space<vmem>>) attributes {dimension_semantics = [#tpu.dimension_semantics<arbitrary>], iteration_bounds = array<i64: 16>, scalar_prefetch = 0 : i64, scratch_operands = 0 : i64, tpu.core_type = #tpu.core_type<tc>, window_params = [{transform_indices = @transform_0, window_bounds = array<i64: 128, 512>}, {transform_indices = @transform_1, window_bounds = array<i64: 128, 512>}, {pipeline_mode = #tpu.pipeline_mode<synchronous>, transform_indices = @transform_2, window_bounds = array<i64: 128, 128>}, {pipeline_mode = #tpu.pipeline_mode<synchronous>, transform_indices = @transform_3, window_bounds = array<i64: 128, 128>}, {transform_indices = @transform_4, window_bounds = array<i64: 512, 128>}, {transform_indices = @transform_5, window_bounds = array<i64: 512, 128>}]} {
    %get3A = arith.constant 0 : index
    %get3A_0 = arith.constant 0 : index
    %get3A_1 = vector.load %arg1[%get3A, %get3A_0] : memref<128x512xf32, #tpu.memory_space<vmem>>, vector<128x512xf32>
    %get3A_2 = arith.constant 0 : index
    %get3A_3 = arith.constant 0 : index
    %get3A_4 = vector.load %arg3[%get3A_2, %get3A_3] : memref<128x128xf32, #tpu.memory_space<vmem>>, vector<128x128xf32>
    %dot_general3A = arith.constant dense<0.000000e+00> : vector<512x128xf32>
    %dot_general3A_5 = tpu.matmul %get3A_1, %get3A_4, %dot_general3A {dimension_numbers = #tpu.dot_dimension_numbers<[0], [0], [1], [1], [0, 1, 1, 1], [], []>, precision = #tpu.contract_precision<fp32>, transpose_lhs_hint = false} : vector<128x512xf32>, vector<128x128xf32>, vector<512x128xf32> -> vector<512x128xf32>
    %swap3A = arith.constant 0 : index
    %swap3A_6 = arith.constant 0 : index
    %swap3A_7 = vector.load %arg5[%swap3A, %swap3A_6] : memref<512x128xf32, #tpu.memory_space<vmem>>, vector<512x128xf32>
    tpu.vector_store %arg5[%swap3A, %swap3A_6], %dot_general3A_5 {strides = array<i32>} : memref<512x128xf32, #tpu.memory_space<vmem>>, vector<512x128xf32>,
    %get3A_8 = arith.constant 0 : index
    %get3A_9 = arith.constant 0 : index
    %get3A_10 = vector.load %arg2[%get3A_8, %get3A_9] : memref<128x512xf32, #tpu.memory_space<vmem>>, vector<128x512xf32>
    %get3A_11 = arith.constant 0 : index
    %get3A_12 = arith.constant 0 : index
    %get3A_13 = vector.load %arg4[%get3A_11, %get3A_12] : memref<128x128xf32, #tpu.memory_space<vmem>>, vector<128x128xf32>
    %dot_general3A_14 = arith.constant dense<0.000000e+00> : vector<512x128xf32>
    %dot_general3A_15 = tpu.matmul %get3A_10, %get3A_13, %dot_general3A_14 {dimension_numbers = #tpu.dot_dimension_numbers<[0], [0], [1], [1], [0, 1, 1, 1], [], []>, precision = #tpu.contract_precision<fp32>, transpose_lhs_hint = false} : vector<128x512xf32>, vector<128x128xf32>, vector<512x128xf32> -> vector<512x128xf32>
    %swap3A_16 = arith.constant 0 : index
    %swap3A_17 = arith.constant 0 : index
    %swap3A_18 = vector.load %arg6[%swap3A_16, %swap3A_17] : memref<512x128xf32, #tpu.memory_space<vmem>>, vector<512x128xf32>
    tpu.vector_store %arg6[%swap3A_16, %swap3A_17], %dot_general3A_15 {strides = array<i32>} : memref<512x128xf32, #tpu.memory_space<vmem>>, vector<512x128xf32>,
    return
  }
  func.func @transform_0(%arg0: i32) -> (i32, i32) {
    %c0_i32 = arith.constant 0 : i32
    %c0_i32_0 = arith.constant 0 : i32
    return %c0_i32, %arg0 : i32, i32
  }
  func.func @transform_1(%arg0: i32) -> (i32, i32) {
    %c0_i32 = arith.constant 0 : i32
    %c0_i32_0 = arith.constant 0 : i32
    return %c0_i32, %arg0 : i32, i32
  }
  func.func @transform_2(%arg0: i32) -> (i32, i32) {
    %c0_i32 = arith.constant 0 : i32
    %c0_i32_0 = arith.constant 0 : i32
    %c0_i32_1 = arith.constant 0 : i32
    return %c0_i32, %c0_i32_0 : i32, i32
  }
  func.func @transform_3(%arg0: i32) -> (i32, i32) {
    %c0_i32 = arith.constant 0 : i32
    %c0_i32_0 = arith.constant 0 : i32
    %c0_i32_1 = arith.constant 0 : i32
    return %c0_i32, %c0_i32_0 : i32, i32
  }
  func.func @transform_4(%arg0: i32) -> (i32, i32) {
    %c0_i32 = arith.constant 0 : i32
    %c0_i32_0 = arith.constant 0 : i32
    return %arg0, %c0_i32 : i32, i32
  }
  func.func @transform_5(%arg0: i32) -> (i32, i32) {
    %c0_i32 = arith.constant 0 : i32
    %c0_i32_0 = arith.constant 0 : i32
    return %arg0, %c0_i32 : i32, i32
  }
}

module attributes {stable_mosaic.version = 14 : i64} {
  func.func @_stage1_body(%arg0: i32, %arg1: memref<1024x144xf32, #tpu.memory_space<vmem>>, %arg2: memref<128x128xf32, #tpu.memory_space<vmem>>, %arg3: memref<128x3xf32, #tpu.memory_space<vmem>>, %arg4: memref<3x128xf32, #tpu.memory_space<vmem>>, %arg5: memref<1x128xf32, #tpu.memory_space<vmem>>, %arg6: memref<128x64xf32, #tpu.memory_space<vmem>>, %arg7: memref<1x64xf32, #tpu.memory_space<vmem>>, %arg8: memref<3x8xf32, #tpu.memory_space<vmem>>, %arg9: memref<1x8xf32, #tpu.memory_space<vmem>>, %arg10: memref<8x8xf32, #tpu.memory_space<vmem>>, %arg11: memref<1x8xf32, #tpu.memory_space<vmem>>, %arg12: memref<8x64xf32, #tpu.memory_space<vmem>>, %arg13: memref<1x64xf32, #tpu.memory_space<vmem>>, %arg14: memref<128x64xf32, #tpu.memory_space<vmem>>) attributes {dimension_semantics = [#tpu.dimension_semantics<arbitrary>], iteration_bounds = array<i64: 64>, scalar_prefetch = 0 : i64, scratch_operands = 0 : i64, tpu.core_type = #tpu.core_type<tc>, window_params = [{transform_indices = @transform_0, window_bounds = array<i64: 1024, 144>}, {transform_indices = @transform_1, window_bounds = array<i64: 128, 128>}, {transform_indices = @transform_2, window_bounds = array<i64: 128, 3>}, {pipeline_mode = #tpu.pipeline_mode<synchronous>, transform_indices = @transform_3, window_bounds = array<i64: 3, 128>}, {pipeline_mode = #tpu.pipeline_mode<synchronous>, transform_indices = @transform_4, window_bounds = array<i64: 1, 128>}, {pipeline_mode = #tpu.pipeline_mode<synchronous>, transform_indices = @transform_5, window_bounds = array<i64: 128, 64>}, {pipeline_mode = #tpu.pipeline_mode<synchronous>, transform_indices = @transform_6, window_bounds = array<i64: 1, 64>}, {pipeline_mode = #tpu.pipeline_mode<synchronous>, transform_indices = @transform_7, window_bounds = array<i64: 3, 8>}, {pipeline_mode = #tpu.pipeline_mode<synchronous>, transform_indices = @transform_8, window_bounds = array<i64: 1, 8>}, {pipeline_mode = #tpu.pipeline_mode<synchronous>, transform_indices = @transform_9, window_bounds = array<i64: 8, 8>}, {pipeline_mode = #tpu.pipeline_mode<synchronous>, transform_indices = @transform_10, window_bounds = array<i64: 1, 8>}, {pipeline_mode = #tpu.pipeline_mode<synchronous>, transform_indices = @transform_11, window_bounds = array<i64: 8, 64>}, {pipeline_mode = #tpu.pipeline_mode<synchronous>, transform_indices = @transform_12, window_bounds = array<i64: 1, 64>}, {transform_indices = @transform_13, window_bounds = array<i64: 128, 64>}]} {
    %get3A = arith.constant 0 : index
    %get3A_0 = arith.constant 0 : index
    %get3A_1 = vector.load %arg1[%get3A, %get3A_0] : memref<1024x144xf32, #tpu.memory_space<vmem>>, vector<1024x144xf32>
    %get3A_2 = arith.constant 0 : index
    %get3A_3 = arith.constant 0 : index
    %get3A_4 = vector.load %arg2[%get3A_2, %get3A_3] : memref<128x128xf32, #tpu.memory_space<vmem>>, vector<128x128xf32>
    %broadcast_in_dim3A = vector.shape_cast %get3A_4 : vector<128x128xf32> to vector<128x1x128xf32>
    %broadcast_in_dim3A_5 = vector.shape_cast %broadcast_in_dim3A : vector<128x1x128xf32> to vector<128x1x128xf32>
    %broadcast_in_dim3A_6 = vector.broadcast %broadcast_in_dim3A_5 : vector<128x1x128xf32> to vector<128x8x128xf32>
    %reshape3A = vector.shape_cast %broadcast_in_dim3A_6 : vector<128x8x128xf32> to vector<1024x128xf32>
    %get3A_7 = arith.constant 0 : index
    %get3A_8 = arith.constant 0 : index
    %get3A_9 = vector.load %arg3[%get3A_7, %get3A_8] : memref<128x3xf32, #tpu.memory_space<vmem>>, vector<128x3xf32>
    %broadcast_in_dim3A_10 = vector.shape_cast %get3A_9 : vector<128x3xf32> to vector<128x1x3xf32>
    %broadcast_in_dim3A_11 = vector.shape_cast %broadcast_in_dim3A_10 : vector<128x1x3xf32> to vector<128x1x3xf32>
    %broadcast_in_dim3A_12 = vector.broadcast %broadcast_in_dim3A_11 : vector<128x1x3xf32> to vector<128x8x3xf32>
    %reshape3A_13 = vector.shape_cast %broadcast_in_dim3A_12 : vector<128x8x3xf32> to vector<1024x3xf32>
    %slice3A = vector.extract_strided_slice %get3A_1 {offsets = [0, 128], sizes = [1024, 3], strides = [1, 1]} : vector<1024x144xf32> to vector<1024x3xf32>
    %sub3A = arith.subf %slice3A, %reshape3A_13 : vector<1024x3xf32>
    %slice3A_14 = vector.extract_strided_slice %get3A_1 {offsets = [0, 0], sizes = [1024, 128], strides = [1, 1]} : vector<1024x144xf32> to vector<1024x128xf32>
    %add3A = arith.addf %slice3A_14, %reshape3A : vector<1024x128xf32>
    %get3A_15 = arith.constant 0 : index
    %get3A_16 = arith.constant 0 : index
    %get3A_17 = vector.load %arg4[%get3A_15, %get3A_16] : memref<3x128xf32, #tpu.memory_space<vmem>>, vector<3x128xf32>
    %dot_general3A = arith.constant dense<0.000000e+00> : vector<1024x128xf32>
    %dot_general3A_18 = tpu.matmul %sub3A, %get3A_17, %dot_general3A {dimension_numbers = #tpu.dot_dimension_numbers<[1], [0], [0], [1], [0, 0, 1, 1], [], []>, precision = #tpu.contract_precision<fp32>, transpose_lhs_hint = false} : vector<1024x3xf32>, vector<3x128xf32>, vector<1024x128xf32> -> vector<1024x128xf32>
    %add3A_19 = arith.addf %add3A, %dot_general3A_18 : vector<1024x128xf32>
    %get3A_20 = arith.constant 0 : index
    %get3A_21 = arith.constant 0 : index
    %get3A_22 = vector.load %arg5[%get3A_20, %get3A_21] : memref<1x128xf32, #tpu.memory_space<vmem>>, vector<1x128xf32>
    %add3A_23 = vector.broadcast %get3A_22 : vector<1x128xf32> to vector<1024x128xf32>
    %add3A_24 = arith.addf %add3A_19, %add3A_23 : vector<1024x128xf32>
    %ge3A = arith.constant 0.000000e+00 : f32
    %ge3A_25 = vector.broadcast %ge3A : f32 to vector<1024x128xf32>
    %ge3A_26 = arith.cmpf oge, %add3A_24, %ge3A_25 : vector<1024x128xf32>
    %mul3A = arith.constant 1.000000e-01 : f32
    %mul3A_27 = vector.broadcast %mul3A : f32 to vector<1024x128xf32>
    %mul3A_28 = arith.mulf %mul3A_27, %add3A_24 : vector<1024x128xf32>
    %select_n3A = arith.select %ge3A_26, %add3A_24, %mul3A_28 : vector<1024x128xi1>, vector<1024x128xf32>
    %get3A_29 = arith.constant 0 : index
    %get3A_30 = arith.constant 0 : index
    %get3A_31 = vector.load %arg6[%get3A_29, %get3A_30] : memref<128x64xf32, #tpu.memory_space<vmem>>, vector<128x64xf32>
    %dot_general3A_32 = arith.constant dense<0.000000e+00> : vector<1024x64xf32>
    %dot_general3A_33 = tpu.matmul %select_n3A, %get3A_31, %dot_general3A_32 {dimension_numbers = #tpu.dot_dimension_numbers<[1], [0], [0], [1], [0, 0, 1, 1], [], []>, precision = #tpu.contract_precision<fp32>, transpose_lhs_hint = false} : vector<1024x128xf32>, vector<128x64xf32>, vector<1024x64xf32> -> vector<1024x64xf32>
    %get3A_34 = arith.constant 0 : index
    %get3A_35 = arith.constant 0 : index
    %get3A_36 = vector.load %arg7[%get3A_34, %get3A_35] : memref<1x64xf32, #tpu.memory_space<vmem>>, vector<1x64xf32>
    %add3A_37 = vector.broadcast %get3A_36 : vector<1x64xf32> to vector<1024x64xf32>
    %add3A_38 = arith.addf %dot_general3A_33, %add3A_37 : vector<1024x64xf32>
    %ge3A_39 = arith.constant 0.000000e+00 : f32
    %ge3A_40 = vector.broadcast %ge3A_39 : f32 to vector<1024x64xf32>
    %ge3A_41 = arith.cmpf oge, %add3A_38, %ge3A_40 : vector<1024x64xf32>
    %mul3A_42 = arith.constant 1.000000e-01 : f32
    %mul3A_43 = vector.broadcast %mul3A_42 : f32 to vector<1024x64xf32>
    %mul3A_44 = arith.mulf %mul3A_43, %add3A_38 : vector<1024x64xf32>
    %select_n3A_45 = arith.select %ge3A_41, %add3A_38, %mul3A_44 : vector<1024x64xi1>, vector<1024x64xf32>
    %get3A_46 = arith.constant 0 : index
    %get3A_47 = arith.constant 0 : index
    %get3A_48 = vector.load %arg8[%get3A_46, %get3A_47] : memref<3x8xf32, #tpu.memory_space<vmem>>, vector<3x8xf32>
    %get3A_49 = arith.constant 0 : index
    %get3A_50 = arith.constant 0 : index
    %get3A_51 = vector.load %arg9[%get3A_49, %get3A_50] : memref<1x8xf32, #tpu.memory_space<vmem>>, vector<1x8xf32>
    %get3A_52 = arith.constant 0 : index
    %get3A_53 = arith.constant 0 : index
    %get3A_54 = vector.load %arg10[%get3A_52, %get3A_53] : memref<8x8xf32, #tpu.memory_space<vmem>>, vector<8x8xf32>
    %get3A_55 = arith.constant 0 : index
    %get3A_56 = arith.constant 0 : index
    %get3A_57 = vector.load %arg11[%get3A_55, %get3A_56] : memref<1x8xf32, #tpu.memory_space<vmem>>, vector<1x8xf32>
    %get3A_58 = arith.constant 0 : index
    %get3A_59 = arith.constant 0 : index
    %get3A_60 = vector.load %arg12[%get3A_58, %get3A_59] : memref<8x64xf32, #tpu.memory_space<vmem>>, vector<8x64xf32>
    %get3A_61 = arith.constant 0 : index
    %get3A_62 = arith.constant 0 : index
    %get3A_63 = vector.load %arg13[%get3A_61, %get3A_62] : memref<1x64xf32, #tpu.memory_space<vmem>>, vector<1x64xf32>
    %dot_general3A_64 = arith.constant dense<0.000000e+00> : vector<1024x8xf32>
    %dot_general3A_65 = tpu.matmul %sub3A, %get3A_48, %dot_general3A_64 {dimension_numbers = #tpu.dot_dimension_numbers<[1], [0], [0], [1], [0, 0, 1, 1], [], []>, precision = #tpu.contract_precision<fp32>, transpose_lhs_hint = false} : vector<1024x3xf32>, vector<3x8xf32>, vector<1024x8xf32> -> vector<1024x8xf32>
    %add3A_66 = vector.broadcast %get3A_51 : vector<1x8xf32> to vector<1024x8xf32>
    %add3A_67 = arith.addf %dot_general3A_65, %add3A_66 : vector<1024x8xf32>
    %max3A = arith.constant 0.000000e+00 : f32
    %max3A_68 = vector.broadcast %max3A : f32 to vector<1024x8xf32>
    %max3A_69 = arith.maximumf %add3A_67, %max3A_68 : vector<1024x8xf32>
    %dot_general3A_70 = arith.constant dense<0.000000e+00> : vector<1024x8xf32>
    %dot_general3A_71 = tpu.matmul %max3A_69, %get3A_54, %dot_general3A_70 {dimension_numbers = #tpu.dot_dimension_numbers<[1], [0], [0], [1], [0, 0, 1, 1], [], []>, precision = #tpu.contract_precision<fp32>, transpose_lhs_hint = false} : vector<1024x8xf32>, vector<8x8xf32>, vector<1024x8xf32> -> vector<1024x8xf32>
    %add3A_72 = vector.broadcast %get3A_57 : vector<1x8xf32> to vector<1024x8xf32>
    %add3A_73 = arith.addf %dot_general3A_71, %add3A_72 : vector<1024x8xf32>
    %max3A_74 = arith.constant 0.000000e+00 : f32
    %max3A_75 = vector.broadcast %max3A_74 : f32 to vector<1024x8xf32>
    %max3A_76 = arith.maximumf %add3A_73, %max3A_75 : vector<1024x8xf32>
    %dot_general3A_77 = arith.constant dense<0.000000e+00> : vector<1024x64xf32>
    %dot_general3A_78 = tpu.matmul %max3A_76, %get3A_60, %dot_general3A_77 {dimension_numbers = #tpu.dot_dimension_numbers<[1], [0], [0], [1], [0, 0, 1, 1], [], []>, precision = #tpu.contract_precision<fp32>, transpose_lhs_hint = false} : vector<1024x8xf32>, vector<8x64xf32>, vector<1024x64xf32> -> vector<1024x64xf32>
    %add3A_79 = vector.broadcast %get3A_63 : vector<1x64xf32> to vector<1024x64xf32>
    %add3A_80 = arith.addf %dot_general3A_78, %add3A_79 : vector<1024x64xf32>
    %max3A_81 = arith.constant 0.000000e+00 : f32
    %max3A_82 = vector.broadcast %max3A_81 : f32 to vector<1024x64xf32>
    %max3A_83 = arith.maximumf %add3A_80, %max3A_82 : vector<1024x64xf32>
    %mul3A_84 = arith.mulf %max3A_83, %select_n3A_45 : vector<1024x64xf32>
    %reshape3A_85 = vector.shape_cast %mul3A_84 : vector<1024x64xf32> to vector<128x8x64xf32>
    %reduce_sum3A = arith.constant dense<0.000000e+00> : vector<128x64xf32>
    %reduce_sum3A_86 = vector.multi_reduction <add>, %reshape3A_85, %reduce_sum3A [1] : vector<128x8x64xf32> to vector<128x64xf32>
    %swap3A = arith.constant 0 : index
    %swap3A_87 = arith.constant 0 : index
    %swap3A_88 = vector.load %arg14[%swap3A, %swap3A_87] : memref<128x64xf32, #tpu.memory_space<vmem>>, vector<128x64xf32>
    tpu.vector_store %arg14[%swap3A, %swap3A_87], %reduce_sum3A_86 {strides = array<i32>} : memref<128x64xf32, #tpu.memory_space<vmem>>, vector<128x64xf32>,
    return
  }
  func.func @transform_0(%arg0: i32) -> (i32, i32) {
    %c0_i32 = arith.constant 0 : i32
    %c0_i32_0 = arith.constant 0 : i32
    return %arg0, %c0_i32 : i32, i32
  }
  func.func @transform_1(%arg0: i32) -> (i32, i32) {
    %c0_i32 = arith.constant 0 : i32
    %c0_i32_0 = arith.constant 0 : i32
    return %arg0, %c0_i32 : i32, i32
  }
  func.func @transform_2(%arg0: i32) -> (i32, i32) {
    %c0_i32 = arith.constant 0 : i32
    %c0_i32_0 = arith.constant 0 : i32
    return %arg0, %c0_i32 : i32, i32
  }
  func.func @transform_3(%arg0: i32) -> (i32, i32) {
    %c0_i32 = arith.constant 0 : i32
    %c0_i32_0 = arith.constant 0 : i32
    %c0_i32_1 = arith.constant 0 : i32
    return %c0_i32, %c0_i32_0 : i32, i32
  }
  func.func @transform_4(%arg0: i32) -> (i32, i32) {
    %c0_i32 = arith.constant 0 : i32
    %c0_i32_0 = arith.constant 0 : i32
    %c0_i32_1 = arith.constant 0 : i32
    return %c0_i32, %c0_i32_0 : i32, i32
  }
  func.func @transform_5(%arg0: i32) -> (i32, i32) {
    %c0_i32 = arith.constant 0 : i32
    %c0_i32_0 = arith.constant 0 : i32
    %c0_i32_1 = arith.constant 0 : i32
    return %c0_i32, %c0_i32_0 : i32, i32
  }
  func.func @transform_6(%arg0: i32) -> (i32, i32) {
    %c0_i32 = arith.constant 0 : i32
    %c0_i32_0 = arith.constant 0 : i32
    %c0_i32_1 = arith.constant 0 : i32
    return %c0_i32, %c0_i32_0 : i32, i32
  }
  func.func @transform_7(%arg0: i32) -> (i32, i32) {
    %c0_i32 = arith.constant 0 : i32
    %c0_i32_0 = arith.constant 0 : i32
    %c0_i32_1 = arith.constant 0 : i32
    return %c0_i32, %c0_i32_0 : i32, i32
  }
  func.func @transform_8(%arg0: i32) -> (i32, i32) {
    %c0_i32 = arith.constant 0 : i32
    %c0_i32_0 = arith.constant 0 : i32
    %c0_i32_1 = arith.constant 0 : i32
    return %c0_i32, %c0_i32_0 : i32, i32
  }
  func.func @transform_9(%arg0: i32) -> (i32, i32) {
    %c0_i32 = arith.constant 0 : i32
    %c0_i32_0 = arith.constant 0 : i32
    %c0_i32_1 = arith.constant 0 : i32
    return %c0_i32, %c0_i32_0 : i32, i32
  }
  func.func @transform_10(%arg0: i32) -> (i32, i32) {
    %c0_i32 = arith.constant 0 : i32
    %c0_i32_0 = arith.constant 0 : i32
    %c0_i32_1 = arith.constant 0 : i32
    return %c0_i32, %c0_i32_0 : i32, i32
  }
  func.func @transform_11(%arg0: i32) -> (i32, i32) {
    %c0_i32 = arith.constant 0 : i32
    %c0_i32_0 = arith.constant 0 : i32
    %c0_i32_1 = arith.constant 0 : i32
    return %c0_i32, %c0_i32_0 : i32, i32
  }
  func.func @transform_12(%arg0: i32) -> (i32, i32) {
    %c0_i32 = arith.constant 0 : i32
    %c0_i32_0 = arith.constant 0 : i32
    %c0_i32_1 = arith.constant 0 : i32
    return %c0_i32, %c0_i32_0 : i32, i32
  }
  func.func @transform_13(%arg0: i32) -> (i32, i32) {
    %c0_i32 = arith.constant 0 : i32
    %c0_i32_0 = arith.constant 0 : i32
    return %arg0, %c0_i32 : i32, i32
  }
}

module attributes {stable_mosaic.version = 14 : i64} {
  func.func @_stage2_body(%arg0: i32, %arg1: memref<1024x16xf32, #tpu.memory_space<vmem>>, %arg2: memref<1024x64xf32, #tpu.memory_space<vmem>>, %arg3: memref<128x3xf32, #tpu.memory_space<vmem>>, %arg4: memref<3x8xf32, #tpu.memory_space<vmem>>, %arg5: memref<1x8xf32, #tpu.memory_space<vmem>>, %arg6: memref<8x8xf32, #tpu.memory_space<vmem>>, %arg7: memref<1x8xf32, #tpu.memory_space<vmem>>, %arg8: memref<8x64xf32, #tpu.memory_space<vmem>>, %arg9: memref<1x64xf32, #tpu.memory_space<vmem>>, %arg10: memref<64x128xf32, #tpu.memory_space<vmem>>) attributes {dimension_semantics = [#tpu.dimension_semantics<arbitrary>], iteration_bounds = array<i64: 64>, scalar_prefetch = 0 : i64, scratch_operands = 0 : i64, tpu.core_type = #tpu.core_type<tc>, window_params = [{transform_indices = @transform_0, window_bounds = array<i64: 1024, 16>}, {transform_indices = @transform_1, window_bounds = array<i64: 1024, 64>}, {transform_indices = @transform_2, window_bounds = array<i64: 128, 3>}, {pipeline_mode = #tpu.pipeline_mode<synchronous>, transform_indices = @transform_3, window_bounds = array<i64: 3, 8>}, {pipeline_mode = #tpu.pipeline_mode<synchronous>, transform_indices = @transform_4, window_bounds = array<i64: 1, 8>}, {pipeline_mode = #tpu.pipeline_mode<synchronous>, transform_indices = @transform_5, window_bounds = array<i64: 8, 8>}, {pipeline_mode = #tpu.pipeline_mode<synchronous>, transform_indices = @transform_6, window_bounds = array<i64: 1, 8>}, {pipeline_mode = #tpu.pipeline_mode<synchronous>, transform_indices = @transform_7, window_bounds = array<i64: 8, 64>}, {pipeline_mode = #tpu.pipeline_mode<synchronous>, transform_indices = @transform_8, window_bounds = array<i64: 1, 64>}, {transform_indices = @transform_9, window_bounds = array<i64: 64, 128>}]} {
    %get3A = arith.constant 0 : index
    %get3A_0 = arith.constant 0 : index
    %get3A_1 = vector.load %arg3[%get3A, %get3A_0] : memref<128x3xf32, #tpu.memory_space<vmem>>, vector<128x3xf32>
    %broadcast_in_dim3A = vector.shape_cast %get3A_1 : vector<128x3xf32> to vector<128x1x3xf32>
    %broadcast_in_dim3A_2 = vector.shape_cast %broadcast_in_dim3A : vector<128x1x3xf32> to vector<128x1x3xf32>
    %broadcast_in_dim3A_3 = vector.broadcast %broadcast_in_dim3A_2 : vector<128x1x3xf32> to vector<128x8x3xf32>
    %reshape3A = vector.shape_cast %broadcast_in_dim3A_3 : vector<128x8x3xf32> to vector<1024x3xf32>
    %get3A_4 = arith.constant 0 : index
    %get3A_5 = arith.constant 0 : index
    %get3A_6 = vector.load %arg1[%get3A_4, %get3A_5] : memref<1024x16xf32, #tpu.memory_space<vmem>>, vector<1024x16xf32>
    %slice3A = vector.extract_strided_slice %get3A_6 {offsets = [0, 0], sizes = [1024, 3], strides = [1, 1]} : vector<1024x16xf32> to vector<1024x3xf32>
    %sub3A = arith.subf %slice3A, %reshape3A : vector<1024x3xf32>
    %get3A_7 = arith.constant 0 : index
    %get3A_8 = arith.constant 0 : index
    %get3A_9 = vector.load %arg4[%get3A_7, %get3A_8] : memref<3x8xf32, #tpu.memory_space<vmem>>, vector<3x8xf32>
    %get3A_10 = arith.constant 0 : index
    %get3A_11 = arith.constant 0 : index
    %get3A_12 = vector.load %arg5[%get3A_10, %get3A_11] : memref<1x8xf32, #tpu.memory_space<vmem>>, vector<1x8xf32>
    %get3A_13 = arith.constant 0 : index
    %get3A_14 = arith.constant 0 : index
    %get3A_15 = vector.load %arg6[%get3A_13, %get3A_14] : memref<8x8xf32, #tpu.memory_space<vmem>>, vector<8x8xf32>
    %get3A_16 = arith.constant 0 : index
    %get3A_17 = arith.constant 0 : index
    %get3A_18 = vector.load %arg7[%get3A_16, %get3A_17] : memref<1x8xf32, #tpu.memory_space<vmem>>, vector<1x8xf32>
    %get3A_19 = arith.constant 0 : index
    %get3A_20 = arith.constant 0 : index
    %get3A_21 = vector.load %arg8[%get3A_19, %get3A_20] : memref<8x64xf32, #tpu.memory_space<vmem>>, vector<8x64xf32>
    %get3A_22 = arith.constant 0 : index
    %get3A_23 = arith.constant 0 : index
    %get3A_24 = vector.load %arg9[%get3A_22, %get3A_23] : memref<1x64xf32, #tpu.memory_space<vmem>>, vector<1x64xf32>
    %dot_general3A = arith.constant dense<0.000000e+00> : vector<1024x8xf32>
    %dot_general3A_25 = tpu.matmul %sub3A, %get3A_9, %dot_general3A {dimension_numbers = #tpu.dot_dimension_numbers<[1], [0], [0], [1], [0, 0, 1, 1], [], []>, precision = #tpu.contract_precision<fp32>, transpose_lhs_hint = false} : vector<1024x3xf32>, vector<3x8xf32>, vector<1024x8xf32> -> vector<1024x8xf32>
    %add3A = vector.broadcast %get3A_12 : vector<1x8xf32> to vector<1024x8xf32>
    %add3A_26 = arith.addf %dot_general3A_25, %add3A : vector<1024x8xf32>
    %max3A = arith.constant 0.000000e+00 : f32
    %max3A_27 = vector.broadcast %max3A : f32 to vector<1024x8xf32>
    %max3A_28 = arith.maximumf %add3A_26, %max3A_27 : vector<1024x8xf32>
    %dot_general3A_29 = arith.constant dense<0.000000e+00> : vector<1024x8xf32>
    %dot_general3A_30 = tpu.matmul %max3A_28, %get3A_15, %dot_general3A_29 {dimension_numbers = #tpu.dot_dimension_numbers<[1], [0], [0], [1], [0, 0, 1, 1], [], []>, precision = #tpu.contract_precision<fp32>, transpose_lhs_hint = false} : vector<1024x8xf32>, vector<8x8xf32>, vector<1024x8xf32> -> vector<1024x8xf32>
    %add3A_31 = vector.broadcast %get3A_18 : vector<1x8xf32> to vector<1024x8xf32>
    %add3A_32 = arith.addf %dot_general3A_30, %add3A_31 : vector<1024x8xf32>
    %max3A_33 = arith.constant 0.000000e+00 : f32
    %max3A_34 = vector.broadcast %max3A_33 : f32 to vector<1024x8xf32>
    %max3A_35 = arith.maximumf %add3A_32, %max3A_34 : vector<1024x8xf32>
    %dot_general3A_36 = arith.constant dense<0.000000e+00> : vector<1024x64xf32>
    %dot_general3A_37 = tpu.matmul %max3A_35, %get3A_21, %dot_general3A_36 {dimension_numbers = #tpu.dot_dimension_numbers<[1], [0], [0], [1], [0, 0, 1, 1], [], []>, precision = #tpu.contract_precision<fp32>, transpose_lhs_hint = false} : vector<1024x8xf32>, vector<8x64xf32>, vector<1024x64xf32> -> vector<1024x64xf32>
    %add3A_38 = vector.broadcast %get3A_24 : vector<1x64xf32> to vector<1024x64xf32>
    %add3A_39 = arith.addf %dot_general3A_37, %add3A_38 : vector<1024x64xf32>
    %max3A_40 = arith.constant 0.000000e+00 : f32
    %max3A_41 = vector.broadcast %max3A_40 : f32 to vector<1024x64xf32>
    %max3A_42 = arith.maximumf %add3A_39, %max3A_41 : vector<1024x64xf32>
    %get3A_43 = arith.constant 0 : index
    %get3A_44 = arith.constant 0 : index
    %get3A_45 = vector.load %arg2[%get3A_43, %get3A_44] : memref<1024x64xf32, #tpu.memory_space<vmem>>, vector<1024x64xf32>
    %mul3A = arith.mulf %max3A_42, %get3A_45 : vector<1024x64xf32>
    %reshape3A_46 = vector.shape_cast %mul3A : vector<1024x64xf32> to vector<128x8x64xf32>
    %reduce_sum3A = arith.constant dense<0.000000e+00> : vector<128x64xf32>
    %reduce_sum3A_47 = vector.multi_reduction <add>, %reshape3A_46, %reduce_sum3A [1] : vector<128x8x64xf32> to vector<128x64xf32>
    %transpose3A = tpu.transpose %reduce_sum3A_47, [1, 0] : vector<128x64xf32> -> vector<64x128xf32>
    %swap3A = arith.constant 0 : index
    %swap3A_48 = arith.constant 0 : index
    %swap3A_49 = vector.load %arg10[%swap3A, %swap3A_48] : memref<64x128xf32, #tpu.memory_space<vmem>>, vector<64x128xf32>
    tpu.vector_store %arg10[%swap3A, %swap3A_48], %transpose3A {strides = array<i32>} : memref<64x128xf32, #tpu.memory_space<vmem>>, vector<64x128xf32>,
    return
  }
  func.func @transform_0(%arg0: i32) -> (i32, i32) {
    %c0_i32 = arith.constant 0 : i32
    %c0_i32_0 = arith.constant 0 : i32
    return %arg0, %c0_i32 : i32, i32
  }
  func.func @transform_1(%arg0: i32) -> (i32, i32) {
    %c0_i32 = arith.constant 0 : i32
    %c0_i32_0 = arith.constant 0 : i32
    return %arg0, %c0_i32 : i32, i32
  }
  func.func @transform_2(%arg0: i32) -> (i32, i32) {
    %c0_i32 = arith.constant 0 : i32
    %c0_i32_0 = arith.constant 0 : i32
    return %arg0, %c0_i32 : i32, i32
  }
  func.func @transform_3(%arg0: i32) -> (i32, i32) {
    %c0_i32 = arith.constant 0 : i32
    %c0_i32_0 = arith.constant 0 : i32
    %c0_i32_1 = arith.constant 0 : i32
    return %c0_i32, %c0_i32_0 : i32, i32
  }
  func.func @transform_4(%arg0: i32) -> (i32, i32) {
    %c0_i32 = arith.constant 0 : i32
    %c0_i32_0 = arith.constant 0 : i32
    %c0_i32_1 = arith.constant 0 : i32
    return %c0_i32, %c0_i32_0 : i32, i32
  }
  func.func @transform_5(%arg0: i32) -> (i32, i32) {
    %c0_i32 = arith.constant 0 : i32
    %c0_i32_0 = arith.constant 0 : i32
    %c0_i32_1 = arith.constant 0 : i32
    return %c0_i32, %c0_i32_0 : i32, i32
  }
  func.func @transform_6(%arg0: i32) -> (i32, i32) {
    %c0_i32 = arith.constant 0 : i32
    %c0_i32_0 = arith.constant 0 : i32
    %c0_i32_1 = arith.constant 0 : i32
    return %c0_i32, %c0_i32_0 : i32, i32
  }
  func.func @transform_7(%arg0: i32) -> (i32, i32) {
    %c0_i32 = arith.constant 0 : i32
    %c0_i32_0 = arith.constant 0 : i32
    %c0_i32_1 = arith.constant 0 : i32
    return %c0_i32, %c0_i32_0 : i32, i32
  }
  func.func @transform_8(%arg0: i32) -> (i32, i32) {
    %c0_i32 = arith.constant 0 : i32
    %c0_i32_0 = arith.constant 0 : i32
    %c0_i32_1 = arith.constant 0 : i32
    return %c0_i32, %c0_i32_0 : i32, i32
  }
  func.func @transform_9(%arg0: i32) -> (i32, i32) {
    %c0_i32 = arith.constant 0 : i32
    %c0_i32_0 = arith.constant 0 : i32
    return %c0_i32, %arg0 : i32, i32
  }
}

</mosaic_0001>

<sc_bundles>
// kernel: kernel.11.cloned.1.call-start
scs
__scs_entry_jumppad:
0x0: {  	(pc) =	sbr.rel $0x88, $3  }
0x1: {  	(tag) =	ssettag $0x0;
	lr =	simm.s32 $0x1  }
0x2: {  	[smem:$0x3F8D] =	sst lr;
	_ =	strace $0xD0000000  }
0x3: {  	_ = 	snop  }
0x4: {  	_ = 	snop  }
0x5: {  	_ = 	snop  }
0x6: {  	_ = 	snop  }
0x7: {  	_ = 	snop  }
__scs_overlays_trampoline_lowered:
0x8: {  	[smem:$0x3F9C] =	sst s0  }
0x9: {  	[smem:$0x3F9D] =	sst s1  }
0xa: {  	[smem:$0x3F9E] =	sst s2  }
0xb: {  	[smem:$0x3F9F] =	sst s3  }
0xc: {  	[smem:$0x3FA0] =	sst s4  }
0xd: {  	[smem:$0x3FA1] =	sst s5  }
0xe: {  	[smem:$0x3FA2] =	sst s6  }
0xf: {  	[smem:$0x3FA3] =	sst s7  }
0x10: {  	[smem:$0x3FA4] =	sst s8  }
0x11: {  	[smem:$0x3FA5] =	sst s9;
	s0 =	simm.s32 @!p0 $0x0  }
0x12: {  	s1 =	sld [smem:$0x3F8B];
	s0 =	simm.s32 @p0 $0x1  }
0x13: {  	[smem:$0x3FA6] =	sst s0;
	s0 =	simm.s32 @!p1 $0x0  }
0x14: {  	s2 =	sld [smem:$0x3F8A];
	s0 =	simm.s32 @p1 $0x1  }
0x15: {  	[smem:$0x3FA7] =	sst s0;
	s0 =	simm.s32 @!p2 $0x0  }
0x16: {  	s3 =	sld [smem:$0x3FDB];
	s0 =	simm.s32 @p2 $0x1  }
0x17: {  	s4 =	simm.s32 $0x1BF5;
	[smem:$0x3FA9] =	sst s0  }
0x18: {  	s0 =	sld [smem:$0x3F8C];
	_ =	swait.ge [sflag:s4], $0x0  }
0x19: {  	s7 =	sld [smem:$0x3F8D]  }
0x1a: {  	s8 =	sadd.s32 $0xFFFFE003, lr  }
0x1b: {  	s9 =	sadd.s32 $0xFFFFFEF7, lr;
	s5 =	simm.s32 $0xFFFFFFFF;
	p2 =	slt.u32 s8, $0xFFFFF086  }
0x1c: {  	p1 =	slt.u32 s9, $0xF7A;
	s5 =	simm.s32 @!p2 $0x0  }
0x1d: {  	s5 =	simm.s32 @p1 $0x1;
	p0 =	seq.s32 s7, s2  }
0x1e: {  	s7 =	smul.u32 @!p0 $0xF7A, s2;
	p2 =	seq.s32 @!p0 s5, $0x0  }
0x1f: {  	s9 =	smul.u32 $0xF7A, s1;
	s8 =	simm.s32 @!p0 $0x1BF5;
	p2 =	por !p2, p0  }
0x20: {  	[sflag:s8] =	ssyncset.s32 @!p0 $0xFFFFF086;
	s6 =	sadd.s32 @!p0 s3, s7;
	s7 =	simm.s32 @!p0 $0x108  }
0x21: {  	s3 =	sadd.s32 s3, s9;
	s6 =	sadd.s32 @!p0 $0x88, s6;
	s7 =	simm.s32 @p2 $0x1082  }
0x22: {  	[simem:s7], [sflag:s8] =	dma.local @!p0 [hbm:s6], $0xF7A  }
0x23: {  	s9 =	sor.u32 $0xD0000000, s2;
	s6 =	simm.s32 $0x108;
	_ =	swait.ge @!p0 [sflag:s8], $0x0  }
0x24: {  	s3 =	sadd.s32 $0x88, s3;
	s6 =	simm.s32 @!p1 $0x1082;
	[sflag:s4] =	ssyncset.s32 $0xFFFFF086  }
0x25: {  	[simem:s6], [sflag:s4] =	dma.local [hbm:s3], $0xF7A  }
0x26: {  	[smem:$0x3F8D] =	sst s1;
	(tag) =	ssettag s2;
	_ =	strace s9  }
0x27: {  	s1 =	sld [smem:$0x3F9D]  }
0x28: {  	s2 =	sld [smem:$0x3F9E]  }
0x29: {  	s4 =	sld [smem:$0x3FA0]  }
0x2a: {  	p0 =	seq.s32 s5, $0x0;
	s5 =	sld [smem:$0x3FA1]  }
0x2b: {  	s6 =	sld [smem:$0x3FA2]  }
0x2c: {  	s7 =	sld [smem:$0x3FA3]  }
0x2d: {  	s3 =	simm.s32 $0x108;
	s8 =	sld [smem:$0x3FA4]  }
0x2e: {  	s3 =	simm.s32 @!p0 $0x1082;
	s9 =	sld [smem:$0x3FA5]  }
0x2f: {  	lr =	sadd.s32 s0, s3;
	s0 =	sld [smem:$0x3F9C]  }
0x30: {  	s3 =	sld [smem:$0x3F9F]  }
0x31: {  	[smem:$0x3FA8] =	sst s10  }
0x32: {  	s10 =	sld [smem:$0x3FA6];
	_ =	sdelay $0x3  }
0x33: {  	p0 =	seq.s32 s10, $0x1;
	s10 =	sld [smem:$0x3FA8];
	_ =	sdelay $0x3  }
0x34: {  	[smem:$0x3FA8] =	sst s10  }
0x35: {  	s10 =	sld [smem:$0x3FA7];
	_ =	sdelay $0x3  }
0x36: {  	p1 =	seq.s32 s10, $0x1;
	s10 =	sld [smem:$0x3FA8];
	_ =	sdelay $0x3  }
0x37: {  	[smem:$0x3FA8] =	sst s10  }
0x38: {  	s10 =	sld [smem:$0x3FA9]  }
0x39: {  	_ = 	snop;
	(pc) =	sbr.ind lr, $3  }
0x3a: {  	_ = 	snop  }
0x3b: {  	_ = 	snop  }
0x3c: {  	p2 =	seq.s32 s10, $0x1;
	s10 =	sld [smem:$0x3FA8]  }
0x3d: {  	_ =	shalt  }
0x3e: {  	_ =	shalt  }
0x3f: {  	_ =	shalt  }
0x40: {  	_ =	shalt  }
0x41: {  	_ =	shalt  }
0x42: {  	_ =	shalt  }
0x43: {  	_ =	shalt  }
0x44: {  	_ =	shalt  }
0x45: {  	_ =	shalt  }
0x46: {  	_ =	shalt  }
0x47: {  	_ =	shalt  }
0x48: {  	_ =	shalt  }
0x49: {  	_ =	shalt  }
0x4a: {  	_ =	shalt  }
0x4b: {  	_ =	shalt  }
0x4c: {  	_ =	shalt  }
0x4d: {  	_ =	shalt  }
0x4e: {  	_ =	shalt  }
0x4f: {  	_ =	shalt  }
0x50: {  	_ =	shalt  }
0x51: {  	_ =	shalt  }
0x52: {  	_ =	shalt  }
0x53: {  	_ =	shalt  }
0x54: {  	_ =	shalt  }
0x55: {  	_ =	shalt  }
0x56: {  	_ =	shalt  }
0x57: {  	_ =	shalt  }
0x58: {  	_ =	shalt  }
0x59: {  	_ =	shalt  }
0x5a: {  	_ =	shalt  }
0x5b: {  	_ =	shalt  }
0x5c: {  	_ =	shalt  }
0x5d: {  	_ =	shalt  }
0x5e: {  	_ =	shalt  }
0x5f: {  	_ =	shalt  }
0x60: {  	_ =	shalt  }
0x61: {  	_ =	shalt  }
0x62: {  	_ =	shalt  }
0x63: {  	_ =	shalt  }
0x64: {  	_ =	shalt  }
0x65: {  	_ =	shalt  }
0x66: {  	_ =	shalt  }
0x67: {  	_ =	shalt  }
0x68: {  	_ =	shalt  }
0x69: {  	_ =	shalt  }
0x6a: {  	_ =	shalt  }
0x6b: {  	_ =	shalt  }
0x6c: {  	_ =	shalt  }
0x6d: {  	_ =	shalt  }
0x6e: {  	_ =	shalt  }
0x6f: {  	_ =	shalt  }
0x70: {  	_ =	shalt  }
0x71: {  	_ =	shalt  }
0x72: {  	_ =	shalt  }
0x73: {  	_ =	shalt  }
0x74: {  	_ =	shalt  }
0x75: {  	_ =	shalt  }
0x76: {  	_ =	shalt  }
0x77: {  	_ =	shalt  }
0x78: {  	_ =	shalt  }
0x79: {  	_ =	shalt  }
0x7a: {  	_ =	shalt  }
0x7b: {  	_ =	shalt  }
0x7c: {  	_ =	shalt  }
0x7d: {  	_ =	shalt  }
0x7e: {  	_ =	shalt  }
0x7f: {  	_ =	shalt  }
0x80: {  	_ =	shalt  }
0x81: {  	_ =	shalt  }
0x82: {  	_ =	shalt  }
0x83: {  	_ =	shalt  }
0x84: {  	_ =	shalt  }
0x85: {  	_ =	shalt  }
0x86: {  	_ =	shalt  }
0x87: {  	_ =	shalt  }
.Lfunc_end0:
.L_simem_size_0:
called_computation.1_lowered:
.L_overlay_start_0:
0x88: {  	s2 =	sld [smem:$0x3FD9]  }
0x89: {  	s3 =	sld [smem:$0x3FFE];
	_ =	sdelay $0x1  }
0x8a: {  	s1 =	srdreg.scid  }
0x8b: {  	s0 =	sand.u32 $0x1, s1  }
0x8c: {  	s17 =	sshll.u32 s0, $0xA;
	s2 =	sadd.s32 s3, s2  }
0x8d: {  	s2 =	sadd.s32 s2, s17  }
0x8e: {  	[smem:$0x3FB4] =	sst s2  }
0x8f: {  	_ = 	snop  }
0x90: {  	s2 =	sld [smem:$0x3FD0];
	(tm) =	ssettm $0x1  }
0x91: {  	s18 =	sld [smem:$0x3FFB];
	_ =	sdelay $0x3  }
0x92: {  	_ =	strace s18  }
0x93: {  	s3 =	sld [smem:$0x3FFC];
	_ =	sdelay $0x3  }
0x94: {  	_ =	strace s3  }
0x95: {  	s3 =	sld [smem:$0x3FFD];
	_ =	sdelay $0x3  }
0x96: {  	_ =	strace s3  }
0x97: {  	_ =	strace $0x8FFFFFFF  }
0x98: {  	s19 =	sld [smem:$0x3FDB];
	_ =	sdelay $0x1  }
0x99: {  	s4 =	simm.s32 $_scs_section_size  }
0x9a: {  	s5 =	simm.s32 $_size__tile_overlayer_lowered;
	s6 =	simm.s32 $_tile_overlayer_lowered  }
0x9b: {  	s22 =	simm.s32 $0x1BFF;
	s21 =	sshll.u32 s6, $0x1;
	s3 =	sadd.s32 s4, s19  }
0x9c: {  	s7 =	simm.s32 $0x0;
	s20 =	sshll.u32 s5, $0x1;
	s5 =	sadd.s32 s21, s3  }
0x9d: {  	[timem:s7], [sflag:s22] =	dma.local [hbm:s5], s20  }
0x9e: {  	_ =	swait.ge [sflag:s22], s20  }
0x9f: {  	s4 =	ssub.s32 $0x0, s20;
	[sflag:s22] =	ssyncset.done $0x0  }
0xa0: {  	[sflag:s22] =	ssyncadd.s32 s4;
	_ =	sdelay $0x1  }
0xa1: {  	s23 =	simm.s32 $0x1B8B  }
0xa2: {  	_ =	swait.ge [sflag:s23], $0x1  }
0xa3: {  	[sflag:s23] =	ssyncset.done $0x0  }
0xa4: {  	s25 =	simm.s32 $0x1B8E;
	s24 =	sld [smem:$0x3FFE];
	[sflag:s23] =	ssyncadd.s32 $0xFFFFFFFF  }
0xa5: {  	s26 =	simm.s32 $execute0_lowered;
	[smem:$0x3FD2] =	sst s25  }
0xa6: {  	s5 =	sshll.u32 s26, $0x1;
	_ =	strace $0x80000049;
	[dreg:$0x1] =	wrdreg $0xFFFFFFFF  }
0xa7: {  	s28 =	simm.s32 $_size_execute0_lowered;
	s3 =	sadd.s32 s3, s5;
	[dreg:$0x0] =	wrdreg $0x0  }
0xa8: {  	s5 =	sshll.u32 s28, $0x1;
	[dreg:$0x2] =	wrdreg s3  }
0xa9: {  	[dreg:$0x3] =	wrdreg s5  }
0xaa: {  	[dreg:$0x4] =	wrdreg $0xC0  }
0xab: {  	_ =	task [dreg:s7], $0x5FFFF  }
0xac: {  	[dreg:$0x1] =	wrdreg $0xFFFFFFFF  }
0xad: {  	[dreg:$0x0] =	wrdreg $0x60  }
0xae: {  	[dreg:$0x2] =	wrdreg s2  }
0xaf: {  	[dreg:$0x3] =	wrdreg s24  }
0xb0: {  	[dreg:$0x4] =	wrdreg $0x9  }
0xb1: {  	_ =	task.clear_ibuf [dreg:s7], $0x5FFFF;
	_ =	strace $0x90000049  }
0xb2: {  	s29 =	simm.s32 $0x9;
	_ =	strace $0x8000004B  }
0xb3: {  	_ =	swait.ge [sflag:s29], $0x1  }
0xb4: {  	[sflag:s29] =	ssyncadd.s32 $0xFFFFFFFF  }
0xb5: {  	_ =	strace $0x9000004B  }
0xb6: {  	_ =	sfence  }
0xb7: {  	s30 =	sld [smem:$0x0];
	_ =	sdelay $0x2  }
0xb8: {  	s31 =	sshll.u32 s1, $0xD;
	s1 =	sshrl.u32 s1, $0x2  }
0xb9: {  	s3 =	sand.u32 $0x4000, s31;
	s1 =	sadd.s32 s1, s30  }
0xba: {  	s0 =	sor.u32 s3, s0;
	s1 =	sshll.u32 s1, $0x11  }
0xbb: {  	s0 =	sor.u32 s1, s0  }
0xbc: {  	s0 =	sadd.s32 $0x8F2B, s0  }
0xbd: {  	[sflag:s0] =	ssyncadd.remote.s32 $0x1  }
0xbe: {  	_ =	sfence.sel $0xFFFF  }
0xbf: {  	[dreg:$0x0] =	wrdreg $0xFFFFFFFF;
	(pc) =	sbr.abs _section_cstart, $3  }
0xc0: {  	[dreg:$0x1] =	wrdreg $0xFFFFFFFF  }
0xc1: {  	_ =	task.clear_ibuf [dreg:s7], $0x2FFFF;
	_ =	strace $0x9FFFFFFF  }
0xc2: {  	(tm) =	ssettm $0x7FFFFFFF  }
0xc3: {  	_ =	shalt  }
tec
execute0_lowered:
.L_overlay_start_1:
0x0: {  	(tag) =	ssettag $0x1  }
0x1: {  	s1 =	srdreg.scid;
	s0 =	stileid.u32  }
0x2: {  	s1 =	sand.u32 $0x1, s1;
	s3 =	sshll.u32 s0, $0x1  }
0x3: {  	s2 =	rddreg [dreg:$0x0];
	s5 =	sor.u32 s1, s3  }
0x4: {  	s4 =	rddreg [dreg:$0x1];
	s6 =	sshll.u32 s5, $0x8  }
0x5: {  	s3 =	simm.s32 $0x0;
	s5 =	sshll.u32 s5, $0xE;
	s6 =	sadd.s32 s6, s4  }
0x6: {  	[smem:$0x7FF] =	sst s3;
	s31 =	sadd.s32 s5, s4;
	s16 =	sadd.s32 $0x3A00, s6  }
0x7: {  	_ =	strace $0x8000004A;
	s17 =	sadd.s32 $0x5A00, s31;
	[dreg:$0x3] =	wrdreg s16  }
0x8: {  	s18 =	sadd.s32 $0x5E00, s31;
	[dreg:$0x4] =	wrdreg s17  }
0x9: {  	s19 =	sadd.s32 $0x6200, s31;
	[dreg:$0x5] =	wrdreg s18  }
0xa: {  	s20 =	sadd.s32 $0x6600, s31;
	[dreg:$0x6] =	wrdreg s19  }
0xb: {  	s21 =	sadd.s32 $0x6A00, s31;
	[dreg:$0x7] =	wrdreg s20  }
0xc: {  	s22 =	sadd.s32 $0x6E00, s31;
	[dreg:$0x8] =	wrdreg s21  }
0xd: {  	s23 =	sadd.s32 $0x7200, s31;
	[dreg:$0x9] =	wrdreg s22  }
0xe: {  	s24 =	sadd.s32 $0x7600, s31;
	[dreg:$0xa] =	wrdreg s23  }
0xf: {  	s26 =	sadd.s32 $0x7A00, s31;
	[dreg:$0xb] =	wrdreg s24  }
0x10: {  	[dreg:$0xc] =	wrdreg s26  }
0x11: {  	s4 =	simm.s32 $0x3;
	s25 =	rddreg [dreg:$0x3]  }
0x12: {  	[tilespmem:s3], [sflag:$0x3] =	stream.linear.gather [hbm4b:s25+s3], $0x800, $0x38;
	[tilespmem:$0x4800] =	vst v63  }
0x13: {  	_ =	swait.ge [sflag:s4], $0x800  }
0x14: {  	[sflag:s4] =	ssyncset.done $0x0  }
0x15: {  	s5 =	simm.s32 $0x80;
	s6 =	simm.s32 $0x800;
	[sflag:s4] =	ssyncadd.s32 $0xFFFFF800  }
0x16: {  	[tilespmem:s6], [sflag:$0x1] =	stream.indirect.gather [hbm4b:s2+s5], $0x40, s3, s5, $0xb8;
	[tilespmem:$0x4800] =	vst v63  }
0x17: {  	s7 =	simm.s32 $0x2800;
	s8 =	simm.s32 $0x1  }
0x18: {  	[tilespmem:s7], [sflag:$0x2] =	stream.indirect.gather [hbm4b:s2+s5], $0x40, s5, s5, $0xb8;
	[tilespmem:$0x4800] =	vst v63  }
0x19: {  	_ =	swait.ge [sflag:s8], $0x2000  }
0x1a: {  	[sflag:s8] =	ssyncset.done $0x0  }
0x1b: {  	s9 =	rddreg [dreg:$0x4];
	[sflag:s8] =	ssyncadd.s32 $0xFFFFE000  }
0x1c: {  	[hbm4b:s9+s3] =	stream.linear.scatter [tilespmem:s6], [sflag:$0x3], $0x2000, $0x38;
	[tilespmem:$0x4800] =	vst v63  }
0x1d: {  	_ =	swait.ge [sflag:s4], $0x2000  }
0x1e: {  	[sflag:s4] =	ssyncset.done $0x0  }
0x1f: {  	s10 =	simm.s32 $0x2;
	s9 =	simm.s32 $0x100;
	[sflag:s4] =	ssyncadd.s32 $0xFFFFE000  }
0x20: {  	[tilespmem:s6], [sflag:$0x1] =	stream.indirect.gather [hbm4b:s2+s5], $0x40, s9, s5, $0xb8;
	[tilespmem:$0x4800] =	vst v63  }
0x21: {  	_ =	swait.ge [sflag:s10], $0x2000  }
0x22: {  	[sflag:s10] =	ssyncset.done $0x0  }
0x23: {  	s11 =	rddreg [dreg:$0x5];
	[sflag:s10] =	ssyncadd.s32 $0xFFFFE000  }
0x24: {  	[hbm4b:s11+s3] =	stream.linear.scatter [tilespmem:s7], [sflag:$0x3], $0x2000, $0x38;
	[tilespmem:$0x4800] =	vst v63  }
0x25: {  	_ =	swait.ge [sflag:s4], $0x2000  }
0x26: {  	[sflag:s4] =	ssyncset.done $0x0  }
0x27: {  	s11 =	simm.s32 $0x180;
	[sflag:s4] =	ssyncadd.s32 $0xFFFFE000  }
0x28: {  	[tilespmem:s7], [sflag:$0x2] =	stream.indirect.gather [hbm4b:s2+s5], $0x40, s11, s5, $0xb8;
	[tilespmem:$0x4800] =	vst v63  }
0x29: {  	_ =	swait.ge [sflag:s8], $0x2000  }
0x2a: {  	[sflag:s8] =	ssyncset.done $0x0  }
0x2b: {  	s12 =	rddreg [dreg:$0x6];
	[sflag:s8] =	ssyncadd.s32 $0xFFFFE000  }
0x2c: {  	[hbm4b:s12+s3] =	stream.linear.scatter [tilespmem:s6], [sflag:$0x3], $0x2000, $0x38;
	[tilespmem:$0x4800] =	vst v63  }
0x2d: {  	_ =	swait.ge [sflag:s4], $0x2000  }
0x2e: {  	[sflag:s4] =	ssyncset.done $0x0  }
0x2f: {  	s12 =	simm.s32 $0x200;
	[sflag:s4] =	ssyncadd.s32 $0xFFFFE000  }
0x30: {  	[tilespmem:s6], [sflag:$0x1] =	stream.indirect.gather [hbm4b:s2+s5], $0x40, s12, s5, $0xb8;
	[tilespmem:$0x4800] =	vst v63  }
0x31: {  	_ =	swait.ge [sflag:s10], $0x2000  }
0x32: {  	[sflag:s10] =	ssyncset.done $0x0  }
0x33: {  	s13 =	rddreg [dreg:$0x7];
	[sflag:s10] =	ssyncadd.s32 $0xFFFFE000  }
0x34: {  	[hbm4b:s13+s3] =	stream.linear.scatter [tilespmem:s7], [sflag:$0x3], $0x2000, $0x38;
	[tilespmem:$0x4800] =	vst v63  }
0x35: {  	_ =	swait.ge [sflag:s4], $0x2000  }
0x36: {  	[sflag:s4] =	ssyncset.done $0x0  }
0x37: {  	s13 =	simm.s32 $0x280;
	[sflag:s4] =	ssyncadd.s32 $0xFFFFE000  }
0x38: {  	[tilespmem:s7], [sflag:$0x2] =	stream.indirect.gather [hbm4b:s2+s5], $0x40, s13, s5, $0xb8;
	[tilespmem:$0x4800] =	vst v63  }
0x39: {  	_ =	swait.ge [sflag:s8], $0x2000  }
0x3a: {  	[sflag:s8] =	ssyncset.done $0x0  }
0x3b: {  	s14 =	rddreg [dreg:$0x8];
	[sflag:s8] =	ssyncadd.s32 $0xFFFFE000  }
0x3c: {  	[hbm4b:s14+s3] =	stream.linear.scatter [tilespmem:s6], [sflag:$0x3], $0x2000, $0x38;
	[tilespmem:$0x4800] =	vst v63  }
0x3d: {  	_ =	swait.ge [sflag:s4], $0x2000  }
0x3e: {  	[sflag:s4] =	ssyncset.done $0x0  }
0x3f: {  	s14 =	simm.s32 $0x300;
	[sflag:s4] =	ssyncadd.s32 $0xFFFFE000  }
0x40: {  	[tilespmem:s6], [sflag:$0x1] =	stream.indirect.gather [hbm4b:s2+s5], $0x40, s14, s5, $0xb8;
	[tilespmem:$0x4800] =	vst v63  }
0x41: {  	_ =	swait.ge [sflag:s10], $0x2000  }
0x42: {  	[sflag:s10] =	ssyncset.done $0x0  }
0x43: {  	s15 =	rddreg [dreg:$0x9];
	[sflag:s10] =	ssyncadd.s32 $0xFFFFE000  }
0x44: {  	[hbm4b:s15+s3] =	stream.linear.scatter [tilespmem:s7], [sflag:$0x3], $0x2000, $0x38;
	[tilespmem:$0x4800] =	vst v63  }
0x45: {  	_ =	swait.ge [sflag:s4], $0x2000  }
0x46: {  	[sflag:s4] =	ssyncset.done $0x0  }
0x47: {  	s15 =	simm.s32 $0x380;
	[sflag:s4] =	ssyncadd.s32 $0xFFFFE000  }
0x48: {  	[tilespmem:s7], [sflag:$0x2] =	stream.indirect.gather [hbm4b:s2+s5], $0x40, s15, s5, $0xb8;
	[tilespmem:$0x4800] =	vst v63  }
0x49: {  	_ =	swait.ge [sflag:s8], $0x2000  }
0x4a: {  	[sflag:s8] =	ssyncset.done $0x0  }
0x4b: {  	s16 =	rddreg [dreg:$0xa];
	[sflag:s8] =	ssyncadd.s32 $0xFFFFE000  }
0x4c: {  	[hbm4b:s16+s3] =	stream.linear.scatter [tilespmem:s6], [sflag:$0x3], $0x2000, $0x38;
	[tilespmem:$0x4800] =	vst v63  }
0x4d: {  	_ =	swait.ge [sflag:s4], $0x2000  }
0x4e: {  	[sflag:s4] =	ssyncset.done $0x0  }
0x4f: {  	s16 =	simm.s32 $0x400;
	[sflag:s4] =	ssyncadd.s32 $0xFFFFE000  }
0x50: {  	[tilespmem:s6], [sflag:$0x1] =	stream.indirect.gather [hbm4b:s2+s5], $0x40, s16, s5, $0xb8;
	[tilespmem:$0x4800] =	vst v63  }
0x51: {  	_ =	swait.ge [sflag:s10], $0x2000  }
0x52: {  	[sflag:s10] =	ssyncset.done $0x0  }
0x53: {  	s17 =	rddreg [dreg:$0xb];
	[sflag:s10] =	ssyncadd.s32 $0xFFFFE000  }
0x54: {  	[hbm4b:s17+s3] =	stream.linear.scatter [tilespmem:s7], [sflag:$0x3], $0x2000, $0x38;
	[tilespmem:$0x4800] =	vst v63  }
0x55: {  	_ =	swait.ge [sflag:s4], $0x2000  }
0x56: {  	[sflag:s4] =	ssyncset.done $0x0  }
0x57: {  	s17 =	simm.s32 $0x480;
	[sflag:s4] =	ssyncadd.s32 $0xFFFFE000  }
0x58: {  	[tilespmem:s7], [sflag:$0x2] =	stream.indirect.gather [hbm4b:s2+s5], $0x40, s17, s5, $0xb8;
	[tilespmem:$0x4800] =	vst v63  }
0x59: {  	_ =	swait.ge [sflag:s8], $0x2000  }
0x5a: {  	[sflag:s8] =	ssyncset.done $0x0  }
0x5b: {  	s18 =	rddreg [dreg:$0xc];
	[sflag:s8] =	ssyncadd.s32 $0xFFFFE000  }
0x5c: {  	[hbm4b:s18+s3] =	stream.linear.scatter [tilespmem:s6], [sflag:$0x3], $0x2000, $0x38;
	[tilespmem:$0x4800] =	vst v63  }
0x5d: {  	_ =	swait.ge [sflag:s4], $0x2000  }
0x5e: {  	[sflag:s4] =	ssyncset.done $0x0  }
0x5f: {  	s18 =	simm.s32 $0x500;
	[sflag:s4] =	ssyncadd.s32 $0xFFFFE000  }
0x60: {  	[tilespmem:s6], [sflag:$0x1] =	stream.indirect.gather [hbm4b:s2+s5], $0x40, s18, s5, $0xb8;
	[tilespmem:$0x4800] =	vst v63  }
0x61: {  	_ =	swait.ge [sflag:s10], $0x2000  }
0x62: {  	[sflag:s10] =	ssyncset.done $0x0  }
0x63: {  	s19 =	sadd.s32 $0x7E00, s31;
	[sflag:s10] =	ssyncadd.s32 $0xFFFFE000  }
0x64: {  	[hbm4b:s19+s3] =	stream.linear.scatter [tilespmem:s7], [sflag:$0x3], $0x2000, $0x38;
	[tilespmem:$0x4800] =	vst v63  }
0x65: {  	_ =	swait.ge [sflag:s4], $0x2000  }
0x66: {  	[sflag:s4] =	ssyncset.done $0x0  }
0x67: {  	s20 =	simm.s32 $0x580;
	[sflag:s4] =	ssyncadd.s32 $0xFFFFE000  }
0x68: {  	[tilespmem:s7], [sflag:$0x2] =	stream.indirect.gather [hbm4b:s2+s5], $0x40, s20, s5, $0xb8;
	[tilespmem:$0x4800] =	vst v63  }
0x69: {  	_ =	swait.ge [sflag:s8], $0x2000  }
0x6a: {  	[sflag:s8] =	ssyncset.done $0x0  }
0x6b: {  	s21 =	sadd.s32 $0x8200, s31;
	[sflag:s8] =	ssyncadd.s32 $0xFFFFE000  }
0x6c: {  	[hbm4b:s21+s3] =	stream.linear.scatter [tilespmem:s6], [sflag:$0x3], $0x2000, $0x38;
	[tilespmem:$0x4800] =	vst v63  }
0x6d: {  	_ =	swait.ge [sflag:s4], $0x2000  }
0x6e: {  	[sflag:s4] =	ssyncset.done $0x0  }
0x6f: {  	s22 =	simm.s32 $0x600;
	[sflag:s4] =	ssyncadd.s32 $0xFFFFE000  }
0x70: {  	[tilespmem:s6], [sflag:$0x1] =	stream.indirect.gather [hbm4b:s2+s5], $0x40, s22, s5, $0xb8;
	[tilespmem:$0x4800] =	vst v63  }
0x71: {  	_ =	swait.ge [sflag:s10], $0x2000  }
0x72: {  	[sflag:s10] =	ssyncset.done $0x0  }
0x73: {  	s23 =	sadd.s32 $0x8600, s31;
	[sflag:s10] =	ssyncadd.s32 $0xFFFFE000  }
0x74: {  	[hbm4b:s23+s3] =	stream.linear.scatter [tilespmem:s7], [sflag:$0x3], $0x2000, $0x38;
	[tilespmem:$0x4800] =	vst v63  }
0x75: {  	_ =	swait.ge [sflag:s4], $0x2000  }
0x76: {  	[sflag:s4] =	ssyncset.done $0x0  }
0x77: {  	s24 =	simm.s32 $0x680;
	[sflag:s4] =	ssyncadd.s32 $0xFFFFE000  }
0x78: {  	[tilespmem:s7], [sflag:$0x2] =	stream.indirect.gather [hbm4b:s2+s5], $0x40, s24, s5, $0xb8;
	[tilespmem:$0x4800] =	vst v63  }
0x79: {  	_ =	swait.ge [sflag:s8], $0x2000  }
0x7a: {  	[sflag:s8] =	ssyncset.done $0x0  }
0x7b: {  	s25 =	sadd.s32 $0x8A00, s31;
	[sflag:s8] =	ssyncadd.s32 $0xFFFFE000  }
0x7c: {  	[hbm4b:s25+s3] =	stream.linear.scatter [tilespmem:s6], [sflag:$0x3], $0x2000, $0x38;
	[tilespmem:$0x4800] =	vst v63  }
0x7d: {  	_ =	swait.ge [sflag:s4], $0x2000  }
0x7e: {  	[sflag:s4] =	ssyncset.done $0x0  }
0x7f: {  	s26 =	simm.s32 $0x700;
	[sflag:s4] =	ssyncadd.s32 $0xFFFFE000  }
0x80: {  	[tilespmem:s6], [sflag:$0x1] =	stream.indirect.gather [hbm4b:s2+s5], $0x40, s26, s5, $0xb8;
	[tilespmem:$0x4800] =	vst v63  }
0x81: {  	_ =	swait.ge [sflag:s10], $0x2000  }
0x82: {  	[sflag:s10] =	ssyncset.done $0x0  }
0x83: {  	s28 =	sadd.s32 $0x8E00, s31;
	[sflag:s10] =	ssyncadd.s32 $0xFFFFE000  }
0x84: {  	[hbm4b:s28+s3] =	stream.linear.scatter [tilespmem:s7], [sflag:$0x3], $0x2000, $0x38;
	[tilespmem:$0x4800] =	vst v63  }
0x85: {  	_ =	swait.ge [sflag:s4], $0x2000  }
0x86: {  	[sflag:s4] =	ssyncset.done $0x0  }
0x87: {  	s29 =	simm.s32 $0x780;
	[sflag:s4] =	ssyncadd.s32 $0xFFFFE000  }
0x88: {  	[tilespmem:s7], [sflag:$0x2] =	stream.indirect.gather [hbm4b:s2+s5], $0x40, s29, s5, $0xb8;
	[tilespmem:$0x4800] =	vst v63  }
0x89: {  	_ =	swait.ge [sflag:s8], $0x2000  }
0x8a: {  	s1 =	ssub.s32 $0x2, s1;
	[sflag:s8] =	ssyncset.done $0x0  }
0x8b: {  	s0 =	sshrl.u32 s1, $0x1;
	s30 =	sadd.s32 $0x9200, s31;
	[sflag:s8] =	ssyncadd.s32 $0xFFFFE000  }
0x8c: {  	[hbm4b:s30+s3] =	stream.linear.scatter [tilespmem:s6], [sflag:$0x3], $0x2000, $0x38;
	[tilespmem:$0x4800] =	vst v63  }
0x8d: {  	s0 =	ssub.s32 s1, s0;
	_ =	swait.ge [sflag:s4], $0x2000  }
0x8e: {  	s0 =	smax.u32 s0, $0x1;
	[sflag:s4] =	ssyncset.done $0x0  }
0x8f: {  	p0 =	sne.s32 s0, $0x1;
	[sflag:s4] =	ssyncadd.s32 $0xFFFFE000  }
.Ltmp0:
0x90: {  	_ =	swait.ge [sflag:s10], $0x2000;
	(pc) =	sbr.rel @!p0 .LBB2_2-.Ltmp0, $4  }
0x91: {  	[sflag:s10] =	ssyncset.done $0x0  }
0x92: {  	s31 =	sadd.s32 $0x9600, s31;
	[sflag:s10] =	ssyncadd.s32 $0xFFFFE000  }
0x93: {  	[hbm4b:s31+s3] =	stream.linear.scatter [tilespmem:s7], [sflag:$0x3], $0x2000, $0x38;
	[tilespmem:$0x4800] =	vst v63  }
0x94: {  	s1 =	sadd.s32 $0xFFFFFFFF, s0;
	_ =	swait.ge [sflag:s4], $0x2000  }
.LBB2_1:
0x95: {  	[sflag:s4] =	ssyncset.done $0x0  }
0x96: {  	s0 =	rddreg [dreg:$0x3];
	[sflag:s4] =	ssyncadd.s32 $0xFFFFE000  }
0x97: {  	[tilespmem:s3], [sflag:$0x3] =	stream.linear.gather [hbm4b:s0+s3], $0x800, $0x38;
	[tilespmem:$0x4800] =	vst v63  }
0x98: {  	_ =	swait.ge [sflag:s4], $0x800  }
0x99: {  	[sflag:s4] =	ssyncset.done $0x0  }
0x9a: {  	[sflag:s4] =	ssyncadd.s32 $0xFFFFF800  }
0x9b: {  	[tilespmem:s6], [sflag:$0x1] =	stream.indirect.gather [hbm4b:s2+s5], $0x40, s3, s5, $0xb8;
	[tilespmem:$0x4800] =	vst v63  }
0x9c: {  	_ = 	snop  }
0x9d: {  	[tilespmem:s7], [sflag:$0x2] =	stream.indirect.gather [hbm4b:s2+s5], $0x40, s5, s5, $0xb8;
	[tilespmem:$0x4800] =	vst v63  }
0x9e: {  	_ =	swait.ge [sflag:s8], $0x2000  }
0x9f: {  	[sflag:s8] =	ssyncset.done $0x0  }
0xa0: {  	s0 =	rddreg [dreg:$0x4];
	[sflag:s8] =	ssyncadd.s32 $0xFFFFE000  }
0xa1: {  	[hbm4b:s0+s3] =	stream.linear.scatter [tilespmem:s6], [sflag:$0x3], $0x2000, $0x38;
	[tilespmem:$0x4800] =	vst v63  }
0xa2: {  	_ =	swait.ge [sflag:s4], $0x2000  }
0xa3: {  	[sflag:s4] =	ssyncset.done $0x0  }
0xa4: {  	[sflag:s4] =	ssyncadd.s32 $0xFFFFE000  }
0xa5: {  	[tilespmem:s6], [sflag:$0x1] =	stream.indirect.gather [hbm4b:s2+s5], $0x40, s9, s5, $0xb8;
	[tilespmem:$0x4800] =	vst v63  }
0xa6: {  	_ =	swait.ge [sflag:s10], $0x2000  }
0xa7: {  	[sflag:s10] =	ssyncset.done $0x0  }
0xa8: {  	s0 =	rddreg [dreg:$0x5];
	[sflag:s10] =	ssyncadd.s32 $0xFFFFE000  }
0xa9: {  	[hbm4b:s0+s3] =	stream.linear.scatter [tilespmem:s7], [sflag:$0x3], $0x2000, $0x38;
	[tilespmem:$0x4800] =	vst v63  }
0xaa: {  	_ =	swait.ge [sflag:s4], $0x2000  }
0xab: {  	[sflag:s4] =	ssyncset.done $0x0  }
0xac: {  	[sflag:s4] =	ssyncadd.s32 $0xFFFFE000  }
0xad: {  	[tilespmem:s7], [sflag:$0x2] =	stream.indirect.gather [hbm4b:s2+s5], $0x40, s11, s5, $0xb8;
	[tilespmem:$0x4800] =	vst v63  }
0xae: {  	_ =	swait.ge [sflag:s8], $0x2000  }
0xaf: {  	[sflag:s8] =	ssyncset.done $0x0  }
0xb0: {  	s0 =	rddreg [dreg:$0x6];
	[sflag:s8] =	ssyncadd.s32 $0xFFFFE000  }
0xb1: {  	[hbm4b:s0+s3] =	stream.linear.scatter [tilespmem:s6], [sflag:$0x3], $0x2000, $0x38;
	[tilespmem:$0x4800] =	vst v63  }
0xb2: {  	_ =	swait.ge [sflag:s4], $0x2000  }
0xb3: {  	[sflag:s4] =	ssyncset.done $0x0  }
0xb4: {  	[sflag:s4] =	ssyncadd.s32 $0xFFFFE000  }
0xb5: {  	[tilespmem:s6], [sflag:$0x1] =	stream.indirect.gather [hbm4b:s2+s5], $0x40, s12, s5, $0xb8;
	[tilespmem:$0x4800] =	vst v63  }
0xb6: {  	_ =	swait.ge [sflag:s10], $0x2000  }
0xb7: {  	[sflag:s10] =	ssyncset.done $0x0  }
0xb8: {  	s0 =	rddreg [dreg:$0x7];
	[sflag:s10] =	ssyncadd.s32 $0xFFFFE000  }
0xb9: {  	[hbm4b:s0+s3] =	stream.linear.scatter [tilespmem:s7], [sflag:$0x3], $0x2000, $0x38;
	[tilespmem:$0x4800] =	vst v63  }
0xba: {  	_ =	swait.ge [sflag:s4], $0x2000  }
0xbb: {  	[sflag:s4] =	ssyncset.done $0x0  }
0xbc: {  	[sflag:s4] =	ssyncadd.s32 $0xFFFFE000  }
0xbd: {  	[tilespmem:s7], [sflag:$0x2] =	stream.indirect.gather [hbm4b:s2+s5], $0x40, s13, s5, $0xb8;
	[tilespmem:$0x4800] =	vst v63  }
0xbe: {  	_ =	swait.ge [sflag:s8], $0x2000  }
0xbf: {  	[sflag:s8] =	ssyncset.done $0x0  }
0xc0: {  	s0 =	rddreg [dreg:$0x8];
	[sflag:s8] =	ssyncadd.s32 $0xFFFFE000  }
0xc1: {  	[hbm4b:s0+s3] =	stream.linear.scatter [tilespmem:s6], [sflag:$0x3], $0x2000, $0x38;
	[tilespmem:$0x4800] =	vst v63  }
0xc2: {  	_ =	swait.ge [sflag:s4], $0x2000  }
0xc3: {  	[sflag:s4] =	ssyncset.done $0x0  }
0xc4: {  	[sflag:s4] =	ssyncadd.s32 $0xFFFFE000  }
0xc5: {  	[tilespmem:s6], [sflag:$0x1] =	stream.indirect.gather [hbm4b:s2+s5], $0x40, s14, s5, $0xb8;
	[tilespmem:$0x4800] =	vst v63  }
0xc6: {  	_ =	swait.ge [sflag:s10], $0x2000  }
0xc7: {  	[sflag:s10] =	ssyncset.done $0x0  }
0xc8: {  	s0 =	rddreg [dreg:$0x9];
	[sflag:s10] =	ssyncadd.s32 $0xFFFFE000  }
0xc9: {  	[hbm4b:s0+s3] =	stream.linear.scatter [tilespmem:s7], [sflag:$0x3], $0x2000, $0x38;
	[tilespmem:$0x4800] =	vst v63  }
0xca: {  	_ =	swait.ge [sflag:s4], $0x2000  }
0xcb: {  	[sflag:s4] =	ssyncset.done $0x0  }
0xcc: {  	[sflag:s4] =	ssyncadd.s32 $0xFFFFE000  }
0xcd: {  	[tilespmem:s7], [sflag:$0x2] =	stream.indirect.gather [hbm4b:s2+s5], $0x40, s15, s5, $0xb8;
	[tilespmem:$0x4800] =	vst v63  }
0xce: {  	_ =	swait.ge [sflag:s8], $0x2000  }
0xcf: {  	[sflag:s8] =	ssyncset.done $0x0  }
0xd0: {  	s0 =	rddreg [dreg:$0xa];
	[sflag:s8] =	ssyncadd.s32 $0xFFFFE000  }
0xd1: {  	[hbm4b:s0+s3] =	stream.linear.scatter [tilespmem:s6], [sflag:$0x3], $0x2000, $0x38;
	[tilespmem:$0x4800] =	vst v63  }
0xd2: {  	_ =	swait.ge [sflag:s4], $0x2000  }
0xd3: {  	[sflag:s4] =	ssyncset.done $0x0  }
0xd4: {  	[sflag:s4] =	ssyncadd.s32 $0xFFFFE000  }
0xd5: {  	[tilespmem:s6], [sflag:$0x1] =	stream.indirect.gather [hbm4b:s2+s5], $0x40, s16, s5, $0xb8;
	[tilespmem:$0x4800] =	vst v63  }
0xd6: {  	_ =	swait.ge [sflag:s10], $0x2000  }
0xd7: {  	[sflag:s10] =	ssyncset.done $0x0  }
0xd8: {  	s0 =	rddreg [dreg:$0xb];
	[sflag:s10] =	ssyncadd.s32 $0xFFFFE000  }
0xd9: {  	[hbm4b:s0+s3] =	stream.linear.scatter [tilespmem:s7], [sflag:$0x3], $0x2000, $0x38;
	[tilespmem:$0x4800] =	vst v63  }
0xda: {  	_ =	swait.ge [sflag:s4], $0x2000  }
0xdb: {  	[sflag:s4] =	ssyncset.done $0x0  }
0xdc: {  	[sflag:s4] =	ssyncadd.s32 $0xFFFFE000  }
0xdd: {  	[tilespmem:s7], [sflag:$0x2] =	stream.indirect.gather [hbm4b:s2+s5], $0x40, s17, s5, $0xb8;
	[tilespmem:$0x4800] =	vst v63  }
0xde: {  	_ =	swait.ge [sflag:s8], $0x2000  }
0xdf: {  	[sflag:s8] =	ssyncset.done $0x0  }
0xe0: {  	s0 =	rddreg [dreg:$0xc];
	[sflag:s8] =	ssyncadd.s32 $0xFFFFE000  }
0xe1: {  	[hbm4b:s0+s3] =	stream.linear.scatter [tilespmem:s6], [sflag:$0x3], $0x2000, $0x38;
	[tilespmem:$0x4800] =	vst v63  }
0xe2: {  	_ =	swait.ge [sflag:s4], $0x2000  }
0xe3: {  	[sflag:s4] =	ssyncset.done $0x0  }
0xe4: {  	[sflag:s4] =	ssyncadd.s32 $0xFFFFE000  }
0xe5: {  	[tilespmem:s6], [sflag:$0x1] =	stream.indirect.gather [hbm4b:s2+s5], $0x40, s18, s5, $0xb8;
	[tilespmem:$0x4800] =	vst v63  }
0xe6: {  	_ =	swait.ge [sflag:s10], $0x2000  }
0xe7: {  	[sflag:s10] =	ssyncset.done $0x0  }
0xe8: {  	[sflag:s10] =	ssyncadd.s32 $0xFFFFE000  }
0xe9: {  	[hbm4b:s19+s3] =	stream.linear.scatter [tilespmem:s7], [sflag:$0x3], $0x2000, $0x38;
	[tilespmem:$0x4800] =	vst v63  }
0xea: {  	_ =	swait.ge [sflag:s4], $0x2000  }
0xeb: {  	[sflag:s4] =	ssyncset.done $0x0  }
0xec: {  	[sflag:s4] =	ssyncadd.s32 $0xFFFFE000  }
0xed: {  	[tilespmem:s7], [sflag:$0x2] =	stream.indirect.gather [hbm4b:s2+s5], $0x40, s20, s5, $0xb8;
	[tilespmem:$0x4800] =	vst v63  }
0xee: {  	_ =	swait.ge [sflag:s8], $0x2000  }
0xef: {  	[sflag:s8] =	ssyncset.done $0x0  }
0xf0: {  	[sflag:s8] =	ssyncadd.s32 $0xFFFFE000  }
0xf1: {  	[hbm4b:s21+s3] =	stream.linear.scatter [tilespmem:s6], [sflag:$0x3], $0x2000, $0x38;
	[tilespmem:$0x4800] =	vst v63  }
0xf2: {  	_ =	swait.ge [sflag:s4], $0x2000  }
0xf3: {  	[sflag:s4] =	ssyncset.done $0x0  }
0xf4: {  	[sflag:s4] =	ssyncadd.s32 $0xFFFFE000  }
0xf5: {  	[tilespmem:s6], [sflag:$0x1] =	stream.indirect.gather [hbm4b:s2+s5], $0x40, s22, s5, $0xb8;
	[tilespmem:$0x4800] =	vst v63  }
0xf6: {  	_ =	swait.ge [sflag:s10], $0x2000  }
0xf7: {  	[sflag:s10] =	ssyncset.done $0x0  }
0xf8: {  	[sflag:s10] =	ssyncadd.s32 $0xFFFFE000  }
0xf9: {  	[hbm4b:s23+s3] =	stream.linear.scatter [tilespmem:s7], [sflag:$0x3], $0x2000, $0x38;
	[tilespmem:$0x4800] =	vst v63  }
0xfa: {  	_ =	swait.ge [sflag:s4], $0x2000  }
0xfb: {  	[sflag:s4] =	ssyncset.done $0x0  }
0xfc: {  	[sflag:s4] =	ssyncadd.s32 $0xFFFFE000  }
0xfd: {  	[tilespmem:s7], [sflag:$0x2] =	stream.indirect.gather [hbm4b:s2+s5], $0x40, s24, s5, $0xb8;
	[tilespmem:$0x4800] =	vst v63  }
0xfe: {  	_ =	swait.ge [sflag:s8], $0x2000  }
0xff: {  	[sflag:s8] =	ssyncset.done $0x0  }
0x100: {  	[sflag:s8] =	ssyncadd.s32 $0xFFFFE000  }
0x101: {  	[hbm4b:s25+s3] =	stream.linear.scatter [tilespmem:s6], [sflag:$0x3], $0x2000, $0x38;
	[tilespmem:$0x4800] =	vst v63  }
0x102: {  	_ =	swait.ge [sflag:s4], $0x2000  }
0x103: {  	[sflag:s4] =	ssyncset.done $0x0  }
0x104: {  	[sflag:s4] =	ssyncadd.s32 $0xFFFFE000  }
0x105: {  	[tilespmem:s6], [sflag:$0x1] =	stream.indirect.gather [hbm4b:s2+s5], $0x40, s26, s5, $0xb8;
	[tilespmem:$0x4800] =	vst v63  }
0x106: {  	_ =	swait.ge [sflag:s10], $0x2000  }
0x107: {  	[sflag:s10] =	ssyncset.done $0x0  }
0x108: {  	[sflag:s10] =	ssyncadd.s32 $0xFFFFE000  }
0x109: {  	[hbm4b:s28+s3] =	stream.linear.scatter [tilespmem:s7], [sflag:$0x3], $0x2000, $0x38;
	[tilespmem:$0x4800] =	vst v63  }
0x10a: {  	_ =	swait.ge [sflag:s4], $0x2000  }
0x10b: {  	[sflag:s4] =	ssyncset.done $0x0  }
0x10c: {  	[sflag:s4] =	ssyncadd.s32 $0xFFFFE000  }
0x10d: {  	[tilespmem:s7], [sflag:$0x2] =	stream.indirect.gather [hbm4b:s2+s5], $0x40, s29, s5, $0xb8;
	[tilespmem:$0x4800] =	vst v63  }
0x10e: {  	_ =	swait.ge [sflag:s8], $0x2000  }
0x10f: {  	[sflag:s8] =	ssyncset.done $0x0  }
0x110: {  	[sflag:s8] =	ssyncadd.s32 $0xFFFFE000  }
0x111: {  	[hbm4b:s30+s3] =	stream.linear.scatter [tilespmem:s6], [sflag:$0x3], $0x2000, $0x38;
	[tilespmem:$0x4800] =	vst v63  }
0x112: {  	_ =	swait.ge [sflag:s4], $0x2000  }
0x113: {  	[sflag:s4] =	ssyncset.done $0x0  }
0x114: {  	p0 =	sne.s32 s1, $0x1;
	[sflag:s4] =	ssyncadd.s32 $0xFFFFE000  }
.Ltmp1:
0x115: {  	_ =	swait.ge [sflag:s10], $0x2000;
	(pc) =	sbr.rel @p0 .LBB2_1-.Ltmp1, $4  }
0x116: {  	[sflag:s10] =	ssyncset.done $0x0  }
0x117: {  	[sflag:s10] =	ssyncadd.s32 $0xFFFFE000  }
0x118: {  	[hbm4b:s31+s3] =	stream.linear.scatter [tilespmem:s7], [sflag:$0x3], $0x2000, $0x38;
	[tilespmem:$0x4800] =	vst v63  }
0x119: {  	s1 =	sadd.s32 $0xFFFFFFFF, s1;
	_ =	swait.ge [sflag:s4], $0x2000  }
.LBB2_2:
0x11a: {  	[sflag:s4] =	ssyncset.done $0x0  }
0x11b: {  	[sflag:s4] =	ssyncadd.s32 $0xFFFFE000  }
0x11c: {  	_ =	sfence.sel $0x180000  }
0x11d: {  	[bflag:$0x0] =	sbarrier.arrive $0xFFFF  }
0x11e: {  	_ =	strace $0x9000004A  }
0x11f: {  	s0 =	stileid.u32;
	[bflag:$0x2] =	sbarrier.arrive $0xFFFF  }
0x120: {  	p0 =	sne.s32 s0, $0x0;
	s0 =	rddreg [dreg:$0x2]  }
0x121: {  	s0 =	sadd.s32 @!p0 $0x100000, s0  }
0x122: {  	[sflag:s0] =	ssyncadd.tile.s32 @!p0 $0x1;
	_ =	shalt  }
.Lfunc_end2:
_tile_overlayer_lowered:
.L_overlay_start_2:
0x123: {  	(tag) =	ssettag $0x2  }
0x124: {  	s0 =	rddreg [dreg:$0x0];
	s2 =	stileid.u32  }
0x125: {  	s1 =	rddreg [dreg:$0x1];
	p0 =	sne.s32 s2, $0x0  }
0x126: {  	s3 =	rddreg [dreg:$0x2];
	[bflag:$0x3] =	sbarrier.arrive $0xFFFF;
	s2 =	simm.s32 @!p0 $0x1C03  }
0x127: {  	[timem:s3], [sflag:s2] =	dma.local @!p0 [hbm:s0], s1  }
0x128: {  	s0 =	simm.s32 @!p0 $0x3  }
0x129: {  	_ =	swait.ge @!p0 [sflag:s0], s1  }
0x12a: {  	s1 =	ssub.s32 @!p0 $0x0, s1;
	[sflag:s0] =	ssyncset.done @!p0 $0x0  }
0x12b: {  	[sflag:s0] =	ssyncadd.s32 @!p0 s1  }
0x12c: {  	[bflag:$0x3] =	sbarrier.arrive $0xFFFF  }
0x12d: {  	_ =	shalt  }

// kernel: kernel.8.cloned.1.call-start
scs
__scs_entry_jumppad:
0x0: {  	(pc) =	sbr.rel $0x88, $3  }
0x1: {  	(tag) =	ssettag $0x0;
	lr =	simm.s32 $0x1  }
0x2: {  	[smem:$0x3F8D] =	sst lr;
	_ =	strace $0xD0000000  }
0x3: {  	_ = 	snop  }
0x4: {  	_ = 	snop  }
0x5: {  	_ = 	snop  }
0x6: {  	_ = 	snop  }
0x7: {  	_ = 	snop  }
__scs_overlays_trampoline_lowered:
0x8: {  	[smem:$0x3F9C] =	sst s0  }
0x9: {  	[smem:$0x3F9D] =	sst s1  }
0xa: {  	[smem:$0x3F9E] =	sst s2  }
0xb: {  	[smem:$0x3F9F] =	sst s3  }
0xc: {  	[smem:$0x3FA0] =	sst s4  }
0xd: {  	[smem:$0x3FA1] =	sst s5  }
0xe: {  	[smem:$0x3FA2] =	sst s6  }
0xf: {  	[smem:$0x3FA3] =	sst s7  }
0x10: {  	[smem:$0x3FA4] =	sst s8  }
0x11: {  	[smem:$0x3FA5] =	sst s9;
	s0 =	simm.s32 @!p0 $0x0  }
0x12: {  	s1 =	sld [smem:$0x3F8B];
	s0 =	simm.s32 @p0 $0x1  }
0x13: {  	[smem:$0x3FA6] =	sst s0;
	s0 =	simm.s32 @!p1 $0x0  }
0x14: {  	s2 =	sld [smem:$0x3F8A];
	s0 =	simm.s32 @p1 $0x1  }
0x15: {  	[smem:$0x3FA7] =	sst s0;
	s0 =	simm.s32 @!p2 $0x0  }
0x16: {  	s3 =	sld [smem:$0x3FDB];
	s0 =	simm.s32 @p2 $0x1  }
0x17: {  	s4 =	simm.s32 $0x1BF5;
	[smem:$0x3FA9] =	sst s0  }
0x18: {  	s0 =	sld [smem:$0x3F8C];
	_ =	swait.ge [sflag:s4], $0x0  }
0x19: {  	s7 =	sld [smem:$0x3F8D]  }
0x1a: {  	s8 =	sadd.s32 $0xFFFFE003, lr  }
0x1b: {  	s9 =	sadd.s32 $0xFFFFFEF7, lr;
	s5 =	simm.s32 $0xFFFFFFFF;
	p2 =	slt.u32 s8, $0xFFFFF086  }
0x1c: {  	p1 =	slt.u32 s9, $0xF7A;
	s5 =	simm.s32 @!p2 $0x0  }
0x1d: {  	s5 =	simm.s32 @p1 $0x1;
	p0 =	seq.s32 s7, s2  }
0x1e: {  	s7 =	smul.u32 @!p0 $0xF7A, s2;
	p2 =	seq.s32 @!p0 s5, $0x0  }
0x1f: {  	s9 =	smul.u32 $0xF7A, s1;
	s8 =	simm.s32 @!p0 $0x1BF5;
	p2 =	por !p2, p0  }
0x20: {  	[sflag:s8] =	ssyncset.s32 @!p0 $0xFFFFF086;
	s6 =	sadd.s32 @!p0 s3, s7;
	s7 =	simm.s32 @!p0 $0x108  }
0x21: {  	s3 =	sadd.s32 s3, s9;
	s6 =	sadd.s32 @!p0 $0x88, s6;
	s7 =	simm.s32 @p2 $0x1082  }
0x22: {  	[simem:s7], [sflag:s8] =	dma.local @!p0 [hbm:s6], $0xF7A  }
0x23: {  	s9 =	sor.u32 $0xD0000000, s2;
	s6 =	simm.s32 $0x108;
	_ =	swait.ge @!p0 [sflag:s8], $0x0  }
0x24: {  	s3 =	sadd.s32 $0x88, s3;
	s6 =	simm.s32 @!p1 $0x1082;
	[sflag:s4] =	ssyncset.s32 $0xFFFFF086  }
0x25: {  	[simem:s6], [sflag:s4] =	dma.local [hbm:s3], $0xF7A  }
0x26: {  	[smem:$0x3F8D] =	sst s1;
	(tag) =	ssettag s2;
	_ =	strace s9  }
0x27: {  	s1 =	sld [smem:$0x3F9D]  }
0x28: {  	s2 =	sld [smem:$0x3F9E]  }
0x29: {  	s4 =	sld [smem:$0x3FA0]  }
0x2a: {  	p0 =	seq.s32 s5, $0x0;
	s5 =	sld [smem:$0x3FA1]  }
0x2b: {  	s6 =	sld [smem:$0x3FA2]  }
0x2c: {  	s7 =	sld [smem:$0x3FA3]  }
0x2d: {  	s3 =	simm.s32 $0x108;
	s8 =	sld [smem:$0x3FA4]  }
0x2e: {  	s3 =	simm.s32 @!p0 $0x1082;
	s9 =	sld [smem:$0x3FA5]  }
0x2f: {  	lr =	sadd.s32 s0, s3;
	s0 =	sld [smem:$0x3F9C]  }
0x30: {  	s3 =	sld [smem:$0x3F9F]  }
0x31: {  	[smem:$0x3FA8] =	sst s10  }
0x32: {  	s10 =	sld [smem:$0x3FA6];
	_ =	sdelay $0x3  }
0x33: {  	p0 =	seq.s32 s10, $0x1;
	s10 =	sld [smem:$0x3FA8];
	_ =	sdelay $0x3  }
0x34: {  	[smem:$0x3FA8] =	sst s10  }
0x35: {  	s10 =	sld [smem:$0x3FA7];
	_ =	sdelay $0x3  }
0x36: {  	p1 =	seq.s32 s10, $0x1;
	s10 =	sld [smem:$0x3FA8];
	_ =	sdelay $0x3  }
0x37: {  	[smem:$0x3FA8] =	sst s10  }
0x38: {  	s10 =	sld [smem:$0x3FA9]  }
0x39: {  	_ = 	snop;
	(pc) =	sbr.ind lr, $3  }
0x3a: {  	_ = 	snop  }
0x3b: {  	_ = 	snop  }
0x3c: {  	p2 =	seq.s32 s10, $0x1;
	s10 =	sld [smem:$0x3FA8]  }
0x3d: {  	_ =	shalt  }
0x3e: {  	_ =	shalt  }
0x3f: {  	_ =	shalt  }
0x40: {  	_ =	shalt  }
0x41: {  	_ =	shalt  }
0x42: {  	_ =	shalt  }
0x43: {  	_ =	shalt  }
0x44: {  	_ =	shalt  }
0x45: {  	_ =	shalt  }
0x46: {  	_ =	shalt  }
0x47: {  	_ =	shalt  }
0x48: {  	_ =	shalt  }
0x49: {  	_ =	shalt  }
0x4a: {  	_ =	shalt  }
0x4b: {  	_ =	shalt  }
0x4c: {  	_ =	shalt  }
0x4d: {  	_ =	shalt  }
0x4e: {  	_ =	shalt  }
0x4f: {  	_ =	shalt  }
0x50: {  	_ =	shalt  }
0x51: {  	_ =	shalt  }
0x52: {  	_ =	shalt  }
0x53: {  	_ =	shalt  }
0x54: {  	_ =	shalt  }
0x55: {  	_ =	shalt  }
0x56: {  	_ =	shalt  }
0x57: {  	_ =	shalt  }
0x58: {  	_ =	shalt  }
0x59: {  	_ =	shalt  }
0x5a: {  	_ =	shalt  }
0x5b: {  	_ =	shalt  }
0x5c: {  	_ =	shalt  }
0x5d: {  	_ =	shalt  }
0x5e: {  	_ =	shalt  }
0x5f: {  	_ =	shalt  }
0x60: {  	_ =	shalt  }
0x61: {  	_ =	shalt  }
0x62: {  	_ =	shalt  }
0x63: {  	_ =	shalt  }
0x64: {  	_ =	shalt  }
0x65: {  	_ =	shalt  }
0x66: {  	_ =	shalt  }
0x67: {  	_ =	shalt  }
0x68: {  	_ =	shalt  }
0x69: {  	_ =	shalt  }
0x6a: {  	_ =	shalt  }
0x6b: {  	_ =	shalt  }
0x6c: {  	_ =	shalt  }
0x6d: {  	_ =	shalt  }
0x6e: {  	_ =	shalt  }
0x6f: {  	_ =	shalt  }
0x70: {  	_ =	shalt  }
0x71: {  	_ =	shalt  }
0x72: {  	_ =	shalt  }
0x73: {  	_ =	shalt  }
0x74: {  	_ =	shalt  }
0x75: {  	_ =	shalt  }
0x76: {  	_ =	shalt  }
0x77: {  	_ =	shalt  }
0x78: {  	_ =	shalt  }
0x79: {  	_ =	shalt  }
0x7a: {  	_ =	shalt  }
0x7b: {  	_ =	shalt  }
0x7c: {  	_ =	shalt  }
0x7d: {  	_ =	shalt  }
0x7e: {  	_ =	shalt  }
0x7f: {  	_ =	shalt  }
0x80: {  	_ =	shalt  }
0x81: {  	_ =	shalt  }
0x82: {  	_ =	shalt  }
0x83: {  	_ =	shalt  }
0x84: {  	_ =	shalt  }
0x85: {  	_ =	shalt  }
0x86: {  	_ =	shalt  }
0x87: {  	_ =	shalt  }
.Lfunc_end0:
.L_simem_size_0:
called_computation_lowered:
.L_overlay_start_0:
0x88: {  	s2 =	sld [smem:$0x3FD9]  }
0x89: {  	s3 =	sld [smem:$0x3FFE];
	_ =	sdelay $0x1  }
0x8a: {  	s1 =	srdreg.scid  }
0x8b: {  	s0 =	sand.u32 $0x1, s1  }
0x8c: {  	s17 =	sshll.u32 s0, $0xA;
	s2 =	sadd.s32 s3, s2  }
0x8d: {  	s2 =	sadd.s32 s2, s17  }
0x8e: {  	[smem:$0x3FB4] =	sst s2  }
0x8f: {  	_ = 	snop  }
0x90: {  	s2 =	sld [smem:$0x3FD0];
	(tm) =	ssettm $0x1  }
0x91: {  	s18 =	sld [smem:$0x3FFB];
	_ =	sdelay $0x3  }
0x92: {  	_ =	strace s18  }
0x93: {  	s3 =	sld [smem:$0x3FFC];
	_ =	sdelay $0x3  }
0x94: {  	_ =	strace s3  }
0x95: {  	s3 =	sld [smem:$0x3FFD];
	_ =	sdelay $0x3  }
0x96: {  	_ =	strace s3  }
0x97: {  	_ =	strace $0x8FFFFFFF  }
0x98: {  	s19 =	sld [smem:$0x3FDB];
	_ =	sdelay $0x1  }
0x99: {  	s4 =	simm.s32 $_scs_section_size  }
0x9a: {  	s5 =	simm.s32 $_size__tile_overlayer_lowered;
	s6 =	simm.s32 $_tile_overlayer_lowered  }
0x9b: {  	s22 =	simm.s32 $0x1BFF;
	s21 =	sshll.u32 s6, $0x1;
	s3 =	sadd.s32 s4, s19  }
0x9c: {  	s7 =	simm.s32 $0x0;
	s20 =	sshll.u32 s5, $0x1;
	s5 =	sadd.s32 s21, s3  }
0x9d: {  	[timem:s7], [sflag:s22] =	dma.local [hbm:s5], s20  }
0x9e: {  	_ =	swait.ge [sflag:s22], s20  }
0x9f: {  	s4 =	ssub.s32 $0x0, s20;
	[sflag:s22] =	ssyncset.done $0x0  }
0xa0: {  	[sflag:s22] =	ssyncadd.s32 s4;
	_ =	sdelay $0x1  }
0xa1: {  	s23 =	simm.s32 $0x1B8B  }
0xa2: {  	_ =	swait.ge [sflag:s23], $0x1  }
0xa3: {  	[sflag:s23] =	ssyncset.done $0x0  }
0xa4: {  	s25 =	simm.s32 $0x1B8E;
	s24 =	sld [smem:$0x3FFE];
	[sflag:s23] =	ssyncadd.s32 $0xFFFFFFFF  }
0xa5: {  	s26 =	simm.s32 $execute0_lowered;
	[smem:$0x3FD2] =	sst s25  }
0xa6: {  	s5 =	sshll.u32 s26, $0x1;
	_ =	strace $0x80000046;
	[dreg:$0x1] =	wrdreg $0xFFFFFFFF  }
0xa7: {  	s28 =	simm.s32 $_size_execute0_lowered;
	s3 =	sadd.s32 s3, s5;
	[dreg:$0x0] =	wrdreg $0x0  }
0xa8: {  	s5 =	sshll.u32 s28, $0x1;
	[dreg:$0x2] =	wrdreg s3  }
0xa9: {  	[dreg:$0x3] =	wrdreg s5  }
0xaa: {  	[dreg:$0x4] =	wrdreg $0xC0  }
0xab: {  	_ =	task [dreg:s7], $0x5FFFF  }
0xac: {  	[dreg:$0x1] =	wrdreg $0xFFFFFFFF  }
0xad: {  	[dreg:$0x0] =	wrdreg $0x60  }
0xae: {  	[dreg:$0x2] =	wrdreg s24  }
0xaf: {  	[dreg:$0x3] =	wrdreg s2  }
0xb0: {  	[dreg:$0x4] =	wrdreg $0x9  }
0xb1: {  	_ =	task.clear_ibuf [dreg:s7], $0x5FFFF;
	_ =	strace $0x90000046  }
0xb2: {  	s29 =	simm.s32 $0x9;
	_ =	strace $0x80000048  }
0xb3: {  	_ =	swait.ge [sflag:s29], $0x1  }
0xb4: {  	[sflag:s29] =	ssyncadd.s32 $0xFFFFFFFF  }
0xb5: {  	_ =	strace $0x90000048  }
0xb6: {  	_ =	sfence  }
0xb7: {  	s30 =	sld [smem:$0x0];
	_ =	sdelay $0x2  }
0xb8: {  	s31 =	sshll.u32 s1, $0xD;
	s1 =	sshrl.u32 s1, $0x2  }
0xb9: {  	s3 =	sand.u32 $0x4000, s31;
	s1 =	sadd.s32 s1, s30  }
0xba: {  	s0 =	sor.u32 s3, s0;
	s1 =	sshll.u32 s1, $0x11  }
0xbb: {  	s0 =	sor.u32 s1, s0  }
0xbc: {  	s0 =	sadd.s32 $0x8F2B, s0  }
0xbd: {  	[sflag:s0] =	ssyncadd.remote.s32 $0x1  }
0xbe: {  	_ =	sfence.sel $0xFFFF  }
0xbf: {  	[dreg:$0x0] =	wrdreg $0xFFFFFFFF;
	(pc) =	sbr.abs _section_cstart, $3  }
0xc0: {  	[dreg:$0x1] =	wrdreg $0xFFFFFFFF  }
0xc1: {  	_ =	task.clear_ibuf [dreg:s7], $0x2FFFF;
	_ =	strace $0x9FFFFFFF  }
0xc2: {  	(tm) =	ssettm $0x7FFFFFFF  }
0xc3: {  	_ =	shalt  }
tec
execute0_lowered:
.L_overlay_start_1:
0x0: {  	(tag) =	ssettag $0x1  }
0x1: {  	s1 =	rddreg [dreg:$0x0];
	s0 =	srdreg.scid  }
0x2: {  	s2 =	stileid.u32;
	s3 =	rddreg [dreg:$0x1];
	s31 =	simm.s32 $0x800  }
0x3: {  	s30 =	simm.s32 $0x5000;
	s29 =	simm.s32 $0x100;
	s28 =	simm.s32 $0x180  }
0x4: {  	p0 =	por $0x0, $0x0;
	s5 =	sand.u32 $0x1, s0;
	s17 =	sshll.u32 s2, $0x1  }
0x5: {  	s2 =	simm.s32 $0x0;
	s12 =	sadd.s32 $0x2BA00, s1;
	s4 =	sor.u32 s5, s17  }
0x6: {  	[smem:$0x7FF] =	sst s2;
	s5 =	ssub.s32 $0x2, s5;
	s0 =	sshll.u32 s4, $0x8  }
0x7: {  	_ =	strace $0x80000047;
	s8 =	smul.u32 $0x9000, s4;
	s6 =	sadd.s32 s0, s1  }
0x8: {  	s0 =	sshll.u32 s4, $0xB;
	s4 =	sshll.u32 s4, $0xC;
	s7 =	sadd.s32 $0x5A00, s6  }
0x9: {  	s9 =	sadd.s32 s12, s8;
	s8 =	sor.u32 $0x100, s0;
	s6 =	sadd.s32 $0x3A00, s6  }
0xa: {  	[dreg:$0x3] =	wrdreg s7;
	s7 =	sor.u32 $0x80, s0;
	s11 =	smul.u32 $0x12, s8  }
0xb: {  	[dreg:$0x4] =	wrdreg s9;
	s9 =	sor.u32 $0x180, s0;
	s10 =	smul.u32 $0x12, s7  }
0xc: {  	s25 =	sor.u32 $0x700, s0;
	[dreg:$0x14] =	wrdreg s6;
	s14 =	smul.u32 $0x12, s9  }
0xd: {  	s11 =	sadd.s32 s12, s11;
	s13 =	sadd.s32 s12, s10;
	s10 =	sor.u32 $0x200, s0  }
0xe: {  	[dreg:$0x6] =	wrdreg s11;
	s11 =	sor.u32 $0x280, s0;
	s18 =	smul.u32 $0x12, s10  }
0xf: {  	s14 =	sadd.s32 s12, s14;
	[dreg:$0x5] =	wrdreg s13;
	s19 =	smul.u32 $0x12, s11  }
0x10: {  	[dreg:$0x7] =	wrdreg s14;
	s14 =	sor.u32 $0x380, s0;
	s13 =	sadd.s32 s12, s18  }
0x11: {  	s17 =	smul.u32 $0x12, s14;
	s15 =	sadd.s32 s12, s19;
	[dreg:$0x8] =	wrdreg s13  }
0x12: {  	s26 =	smul.u32 $0x12, s25;
	s13 =	sor.u32 $0x300, s0;
	[dreg:$0x9] =	wrdreg s15  }
0x13: {  	s15 =	sor.u32 $0x400, s0;
	s17 =	sadd.s32 s12, s17;
	s16 =	smul.u32 $0x12, s13  }
0x14: {  	s7 =	sshll.u32 s7, $0x1;
	s19 =	smul.u32 $0x12, s15;
	[dreg:$0xb] =	wrdreg s17  }
0x15: {  	s17 =	sor.u32 $0x580, s0;
	s18 =	sadd.s32 s12, s16;
	s16 =	sor.u32 $0x480, s0  }
0x16: {  	s21 =	sadd.s32 s12, s19;
	s19 =	sor.u32 $0x500, s0;
	s20 =	smul.u32 $0x12, s16  }
0x17: {  	[dreg:$0xc] =	wrdreg s21;
	s23 =	smul.u32 $0x12, s19;
	s21 =	sor.u32 $0x600, s0  }
0x18: {  	[dreg:$0xa] =	wrdreg s18;
	s24 =	smul.u32 $0x12, s21;
	s22 =	sadd.s32 s12, s20  }
0x19: {  	s18 =	sadd.s32 s12, s23;
	s20 =	smul.u32 $0x12, s17;
	[dreg:$0xd] =	wrdreg s22  }
0x1a: {  	[dreg:$0xe] =	wrdreg s18;
	s22 =	sor.u32 $0x680, s0;
	s18 =	sadd.s32 s12, s24  }
0x1b: {  	s0 =	sor.u32 $0x780, s0;
	s24 =	sadd.s32 s12, s26;
	s23 =	smul.u32 $0x12, s22  }
0x1c: {  	s20 =	sadd.s32 s12, s20;
	[dreg:$0x10] =	wrdreg s18;
	s26 =	smul.u32 $0x12, s0  }
0x1d: {  	[dreg:$0x12] =	wrdreg s24;
	s24 =	sadd.s32 $0x7A00, s1;
	s1 =	sadd.s32 $0x14BA00, s1  }
0x1e: {  	s18 =	sshrl.u32 s5, $0x1;
	s0 =	sshll.u32 s0, $0x1;
	[dreg:$0xf] =	wrdreg s20  }
0x1f: {  	s4 =	sadd.s32 s1, s4;
	s20 =	sshll.u32 s8, $0x1;
	s8 =	sshll.u32 s10, $0x1  }
0x20: {  	s10 =	sshll.u32 s11, $0x1;
	s23 =	sadd.s32 s12, s23;
	[dreg:$0x15] =	wrdreg s4  }
0x21: {  	s12 =	sadd.s32 s12, s26;
	s26 =	sshll.u32 s9, $0x1;
	[dreg:$0x11] =	wrdreg s23  }
0x22: {  	s9 =	sadd.s32 s1, s8;
	s11 =	sadd.s32 s1, s10;
	[dreg:$0x13] =	wrdreg s12  }
0x23: {  	s4 =	simm.s32 $0x3;
	s12 =	sadd.s32 s1, s7;
	[dreg:$0x19] =	wrdreg s9  }
0x24: {  	s23 =	sadd.s32 s1, s20;
	s7 =	sadd.s32 s1, s26;
	[dreg:$0x1a] =	wrdreg s11  }
0x25: {  	s20 =	sshll.u32 s14, $0x1;
	s26 =	sshll.u32 s15, $0x1;
	s9 =	sshll.u32 s19, $0x1  }
0x26: {  	s14 =	ssub.s32 s5, s18;
	s5 =	sadd.s32 s1, s0;
	s0 =	rddreg [dreg:$0x3]  }
0x27: {  	s11 =	sshll.u32 s17, $0x1;
	s15 =	sshll.u32 s22, $0x1;
	[dreg:$0x16] =	wrdreg s12  }
0x28: {  	s22 =	simm.s32 $0x380;
	s19 =	simm.s32 $0x500;
	[dreg:$0x17] =	wrdreg s23  }
0x29: {  	s18 =	simm.s32 $0x580;
	[dreg:$0x18] =	wrdreg s7;
	s12 =	sshll.u32 s13, $0x1  }
0x2a: {  	s23 =	sadd.s32 s1, s20;
	s6 =	sadd.s32 s1, s26;
	s7 =	sshll.u32 s16, $0x1  }
0x2b: {  	s10 =	sadd.s32 s1, s9;
	s16 =	sshll.u32 s25, $0x1;
	s17 =	smax.u32 s14, $0x1  }
0x2c: {  	s9 =	simm.s32 $0x80;
	s26 =	simm.s32 $0x200;
	s25 =	simm.s32 $0x280  }
0x2d: {  	s20 =	simm.s32 $0x480;
	s14 =	simm.s32 $0x780;
	[dreg:$0x1c] =	wrdreg s23  }
0x2e: {  	s13 =	sadd.s32 s1, s12;
	[dreg:$0x1d] =	wrdreg s6;
	s8 =	sadd.s32 s1, s7  }
0x2f: {  	[dreg:$0x1f] =	wrdreg s10;
	s12 =	sadd.s32 s1, s11;
	s6 =	sadd.s32 s1, s16  }
0x30: {  	s10 =	simm.s32 $0x1;
	s7 =	simm.s32 $0x2;
	p1 =	sne.s32 s17, $0x1  }
.Ltmp0:
0x31: {  	s23 =	simm.s32 $0x300;
	[dreg:$0x1b] =	wrdreg s13;
	(pc) =	sbr.rel @!p1 .LBB2_3-.Ltmp0, $4  }
0x32: {  	s16 =	simm.s32 $0x680;
	[dreg:$0x1e] =	wrdreg s8;
	s13 =	sshll.u32 s21, $0x1  }
0x33: {  	[smem:$0x7FD] =	sst s12;
	s8 =	sadd.s32 s1, s15;
	s21 =	simm.s32 $0x400  }
0x34: {  	s15 =	simm.s32 $0x700;
	s12 =	simm.s32 $0xA000;
	s11 =	sadd.s32 s1, s13  }
0x35: {  	s1 =	sadd.s32 $0xFFFFFFFF, s17;
	s17 =	simm.s32 $0x600;
	s13 =	simm.s32 $0x9800  }
0x36: {  	[tilespmem:s2], [sflag:$0x3] =	stream.linear.gather [hbm4b:s0+s2], $0x800, $0x38;
	[tilespmem:$0xA800] =	vst v63  }
0x37: {  	_ =	swait.ge [sflag:s4], $0x800  }
0x38: {  	[sflag:s4] =	ssyncset.done $0x0  }
0x39: {  	[sflag:s4] =	ssyncadd.s32 $0xFFFFF800  }
0x3a: {  	[tilespmem:s31], [sflag:$0x1] =	stream.indirect.gather [hbm4b:s24+s9], $0x90, s2, s9, $0xb8;
	[tilespmem:$0xA800] =	vst v63  }
0x3b: {  	_ = 	snop  }
0x3c: {  	[tilespmem:s30], [sflag:$0x2] =	stream.indirect.gather [hbm4b:s24+s9], $0x90, s9, s9, $0xb8;
	[tilespmem:$0xA800] =	vst v63  }
0x3d: {  	_ =	swait.ge [sflag:s10], $0x4800  }
0x3e: {  	[sflag:s10] =	ssyncset.done $0x0  }
0x3f: {  	s0 =	rddreg [dreg:$0x4];
	[sflag:s10] =	ssyncadd.s32 $0xFFFFB800  }
0x40: {  	[hbm4b:s0+s2] =	stream.linear.scatter [tilespmem:s31], [sflag:$0x3], $0x4800, $0x38;
	[tilespmem:$0xA800] =	vst v63  }
0x41: {  	_ =	swait.ge [sflag:s4], $0x4800  }
0x42: {  	[sflag:s4] =	ssyncset.done $0x0  }
0x43: {  	[sflag:s4] =	ssyncadd.s32 $0xFFFFB800  }
0x44: {  	[tilespmem:s31], [sflag:$0x1] =	stream.indirect.gather [hbm4b:s24+s9], $0x90, s29, s9, $0xb8;
	[tilespmem:$0xA800] =	vst v63  }
0x45: {  	_ =	swait.ge [sflag:s7], $0x4800  }
0x46: {  	[sflag:s7] =	ssyncset.done $0x0  }
0x47: {  	s0 =	rddreg [dreg:$0x5];
	[sflag:s7] =	ssyncadd.s32 $0xFFFFB800  }
0x48: {  	[hbm4b:s0+s2] =	stream.linear.scatter [tilespmem:s30], [sflag:$0x3], $0x4800, $0x38;
	[tilespmem:$0xA800] =	vst v63  }
0x49: {  	_ =	swait.ge [sflag:s4], $0x4800  }
0x4a: {  	[sflag:s4] =	ssyncset.done $0x0  }
0x4b: {  	[sflag:s4] =	ssyncadd.s32 $0xFFFFB800  }
0x4c: {  	[tilespmem:s30], [sflag:$0x2] =	stream.indirect.gather [hbm4b:s24+s9], $0x90, s28, s9, $0xb8;
	[tilespmem:$0xA800] =	vst v63  }
0x4d: {  	_ =	swait.ge [sflag:s10], $0x4800  }
0x4e: {  	[sflag:s10] =	ssyncset.done $0x0  }
0x4f: {  	s0 =	rddreg [dreg:$0x6];
	[sflag:s10] =	ssyncadd.s32 $0xFFFFB800  }
0x50: {  	[hbm4b:s0+s2] =	stream.linear.scatter [tilespmem:s31], [sflag:$0x3], $0x4800, $0x38;
	[tilespmem:$0xA800] =	vst v63  }
0x51: {  	_ =	swait.ge [sflag:s4], $0x4800  }
0x52: {  	[sflag:s4] =	ssyncset.done $0x0  }
0x53: {  	[sflag:s4] =	ssyncadd.s32 $0xFFFFB800  }
0x54: {  	[tilespmem:s31], [sflag:$0x1] =	stream.indirect.gather [hbm4b:s24+s9], $0x90, s26, s9, $0xb8;
	[tilespmem:$0xA800] =	vst v63  }
0x55: {  	_ =	swait.ge [sflag:s7], $0x4800  }
0x56: {  	[sflag:s7] =	ssyncset.done $0x0  }
0x57: {  	s0 =	rddreg [dreg:$0x7];
	[sflag:s7] =	ssyncadd.s32 $0xFFFFB800  }
0x58: {  	[hbm4b:s0+s2] =	stream.linear.scatter [tilespmem:s30], [sflag:$0x3], $0x4800, $0x38;
	[tilespmem:$0xA800] =	vst v63  }
0x59: {  	_ =	swait.ge [sflag:s4], $0x4800  }
0x5a: {  	[sflag:s4] =	ssyncset.done $0x0  }
0x5b: {  	[sflag:s4] =	ssyncadd.s32 $0xFFFFB800  }
0x5c: {  	[tilespmem:s30], [sflag:$0x2] =	stream.indirect.gather [hbm4b:s24+s9], $0x90, s25, s9, $0xb8;
	[tilespmem:$0xA800] =	vst v63  }
0x5d: {  	_ =	swait.ge [sflag:s10], $0x4800  }
0x5e: {  	[sflag:s10] =	ssyncset.done $0x0  }
0x5f: {  	s0 =	rddreg [dreg:$0x8];
	[sflag:s10] =	ssyncadd.s32 $0xFFFFB800  }
0x60: {  	[hbm4b:s0+s2] =	stream.linear.scatter [tilespmem:s31], [sflag:$0x3], $0x4800, $0x38;
	[tilespmem:$0xA800] =	vst v63  }
0x61: {  	_ =	swait.ge [sflag:s4], $0x4800  }
0x62: {  	[sflag:s4] =	ssyncset.done $0x0  }
0x63: {  	[sflag:s4] =	ssyncadd.s32 $0xFFFFB800  }
0x64: {  	[tilespmem:s31], [sflag:$0x1] =	stream.indirect.gather [hbm4b:s24+s9], $0x90, s23, s9, $0xb8;
	[tilespmem:$0xA800] =	vst v63  }
0x65: {  	_ =	swait.ge [sflag:s7], $0x4800  }
0x66: {  	[sflag:s7] =	ssyncset.done $0x0  }
0x67: {  	s0 =	rddreg [dreg:$0x9];
	[sflag:s7] =	ssyncadd.s32 $0xFFFFB800  }
0x68: {  	[hbm4b:s0+s2] =	stream.linear.scatter [tilespmem:s30], [sflag:$0x3], $0x4800, $0x38;
	[tilespmem:$0xA800] =	vst v63  }
0x69: {  	_ =	swait.ge [sflag:s4], $0x4800  }
0x6a: {  	[sflag:s4] =	ssyncset.done $0x0  }
0x6b: {  	[sflag:s4] =	ssyncadd.s32 $0xFFFFB800  }
0x6c: {  	[tilespmem:s30], [sflag:$0x2] =	stream.indirect.gather [hbm4b:s24+s9], $0x90, s22, s9, $0xb8;
	[tilespmem:$0xA800] =	vst v63  }
0x6d: {  	_ =	swait.ge [sflag:s10], $0x4800  }
0x6e: {  	[sflag:s10] =	ssyncset.done $0x0  }
0x6f: {  	s0 =	rddreg [dreg:$0xa];
	[sflag:s10] =	ssyncadd.s32 $0xFFFFB800  }
0x70: {  	[hbm4b:s0+s2] =	stream.linear.scatter [tilespmem:s31], [sflag:$0x3], $0x4800, $0x38;
	[tilespmem:$0xA800] =	vst v63  }
0x71: {  	_ =	swait.ge [sflag:s4], $0x4800  }
0x72: {  	[sflag:s4] =	ssyncset.done $0x0  }
0x73: {  	[sflag:s4] =	ssyncadd.s32 $0xFFFFB800  }
0x74: {  	[tilespmem:s31], [sflag:$0x1] =	stream.indirect.gather [hbm4b:s24+s9], $0x90, s21, s9, $0xb8;
	[tilespmem:$0xA800] =	vst v63  }
0x75: {  	_ =	swait.ge [sflag:s7], $0x4800  }
0x76: {  	[sflag:s7] =	ssyncset.done $0x0  }
0x77: {  	s0 =	rddreg [dreg:$0xb];
	[sflag:s7] =	ssyncadd.s32 $0xFFFFB800  }
0x78: {  	[hbm4b:s0+s2] =	stream.linear.scatter [tilespmem:s30], [sflag:$0x3], $0x4800, $0x38;
	[tilespmem:$0xA800] =	vst v63  }
0x79: {  	_ =	swait.ge [sflag:s4], $0x4800  }
0x7a: {  	[sflag:s4] =	ssyncset.done $0x0  }
0x7b: {  	[sflag:s4] =	ssyncadd.s32 $0xFFFFB800  }
0x7c: {  	[tilespmem:s30], [sflag:$0x2] =	stream.indirect.gather [hbm4b:s24+s9], $0x90, s20, s9, $0xb8;
	[tilespmem:$0xA800] =	vst v63  }
0x7d: {  	_ =	swait.ge [sflag:s10], $0x4800  }
0x7e: {  	[sflag:s10] =	ssyncset.done $0x0  }
0x7f: {  	s0 =	rddreg [dreg:$0xc];
	[sflag:s10] =	ssyncadd.s32 $0xFFFFB800  }
0x80: {  	[hbm4b:s0+s2] =	stream.linear.scatter [tilespmem:s31], [sflag:$0x3], $0x4800, $0x38;
	[tilespmem:$0xA800] =	vst v63  }
0x81: {  	_ =	swait.ge [sflag:s4], $0x4800  }
0x82: {  	[sflag:s4] =	ssyncset.done $0x0  }
0x83: {  	[sflag:s4] =	ssyncadd.s32 $0xFFFFB800  }
0x84: {  	[tilespmem:s31], [sflag:$0x1] =	stream.indirect.gather [hbm4b:s24+s9], $0x90, s19, s9, $0xb8;
	[tilespmem:$0xA800] =	vst v63  }
0x85: {  	_ =	swait.ge [sflag:s7], $0x4800  }
0x86: {  	[sflag:s7] =	ssyncset.done $0x0  }
0x87: {  	s0 =	rddreg [dreg:$0xd];
	[sflag:s7] =	ssyncadd.s32 $0xFFFFB800  }
0x88: {  	[hbm4b:s0+s2] =	stream.linear.scatter [tilespmem:s30], [sflag:$0x3], $0x4800, $0x38;
	[tilespmem:$0xA800] =	vst v63  }
0x89: {  	_ =	swait.ge [sflag:s4], $0x4800  }
0x8a: {  	[sflag:s4] =	ssyncset.done $0x0  }
0x8b: {  	[sflag:s4] =	ssyncadd.s32 $0xFFFFB800  }
0x8c: {  	[tilespmem:s30], [sflag:$0x2] =	stream.indirect.gather [hbm4b:s24+s9], $0x90, s18, s9, $0xb8;
	[tilespmem:$0xA800] =	vst v63  }
0x8d: {  	_ =	swait.ge [sflag:s10], $0x4800  }
0x8e: {  	[sflag:s10] =	ssyncset.done $0x0  }
0x8f: {  	s0 =	rddreg [dreg:$0xe];
	[sflag:s10] =	ssyncadd.s32 $0xFFFFB800  }
0x90: {  	[hbm4b:s0+s2] =	stream.linear.scatter [tilespmem:s31], [sflag:$0x3], $0x4800, $0x38;
	[tilespmem:$0xA800] =	vst v63  }
0x91: {  	_ =	swait.ge [sflag:s4], $0x4800  }
0x92: {  	[sflag:s4] =	ssyncset.done $0x0  }
0x93: {  	[sflag:s4] =	ssyncadd.s32 $0xFFFFB800  }
0x94: {  	[tilespmem:s31], [sflag:$0x1] =	stream.indirect.gather [hbm4b:s24+s9], $0x90, s17, s9, $0xb8;
	[tilespmem:$0xA800] =	vst v63  }
0x95: {  	_ =	swait.ge [sflag:s7], $0x4800  }
0x96: {  	[sflag:s7] =	ssyncset.done $0x0  }
0x97: {  	s0 =	rddreg [dreg:$0xf];
	[sflag:s7] =	ssyncadd.s32 $0xFFFFB800  }
0x98: {  	[hbm4b:s0+s2] =	stream.linear.scatter [tilespmem:s30], [sflag:$0x3], $0x4800, $0x38;
	[tilespmem:$0xA800] =	vst v63  }
0x99: {  	_ =	swait.ge [sflag:s4], $0x4800  }
0x9a: {  	[sflag:s4] =	ssyncset.done $0x0  }
0x9b: {  	[sflag:s4] =	ssyncadd.s32 $0xFFFFB800  }
0x9c: {  	[tilespmem:s30], [sflag:$0x2] =	stream.indirect.gather [hbm4b:s24+s9], $0x90, s16, s9, $0xb8;
	[tilespmem:$0xA800] =	vst v63  }
0x9d: {  	_ =	swait.ge [sflag:s10], $0x4800  }
0x9e: {  	[sflag:s10] =	ssyncset.done $0x0  }
0x9f: {  	s0 =	rddreg [dreg:$0x10];
	[sflag:s10] =	ssyncadd.s32 $0xFFFFB800  }
0xa0: {  	[hbm4b:s0+s2] =	stream.linear.scatter [tilespmem:s31], [sflag:$0x3], $0x4800, $0x38;
	[tilespmem:$0xA800] =	vst v63  }
0xa1: {  	_ =	swait.ge [sflag:s4], $0x4800  }
0xa2: {  	[sflag:s4] =	ssyncset.done $0x0  }
0xa3: {  	[sflag:s4] =	ssyncadd.s32 $0xFFFFB800  }
0xa4: {  	[tilespmem:s31], [sflag:$0x1] =	stream.indirect.gather [hbm4b:s24+s9], $0x90, s15, s9, $0xb8;
	[tilespmem:$0xA800] =	vst v63  }
0xa5: {  	_ =	swait.ge [sflag:s7], $0x4800  }
0xa6: {  	[sflag:s7] =	ssyncset.done $0x0  }
0xa7: {  	s0 =	rddreg [dreg:$0x11];
	[sflag:s7] =	ssyncadd.s32 $0xFFFFB800  }
0xa8: {  	[hbm4b:s0+s2] =	stream.linear.scatter [tilespmem:s30], [sflag:$0x3], $0x4800, $0x38;
	[tilespmem:$0xA800] =	vst v63  }
0xa9: {  	_ =	swait.ge [sflag:s4], $0x4800  }
0xaa: {  	[sflag:s4] =	ssyncset.done $0x0  }
0xab: {  	[sflag:s4] =	ssyncadd.s32 $0xFFFFB800  }
0xac: {  	[tilespmem:s30], [sflag:$0x2] =	stream.indirect.gather [hbm4b:s24+s9], $0x90, s14, s9, $0xb8;
	[tilespmem:$0xA800] =	vst v63  }
0xad: {  	_ =	swait.ge [sflag:s10], $0x4800  }
0xae: {  	[sflag:s10] =	ssyncset.done $0x0  }
0xaf: {  	s0 =	rddreg [dreg:$0x12];
	[sflag:s10] =	ssyncadd.s32 $0xFFFFB800  }
0xb0: {  	[hbm4b:s0+s2] =	stream.linear.scatter [tilespmem:s31], [sflag:$0x3], $0x4800, $0x38;
	[tilespmem:$0xA800] =	vst v63  }
0xb1: {  	_ =	swait.ge [sflag:s4], $0x4800  }
0xb2: {  	[sflag:s4] =	ssyncset.done $0x0  }
0xb3: {  	[sflag:s4] =	ssyncadd.s32 $0xFFFFB800  }
0xb4: {  	_ =	swait.ge [sflag:s7], $0x4800  }
0xb5: {  	[sflag:s7] =	ssyncset.done $0x0  }
0xb6: {  	s0 =	rddreg [dreg:$0x13];
	[sflag:s7] =	ssyncadd.s32 $0xFFFFB800  }
0xb7: {  	[hbm4b:s0+s2] =	stream.linear.scatter [tilespmem:s30], [sflag:$0x3], $0x4800, $0x38;
	[tilespmem:$0xA800] =	vst v63  }
0xb8: {  	_ =	swait.ge [sflag:s4], $0x4800  }
0xb9: {  	[sflag:s4] =	ssyncset.done $0x0  }
0xba: {  	s0 =	rddreg [dreg:$0x14];
	[sflag:s4] =	ssyncadd.s32 $0xFFFFB800  }
0xbb: {  	[tilespmem:s2], [sflag:$0x3] =	stream.linear.gather [hbm4b:s0+s2], $0x800, $0x38;
	[tilespmem:$0xA800] =	vst v63  }
0xbc: {  	_ =	swait.ge [sflag:s4], $0x800  }
0xbd: {  	[sflag:s4] =	ssyncset.done $0x0  }
0xbe: {  	[sflag:s4] =	ssyncadd.s32 $0xFFFFF800  }
0xbf: {  	[tilespmem:s13], [sflag:$0x1] =	stream.indirect.gather [hbm4b:s3+s9], $0x10, s2, s9, $0xb8;
	[tilespmem:$0xA800] =	vst v63  }
0xc0: {  	_ = 	snop  }
0xc1: {  	[tilespmem:s12], [sflag:$0x2] =	stream.indirect.gather [hbm4b:s3+s9], $0x10, s9, s9, $0xb8;
	[tilespmem:$0xA800] =	vst v63  }
0xc2: {  	_ =	swait.ge [sflag:s10], $0x800  }
0xc3: {  	[sflag:s10] =	ssyncset.done $0x0  }
0xc4: {  	s0 =	rddreg [dreg:$0x15];
	[sflag:s10] =	ssyncadd.s32 $0xFFFFF800  }
0xc5: {  	[hbm4b:s0+s2] =	stream.linear.scatter [tilespmem:s13], [sflag:$0x3], $0x800, $0x38;
	[tilespmem:$0xA800] =	vst v63  }
0xc6: {  	_ =	swait.ge [sflag:s4], $0x800  }
0xc7: {  	[sflag:s4] =	ssyncset.done $0x0  }
0xc8: {  	[sflag:s4] =	ssyncadd.s32 $0xFFFFF800  }
0xc9: {  	[tilespmem:s13], [sflag:$0x1] =	stream.indirect.gather [hbm4b:s3+s9], $0x10, s29, s9, $0xb8;
	[tilespmem:$0xA800] =	vst v63  }
0xca: {  	_ =	swait.ge [sflag:s7], $0x800  }
0xcb: {  	[sflag:s7] =	ssyncset.done $0x0  }
0xcc: {  	s0 =	rddreg [dreg:$0x16];
	[sflag:s7] =	ssyncadd.s32 $0xFFFFF800  }
0xcd: {  	[hbm4b:s0+s2] =	stream.linear.scatter [tilespmem:s12], [sflag:$0x3], $0x800, $0x38;
	[tilespmem:$0xA800] =	vst v63  }
0xce: {  	_ =	swait.ge [sflag:s4], $0x800  }
0xcf: {  	[sflag:s4] =	ssyncset.done $0x0  }
0xd0: {  	[sflag:s4] =	ssyncadd.s32 $0xFFFFF800  }
0xd1: {  	[tilespmem:s12], [sflag:$0x2] =	stream.indirect.gather [hbm4b:s3+s9], $0x10, s28, s9, $0xb8;
	[tilespmem:$0xA800] =	vst v63  }
0xd2: {  	_ =	swait.ge [sflag:s10], $0x800  }
0xd3: {  	[sflag:s10] =	ssyncset.done $0x0  }
0xd4: {  	s0 =	rddreg [dreg:$0x17];
	[sflag:s10] =	ssyncadd.s32 $0xFFFFF800  }
0xd5: {  	[hbm4b:s0+s2] =	stream.linear.scatter [tilespmem:s13], [sflag:$0x3], $0x800, $0x38;
	[tilespmem:$0xA800] =	vst v63  }
0xd6: {  	_ =	swait.ge [sflag:s4], $0x800  }
0xd7: {  	[sflag:s4] =	ssyncset.done $0x0  }
0xd8: {  	[sflag:s4] =	ssyncadd.s32 $0xFFFFF800  }
0xd9: {  	[tilespmem:s13], [sflag:$0x1] =	stream.indirect.gather [hbm4b:s3+s9], $0x10, s26, s9, $0xb8;
	[tilespmem:$0xA800] =	vst v63  }
0xda: {  	_ =	swait.ge [sflag:s7], $0x800  }
0xdb: {  	[sflag:s7] =	ssyncset.done $0x0  }
0xdc: {  	s0 =	rddreg [dreg:$0x18];
	[sflag:s7] =	ssyncadd.s32 $0xFFFFF800  }
0xdd: {  	[hbm4b:s0+s2] =	stream.linear.scatter [tilespmem:s12], [sflag:$0x3], $0x800, $0x38;
	[tilespmem:$0xA800] =	vst v63  }
0xde: {  	_ =	swait.ge [sflag:s4], $0x800  }
0xdf: {  	[sflag:s4] =	ssyncset.done $0x0  }
0xe0: {  	[sflag:s4] =	ssyncadd.s32 $0xFFFFF800  }
0xe1: {  	[tilespmem:s12], [sflag:$0x2] =	stream.indirect.gather [hbm4b:s3+s9], $0x10, s25, s9, $0xb8;
	[tilespmem:$0xA800] =	vst v63  }
0xe2: {  	_ =	swait.ge [sflag:s10], $0x800  }
0xe3: {  	[sflag:s10] =	ssyncset.done $0x0  }
0xe4: {  	s0 =	rddreg [dreg:$0x19];
	[sflag:s10] =	ssyncadd.s32 $0xFFFFF800  }
0xe5: {  	[hbm4b:s0+s2] =	stream.linear.scatter [tilespmem:s13], [sflag:$0x3], $0x800, $0x38;
	[tilespmem:$0xA800] =	vst v63  }
0xe6: {  	_ =	swait.ge [sflag:s4], $0x800  }
0xe7: {  	[sflag:s4] =	ssyncset.done $0x0  }
0xe8: {  	[sflag:s4] =	ssyncadd.s32 $0xFFFFF800  }
0xe9: {  	[tilespmem:s13], [sflag:$0x1] =	stream.indirect.gather [hbm4b:s3+s9], $0x10, s23, s9, $0xb8;
	[tilespmem:$0xA800] =	vst v63  }
0xea: {  	_ =	swait.ge [sflag:s7], $0x800  }
0xeb: {  	[sflag:s7] =	ssyncset.done $0x0  }
0xec: {  	s0 =	rddreg [dreg:$0x1a];
	[sflag:s7] =	ssyncadd.s32 $0xFFFFF800  }
0xed: {  	[hbm4b:s0+s2] =	stream.linear.scatter [tilespmem:s12], [sflag:$0x3], $0x800, $0x38;
	[tilespmem:$0xA800] =	vst v63  }
0xee: {  	_ =	swait.ge [sflag:s4], $0x800  }
0xef: {  	[sflag:s4] =	ssyncset.done $0x0  }
0xf0: {  	[sflag:s4] =	ssyncadd.s32 $0xFFFFF800  }
0xf1: {  	[tilespmem:s12], [sflag:$0x2] =	stream.indirect.gather [hbm4b:s3+s9], $0x10, s22, s9, $0xb8;
	[tilespmem:$0xA800] =	vst v63  }
0xf2: {  	_ =	swait.ge [sflag:s10], $0x800  }
0xf3: {  	[sflag:s10] =	ssyncset.done $0x0  }
0xf4: {  	s0 =	rddreg [dreg:$0x1b];
	[sflag:s10] =	ssyncadd.s32 $0xFFFFF800  }
0xf5: {  	[hbm4b:s0+s2] =	stream.linear.scatter [tilespmem:s13], [sflag:$0x3], $0x800, $0x38;
	[tilespmem:$0xA800] =	vst v63  }
0xf6: {  	_ =	swait.ge [sflag:s4], $0x800  }
0xf7: {  	[sflag:s4] =	ssyncset.done $0x0  }
0xf8: {  	[sflag:s4] =	ssyncadd.s32 $0xFFFFF800  }
0xf9: {  	[tilespmem:s13], [sflag:$0x1] =	stream.indirect.gather [hbm4b:s3+s9], $0x10, s21, s9, $0xb8;
	[tilespmem:$0xA800] =	vst v63  }
0xfa: {  	_ =	swait.ge [sflag:s7], $0x800  }
0xfb: {  	[sflag:s7] =	ssyncset.done $0x0  }
0xfc: {  	s0 =	rddreg [dreg:$0x1c];
	[sflag:s7] =	ssyncadd.s32 $0xFFFFF800  }
0xfd: {  	[hbm4b:s0+s2] =	stream.linear.scatter [tilespmem:s12], [sflag:$0x3], $0x800, $0x38;
	[tilespmem:$0xA800] =	vst v63  }
0xfe: {  	_ =	swait.ge [sflag:s4], $0x800  }
0xff: {  	[sflag:s4] =	ssyncset.done $0x0  }
0x100: {  	[sflag:s4] =	ssyncadd.s32 $0xFFFFF800  }
0x101: {  	[tilespmem:s12], [sflag:$0x2] =	stream.indirect.gather [hbm4b:s3+s9], $0x10, s20, s9, $0xb8;
	[tilespmem:$0xA800] =	vst v63  }
0x102: {  	_ =	swait.ge [sflag:s10], $0x800  }
0x103: {  	[sflag:s10] =	ssyncset.done $0x0  }
0x104: {  	s0 =	rddreg [dreg:$0x1d];
	[sflag:s10] =	ssyncadd.s32 $0xFFFFF800  }
0x105: {  	[hbm4b:s0+s2] =	stream.linear.scatter [tilespmem:s13], [sflag:$0x3], $0x800, $0x38;
	[tilespmem:$0xA800] =	vst v63  }
0x106: {  	_ =	swait.ge [sflag:s4], $0x800  }
0x107: {  	[sflag:s4] =	ssyncset.done $0x0  }
0x108: {  	[sflag:s4] =	ssyncadd.s32 $0xFFFFF800  }
0x109: {  	[tilespmem:s13], [sflag:$0x1] =	stream.indirect.gather [hbm4b:s3+s9], $0x10, s19, s9, $0xb8;
	[tilespmem:$0xA800] =	vst v63  }
0x10a: {  	_ =	swait.ge [sflag:s7], $0x800  }
0x10b: {  	[sflag:s7] =	ssyncset.done $0x0  }
0x10c: {  	s0 =	rddreg [dreg:$0x1e];
	[sflag:s7] =	ssyncadd.s32 $0xFFFFF800  }
0x10d: {  	[hbm4b:s0+s2] =	stream.linear.scatter [tilespmem:s12], [sflag:$0x3], $0x800, $0x38;
	[tilespmem:$0xA800] =	vst v63  }
0x10e: {  	_ =	swait.ge [sflag:s4], $0x800  }
0x10f: {  	[sflag:s4] =	ssyncset.done $0x0  }
0x110: {  	[sflag:s4] =	ssyncadd.s32 $0xFFFFF800  }
0x111: {  	[tilespmem:s12], [sflag:$0x2] =	stream.indirect.gather [hbm4b:s3+s9], $0x10, s18, s9, $0xb8;
	[tilespmem:$0xA800] =	vst v63  }
0x112: {  	_ =	swait.ge [sflag:s10], $0x800  }
0x113: {  	[sflag:s10] =	ssyncset.done $0x0  }
0x114: {  	s0 =	rddreg [dreg:$0x1f];
	[sflag:s10] =	ssyncadd.s32 $0xFFFFF800  }
0x115: {  	[hbm4b:s0+s2] =	stream.linear.scatter [tilespmem:s13], [sflag:$0x3], $0x800, $0x38;
	[tilespmem:$0xA800] =	vst v63  }
0x116: {  	_ =	swait.ge [sflag:s4], $0x800  }
0x117: {  	[sflag:s4] =	ssyncset.done $0x0  }
0x118: {  	[sflag:s4] =	ssyncadd.s32 $0xFFFFF800  }
0x119: {  	[tilespmem:s13], [sflag:$0x1] =	stream.indirect.gather [hbm4b:s3+s9], $0x10, s17, s9, $0xb8;
	[tilespmem:$0xA800] =	vst v63  }
0x11a: {  	_ =	swait.ge [sflag:s7], $0x800  }
0x11b: {  	s0 =	sld [smem:$0x7FD]  }
0x11c: {  	[sflag:s7] =	ssyncset.done $0x0  }
0x11d: {  	[sflag:s7] =	ssyncadd.s32 $0xFFFFF800  }
0x11e: {  	[hbm4b:s0+s2] =	stream.linear.scatter [tilespmem:s12], [sflag:$0x3], $0x800, $0x38;
	[tilespmem:$0xA800] =	vst v63  }
0x11f: {  	_ =	swait.ge [sflag:s4], $0x800  }
0x120: {  	[sflag:s4] =	ssyncset.done $0x0  }
0x121: {  	[sflag:s4] =	ssyncadd.s32 $0xFFFFF800  }
0x122: {  	[tilespmem:s12], [sflag:$0x2] =	stream.indirect.gather [hbm4b:s3+s9], $0x10, s16, s9, $0xb8;
	[tilespmem:$0xA800] =	vst v63  }
0x123: {  	_ =	swait.ge [sflag:s10], $0x800  }
0x124: {  	[sflag:s10] =	ssyncset.done $0x0  }
0x125: {  	[sflag:s10] =	ssyncadd.s32 $0xFFFFF800  }
0x126: {  	[hbm4b:s11+s2] =	stream.linear.scatter [tilespmem:s13], [sflag:$0x3], $0x800, $0x38;
	[tilespmem:$0xA800] =	vst v63  }
0x127: {  	_ =	swait.ge [sflag:s4], $0x800  }
0x128: {  	[sflag:s4] =	ssyncset.done $0x0  }
0x129: {  	[sflag:s4] =	ssyncadd.s32 $0xFFFFF800  }
0x12a: {  	[tilespmem:s13], [sflag:$0x1] =	stream.indirect.gather [hbm4b:s3+s9], $0x10, s15, s9, $0xb8;
	[tilespmem:$0xA800] =	vst v63  }
0x12b: {  	_ =	swait.ge [sflag:s7], $0x800  }
0x12c: {  	[sflag:s7] =	ssyncset.done $0x0  }
0x12d: {  	[sflag:s7] =	ssyncadd.s32 $0xFFFFF800  }
0x12e: {  	[hbm4b:s8+s2] =	stream.linear.scatter [tilespmem:s12], [sflag:$0x3], $0x800, $0x38;
	[tilespmem:$0xA800] =	vst v63  }
0x12f: {  	_ =	swait.ge [sflag:s4], $0x800  }
0x130: {  	[sflag:s4] =	ssyncset.done $0x0  }
0x131: {  	[sflag:s4] =	ssyncadd.s32 $0xFFFFF800  }
0x132: {  	[tilespmem:s12], [sflag:$0x2] =	stream.indirect.gather [hbm4b:s3+s9], $0x10, s14, s9, $0xb8;
	[tilespmem:$0xA800] =	vst v63  }
0x133: {  	_ =	swait.ge [sflag:s10], $0x800  }
0x134: {  	[sflag:s10] =	ssyncset.done $0x0  }
0x135: {  	[sflag:s10] =	ssyncadd.s32 $0xFFFFF800  }
0x136: {  	[hbm4b:s6+s2] =	stream.linear.scatter [tilespmem:s13], [sflag:$0x3], $0x800, $0x38;
	[tilespmem:$0xA800] =	vst v63  }
0x137: {  	_ =	swait.ge [sflag:s4], $0x800  }
0x138: {  	[sflag:s4] =	ssyncset.done $0x0  }
0x139: {  	[sflag:s4] =	ssyncadd.s32 $0xFFFFF800  }
0x13a: {  	p1 =	sne.s32 s1, $0x1;
	_ =	swait.ge [sflag:s7], $0x800  }
.Ltmp1:
0x13b: {  	[sflag:s7] =	ssyncset.done $0x0;
	(pc) =	sbr.rel @!p1 .LBB2_3-.Ltmp1, $4  }
0x13c: {  	[sflag:s7] =	ssyncadd.s32 $0xFFFFF800  }
0x13d: {  	[hbm4b:s5+s2] =	stream.linear.scatter [tilespmem:s12], [sflag:$0x3], $0x800, $0x38;
	[tilespmem:$0xA800] =	vst v63  }
0x13e: {  	s1 =	sadd.s32 $0xFFFFFFFF, s1;
	_ =	swait.ge [sflag:s4], $0x800  }
0x13f: {  	p0 =	por $0x1, $0x1;
	s0 =	rddreg [dreg:$0x3];
	[sflag:s4] =	ssyncset.done $0x0  }
.LBB2_2:
0x140: {  	[sflag:s4] =	ssyncadd.s32 $0xFFFFF800  }
0x141: {  	[tilespmem:s2], [sflag:$0x3] =	stream.linear.gather [hbm4b:s0+s2], $0x800, $0x38;
	[tilespmem:$0xA800] =	vst v63  }
0x142: {  	_ =	swait.ge [sflag:s4], $0x800  }
0x143: {  	[sflag:s4] =	ssyncset.done $0x0  }
0x144: {  	[sflag:s4] =	ssyncadd.s32 $0xFFFFF800  }
0x145: {  	[tilespmem:s31], [sflag:$0x1] =	stream.indirect.gather [hbm4b:s24+s9], $0x90, s2, s9, $0xb8;
	[tilespmem:$0xA800] =	vst v63  }
0x146: {  	_ = 	snop  }
0x147: {  	[tilespmem:s30], [sflag:$0x2] =	stream.indirect.gather [hbm4b:s24+s9], $0x90, s9, s9, $0xb8;
	[tilespmem:$0xA800] =	vst v63  }
0x148: {  	_ =	swait.ge [sflag:s10], $0x4800  }
0x149: {  	[sflag:s10] =	ssyncset.done $0x0  }
0x14a: {  	s0 =	rddreg [dreg:$0x4];
	[sflag:s10] =	ssyncadd.s32 $0xFFFFB800  }
0x14b: {  	[hbm4b:s0+s2] =	stream.linear.scatter [tilespmem:s31], [sflag:$0x3], $0x4800, $0x38;
	[tilespmem:$0xA800] =	vst v63  }
0x14c: {  	_ =	swait.ge [sflag:s4], $0x4800  }
0x14d: {  	[sflag:s4] =	ssyncset.done $0x0  }
0x14e: {  	[sflag:s4] =	ssyncadd.s32 $0xFFFFB800  }
0x14f: {  	[tilespmem:s31], [sflag:$0x1] =	stream.indirect.gather [hbm4b:s24+s9], $0x90, s29, s9, $0xb8;
	[tilespmem:$0xA800] =	vst v63  }
0x150: {  	_ =	swait.ge [sflag:s7], $0x4800  }
0x151: {  	[sflag:s7] =	ssyncset.done $0x0  }
0x152: {  	s0 =	rddreg [dreg:$0x5];
	[sflag:s7] =	ssyncadd.s32 $0xFFFFB800  }
0x153: {  	[hbm4b:s0+s2] =	stream.linear.scatter [tilespmem:s30], [sflag:$0x3], $0x4800, $0x38;
	[tilespmem:$0xA800] =	vst v63  }
0x154: {  	_ =	swait.ge [sflag:s4], $0x4800  }
0x155: {  	[sflag:s4] =	ssyncset.done $0x0  }
0x156: {  	[sflag:s4] =	ssyncadd.s32 $0xFFFFB800  }
0x157: {  	[tilespmem:s30], [sflag:$0x2] =	stream.indirect.gather [hbm4b:s24+s9], $0x90, s28, s9, $0xb8;
	[tilespmem:$0xA800] =	vst v63  }
0x158: {  	_ =	swait.ge [sflag:s10], $0x4800  }
0x159: {  	[sflag:s10] =	ssyncset.done $0x0  }
0x15a: {  	s0 =	rddreg [dreg:$0x6];
	[sflag:s10] =	ssyncadd.s32 $0xFFFFB800  }
0x15b: {  	[hbm4b:s0+s2] =	stream.linear.scatter [tilespmem:s31], [sflag:$0x3], $0x4800, $0x38;
	[tilespmem:$0xA800] =	vst v63  }
0x15c: {  	_ =	swait.ge [sflag:s4], $0x4800  }
0x15d: {  	[sflag:s4] =	ssyncset.done $0x0  }
0x15e: {  	[sflag:s4] =	ssyncadd.s32 $0xFFFFB800  }
0x15f: {  	[tilespmem:s31], [sflag:$0x1] =	stream.indirect.gather [hbm4b:s24+s9], $0x90, s26, s9, $0xb8;
	[tilespmem:$0xA800] =	vst v63  }
0x160: {  	_ =	swait.ge [sflag:s7], $0x4800  }
0x161: {  	[sflag:s7] =	ssyncset.done $0x0  }
0x162: {  	s0 =	rddreg [dreg:$0x7];
	[sflag:s7] =	ssyncadd.s32 $0xFFFFB800  }
0x163: {  	[hbm4b:s0+s2] =	stream.linear.scatter [tilespmem:s30], [sflag:$0x3], $0x4800, $0x38;
	[tilespmem:$0xA800] =	vst v63  }
0x164: {  	_ =	swait.ge [sflag:s4], $0x4800  }
0x165: {  	[sflag:s4] =	ssyncset.done $0x0  }
0x166: {  	[sflag:s4] =	ssyncadd.s32 $0xFFFFB800  }
0x167: {  	[tilespmem:s30], [sflag:$0x2] =	stream.indirect.gather [hbm4b:s24+s9], $0x90, s25, s9, $0xb8;
	[tilespmem:$0xA800] =	vst v63  }
0x168: {  	_ =	swait.ge [sflag:s10], $0x4800  }
0x169: {  	[sflag:s10] =	ssyncset.done $0x0  }
0x16a: {  	s0 =	rddreg [dreg:$0x8];
	[sflag:s10] =	ssyncadd.s32 $0xFFFFB800  }
0x16b: {  	[hbm4b:s0+s2] =	stream.linear.scatter [tilespmem:s31], [sflag:$0x3], $0x4800, $0x38;
	[tilespmem:$0xA800] =	vst v63  }
0x16c: {  	_ =	swait.ge [sflag:s4], $0x4800  }
0x16d: {  	[sflag:s4] =	ssyncset.done $0x0  }
0x16e: {  	[sflag:s4] =	ssyncadd.s32 $0xFFFFB800  }
0x16f: {  	[tilespmem:s31], [sflag:$0x1] =	stream.indirect.gather [hbm4b:s24+s9], $0x90, s23, s9, $0xb8;
	[tilespmem:$0xA800] =	vst v63  }
0x170: {  	_ =	swait.ge [sflag:s7], $0x4800  }
0x171: {  	[sflag:s7] =	ssyncset.done $0x0  }
0x172: {  	s0 =	rddreg [dreg:$0x9];
	[sflag:s7] =	ssyncadd.s32 $0xFFFFB800  }
0x173: {  	[hbm4b:s0+s2] =	stream.linear.scatter [tilespmem:s30], [sflag:$0x3], $0x4800, $0x38;
	[tilespmem:$0xA800] =	vst v63  }
0x174: {  	_ =	swait.ge [sflag:s4], $0x4800  }
0x175: {  	[sflag:s4] =	ssyncset.done $0x0  }
0x176: {  	[sflag:s4] =	ssyncadd.s32 $0xFFFFB800  }
0x177: {  	[tilespmem:s30], [sflag:$0x2] =	stream.indirect.gather [hbm4b:s24+s9], $0x90, s22, s9, $0xb8;
	[tilespmem:$0xA800] =	vst v63  }
0x178: {  	_ =	swait.ge [sflag:s10], $0x4800  }
0x179: {  	[sflag:s10] =	ssyncset.done $0x0  }
0x17a: {  	s0 =	rddreg [dreg:$0xa];
	[sflag:s10] =	ssyncadd.s32 $0xFFFFB800  }
0x17b: {  	[hbm4b:s0+s2] =	stream.linear.scatter [tilespmem:s31], [sflag:$0x3], $0x4800, $0x38;
	[tilespmem:$0xA800] =	vst v63  }
0x17c: {  	_ =	swait.ge [sflag:s4], $0x4800  }
0x17d: {  	[sflag:s4] =	ssyncset.done $0x0  }
0x17e: {  	[sflag:s4] =	ssyncadd.s32 $0xFFFFB800  }
0x17f: {  	[tilespmem:s31], [sflag:$0x1] =	stream.indirect.gather [hbm4b:s24+s9], $0x90, s21, s9, $0xb8;
	[tilespmem:$0xA800] =	vst v63  }
0x180: {  	_ =	swait.ge [sflag:s7], $0x4800  }
0x181: {  	[sflag:s7] =	ssyncset.done $0x0  }
0x182: {  	s0 =	rddreg [dreg:$0xb];
	[sflag:s7] =	ssyncadd.s32 $0xFFFFB800  }
0x183: {  	[hbm4b:s0+s2] =	stream.linear.scatter [tilespmem:s30], [sflag:$0x3], $0x4800, $0x38;
	[tilespmem:$0xA800] =	vst v63  }
0x184: {  	_ =	swait.ge [sflag:s4], $0x4800  }
0x185: {  	[sflag:s4] =	ssyncset.done $0x0  }
0x186: {  	[sflag:s4] =	ssyncadd.s32 $0xFFFFB800  }
0x187: {  	[tilespmem:s30], [sflag:$0x2] =	stream.indirect.gather [hbm4b:s24+s9], $0x90, s20, s9, $0xb8;
	[tilespmem:$0xA800] =	vst v63  }
0x188: {  	_ =	swait.ge [sflag:s10], $0x4800  }
0x189: {  	[sflag:s10] =	ssyncset.done $0x0  }
0x18a: {  	s0 =	rddreg [dreg:$0xc];
	[sflag:s10] =	ssyncadd.s32 $0xFFFFB800  }
0x18b: {  	[hbm4b:s0+s2] =	stream.linear.scatter [tilespmem:s31], [sflag:$0x3], $0x4800, $0x38;
	[tilespmem:$0xA800] =	vst v63  }
0x18c: {  	_ =	swait.ge [sflag:s4], $0x4800  }
0x18d: {  	[sflag:s4] =	ssyncset.done $0x0  }
0x18e: {  	[sflag:s4] =	ssyncadd.s32 $0xFFFFB800  }
0x18f: {  	[tilespmem:s31], [sflag:$0x1] =	stream.indirect.gather [hbm4b:s24+s9], $0x90, s19, s9, $0xb8;
	[tilespmem:$0xA800] =	vst v63  }
0x190: {  	_ =	swait.ge [sflag:s7], $0x4800  }
0x191: {  	[sflag:s7] =	ssyncset.done $0x0  }
0x192: {  	s0 =	rddreg [dreg:$0xd];
	[sflag:s7] =	ssyncadd.s32 $0xFFFFB800  }
0x193: {  	[hbm4b:s0+s2] =	stream.linear.scatter [tilespmem:s30], [sflag:$0x3], $0x4800, $0x38;
	[tilespmem:$0xA800] =	vst v63  }
0x194: {  	_ =	swait.ge [sflag:s4], $0x4800  }
0x195: {  	[sflag:s4] =	ssyncset.done $0x0  }
0x196: {  	[sflag:s4] =	ssyncadd.s32 $0xFFFFB800  }
0x197: {  	[tilespmem:s30], [sflag:$0x2] =	stream.indirect.gather [hbm4b:s24+s9], $0x90, s18, s9, $0xb8;
	[tilespmem:$0xA800] =	vst v63  }
0x198: {  	_ =	swait.ge [sflag:s10], $0x4800  }
0x199: {  	[sflag:s10] =	ssyncset.done $0x0  }
0x19a: {  	s0 =	rddreg [dreg:$0xe];
	[sflag:s10] =	ssyncadd.s32 $0xFFFFB800  }
0x19b: {  	[hbm4b:s0+s2] =	stream.linear.scatter [tilespmem:s31], [sflag:$0x3], $0x4800, $0x38;
	[tilespmem:$0xA800] =	vst v63  }
0x19c: {  	_ =	swait.ge [sflag:s4], $0x4800  }
0x19d: {  	[sflag:s4] =	ssyncset.done $0x0  }
0x19e: {  	[sflag:s4] =	ssyncadd.s32 $0xFFFFB800  }
0x19f: {  	[tilespmem:s31], [sflag:$0x1] =	stream.indirect.gather [hbm4b:s24+s9], $0x90, s17, s9, $0xb8;
	[tilespmem:$0xA800] =	vst v63  }
0x1a0: {  	_ =	swait.ge [sflag:s7], $0x4800  }
0x1a1: {  	[sflag:s7] =	ssyncset.done $0x0  }
0x1a2: {  	s0 =	rddreg [dreg:$0xf];
	[sflag:s7] =	ssyncadd.s32 $0xFFFFB800  }
0x1a3: {  	[hbm4b:s0+s2] =	stream.linear.scatter [tilespmem:s30], [sflag:$0x3], $0x4800, $0x38;
	[tilespmem:$0xA800] =	vst v63  }
0x1a4: {  	_ =	swait.ge [sflag:s4], $0x4800  }
0x1a5: {  	[sflag:s4] =	ssyncset.done $0x0  }
0x1a6: {  	[sflag:s4] =	ssyncadd.s32 $0xFFFFB800  }
0x1a7: {  	[tilespmem:s30], [sflag:$0x2] =	stream.indirect.gather [hbm4b:s24+s9], $0x90, s16, s9, $0xb8;
	[tilespmem:$0xA800] =	vst v63  }
0x1a8: {  	_ =	swait.ge [sflag:s10], $0x4800  }
0x1a9: {  	[sflag:s10] =	ssyncset.done $0x0  }
0x1aa: {  	s0 =	rddreg [dreg:$0x10];
	[sflag:s10] =	ssyncadd.s32 $0xFFFFB800  }
0x1ab: {  	[hbm4b:s0+s2] =	stream.linear.scatter [tilespmem:s31], [sflag:$0x3], $0x4800, $0x38;
	[tilespmem:$0xA800] =	vst v63  }
0x1ac: {  	_ =	swait.ge [sflag:s4], $0x4800  }
0x1ad: {  	[sflag:s4] =	ssyncset.done $0x0  }
0x1ae: {  	[sflag:s4] =	ssyncadd.s32 $0xFFFFB800  }
0x1af: {  	[tilespmem:s31], [sflag:$0x1] =	stream.indirect.gather [hbm4b:s24+s9], $0x90, s15, s9, $0xb8;
	[tilespmem:$0xA800] =	vst v63  }
0x1b0: {  	_ =	swait.ge [sflag:s7], $0x4800  }
0x1b1: {  	[sflag:s7] =	ssyncset.done $0x0  }
0x1b2: {  	s0 =	rddreg [dreg:$0x11];
	[sflag:s7] =	ssyncadd.s32 $0xFFFFB800  }
0x1b3: {  	[hbm4b:s0+s2] =	stream.linear.scatter [tilespmem:s30], [sflag:$0x3], $0x4800, $0x38;
	[tilespmem:$0xA800] =	vst v63  }
0x1b4: {  	_ =	swait.ge [sflag:s4], $0x4800  }
0x1b5: {  	[sflag:s4] =	ssyncset.done $0x0  }
0x1b6: {  	[sflag:s4] =	ssyncadd.s32 $0xFFFFB800  }
0x1b7: {  	[tilespmem:s30], [sflag:$0x2] =	stream.indirect.gather [hbm4b:s24+s9], $0x90, s14, s9, $0xb8;
	[tilespmem:$0xA800] =	vst v63  }
0x1b8: {  	_ =	swait.ge [sflag:s10], $0x4800  }
0x1b9: {  	[sflag:s10] =	ssyncset.done $0x0  }
0x1ba: {  	s0 =	rddreg [dreg:$0x12];
	[sflag:s10] =	ssyncadd.s32 $0xFFFFB800  }
0x1bb: {  	[hbm4b:s0+s2] =	stream.linear.scatter [tilespmem:s31], [sflag:$0x3], $0x4800, $0x38;
	[tilespmem:$0xA800] =	vst v63  }
0x1bc: {  	_ =	swait.ge [sflag:s4], $0x4800  }
0x1bd: {  	[sflag:s4] =	ssyncset.done $0x0  }
0x1be: {  	[sflag:s4] =	ssyncadd.s32 $0xFFFFB800  }
0x1bf: {  	_ =	swait.ge [sflag:s7], $0x4800  }
0x1c0: {  	[sflag:s7] =	ssyncset.done $0x0  }
0x1c1: {  	s0 =	rddreg [dreg:$0x13];
	[sflag:s7] =	ssyncadd.s32 $0xFFFFB800  }
0x1c2: {  	[hbm4b:s0+s2] =	stream.linear.scatter [tilespmem:s30], [sflag:$0x3], $0x4800, $0x38;
	[tilespmem:$0xA800] =	vst v63  }
0x1c3: {  	_ =	swait.ge [sflag:s4], $0x4800  }
0x1c4: {  	[sflag:s4] =	ssyncset.done $0x0  }
0x1c5: {  	s0 =	rddreg [dreg:$0x14];
	[sflag:s4] =	ssyncadd.s32 $0xFFFFB800  }
0x1c6: {  	[tilespmem:s2], [sflag:$0x3] =	stream.linear.gather [hbm4b:s0+s2], $0x800, $0x38;
	[tilespmem:$0xA800] =	vst v63  }
0x1c7: {  	_ =	swait.ge [sflag:s4], $0x800  }
0x1c8: {  	[sflag:s4] =	ssyncset.done $0x0  }
0x1c9: {  	[sflag:s4] =	ssyncadd.s32 $0xFFFFF800  }
0x1ca: {  	[tilespmem:s13], [sflag:$0x1] =	stream.indirect.gather [hbm4b:s3+s9], $0x10, s2, s9, $0xb8;
	[tilespmem:$0xA800] =	vst v63  }
0x1cb: {  	_ = 	snop  }
0x1cc: {  	[tilespmem:s12], [sflag:$0x2] =	stream.indirect.gather [hbm4b:s3+s9], $0x10, s9, s9, $0xb8;
	[tilespmem:$0xA800] =	vst v63  }
0x1cd: {  	_ =	swait.ge [sflag:s10], $0x800  }
0x1ce: {  	[sflag:s10] =	ssyncset.done $0x0  }
0x1cf: {  	s0 =	rddreg [dreg:$0x15];
	[sflag:s10] =	ssyncadd.s32 $0xFFFFF800  }
0x1d0: {  	[hbm4b:s0+s2] =	stream.linear.scatter [tilespmem:s13], [sflag:$0x3], $0x800, $0x38;
	[tilespmem:$0xA800] =	vst v63  }
0x1d1: {  	_ =	swait.ge [sflag:s4], $0x800  }
0x1d2: {  	[sflag:s4] =	ssyncset.done $0x0  }
0x1d3: {  	[sflag:s4] =	ssyncadd.s32 $0xFFFFF800  }
0x1d4: {  	[tilespmem:s13], [sflag:$0x1] =	stream.indirect.gather [hbm4b:s3+s9], $0x10, s29, s9, $0xb8;
	[tilespmem:$0xA800] =	vst v63  }
0x1d5: {  	_ =	swait.ge [sflag:s7], $0x800  }
0x1d6: {  	[sflag:s7] =	ssyncset.done $0x0  }
0x1d7: {  	s0 =	rddreg [dreg:$0x16];
	[sflag:s7] =	ssyncadd.s32 $0xFFFFF800  }
0x1d8: {  	[hbm4b:s0+s2] =	stream.linear.scatter [tilespmem:s12], [sflag:$0x3], $0x800, $0x38;
	[tilespmem:$0xA800] =	vst v63  }
0x1d9: {  	_ =	swait.ge [sflag:s4], $0x800  }
0x1da: {  	[sflag:s4] =	ssyncset.done $0x0  }
0x1db: {  	[sflag:s4] =	ssyncadd.s32 $0xFFFFF800  }
0x1dc: {  	[tilespmem:s12], [sflag:$0x2] =	stream.indirect.gather [hbm4b:s3+s9], $0x10, s28, s9, $0xb8;
	[tilespmem:$0xA800] =	vst v63  }
0x1dd: {  	_ =	swait.ge [sflag:s10], $0x800  }
0x1de: {  	[sflag:s10] =	ssyncset.done $0x0  }
0x1df: {  	s0 =	rddreg [dreg:$0x17];
	[sflag:s10] =	ssyncadd.s32 $0xFFFFF800  }
0x1e0: {  	[hbm4b:s0+s2] =	stream.linear.scatter [tilespmem:s13], [sflag:$0x3], $0x800, $0x38;
	[tilespmem:$0xA800] =	vst v63  }
0x1e1: {  	_ =	swait.ge [sflag:s4], $0x800  }
0x1e2: {  	[sflag:s4] =	ssyncset.done $0x0  }
0x1e3: {  	[sflag:s4] =	ssyncadd.s32 $0xFFFFF800  }
0x1e4: {  	[tilespmem:s13], [sflag:$0x1] =	stream.indirect.gather [hbm4b:s3+s9], $0x10, s26, s9, $0xb8;
	[tilespmem:$0xA800] =	vst v63  }
0x1e5: {  	_ =	swait.ge [sflag:s7], $0x800  }
0x1e6: {  	[sflag:s7] =	ssyncset.done $0x0  }
0x1e7: {  	s0 =	rddreg [dreg:$0x18];
	[sflag:s7] =	ssyncadd.s32 $0xFFFFF800  }
0x1e8: {  	[hbm4b:s0+s2] =	stream.linear.scatter [tilespmem:s12], [sflag:$0x3], $0x800, $0x38;
	[tilespmem:$0xA800] =	vst v63  }
0x1e9: {  	_ =	swait.ge [sflag:s4], $0x800  }
0x1ea: {  	[sflag:s4] =	ssyncset.done $0x0  }
0x1eb: {  	[sflag:s4] =	ssyncadd.s32 $0xFFFFF800  }
0x1ec: {  	[tilespmem:s12], [sflag:$0x2] =	stream.indirect.gather [hbm4b:s3+s9], $0x10, s25, s9, $0xb8;
	[tilespmem:$0xA800] =	vst v63  }
0x1ed: {  	_ =	swait.ge [sflag:s10], $0x800  }
0x1ee: {  	[sflag:s10] =	ssyncset.done $0x0  }
0x1ef: {  	s0 =	rddreg [dreg:$0x19];
	[sflag:s10] =	ssyncadd.s32 $0xFFFFF800  }
0x1f0: {  	[hbm4b:s0+s2] =	stream.linear.scatter [tilespmem:s13], [sflag:$0x3], $0x800, $0x38;
	[tilespmem:$0xA800] =	vst v63  }
0x1f1: {  	_ =	swait.ge [sflag:s4], $0x800  }
0x1f2: {  	[sflag:s4] =	ssyncset.done $0x0  }
0x1f3: {  	[sflag:s4] =	ssyncadd.s32 $0xFFFFF800  }
0x1f4: {  	[tilespmem:s13], [sflag:$0x1] =	stream.indirect.gather [hbm4b:s3+s9], $0x10, s23, s9, $0xb8;
	[tilespmem:$0xA800] =	vst v63  }
0x1f5: {  	_ =	swait.ge [sflag:s7], $0x800  }
0x1f6: {  	[sflag:s7] =	ssyncset.done $0x0  }
0x1f7: {  	s0 =	rddreg [dreg:$0x1a];
	[sflag:s7] =	ssyncadd.s32 $0xFFFFF800  }
0x1f8: {  	[hbm4b:s0+s2] =	stream.linear.scatter [tilespmem:s12], [sflag:$0x3], $0x800, $0x38;
	[tilespmem:$0xA800] =	vst v63  }
0x1f9: {  	_ =	swait.ge [sflag:s4], $0x800  }
0x1fa: {  	[sflag:s4] =	ssyncset.done $0x0  }
0x1fb: {  	[sflag:s4] =	ssyncadd.s32 $0xFFFFF800  }
0x1fc: {  	[tilespmem:s12], [sflag:$0x2] =	stream.indirect.gather [hbm4b:s3+s9], $0x10, s22, s9, $0xb8;
	[tilespmem:$0xA800] =	vst v63  }
0x1fd: {  	_ =	swait.ge [sflag:s10], $0x800  }
0x1fe: {  	[sflag:s10] =	ssyncset.done $0x0  }
0x1ff: {  	s0 =	rddreg [dreg:$0x1b];
	[sflag:s10] =	ssyncadd.s32 $0xFFFFF800  }
0x200: {  	[hbm4b:s0+s2] =	stream.linear.scatter [tilespmem:s13], [sflag:$0x3], $0x800, $0x38;
	[tilespmem:$0xA800] =	vst v63  }
0x201: {  	_ =	swait.ge [sflag:s4], $0x800  }
0x202: {  	[sflag:s4] =	ssyncset.done $0x0  }
0x203: {  	[sflag:s4] =	ssyncadd.s32 $0xFFFFF800  }
0x204: {  	[tilespmem:s13], [sflag:$0x1] =	stream.indirect.gather [hbm4b:s3+s9], $0x10, s21, s9, $0xb8;
	[tilespmem:$0xA800] =	vst v63  }
0x205: {  	_ =	swait.ge [sflag:s7], $0x800  }
0x206: {  	[sflag:s7] =	ssyncset.done $0x0  }
0x207: {  	s0 =	rddreg [dreg:$0x1c];
	[sflag:s7] =	ssyncadd.s32 $0xFFFFF800  }
0x208: {  	[hbm4b:s0+s2] =	stream.linear.scatter [tilespmem:s12], [sflag:$0x3], $0x800, $0x38;
	[tilespmem:$0xA800] =	vst v63  }
0x209: {  	_ =	swait.ge [sflag:s4], $0x800  }
0x20a: {  	[sflag:s4] =	ssyncset.done $0x0  }
0x20b: {  	[sflag:s4] =	ssyncadd.s32 $0xFFFFF800  }
0x20c: {  	[tilespmem:s12], [sflag:$0x2] =	stream.indirect.gather [hbm4b:s3+s9], $0x10, s20, s9, $0xb8;
	[tilespmem:$0xA800] =	vst v63  }
0x20d: {  	_ =	swait.ge [sflag:s10], $0x800  }
0x20e: {  	[sflag:s10] =	ssyncset.done $0x0  }
0x20f: {  	s0 =	rddreg [dreg:$0x1d];
	[sflag:s10] =	ssyncadd.s32 $0xFFFFF800  }
0x210: {  	[hbm4b:s0+s2] =	stream.linear.scatter [tilespmem:s13], [sflag:$0x3], $0x800, $0x38;
	[tilespmem:$0xA800] =	vst v63  }
0x211: {  	_ =	swait.ge [sflag:s4], $0x800  }
0x212: {  	[sflag:s4] =	ssyncset.done $0x0  }
0x213: {  	[sflag:s4] =	ssyncadd.s32 $0xFFFFF800  }
0x214: {  	[tilespmem:s13], [sflag:$0x1] =	stream.indirect.gather [hbm4b:s3+s9], $0x10, s19, s9, $0xb8;
	[tilespmem:$0xA800] =	vst v63  }
0x215: {  	_ =	swait.ge [sflag:s7], $0x800  }
0x216: {  	[sflag:s7] =	ssyncset.done $0x0  }
0x217: {  	s0 =	rddreg [dreg:$0x1e];
	[sflag:s7] =	ssyncadd.s32 $0xFFFFF800  }
0x218: {  	[hbm4b:s0+s2] =	stream.linear.scatter [tilespmem:s12], [sflag:$0x3], $0x800, $0x38;
	[tilespmem:$0xA800] =	vst v63  }
0x219: {  	_ =	swait.ge [sflag:s4], $0x800  }
0x21a: {  	[sflag:s4] =	ssyncset.done $0x0  }
0x21b: {  	[sflag:s4] =	ssyncadd.s32 $0xFFFFF800  }
0x21c: {  	[tilespmem:s12], [sflag:$0x2] =	stream.indirect.gather [hbm4b:s3+s9], $0x10, s18, s9, $0xb8;
	[tilespmem:$0xA800] =	vst v63  }
0x21d: {  	_ =	swait.ge [sflag:s10], $0x800  }
0x21e: {  	[sflag:s10] =	ssyncset.done $0x0  }
0x21f: {  	s0 =	rddreg [dreg:$0x1f];
	[sflag:s10] =	ssyncadd.s32 $0xFFFFF800  }
0x220: {  	[hbm4b:s0+s2] =	stream.linear.scatter [tilespmem:s13], [sflag:$0x3], $0x800, $0x38;
	[tilespmem:$0xA800] =	vst v63  }
0x221: {  	_ =	swait.ge [sflag:s4], $0x800  }
0x222: {  	[sflag:s4] =	ssyncset.done $0x0  }
0x223: {  	[sflag:s4] =	ssyncadd.s32 $0xFFFFF800  }
0x224: {  	[tilespmem:s13], [sflag:$0x1] =	stream.indirect.gather [hbm4b:s3+s9], $0x10, s17, s9, $0xb8;
	[tilespmem:$0xA800] =	vst v63  }
0x225: {  	_ =	swait.ge [sflag:s7], $0x800  }
0x226: {  	s0 =	sld [smem:$0x7FD]  }
0x227: {  	[sflag:s7] =	ssyncset.done $0x0  }
0x228: {  	[sflag:s7] =	ssyncadd.s32 $0xFFFFF800  }
0x229: {  	[hbm4b:s0+s2] =	stream.linear.scatter [tilespmem:s12], [sflag:$0x3], $0x800, $0x38;
	[tilespmem:$0xA800] =	vst v63  }
0x22a: {  	_ =	swait.ge [sflag:s4], $0x800  }
0x22b: {  	[sflag:s4] =	ssyncset.done $0x0  }
0x22c: {  	[sflag:s4] =	ssyncadd.s32 $0xFFFFF800  }
0x22d: {  	[tilespmem:s12], [sflag:$0x2] =	stream.indirect.gather [hbm4b:s3+s9], $0x10, s16, s9, $0xb8;
	[tilespmem:$0xA800] =	vst v63  }
0x22e: {  	_ =	swait.ge [sflag:s10], $0x800  }
0x22f: {  	[sflag:s10] =	ssyncset.done $0x0  }
0x230: {  	[sflag:s10] =	ssyncadd.s32 $0xFFFFF800  }
0x231: {  	[hbm4b:s11+s2] =	stream.linear.scatter [tilespmem:s13], [sflag:$0x3], $0x800, $0x38;
	[tilespmem:$0xA800] =	vst v63  }
0x232: {  	_ =	swait.ge [sflag:s4], $0x800  }
0x233: {  	[sflag:s4] =	ssyncset.done $0x0  }
0x234: {  	[sflag:s4] =	ssyncadd.s32 $0xFFFFF800  }
0x235: {  	[tilespmem:s13], [sflag:$0x1] =	stream.indirect.gather [hbm4b:s3+s9], $0x10, s15, s9, $0xb8;
	[tilespmem:$0xA800] =	vst v63  }
0x236: {  	_ =	swait.ge [sflag:s7], $0x800  }
0x237: {  	[sflag:s7] =	ssyncset.done $0x0  }
0x238: {  	[sflag:s7] =	ssyncadd.s32 $0xFFFFF800  }
0x239: {  	[hbm4b:s8+s2] =	stream.linear.scatter [tilespmem:s12], [sflag:$0x3], $0x800, $0x38;
	[tilespmem:$0xA800] =	vst v63  }
0x23a: {  	_ =	swait.ge [sflag:s4], $0x800  }
0x23b: {  	[sflag:s4] =	ssyncset.done $0x0  }
0x23c: {  	[sflag:s4] =	ssyncadd.s32 $0xFFFFF800  }
0x23d: {  	[tilespmem:s12], [sflag:$0x2] =	stream.indirect.gather [hbm4b:s3+s9], $0x10, s14, s9, $0xb8;
	[tilespmem:$0xA800] =	vst v63  }
0x23e: {  	_ =	swait.ge [sflag:s10], $0x800  }
0x23f: {  	[sflag:s10] =	ssyncset.done $0x0  }
0x240: {  	[sflag:s10] =	ssyncadd.s32 $0xFFFFF800  }
0x241: {  	[hbm4b:s6+s2] =	stream.linear.scatter [tilespmem:s13], [sflag:$0x3], $0x800, $0x38;
	[tilespmem:$0xA800] =	vst v63  }
0x242: {  	_ =	swait.ge [sflag:s4], $0x800  }
0x243: {  	[sflag:s4] =	ssyncset.done $0x0  }
0x244: {  	[sflag:s4] =	ssyncadd.s32 $0xFFFFF800  }
0x245: {  	p1 =	sne.s32 s1, $0x1;
	_ =	swait.ge [sflag:s7], $0x800  }
.Ltmp2:
0x246: {  	[sflag:s7] =	ssyncset.done $0x0;
	(pc) =	sbr.rel @p1 .LBB2_2-.Ltmp2, $4  }
0x247: {  	[sflag:s7] =	ssyncadd.s32 $0xFFFFF800  }
0x248: {  	[hbm4b:s5+s2] =	stream.linear.scatter [tilespmem:s12], [sflag:$0x3], $0x800, $0x38;
	[tilespmem:$0xA800] =	vst v63  }
0x249: {  	_ =	swait.ge [sflag:s4], $0x800  }
0x24a: {  	s1 =	sadd.s32 $0xFFFFFFFF, s1;
	s0 =	rddreg [dreg:$0x3];
	[sflag:s4] =	ssyncset.done $0x0  }
.LBB2_3:
0x24b: {  	[sflag:s4] =	ssyncadd.s32 @p0 $0xFFFFF800  }
0x24c: {  	[tilespmem:s2], [sflag:$0x3] =	stream.linear.gather [hbm4b:s0+s2], $0x800, $0x38;
	[tilespmem:$0xA800] =	vst v63  }
0x24d: {  	_ =	swait.ge [sflag:s4], $0x800  }
0x24e: {  	[sflag:s4] =	ssyncset.done $0x0  }
0x24f: {  	[sflag:s4] =	ssyncadd.s32 $0xFFFFF800  }
0x250: {  	[tilespmem:s31], [sflag:$0x1] =	stream.indirect.gather [hbm4b:s24+s9], $0x90, s2, s9, $0xb8;
	[tilespmem:$0xA800] =	vst v63  }
0x251: {  	_ = 	snop  }
0x252: {  	[tilespmem:s30], [sflag:$0x2] =	stream.indirect.gather [hbm4b:s24+s9], $0x90, s9, s9, $0xb8;
	[tilespmem:$0xA800] =	vst v63  }
0x253: {  	_ =	swait.ge [sflag:s10], $0x4800  }
0x254: {  	[sflag:s10] =	ssyncset.done $0x0  }
0x255: {  	s1 =	rddreg [dreg:$0x4];
	[sflag:s10] =	ssyncadd.s32 $0xFFFFB800  }
0x256: {  	[hbm4b:s1+s2] =	stream.linear.scatter [tilespmem:s31], [sflag:$0x3], $0x4800, $0x38;
	[tilespmem:$0xA800] =	vst v63  }
0x257: {  	_ =	swait.ge [sflag:s4], $0x4800  }
0x258: {  	[sflag:s4] =	ssyncset.done $0x0  }
0x259: {  	[sflag:s4] =	ssyncadd.s32 $0xFFFFB800  }
0x25a: {  	[tilespmem:s31], [sflag:$0x1] =	stream.indirect.gather [hbm4b:s24+s9], $0x90, s29, s9, $0xb8;
	[tilespmem:$0xA800] =	vst v63  }
0x25b: {  	_ =	swait.ge [sflag:s7], $0x4800  }
0x25c: {  	[sflag:s7] =	ssyncset.done $0x0  }
0x25d: {  	s1 =	rddreg [dreg:$0x5];
	[sflag:s7] =	ssyncadd.s32 $0xFFFFB800  }
0x25e: {  	[hbm4b:s1+s2] =	stream.linear.scatter [tilespmem:s30], [sflag:$0x3], $0x4800, $0x38;
	[tilespmem:$0xA800] =	vst v63  }
0x25f: {  	_ =	swait.ge [sflag:s4], $0x4800  }
0x260: {  	[sflag:s4] =	ssyncset.done $0x0  }
0x261: {  	[sflag:s4] =	ssyncadd.s32 $0xFFFFB800  }
0x262: {  	[tilespmem:s30], [sflag:$0x2] =	stream.indirect.gather [hbm4b:s24+s9], $0x90, s28, s9, $0xb8;
	[tilespmem:$0xA800] =	vst v63  }
0x263: {  	_ =	swait.ge [sflag:s10], $0x4800  }
0x264: {  	[sflag:s10] =	ssyncset.done $0x0  }
0x265: {  	s1 =	rddreg [dreg:$0x6];
	[sflag:s10] =	ssyncadd.s32 $0xFFFFB800  }
0x266: {  	[hbm4b:s1+s2] =	stream.linear.scatter [tilespmem:s31], [sflag:$0x3], $0x4800, $0x38;
	[tilespmem:$0xA800] =	vst v63  }
0x267: {  	_ =	swait.ge [sflag:s4], $0x4800  }
0x268: {  	[sflag:s4] =	ssyncset.done $0x0  }
0x269: {  	[sflag:s4] =	ssyncadd.s32 $0xFFFFB800  }
0x26a: {  	[tilespmem:s31], [sflag:$0x1] =	stream.indirect.gather [hbm4b:s24+s9], $0x90, s26, s9, $0xb8;
	[tilespmem:$0xA800] =	vst v63  }
0x26b: {  	_ =	swait.ge [sflag:s7], $0x4800  }
0x26c: {  	[sflag:s7] =	ssyncset.done $0x0  }
0x26d: {  	s1 =	rddreg [dreg:$0x7];
	[sflag:s7] =	ssyncadd.s32 $0xFFFFB800  }
0x26e: {  	[hbm4b:s1+s2] =	stream.linear.scatter [tilespmem:s30], [sflag:$0x3], $0x4800, $0x38;
	[tilespmem:$0xA800] =	vst v63  }
0x26f: {  	_ =	swait.ge [sflag:s4], $0x4800  }
0x270: {  	[sflag:s4] =	ssyncset.done $0x0  }
0x271: {  	[sflag:s4] =	ssyncadd.s32 $0xFFFFB800  }
0x272: {  	[tilespmem:s30], [sflag:$0x2] =	stream.indirect.gather [hbm4b:s24+s9], $0x90, s25, s9, $0xb8;
	[tilespmem:$0xA800] =	vst v63  }
0x273: {  	_ =	swait.ge [sflag:s10], $0x4800  }
0x274: {  	[sflag:s10] =	ssyncset.done $0x0  }
0x275: {  	s1 =	rddreg [dreg:$0x8];
	[sflag:s10] =	ssyncadd.s32 $0xFFFFB800  }
0x276: {  	[hbm4b:s1+s2] =	stream.linear.scatter [tilespmem:s31], [sflag:$0x3], $0x4800, $0x38;
	[tilespmem:$0xA800] =	vst v63  }
0x277: {  	_ =	swait.ge [sflag:s4], $0x4800  }
0x278: {  	[sflag:s4] =	ssyncset.done $0x0  }
0x279: {  	[sflag:s4] =	ssyncadd.s32 $0xFFFFB800  }
0x27a: {  	[tilespmem:s31], [sflag:$0x1] =	stream.indirect.gather [hbm4b:s24+s9], $0x90, s23, s9, $0xb8;
	[tilespmem:$0xA800] =	vst v63  }
0x27b: {  	_ =	swait.ge [sflag:s7], $0x4800  }
0x27c: {  	[sflag:s7] =	ssyncset.done $0x0  }
0x27d: {  	s1 =	rddreg [dreg:$0x9];
	[sflag:s7] =	ssyncadd.s32 $0xFFFFB800  }
0x27e: {  	[hbm4b:s1+s2] =	stream.linear.scatter [tilespmem:s30], [sflag:$0x3], $0x4800, $0x38;
	[tilespmem:$0xA800] =	vst v63  }
0x27f: {  	_ =	swait.ge [sflag:s4], $0x4800  }
0x280: {  	[sflag:s4] =	ssyncset.done $0x0  }
0x281: {  	[sflag:s4] =	ssyncadd.s32 $0xFFFFB800  }
0x282: {  	[tilespmem:s30], [sflag:$0x2] =	stream.indirect.gather [hbm4b:s24+s9], $0x90, s22, s9, $0xb8;
	[tilespmem:$0xA800] =	vst v63  }
0x283: {  	_ =	swait.ge [sflag:s10], $0x4800  }
0x284: {  	[sflag:s10] =	ssyncset.done $0x0  }
0x285: {  	s1 =	rddreg [dreg:$0xa];
	[sflag:s10] =	ssyncadd.s32 $0xFFFFB800  }
0x286: {  	[hbm4b:s1+s2] =	stream.linear.scatter [tilespmem:s31], [sflag:$0x3], $0x4800, $0x38;
	[tilespmem:$0xA800] =	vst v63  }
0x287: {  	_ =	swait.ge [sflag:s4], $0x4800  }
0x288: {  	[sflag:s4] =	ssyncset.done $0x0  }
0x289: {  	[sflag:s4] =	ssyncadd.s32 $0xFFFFB800  }
0x28a: {  	[tilespmem:s31], [sflag:$0x1] =	stream.indirect.gather [hbm4b:s24+s9], $0x90, s21, s9, $0xb8;
	[tilespmem:$0xA800] =	vst v63  }
0x28b: {  	_ =	swait.ge [sflag:s7], $0x4800  }
0x28c: {  	[sflag:s7] =	ssyncset.done $0x0  }
0x28d: {  	s1 =	rddreg [dreg:$0xb];
	[sflag:s7] =	ssyncadd.s32 $0xFFFFB800  }
0x28e: {  	[hbm4b:s1+s2] =	stream.linear.scatter [tilespmem:s30], [sflag:$0x3], $0x4800, $0x38;
	[tilespmem:$0xA800] =	vst v63  }
0x28f: {  	_ =	swait.ge [sflag:s4], $0x4800  }
0x290: {  	[sflag:s4] =	ssyncset.done $0x0  }
0x291: {  	[sflag:s4] =	ssyncadd.s32 $0xFFFFB800  }
0x292: {  	[tilespmem:s30], [sflag:$0x2] =	stream.indirect.gather [hbm4b:s24+s9], $0x90, s20, s9, $0xb8;
	[tilespmem:$0xA800] =	vst v63  }
0x293: {  	_ =	swait.ge [sflag:s10], $0x4800  }
0x294: {  	[sflag:s10] =	ssyncset.done $0x0  }
0x295: {  	s1 =	rddreg [dreg:$0xc];
	[sflag:s10] =	ssyncadd.s32 $0xFFFFB800  }
0x296: {  	[hbm4b:s1+s2] =	stream.linear.scatter [tilespmem:s31], [sflag:$0x3], $0x4800, $0x38;
	[tilespmem:$0xA800] =	vst v63  }
0x297: {  	_ =	swait.ge [sflag:s4], $0x4800  }
0x298: {  	[sflag:s4] =	ssyncset.done $0x0  }
0x299: {  	[sflag:s4] =	ssyncadd.s32 $0xFFFFB800  }
0x29a: {  	[tilespmem:s31], [sflag:$0x1] =	stream.indirect.gather [hbm4b:s24+s9], $0x90, s19, s9, $0xb8;
	[tilespmem:$0xA800] =	vst v63  }
0x29b: {  	_ =	swait.ge [sflag:s7], $0x4800  }
0x29c: {  	[sflag:s7] =	ssyncset.done $0x0  }
0x29d: {  	s1 =	rddreg [dreg:$0xd];
	[sflag:s7] =	ssyncadd.s32 $0xFFFFB800  }
0x29e: {  	[hbm4b:s1+s2] =	stream.linear.scatter [tilespmem:s30], [sflag:$0x3], $0x4800, $0x38;
	[tilespmem:$0xA800] =	vst v63  }
0x29f: {  	_ =	swait.ge [sflag:s4], $0x4800  }
0x2a0: {  	[sflag:s4] =	ssyncset.done $0x0  }
0x2a1: {  	[sflag:s4] =	ssyncadd.s32 $0xFFFFB800  }
0x2a2: {  	[tilespmem:s30], [sflag:$0x2] =	stream.indirect.gather [hbm4b:s24+s9], $0x90, s18, s9, $0xb8;
	[tilespmem:$0xA800] =	vst v63  }
0x2a3: {  	_ =	swait.ge [sflag:s10], $0x4800  }
0x2a4: {  	[sflag:s10] =	ssyncset.done $0x0  }
0x2a5: {  	s1 =	rddreg [dreg:$0xe];
	[sflag:s10] =	ssyncadd.s32 $0xFFFFB800  }
0x2a6: {  	[hbm4b:s1+s2] =	stream.linear.scatter [tilespmem:s31], [sflag:$0x3], $0x4800, $0x38;
	[tilespmem:$0xA800] =	vst v63  }
0x2a7: {  	_ =	swait.ge [sflag:s4], $0x4800  }
0x2a8: {  	[sflag:s4] =	ssyncset.done $0x0  }
0x2a9: {  	[sflag:s4] =	ssyncadd.s32 $0xFFFFB800  }
0x2aa: {  	[tilespmem:s31], [sflag:$0x1] =	stream.indirect.gather [hbm4b:s24+s9], $0x90, s17, s9, $0xb8;
	[tilespmem:$0xA800] =	vst v63  }
0x2ab: {  	_ =	swait.ge [sflag:s7], $0x4800  }
0x2ac: {  	[sflag:s7] =	ssyncset.done $0x0  }
0x2ad: {  	s1 =	rddreg [dreg:$0xf];
	[sflag:s7] =	ssyncadd.s32 $0xFFFFB800  }
0x2ae: {  	[hbm4b:s1+s2] =	stream.linear.scatter [tilespmem:s30], [sflag:$0x3], $0x4800, $0x38;
	[tilespmem:$0xA800] =	vst v63  }
0x2af: {  	_ =	swait.ge [sflag:s4], $0x4800  }
0x2b0: {  	[sflag:s4] =	ssyncset.done $0x0  }
0x2b1: {  	[sflag:s4] =	ssyncadd.s32 $0xFFFFB800  }
0x2b2: {  	[tilespmem:s30], [sflag:$0x2] =	stream.indirect.gather [hbm4b:s24+s9], $0x90, s16, s9, $0xb8;
	[tilespmem:$0xA800] =	vst v63  }
0x2b3: {  	_ =	swait.ge [sflag:s10], $0x4800  }
0x2b4: {  	[sflag:s10] =	ssyncset.done $0x0  }
0x2b5: {  	s1 =	rddreg [dreg:$0x10];
	[sflag:s10] =	ssyncadd.s32 $0xFFFFB800  }
0x2b6: {  	[hbm4b:s1+s2] =	stream.linear.scatter [tilespmem:s31], [sflag:$0x3], $0x4800, $0x38;
	[tilespmem:$0xA800] =	vst v63  }
0x2b7: {  	_ =	swait.ge [sflag:s4], $0x4800  }
0x2b8: {  	[sflag:s4] =	ssyncset.done $0x0  }
0x2b9: {  	[sflag:s4] =	ssyncadd.s32 $0xFFFFB800  }
0x2ba: {  	[tilespmem:s31], [sflag:$0x1] =	stream.indirect.gather [hbm4b:s24+s9], $0x90, s15, s9, $0xb8;
	[tilespmem:$0xA800] =	vst v63  }
0x2bb: {  	_ =	swait.ge [sflag:s7], $0x4800  }
0x2bc: {  	[sflag:s7] =	ssyncset.done $0x0  }
0x2bd: {  	s1 =	rddreg [dreg:$0x11];
	[sflag:s7] =	ssyncadd.s32 $0xFFFFB800  }
0x2be: {  	[hbm4b:s1+s2] =	stream.linear.scatter [tilespmem:s30], [sflag:$0x3], $0x4800, $0x38;
	[tilespmem:$0xA800] =	vst v63  }
0x2bf: {  	_ =	swait.ge [sflag:s4], $0x4800  }
0x2c0: {  	[sflag:s4] =	ssyncset.done $0x0  }
0x2c1: {  	[sflag:s4] =	ssyncadd.s32 $0xFFFFB800  }
0x2c2: {  	[tilespmem:s30], [sflag:$0x2] =	stream.indirect.gather [hbm4b:s24+s9], $0x90, s14, s9, $0xb8;
	[tilespmem:$0xA800] =	vst v63  }
0x2c3: {  	_ =	swait.ge [sflag:s10], $0x4800  }
0x2c4: {  	[sflag:s10] =	ssyncset.done $0x0  }
0x2c5: {  	s24 =	rddreg [dreg:$0x12];
	[sflag:s10] =	ssyncadd.s32 $0xFFFFB800  }
0x2c6: {  	[hbm4b:s24+s2] =	stream.linear.scatter [tilespmem:s31], [sflag:$0x3], $0x4800, $0x38;
	[tilespmem:$0xA800] =	vst v63  }
0x2c7: {  	_ =	swait.ge [sflag:s4], $0x4800  }
0x2c8: {  	[sflag:s4] =	ssyncset.done $0x0  }
0x2c9: {  	[sflag:s4] =	ssyncadd.s32 $0xFFFFB800  }
0x2ca: {  	_ =	swait.ge [sflag:s7], $0x4800  }
0x2cb: {  	[sflag:s7] =	ssyncset.done $0x0  }
0x2cc: {  	s31 =	rddreg [dreg:$0x13];
	[sflag:s7] =	ssyncadd.s32 $0xFFFFB800  }
0x2cd: {  	[hbm4b:s31+s2] =	stream.linear.scatter [tilespmem:s30], [sflag:$0x3], $0x4800, $0x38;
	[tilespmem:$0xA800] =	vst v63  }
0x2ce: {  	_ =	swait.ge [sflag:s4], $0x4800  }
0x2cf: {  	[sflag:s4] =	ssyncset.done $0x0  }
0x2d0: {  	s1 =	rddreg [dreg:$0x14];
	[sflag:s4] =	ssyncadd.s32 $0xFFFFB800  }
0x2d1: {  	[tilespmem:s2], [sflag:$0x3] =	stream.linear.gather [hbm4b:s1+s2], $0x800, $0x38;
	[tilespmem:$0xA800] =	vst v63  }
0x2d2: {  	_ =	swait.ge [sflag:s4], $0x800  }
0x2d3: {  	[sflag:s4] =	ssyncset.done $0x0  }
0x2d4: {  	[sflag:s4] =	ssyncadd.s32 $0xFFFFF800  }
0x2d5: {  	[tilespmem:s13], [sflag:$0x1] =	stream.indirect.gather [hbm4b:s3+s9], $0x10, s2, s9, $0xb8;
	[tilespmem:$0xA800] =	vst v63  }
0x2d6: {  	_ = 	snop  }
0x2d7: {  	[tilespmem:s12], [sflag:$0x2] =	stream.indirect.gather [hbm4b:s3+s9], $0x10, s9, s9, $0xb8;
	[tilespmem:$0xA800] =	vst v63  }
0x2d8: {  	_ =	swait.ge [sflag:s10], $0x800  }
0x2d9: {  	[sflag:s10] =	ssyncset.done $0x0  }
0x2da: {  	s24 =	rddreg [dreg:$0x15];
	[sflag:s10] =	ssyncadd.s32 $0xFFFFF800  }
0x2db: {  	[hbm4b:s24+s2] =	stream.linear.scatter [tilespmem:s13], [sflag:$0x3], $0x800, $0x38;
	[tilespmem:$0xA800] =	vst v63  }
0x2dc: {  	_ =	swait.ge [sflag:s4], $0x800  }
0x2dd: {  	[sflag:s4] =	ssyncset.done $0x0  }
0x2de: {  	[sflag:s4] =	ssyncadd.s32 $0xFFFFF800  }
0x2df: {  	[tilespmem:s13], [sflag:$0x1] =	stream.indirect.gather [hbm4b:s3+s9], $0x10, s29, s9, $0xb8;
	[tilespmem:$0xA800] =	vst v63  }
0x2e0: {  	_ =	swait.ge [sflag:s7], $0x800  }
0x2e1: {  	[sflag:s7] =	ssyncset.done $0x0  }
0x2e2: {  	s29 =	rddreg [dreg:$0x16];
	[sflag:s7] =	ssyncadd.s32 $0xFFFFF800  }
0x2e3: {  	[hbm4b:s29+s2] =	stream.linear.scatter [tilespmem:s12], [sflag:$0x3], $0x800, $0x38;
	[tilespmem:$0xA800] =	vst v63  }
0x2e4: {  	_ =	swait.ge [sflag:s4], $0x800  }
0x2e5: {  	[sflag:s4] =	ssyncset.done $0x0  }
0x2e6: {  	[sflag:s4] =	ssyncadd.s32 $0xFFFFF800  }
0x2e7: {  	[tilespmem:s12], [sflag:$0x2] =	stream.indirect.gather [hbm4b:s3+s9], $0x10, s28, s9, $0xb8;
	[tilespmem:$0xA800] =	vst v63  }
0x2e8: {  	_ =	swait.ge [sflag:s10], $0x800  }
0x2e9: {  	[sflag:s10] =	ssyncset.done $0x0  }
0x2ea: {  	s30 =	rddreg [dreg:$0x17];
	[sflag:s10] =	ssyncadd.s32 $0xFFFFF800  }
0x2eb: {  	[hbm4b:s30+s2] =	stream.linear.scatter [tilespmem:s13], [sflag:$0x3], $0x800, $0x38;
	[tilespmem:$0xA800] =	vst v63  }
0x2ec: {  	_ =	swait.ge [sflag:s4], $0x800  }
0x2ed: {  	[sflag:s4] =	ssyncset.done $0x0  }
0x2ee: {  	[sflag:s4] =	ssyncadd.s32 $0xFFFFF800  }
0x2ef: {  	[tilespmem:s13], [sflag:$0x1] =	stream.indirect.gather [hbm4b:s3+s9], $0x10, s26, s9, $0xb8;
	[tilespmem:$0xA800] =	vst v63  }
0x2f0: {  	_ =	swait.ge [sflag:s7], $0x800  }
0x2f1: {  	[sflag:s7] =	ssyncset.done $0x0  }
0x2f2: {  	s31 =	rddreg [dreg:$0x18];
	[sflag:s7] =	ssyncadd.s32 $0xFFFFF800  }
0x2f3: {  	[hbm4b:s31+s2] =	stream.linear.scatter [tilespmem:s12], [sflag:$0x3], $0x800, $0x38;
	[tilespmem:$0xA800] =	vst v63  }
0x2f4: {  	_ =	swait.ge [sflag:s4], $0x800  }
0x2f5: {  	[sflag:s4] =	ssyncset.done $0x0  }
0x2f6: {  	[sflag:s4] =	ssyncadd.s32 $0xFFFFF800  }
0x2f7: {  	[tilespmem:s12], [sflag:$0x2] =	stream.indirect.gather [hbm4b:s3+s9], $0x10, s25, s9, $0xb8;
	[tilespmem:$0xA800] =	vst v63  }
0x2f8: {  	_ =	swait.ge [sflag:s10], $0x800  }
0x2f9: {  	[sflag:s10] =	ssyncset.done $0x0  }
0x2fa: {  	s1 =	rddreg [dreg:$0x19];
	[sflag:s10] =	ssyncadd.s32 $0xFFFFF800  }
0x2fb: {  	[hbm4b:s1+s2] =	stream.linear.scatter [tilespmem:s13], [sflag:$0x3], $0x800, $0x38;
	[tilespmem:$0xA800] =	vst v63  }
0x2fc: {  	_ =	swait.ge [sflag:s4], $0x800  }
0x2fd: {  	[sflag:s4] =	ssyncset.done $0x0  }
0x2fe: {  	[sflag:s4] =	ssyncadd.s32 $0xFFFFF800  }
0x2ff: {  	[tilespmem:s13], [sflag:$0x1] =	stream.indirect.gather [hbm4b:s3+s9], $0x10, s23, s9, $0xb8;
	[tilespmem:$0xA800] =	vst v63  }
0x300: {  	_ =	swait.ge [sflag:s7], $0x800  }
0x301: {  	[sflag:s7] =	ssyncset.done $0x0  }
0x302: {  	s23 =	rddreg [dreg:$0x1a];
	[sflag:s7] =	ssyncadd.s32 $0xFFFFF800  }
0x303: {  	[hbm4b:s23+s2] =	stream.linear.scatter [tilespmem:s12], [sflag:$0x3], $0x800, $0x38;
	[tilespmem:$0xA800] =	vst v63  }
0x304: {  	_ =	swait.ge [sflag:s4], $0x800  }
0x305: {  	[sflag:s4] =	ssyncset.done $0x0  }
0x306: {  	[sflag:s4] =	ssyncadd.s32 $0xFFFFF800  }
0x307: {  	[tilespmem:s12], [sflag:$0x2] =	stream.indirect.gather [hbm4b:s3+s9], $0x10, s22, s9, $0xb8;
	[tilespmem:$0xA800] =	vst v63  }
0x308: {  	_ =	swait.ge [sflag:s10], $0x800  }
0x309: {  	[sflag:s10] =	ssyncset.done $0x0  }
0x30a: {  	s24 =	rddreg [dreg:$0x1b];
	[sflag:s10] =	ssyncadd.s32 $0xFFFFF800  }
0x30b: {  	[hbm4b:s24+s2] =	stream.linear.scatter [tilespmem:s13], [sflag:$0x3], $0x800, $0x38;
	[tilespmem:$0xA800] =	vst v63  }
0x30c: {  	_ =	swait.ge [sflag:s4], $0x800  }
0x30d: {  	[sflag:s4] =	ssyncset.done $0x0  }
0x30e: {  	[sflag:s4] =	ssyncadd.s32 $0xFFFFF800  }
0x30f: {  	[tilespmem:s13], [sflag:$0x1] =	stream.indirect.gather [hbm4b:s3+s9], $0x10, s21, s9, $0xb8;
	[tilespmem:$0xA800] =	vst v63  }
0x310: {  	_ =	swait.ge [sflag:s7], $0x800  }
0x311: {  	[sflag:s7] =	ssyncset.done $0x0  }
0x312: {  	s25 =	rddreg [dreg:$0x1c];
	[sflag:s7] =	ssyncadd.s32 $0xFFFFF800  }
0x313: {  	[hbm4b:s25+s2] =	stream.linear.scatter [tilespmem:s12], [sflag:$0x3], $0x800, $0x38;
	[tilespmem:$0xA800] =	vst v63  }
0x314: {  	_ =	swait.ge [sflag:s4], $0x800  }
0x315: {  	[sflag:s4] =	ssyncset.done $0x0  }
0x316: {  	[sflag:s4] =	ssyncadd.s32 $0xFFFFF800  }
0x317: {  	[tilespmem:s12], [sflag:$0x2] =	stream.indirect.gather [hbm4b:s3+s9], $0x10, s20, s9, $0xb8;
	[tilespmem:$0xA800] =	vst v63  }
0x318: {  	_ =	swait.ge [sflag:s10], $0x800  }
0x319: {  	[sflag:s10] =	ssyncset.done $0x0  }
0x31a: {  	s26 =	rddreg [dreg:$0x1d];
	[sflag:s10] =	ssyncadd.s32 $0xFFFFF800  }
0x31b: {  	[hbm4b:s26+s2] =	stream.linear.scatter [tilespmem:s13], [sflag:$0x3], $0x800, $0x38;
	[tilespmem:$0xA800] =	vst v63  }
0x31c: {  	_ =	swait.ge [sflag:s4], $0x800  }
0x31d: {  	[sflag:s4] =	ssyncset.done $0x0  }
0x31e: {  	[sflag:s4] =	ssyncadd.s32 $0xFFFFF800  }
0x31f: {  	[tilespmem:s13], [sflag:$0x1] =	stream.indirect.gather [hbm4b:s3+s9], $0x10, s19, s9, $0xb8;
	[tilespmem:$0xA800] =	vst v63  }
0x320: {  	_ =	swait.ge [sflag:s7], $0x800  }
0x321: {  	[sflag:s7] =	ssyncset.done $0x0  }
0x322: {  	s28 =	rddreg [dreg:$0x1e];
	[sflag:s7] =	ssyncadd.s32 $0xFFFFF800  }
0x323: {  	[hbm4b:s28+s2] =	stream.linear.scatter [tilespmem:s12], [sflag:$0x3], $0x800, $0x38;
	[tilespmem:$0xA800] =	vst v63  }
0x324: {  	_ =	swait.ge [sflag:s4], $0x800  }
0x325: {  	[sflag:s4] =	ssyncset.done $0x0  }
0x326: {  	[sflag:s4] =	ssyncadd.s32 $0xFFFFF800  }
0x327: {  	[tilespmem:s12], [sflag:$0x2] =	stream.indirect.gather [hbm4b:s3+s9], $0x10, s18, s9, $0xb8;
	[tilespmem:$0xA800] =	vst v63  }
0x328: {  	_ =	swait.ge [sflag:s10], $0x800  }
0x329: {  	[sflag:s10] =	ssyncset.done $0x0  }
0x32a: {  	s29 =	rddreg [dreg:$0x1f];
	[sflag:s10] =	ssyncadd.s32 $0xFFFFF800  }
0x32b: {  	[hbm4b:s29+s2] =	stream.linear.scatter [tilespmem:s13], [sflag:$0x3], $0x800, $0x38;
	[tilespmem:$0xA800] =	vst v63  }
0x32c: {  	_ =	swait.ge [sflag:s4], $0x800  }
0x32d: {  	[sflag:s4] =	ssyncset.done $0x0  }
0x32e: {  	[sflag:s4] =	ssyncadd.s32 $0xFFFFF800  }
0x32f: {  	[tilespmem:s13], [sflag:$0x1] =	stream.indirect.gather [hbm4b:s3+s9], $0x10, s17, s9, $0xb8;
	[tilespmem:$0xA800] =	vst v63  }
0x330: {  	_ =	swait.ge [sflag:s7], $0x800  }
0x331: {  	s30 =	sld [smem:$0x7FD]  }
0x332: {  	[sflag:s7] =	ssyncset.done $0x0  }
0x333: {  	[sflag:s7] =	ssyncadd.s32 $0xFFFFF800  }
0x334: {  	[hbm4b:s30+s2] =	stream.linear.scatter [tilespmem:s12], [sflag:$0x3], $0x800, $0x38;
	[tilespmem:$0xA800] =	vst v63  }
0x335: {  	_ =	swait.ge [sflag:s4], $0x800  }
0x336: {  	[sflag:s4] =	ssyncset.done $0x0  }
0x337: {  	[sflag:s4] =	ssyncadd.s32 $0xFFFFF800  }
0x338: {  	[tilespmem:s12], [sflag:$0x2] =	stream.indirect.gather [hbm4b:s3+s9], $0x10, s16, s9, $0xb8;
	[tilespmem:$0xA800] =	vst v63  }
0x339: {  	_ =	swait.ge [sflag:s10], $0x800  }
0x33a: {  	[sflag:s10] =	ssyncset.done $0x0  }
0x33b: {  	[sflag:s10] =	ssyncadd.s32 $0xFFFFF800  }
0x33c: {  	[hbm4b:s11+s2] =	stream.linear.scatter [tilespmem:s13], [sflag:$0x3], $0x800, $0x38;
	[tilespmem:$0xA800] =	vst v63  }
0x33d: {  	_ =	swait.ge [sflag:s4], $0x800  }
0x33e: {  	[sflag:s4] =	ssyncset.done $0x0  }
0x33f: {  	[sflag:s4] =	ssyncadd.s32 $0xFFFFF800  }
0x340: {  	[tilespmem:s13], [sflag:$0x1] =	stream.indirect.gather [hbm4b:s3+s9], $0x10, s15, s9, $0xb8;
	[tilespmem:$0xA800] =	vst v63  }
0x341: {  	_ =	swait.ge [sflag:s7], $0x800  }
0x342: {  	[sflag:s7] =	ssyncset.done $0x0  }
0x343: {  	[sflag:s7] =	ssyncadd.s32 $0xFFFFF800  }
0x344: {  	[hbm4b:s8+s2] =	stream.linear.scatter [tilespmem:s12], [sflag:$0x3], $0x800, $0x38;
	[tilespmem:$0xA800] =	vst v63  }
0x345: {  	_ =	swait.ge [sflag:s4], $0x800  }
0x346: {  	[sflag:s4] =	ssyncset.done $0x0  }
0x347: {  	[sflag:s4] =	ssyncadd.s32 $0xFFFFF800  }
0x348: {  	[tilespmem:s12], [sflag:$0x2] =	stream.indirect.gather [hbm4b:s3+s9], $0x10, s14, s9, $0xb8;
	[tilespmem:$0xA800] =	vst v63  }
0x349: {  	_ =	swait.ge [sflag:s10], $0x800  }
0x34a: {  	[sflag:s10] =	ssyncset.done $0x0  }
0x34b: {  	[sflag:s10] =	ssyncadd.s32 $0xFFFFF800  }
0x34c: {  	[hbm4b:s6+s2] =	stream.linear.scatter [tilespmem:s13], [sflag:$0x3], $0x800, $0x38;
	[tilespmem:$0xA800] =	vst v63  }
0x34d: {  	_ =	swait.ge [sflag:s4], $0x800  }
0x34e: {  	[sflag:s4] =	ssyncset.done $0x0  }
0x34f: {  	[sflag:s4] =	ssyncadd.s32 $0xFFFFF800  }
0x350: {  	_ =	swait.ge [sflag:s7], $0x800  }
0x351: {  	[sflag:s7] =	ssyncset.done $0x0  }
0x352: {  	[sflag:s7] =	ssyncadd.s32 $0xFFFFF800  }
0x353: {  	[hbm4b:s5+s2] =	stream.linear.scatter [tilespmem:s12], [sflag:$0x3], $0x800, $0x38;
	[tilespmem:$0xA800] =	vst v63  }
0x354: {  	_ =	swait.ge [sflag:s4], $0x800  }
0x355: {  	[sflag:s4] =	ssyncset.done $0x0  }
0x356: {  	[sflag:s4] =	ssyncadd.s32 $0xFFFFF800  }
0x357: {  	_ =	sfence.sel $0x180000  }
0x358: {  	[bflag:$0x0] =	sbarrier.arrive $0xFFFF  }
0x359: {  	_ =	strace $0x90000047  }
0x35a: {  	s31 =	stileid.u32;
	[bflag:$0x2] =	sbarrier.arrive $0xFFFF  }
0x35b: {  	p0 =	sne.s32 s31, $0x0;
	s0 =	rddreg [dreg:$0x2]  }
0x35c: {  	s0 =	sadd.s32 @!p0 $0x100000, s0  }
0x35d: {  	[sflag:s0] =	ssyncadd.tile.s32 @!p0 $0x1;
	_ =	shalt  }
.Lfunc_end2:
_tile_overlayer_lowered:
.L_overlay_start_2:
0x35e: {  	(tag) =	ssettag $0x2  }
0x35f: {  	s0 =	rddreg [dreg:$0x0];
	s2 =	stileid.u32  }
0x360: {  	s1 =	rddreg [dreg:$0x1];
	p0 =	sne.s32 s2, $0x0  }
0x361: {  	s3 =	rddreg [dreg:$0x2];
	[bflag:$0x3] =	sbarrier.arrive $0xFFFF;
	s2 =	simm.s32 @!p0 $0x1C03  }
0x362: {  	[timem:s3], [sflag:s2] =	dma.local @!p0 [hbm:s0], s1  }
0x363: {  	s0 =	simm.s32 @!p0 $0x3  }
0x364: {  	_ =	swait.ge @!p0 [sflag:s0], s1  }
0x365: {  	s1 =	ssub.s32 @!p0 $0x0, s1;
	[sflag:s0] =	ssyncset.done @!p0 $0x0  }
0x366: {  	[sflag:s0] =	ssyncadd.s32 @!p0 s1  }
0x367: {  	[bflag:$0x3] =	sbarrier.arrive $0xFFFF  }
0x368: {  	_ =	shalt  }

</sc_bundles>
